<compile_context>
chip_gen: v7x
topology: tpu7x:2x2x1
jax: 0.10.2.dev20260603
libtpu: 0.0.44.dev20260713+nightly
codegen_flags: <defaults>
</compile_context>

<pallas_src>
import functools

import jax
import jax.numpy as jnp
from jax import lax
from jax.experimental import pallas as pl
from jax.experimental.pallas import tpu as pltpu
from jax.experimental.pallas import tpu_sc as plsc

N_NODES = 10000
D = 128
DH = D // 2
N_EDGES = 320000
NC = 2
NS = 16
NW = NC * NS
EBH = 80
NBH = N_EDGES // NW // EBH
EBA = 125
NBA = N_EDGES // NS // EBA
RPT = N_NODES // NS
RC = 125
NCH = RPT // RC
NHIST = 10240
HPT = NHIST // NS

_MESH = plsc.VectorSubcoreMesh(core_axis_name="c", subcore_axis_name="s")


@functools.partial(
    pl.kernel,
    out_type=jax.ShapeDtypeStruct((NC * NHIST,), jnp.float32),
    mesh=_MESH,
    scratch_types=[
        pltpu.VMEM((NBH, EBH), jnp.int32),
        pltpu.VMEM((EBH,), jnp.float32),
        pltpu.VMEM((HPT,), jnp.float32),
        pltpu.VMEM_SHARED((NHIST,), jnp.float32),
    ],
)
def _sc_degree(dst_hbm, out_hbm, didx_v, ones_v, buf_v, acc_sh):
    cid = lax.axis_index("c")
    sid = lax.axis_index("s")
    wid = cid * NS + sid
    for k in range(EBH // 16):
        ones_v[pl.ds(k * 16, 16)] = jnp.ones((16,), jnp.float32)
    for k in range(HPT // 16):
        buf_v[pl.ds(k * 16, 16)] = jnp.zeros((16,), jnp.float32)
    pltpu.sync_copy(buf_v, acc_sh.at[pl.ds(sid * HPT, HPT)])
    plsc.subcore_barrier()
    pltpu.sync_copy(dst_hbm.at[wid], didx_v)

    def body(j, carry):
        pltpu.sync_copy(ones_v, acc_sh.at[didx_v.at[j]], add=True)
        return carry

    lax.fori_loop(0, NBH, body, 0)
    plsc.subcore_barrier()
    pltpu.sync_copy(acc_sh.at[pl.ds(sid * HPT, HPT)], buf_v)
    pltpu.sync_copy(buf_v, out_hbm.at[pl.ds(cid * NHIST + sid * HPT, HPT)])


NBUF = 8
LOOK = 6


@functools.partial(
    pl.kernel,
    out_type=jax.ShapeDtypeStruct((NW * NCH, RC, DH), jnp.bfloat16),
    mesh=_MESH,
    scratch_types=[
        pltpu.VMEM((NBA, EBA), jnp.int32),
        pltpu.VMEM((NBA, EBA), jnp.int32),
        pltpu.VMEM((NBUF, EBA, DH), jnp.bfloat16),
        pltpu.VMEM_SHARED((N_NODES, DH), jnp.bfloat16),
        pltpu.SemaphoreType.DMA,
        pltpu.SemaphoreType.DMA,
    ],
    compiler_params=pltpu.CompilerParams(use_tc_tiling_on_sc=False),
)
def _sc_aggregate(g_hbm, src_hbm, dst_hbm, z_hbm, out_hbm,
                  sidx_v, didx_v, rows_v, acc_sh, sem_g, sem_s):
    cid = lax.axis_index("c")
    sid = lax.axis_index("s")
    pltpu.sync_copy(z_hbm, acc_sh.at[pl.ds(sid * RPT, RPT)])
    plsc.subcore_barrier()
    pltpu.sync_copy(src_hbm.at[sid], sidx_v)
    pltpu.sync_copy(dst_hbm.at[sid], didx_v)

    def fire_gather(j, bank):
        pltpu.async_copy(g_hbm.at[cid].at[sidx_v.at[j]], rows_v.at[bank],
                         sem_g)

    def wait_gather(bank):
        pltpu.make_async_copy(g_hbm.at[cid].at[sidx_v.at[0]],
                              rows_v.at[bank], sem_g).wait()

    def fire_scatter(j, bank):
        pltpu.async_copy(rows_v.at[bank], acc_sh.at[didx_v.at[j]], sem_s,
                         add=True)

    def wait_scatter():
        pltpu.make_async_copy(rows_v.at[0], acc_sh.at[didx_v.at[0]],
                              sem_s).wait()

    for p in range(LOOK):
        fire_gather(p, p)

    def step(j, p, wait_s, fire_g):
        wait_gather(p % NBUF)
        fire_scatter(j, p % NBUF)
        if wait_s:
            wait_scatter()
        if fire_g:
            fire_gather(j + LOOK, (p + LOOK) % NBUF)

    for p in range(NBUF):
        step(p, p, wait_s=(p >= 2), fire_g=True)

    def steady(blk, carry):
        j0 = blk * NBUF
        for p in range(NBUF):
            step(j0 + p, p, wait_s=True, fire_g=True)
        return carry

    lax.fori_loop(1, NBA // NBUF - 1, steady, 0)

    for p in range(NBUF):
        j = NBA - NBUF + p
        step(j, p, wait_s=(j + LOOK < NBA + 2), fire_g=(j + LOOK < NBA))
    for _ in range(NBUF - 2):
        wait_scatter()

    plsc.subcore_barrier()
    for k in range(NCH):
        pltpu.sync_copy(acc_sh.at[pl.ds(sid * RPT + k * RC, RC)],
                        out_hbm.at[(cid * NS + sid) * NCH + k])


def _tc_first(degf, x, W1):
    def body(deg_ref, x_ref, w_ref, dinv_ref, g_ref, gf_ref):
        d0 = deg_ref[pl.ds(0, N_NODES)]
        d1 = deg_ref[pl.ds(NHIST, N_NODES)]
        dinv = lax.rsqrt(d0 + d1 + 1.0)
        dinv_ref[...] = dinv
        g = jnp.dot(x_ref[...] * dinv, w_ref[...],
                    preferred_element_type=jnp.float32)
        gb = g.astype(jnp.bfloat16)
        g_ref[0] = gb[:, :DH]
        g_ref[1] = gb[:, DH:]
        gf_ref[...] = g

    return pl.pallas_call(
        body,
        out_shape=(jax.ShapeDtypeStruct((N_NODES, 1), jnp.float32),
                   jax.ShapeDtypeStruct((NC, N_NODES, DH), jnp.bfloat16),
                   jax.ShapeDtypeStruct((N_NODES, D), jnp.float32)),
    )(degf, x, W1)


def _tc_mid(agg, gf, dinv, b1, W2):
    def body(a_ref, gf_ref, dinv_ref, b_ref, w_ref, g2_ref, g2f_ref):
        dinv = dinv_ref[...]
        agg_f = jnp.concatenate(
            [a_ref[0].astype(jnp.float32), a_ref[1].astype(jnp.float32)],
            axis=1)
        h = jnp.maximum(dinv * (agg_f + gf_ref[...]) + b_ref[...], 0.0)
        g2 = jnp.dot(h * dinv, w_ref[...], preferred_element_type=jnp.float32)
        g2b = g2.astype(jnp.bfloat16)
        g2_ref[0] = g2b[:, :DH]
        g2_ref[1] = g2b[:, DH:]
        g2f_ref[...] = g2

    return pl.pallas_call(
        body,
        out_shape=(jax.ShapeDtypeStruct((NC, N_NODES, DH), jnp.bfloat16),
                   jax.ShapeDtypeStruct((N_NODES, D), jnp.float32)),
    )(agg, gf, dinv, b1, W2)


def _tc_last(agg, gf, dinv, b2):
    def body(a_ref, gf_ref, dinv_ref, b_ref, out_ref):
        agg_f = jnp.concatenate(
            [a_ref[0].astype(jnp.float32), a_ref[1].astype(jnp.float32)],
            axis=1)
        out_ref[...] = jnp.maximum(
            dinv_ref[...] * (agg_f + gf_ref[...]) + b_ref[...], 0.0)

    return pl.pallas_call(
        body,
        out_shape=jax.ShapeDtypeStruct((N_NODES, D), jnp.float32),
    )(agg, gf, dinv, b2)


def kernel(x, edge_index, W1, b1, W2, b2):
    src = edge_index[0].astype(jnp.int32).reshape(NS, NBA, EBA)
    dst = edge_index[1].astype(jnp.int32).reshape(NS, NBA, EBA)
    dsth = dst.reshape(NW, NBH, EBH)
    zeros = jnp.zeros((RPT, DH), jnp.bfloat16)

    degf = _sc_degree(dsth)

    dinv, g1, g1f = _tc_first(degf[:, None], x, W1)

    agg1 = _sc_aggregate(g1, src, dst, zeros).reshape(NC, N_NODES, DH)
    g2, g2f = _tc_mid(agg1, g1f, dinv, b1.reshape(1, D), W2)

    agg2 = _sc_aggregate(g2, src, dst, zeros).reshape(NC, N_NODES, DH)
    return _tc_last(agg2, g2f, dinv, b2.reshape(1, D))

# --- scband reference (transcript-rebuilt; emitter-appended) ---
"""Pipeline reference for scband-gcnencoder-2491081031685 (READ-ONLY COPY).

The authoritative reference and input builder live on the scoring server;
editing this copy changes nothing except your own understanding.
"""

import jax, jax.numpy as jnp
import numpy as np

N_NODES = 10000
N_EDGES = 320000
D_IN = 128
D_OUT = 128


def setup_inputs(seed: int = 0) -> dict:
    key = jax.random.key(seed)
    k_x, k_ei, k_w1, k_b1, k_w2, k_b2 = jax.random.split(key, 6)
    x = jax.random.normal(k_x, (N_NODES, D_IN), dtype=jnp.float32)
    edge_index = jax.random.randint(k_ei, (2, N_EDGES), 0, N_NODES, dtype=jnp.int64)
    # GCNConv weights (glorot-style scale) and biases
    W1 = jax.random.normal(k_w1, (D_IN, D_OUT), dtype=jnp.float32) * (1.0 / np.sqrt(D_IN))
    b1 = jnp.zeros((D_OUT,), dtype=jnp.float32)
    W2 = jax.random.normal(k_w2, (D_OUT, D_OUT), dtype=jnp.float32) * (1.0 / np.sqrt(D_OUT))
    b2 = jnp.zeros((D_OUT,), dtype=jnp.float32)
    return {"x": x, "edge_index": edge_index, "W1": W1, "b1": b1, "W2": W2, "b2": b2}


def _gcn_conv(x, edge_index, W, b):
    # Faithful PyG GCNConv: add self-loops, symmetric normalization, scatter-add aggregation.
    N = x.shape[0]
    loops = jnp.arange(N, dtype=edge_index.dtype)
    src = jnp.concatenate([edge_index[0], loops])
    dst = jnp.concatenate([edge_index[1], loops])
    ones = jnp.ones(src.shape[0], dtype=jnp.float32)
    deg = jnp.zeros((N,), dtype=jnp.float32).at[dst].add(ones)
    deg_inv_sqrt = jnp.where(deg > 0, jax.lax.rsqrt(jnp.maximum(deg, 1e-12)), 0.0)
    norm = deg_inv_sqrt[src] * deg_inv_sqrt[dst]
    h = x @ W
    msg = h[src] * norm[:, None]
    out = jnp.zeros((N, W.shape[1]), dtype=jnp.float32).at[dst].add(msg)
    return out + b


def reference(x, edge_index, W1, b1, W2, b2):
    h = _gcn_conv(x, edge_index, W1, b1)
    h = jax.nn.relu(h)
    h = _gcn_conv(h, edge_index, W2, b2)
    h = jax.nn.relu(h)
    return h

if __name__ == "__main__":
    import jax
    _d = setup_inputs()
    print(jax.jit(kernel)(*tuple(_d.values())))

</pallas_src>

<mosaic_0001>
#map = affine_map<(d0, d1) -> (0, 0, 0)>
#map1 = affine_map<(d0, d1) -> (0, 0)>
module attributes {stable_mosaic.version = 14 : i64} {
  func.func @_sc_aggregate(%arg0: i32, %arg1: i32, %arg2: memref<2x10000x64xbf16, #tpu.memory_space<hbm>>, %arg3: memref<16x160x125xi32, #tpu.memory_space<hbm>>, %arg4: memref<16x160x125xi32, #tpu.memory_space<hbm>>, %arg5: memref<625x64xbf16, #tpu.memory_space<hbm>>, %arg6: memref<160x125x64xbf16, #tpu.memory_space<hbm>>, %arg7: memref<160x125xi32, #tpu.memory_space<vmem>>, %arg8: memref<160x125xi32, #tpu.memory_space<vmem>>, %arg9: memref<8x125x64xbf16, #tpu.memory_space<vmem>>, %arg10: memref<10000x64xbf16, #tpu.memory_space<vmem_shared>>, %arg11: memref<!tpu.dma_semaphore, #tpu.memory_space<semaphore_mem>>, %arg12: memref<!tpu.dma_semaphore, #tpu.memory_space<semaphore_mem>>) attributes {dimension_semantics = [#tpu.dimension_semantics<core_parallel>, #tpu.dimension_semantics<subcore_parallel>], iteration_bounds = array<i64: 2, 16>, scalar_prefetch = 0 : i64, scratch_operands = 6 : i64, tpu.core_type = #tpu.core_type<sc_vector_subcore>, window_params = [{transform_indices = #map}, {transform_indices = #map}, {transform_indices = #map}, {transform_indices = #map1}, {transform_indices = #map}]} {
    %mul3A = arith.constant 625 : i32
    %mul3A_0 = arith.muli %arg1, %mul3A : i32
    "tpu.region"() ({
      %run_scoped3A = tpu.sem_alloc : memref<!tpu.dma_semaphore, #tpu.memory_space<semaphore_mem>>
      %dma_start3A_955 = arith.constant 0 : i32
      %dma_start3A_956 = tpu.memref_slice %arg10[%mul3A_0, %dma_start3A_955] : memref<10000x64xbf16, #tpu.memory_space<vmem_shared>> -> memref<625x64xbf16, #tpu.memory_space<vmem_shared>>
      tpu.enqueue_dma source(%arg5 : memref<625x64xbf16, #tpu.memory_space<hbm>>) target(%dma_start3A_956 : memref<625x64xbf16, #tpu.memory_space<vmem_shared>>) target_semaphore(%run_scoped3A : memref<!tpu.dma_semaphore, #tpu.memory_space<semaphore_mem>>)
      %dma_wait3A_957 = arith.constant 0 : i32
      %dma_wait3A_958 = tpu.memref_slice %arg10[%mul3A_0, %dma_wait3A_957] : memref<10000x64xbf16, #tpu.memory_space<vmem_shared>> -> memref<625x64xbf16, #tpu.memory_space<vmem_shared>>
      tpu.wait_dma2 semaphore(%run_scoped3A : memref<!tpu.dma_semaphore, #tpu.memory_space<semaphore_mem>>) src(%arg5 : memref<625x64xbf16, #tpu.memory_space<hbm>>) dst(%dma_wait3A_958 : memref<625x64xbf16, #tpu.memory_space<vmem_shared>>)
      tpu.yield
    }) : () -> ()
    %barrier3A = arith.constant 0 : index
    tpu.barrier barrier_id(%barrier3A)
    "tpu.region"() ({
      %run_scoped3A = tpu.sem_alloc : memref<!tpu.dma_semaphore, #tpu.memory_space<semaphore_mem>>
      %dma_start3A_955 = arith.constant 0 : i32
      %dma_start3A_956 = arith.constant 0 : i32
      %dma_start3A_957 = tpu.memref_slice %arg3[%arg1, %dma_start3A_955, %dma_start3A_956] : memref<16x160x125xi32, #tpu.memory_space<hbm>> -> memref<1x160x125xi32, #tpu.memory_space<hbm>>
      %dma_start3A_958 = tpu.memref_squeeze %dma_start3A_957 : memref<1x160x125xi32, #tpu.memory_space<hbm>> -> memref<160x125xi32, #tpu.memory_space<hbm>>
      %dma_start3A_959 = arith.constant 0 : i32
      %dma_start3A_960 = arith.constant 0 : i32
      %dma_start3A_961 = tpu.memref_slice %arg3[%arg1, %dma_start3A_959, %dma_start3A_960] : memref<16x160x125xi32, #tpu.memory_space<hbm>> -> memref<1x160x125xi32, #tpu.memory_space<hbm>>
      %dma_start3A_962 = tpu.memref_squeeze %dma_start3A_961 : memref<1x160x125xi32, #tpu.memory_space<hbm>> -> memref<160x125xi32, #tpu.memory_space<hbm>>
      tpu.enqueue_dma source(%dma_start3A_962 : memref<160x125xi32, #tpu.memory_space<hbm>>) target(%arg7 : memref<160x125xi32, #tpu.memory_space<vmem>>) target_semaphore(%run_scoped3A : memref<!tpu.dma_semaphore, #tpu.memory_space<semaphore_mem>>)
      %dma_wait3A_963 = arith.constant 0 : i32
      %dma_wait3A_964 = arith.constant 0 : i32
      %dma_wait3A_965 = tpu.memref_slice %arg3[%arg1, %dma_wait3A_963, %dma_wait3A_964] : memref<16x160x125xi32, #tpu.memory_space<hbm>> -> memref<1x160x125xi32, #tpu.memory_space<hbm>>
      %dma_wait3A_966 = tpu.memref_squeeze %dma_wait3A_965 : memref<1x160x125xi32, #tpu.memory_space<hbm>> -> memref<160x125xi32, #tpu.memory_space<hbm>>
      %dma_wait3A_967 = arith.constant 0 : i32
      %dma_wait3A_968 = arith.constant 0 : i32
      %dma_wait3A_969 = tpu.memref_slice %arg3[%arg1, %dma_wait3A_967, %dma_wait3A_968] : memref<16x160x125xi32, #tpu.memory_space<hbm>> -> memref<1x160x125xi32, #tpu.memory_space<hbm>>
      %dma_wait3A_970 = tpu.memref_squeeze %dma_wait3A_969 : memref<1x160x125xi32, #tpu.memory_space<hbm>> -> memref<160x125xi32, #tpu.memory_space<hbm>>
      tpu.wait_dma2 semaphore(%run_scoped3A : memref<!tpu.dma_semaphore, #tpu.memory_space<semaphore_mem>>) src(%dma_wait3A_970 : memref<160x125xi32, #tpu.memory_space<hbm>>) dst(%arg7 : memref<160x125xi32, #tpu.memory_space<vmem>>)
      tpu.yield
    }) : () -> ()
    "tpu.region"() ({
      %run_scoped3A = tpu.sem_alloc : memref<!tpu.dma_semaphore, #tpu.memory_space<semaphore_mem>>
      %dma_start3A_955 = arith.constant 0 : i32
      %dma_start3A_956 = arith.constant 0 : i32
      %dma_start3A_957 = tpu.memref_slice %arg4[%arg1, %dma_start3A_955, %dma_start3A_956] : memref<16x160x125xi32, #tpu.memory_space<hbm>> -> memref<1x160x125xi32, #tpu.memory_space<hbm>>
      %dma_start3A_958 = tpu.memref_squeeze %dma_start3A_957 : memref<1x160x125xi32, #tpu.memory_space<hbm>> -> memref<160x125xi32, #tpu.memory_space<hbm>>
      %dma_start3A_959 = arith.constant 0 : i32
      %dma_start3A_960 = arith.constant 0 : i32
      %dma_start3A_961 = tpu.memref_slice %arg4[%arg1, %dma_start3A_959, %dma_start3A_960] : memref<16x160x125xi32, #tpu.memory_space<hbm>> -> memref<1x160x125xi32, #tpu.memory_space<hbm>>
      %dma_start3A_962 = tpu.memref_squeeze %dma_start3A_961 : memref<1x160x125xi32, #tpu.memory_space<hbm>> -> memref<160x125xi32, #tpu.memory_space<hbm>>
      tpu.enqueue_dma source(%dma_start3A_962 : memref<160x125xi32, #tpu.memory_space<hbm>>) target(%arg8 : memref<160x125xi32, #tpu.memory_space<vmem>>) target_semaphore(%run_scoped3A : memref<!tpu.dma_semaphore, #tpu.memory_space<semaphore_mem>>)
      %dma_wait3A_963 = arith.constant 0 : i32
      %dma_wait3A_964 = arith.constant 0 : i32
      %dma_wait3A_965 = tpu.memref_slice %arg4[%arg1, %dma_wait3A_963, %dma_wait3A_964] : memref<16x160x125xi32, #tpu.memory_space<hbm>> -> memref<1x160x125xi32, #tpu.memory_space<hbm>>
      %dma_wait3A_966 = tpu.memref_squeeze %dma_wait3A_965 : memref<1x160x125xi32, #tpu.memory_space<hbm>> -> memref<160x125xi32, #tpu.memory_space<hbm>>
      %dma_wait3A_967 = arith.constant 0 : i32
      %dma_wait3A_968 = arith.constant 0 : i32
      %dma_wait3A_969 = tpu.memref_slice %arg4[%arg1, %dma_wait3A_967, %dma_wait3A_968] : memref<16x160x125xi32, #tpu.memory_space<hbm>> -> memref<1x160x125xi32, #tpu.memory_space<hbm>>
      %dma_wait3A_970 = tpu.memref_squeeze %dma_wait3A_969 : memref<1x160x125xi32, #tpu.memory_space<hbm>> -> memref<160x125xi32, #tpu.memory_space<hbm>>
      tpu.wait_dma2 semaphore(%run_scoped3A : memref<!tpu.dma_semaphore, #tpu.memory_space<semaphore_mem>>) src(%dma_wait3A_970 : memref<160x125xi32, #tpu.memory_space<hbm>>) dst(%arg8 : memref<160x125xi32, #tpu.memory_space<vmem>>)
      tpu.yield
    }) : () -> ()
    %dma_start3A = arith.constant 0 : i32
    %dma_start3A_1 = arith.constant 0 : i32
    %dma_start3A_2 = arith.constant 0 : i32
    %dma_start3A_3 = arith.constant 0 : i32
    %dma_start3A_4 = tpu.memref_slice %arg9[%dma_start3A_1, %dma_start3A_2, %dma_start3A_3] : memref<8x125x64xbf16, #tpu.memory_space<vmem>> -> memref<1x125x64xbf16, #tpu.memory_space<vmem>>
    %dma_start3A_5 = tpu.memref_squeeze %dma_start3A_4 : memref<1x125x64xbf16, #tpu.memory_space<vmem>> -> memref<125x64xbf16, #tpu.memory_space<vmem>>
    %dma_start3A_6 = arith.constant 0 : i32
    %dma_start3A_7 = tpu.memref_slice %arg7[%dma_start3A, %dma_start3A_6] : memref<160x125xi32, #tpu.memory_space<vmem>> -> memref<1x125xi32, #tpu.memory_space<vmem>>
    %dma_start3A_8 = tpu.memref_squeeze %dma_start3A_7 : memref<1x125xi32, #tpu.memory_space<vmem>> -> memref<125xi32, #tpu.memory_space<vmem>>
    %dma_start3A_9 = arith.constant 0 : i32
    %dma_start3A_10 = arith.constant 0 : i32
    %dma_start3A_11 = tpu.memref_slice %arg2[%arg0, %dma_start3A_9, %dma_start3A_10] : memref<2x10000x64xbf16, #tpu.memory_space<hbm>> -> memref<1x10000x64xbf16, #tpu.memory_space<hbm>>
    %dma_start3A_12 = tpu.memref_squeeze %dma_start3A_11 : memref<1x10000x64xbf16, #tpu.memory_space<hbm>> -> memref<10000x64xbf16, #tpu.memory_space<hbm>>
    %dma_start3A_13 = arith.constant 0 : i32
    %dma_start3A_14 = arith.constant 0 : i32
    %dma_start3A_15 = tpu.memref_slice %dma_start3A_12[%dma_start3A_13, %dma_start3A_14] : memref<10000x64xbf16, #tpu.memory_space<hbm>> -> memref<10000x64xbf16, #tpu.memory_space<hbm>>
    tpu.enqueue_indirect_dma source(%dma_start3A_15 : memref<10000x64xbf16, #tpu.memory_space<hbm>>) target(%dma_start3A_5 : memref<125x64xbf16, #tpu.memory_space<vmem>>) offsets(%dma_start3A_8 : memref<125xi32, #tpu.memory_space<vmem>>) semaphore(%arg11 : memref<!tpu.dma_semaphore, #tpu.memory_space<semaphore_mem>>)
    %dma_start3A_16 = arith.constant 1 : i32
    %dma_start3A_17 = arith.constant 1 : i32
    %dma_start3A_18 = arith.constant 0 : i32
    %dma_start3A_19 = arith.constant 0 : i32
    %dma_start3A_20 = tpu.memref_slice %arg9[%dma_start3A_17, %dma_start3A_18, %dma_start3A_19] : memref<8x125x64xbf16, #tpu.memory_space<vmem>> -> memref<1x125x64xbf16, #tpu.memory_space<vmem>>
    %dma_start3A_21 = tpu.memref_squeeze %dma_start3A_20 : memref<1x125x64xbf16, #tpu.memory_space<vmem>> -> memref<125x64xbf16, #tpu.memory_space<vmem>>
    %dma_start3A_22 = arith.constant 0 : i32
    %dma_start3A_23 = tpu.memref_slice %arg7[%dma_start3A_16, %dma_start3A_22] : memref<160x125xi32, #tpu.memory_space<vmem>> -> memref<1x125xi32, #tpu.memory_space<vmem>>
    %dma_start3A_24 = tpu.memref_squeeze %dma_start3A_23 : memref<1x125xi32, #tpu.memory_space<vmem>> -> memref<125xi32, #tpu.memory_space<vmem>>
    %dma_start3A_25 = arith.constant 0 : i32
    %dma_start3A_26 = arith.constant 0 : i32
    %dma_start3A_27 = tpu.memref_slice %arg2[%arg0, %dma_start3A_25, %dma_start3A_26] : memref<2x10000x64xbf16, #tpu.memory_space<hbm>> -> memref<1x10000x64xbf16, #tpu.memory_space<hbm>>
    %dma_start3A_28 = tpu.memref_squeeze %dma_start3A_27 : memref<1x10000x64xbf16, #tpu.memory_space<hbm>> -> memref<10000x64xbf16, #tpu.memory_space<hbm>>
    %dma_start3A_29 = arith.constant 0 : i32
    %dma_start3A_30 = arith.constant 0 : i32
    %dma_start3A_31 = tpu.memref_slice %dma_start3A_28[%dma_start3A_29, %dma_start3A_30] : memref<10000x64xbf16, #tpu.memory_space<hbm>> -> memref<10000x64xbf16, #tpu.memory_space<hbm>>
    tpu.enqueue_indirect_dma source(%dma_start3A_31 : memref<10000x64xbf16, #tpu.memory_space<hbm>>) target(%dma_start3A_21 : memref<125x64xbf16, #tpu.memory_space<vmem>>) offsets(%dma_start3A_24 : memref<125xi32, #tpu.memory_space<vmem>>) semaphore(%arg11 : memref<!tpu.dma_semaphore, #tpu.memory_space<semaphore_mem>>)
    %dma_start3A_32 = arith.constant 2 : i32
    %dma_start3A_33 = arith.constant 2 : i32
    %dma_start3A_34 = arith.constant 0 : i32
    %dma_start3A_35 = arith.constant 0 : i32
    %dma_start3A_36 = tpu.memref_slice %arg9[%dma_start3A_33, %dma_start3A_34, %dma_start3A_35] : memref<8x125x64xbf16, #tpu.memory_space<vmem>> -> memref<1x125x64xbf16, #tpu.memory_space<vmem>>
    %dma_start3A_37 = tpu.memref_squeeze %dma_start3A_36 : memref<1x125x64xbf16, #tpu.memory_space<vmem>> -> memref<125x64xbf16, #tpu.memory_space<vmem>>
    %dma_start3A_38 = arith.constant 0 : i32
    %dma_start3A_39 = tpu.memref_slice %arg7[%dma_start3A_32, %dma_start3A_38] : memref<160x125xi32, #tpu.memory_space<vmem>> -> memref<1x125xi32, #tpu.memory_space<vmem>>
    %dma_start3A_40 = tpu.memref_squeeze %dma_start3A_39 : memref<1x125xi32, #tpu.memory_space<vmem>> -> memref<125xi32, #tpu.memory_space<vmem>>
    %dma_start3A_41 = arith.constant 0 : i32
    %dma_start3A_42 = arith.constant 0 : i32
    %dma_start3A_43 = tpu.memref_slice %arg2[%arg0, %dma_start3A_41, %dma_start3A_42] : memref<2x10000x64xbf16, #tpu.memory_space<hbm>> -> memref<1x10000x64xbf16, #tpu.memory_space<hbm>>
    %dma_start3A_44 = tpu.memref_squeeze %dma_start3A_43 : memref<1x10000x64xbf16, #tpu.memory_space<hbm>> -> memref<10000x64xbf16, #tpu.memory_space<hbm>>
    %dma_start3A_45 = arith.constant 0 : i32
    %dma_start3A_46 = arith.constant 0 : i32
    %dma_start3A_47 = tpu.memref_slice %dma_start3A_44[%dma_start3A_45, %dma_start3A_46] : memref<10000x64xbf16, #tpu.memory_space<hbm>> -> memref<10000x64xbf16, #tpu.memory_space<hbm>>
    tpu.enqueue_indirect_dma source(%dma_start3A_47 : memref<10000x64xbf16, #tpu.memory_space<hbm>>) target(%dma_start3A_37 : memref<125x64xbf16, #tpu.memory_space<vmem>>) offsets(%dma_start3A_40 : memref<125xi32, #tpu.memory_space<vmem>>) semaphore(%arg11 : memref<!tpu.dma_semaphore, #tpu.memory_space<semaphore_mem>>)
    %dma_start3A_48 = arith.constant 3 : i32
    %dma_start3A_49 = arith.constant 3 : i32
    %dma_start3A_50 = arith.constant 0 : i32
    %dma_start3A_51 = arith.constant 0 : i32
    %dma_start3A_52 = tpu.memref_slice %arg9[%dma_start3A_49, %dma_start3A_50, %dma_start3A_51] : memref<8x125x64xbf16, #tpu.memory_space<vmem>> -> memref<1x125x64xbf16, #tpu.memory_space<vmem>>
    %dma_start3A_53 = tpu.memref_squeeze %dma_start3A_52 : memref<1x125x64xbf16, #tpu.memory_space<vmem>> -> memref<125x64xbf16, #tpu.memory_space<vmem>>
    %dma_start3A_54 = arith.constant 0 : i32
    %dma_start3A_55 = tpu.memref_slice %arg7[%dma_start3A_48, %dma_start3A_54] : memref<160x125xi32, #tpu.memory_space<vmem>> -> memref<1x125xi32, #tpu.memory_space<vmem>>
    %dma_start3A_56 = tpu.memref_squeeze %dma_start3A_55 : memref<1x125xi32, #tpu.memory_space<vmem>> -> memref<125xi32, #tpu.memory_space<vmem>>
    %dma_start3A_57 = arith.constant 0 : i32
    %dma_start3A_58 = arith.constant 0 : i32
    %dma_start3A_59 = tpu.memref_slice %arg2[%arg0, %dma_start3A_57, %dma_start3A_58] : memref<2x10000x64xbf16, #tpu.memory_space<hbm>> -> memref<1x10000x64xbf16, #tpu.memory_space<hbm>>
    %dma_start3A_60 = tpu.memref_squeeze %dma_start3A_59 : memref<1x10000x64xbf16, #tpu.memory_space<hbm>> -> memref<10000x64xbf16, #tpu.memory_space<hbm>>
    %dma_start3A_61 = arith.constant 0 : i32
    %dma_start3A_62 = arith.constant 0 : i32
    %dma_start3A_63 = tpu.memref_slice %dma_start3A_60[%dma_start3A_61, %dma_start3A_62] : memref<10000x64xbf16, #tpu.memory_space<hbm>> -> memref<10000x64xbf16, #tpu.memory_space<hbm>>
    tpu.enqueue_indirect_dma source(%dma_start3A_63 : memref<10000x64xbf16, #tpu.memory_space<hbm>>) target(%dma_start3A_53 : memref<125x64xbf16, #tpu.memory_space<vmem>>) offsets(%dma_start3A_56 : memref<125xi32, #tpu.memory_space<vmem>>) semaphore(%arg11 : memref<!tpu.dma_semaphore, #tpu.memory_space<semaphore_mem>>)
    %dma_start3A_64 = arith.constant 4 : i32
    %dma_start3A_65 = arith.constant 4 : i32
    %dma_start3A_66 = arith.constant 0 : i32
    %dma_start3A_67 = arith.constant 0 : i32
    %dma_start3A_68 = tpu.memref_slice %arg9[%dma_start3A_65, %dma_start3A_66, %dma_start3A_67] : memref<8x125x64xbf16, #tpu.memory_space<vmem>> -> memref<1x125x64xbf16, #tpu.memory_space<vmem>>
    %dma_start3A_69 = tpu.memref_squeeze %dma_start3A_68 : memref<1x125x64xbf16, #tpu.memory_space<vmem>> -> memref<125x64xbf16, #tpu.memory_space<vmem>>
    %dma_start3A_70 = arith.constant 0 : i32
    %dma_start3A_71 = tpu.memref_slice %arg7[%dma_start3A_64, %dma_start3A_70] : memref<160x125xi32, #tpu.memory_space<vmem>> -> memref<1x125xi32, #tpu.memory_space<vmem>>
    %dma_start3A_72 = tpu.memref_squeeze %dma_start3A_71 : memref<1x125xi32, #tpu.memory_space<vmem>> -> memref<125xi32, #tpu.memory_space<vmem>>
    %dma_start3A_73 = arith.constant 0 : i32
    %dma_start3A_74 = arith.constant 0 : i32
    %dma_start3A_75 = tpu.memref_slice %arg2[%arg0, %dma_start3A_73, %dma_start3A_74] : memref<2x10000x64xbf16, #tpu.memory_space<hbm>> -> memref<1x10000x64xbf16, #tpu.memory_space<hbm>>
    %dma_start3A_76 = tpu.memref_squeeze %dma_start3A_75 : memref<1x10000x64xbf16, #tpu.memory_space<hbm>> -> memref<10000x64xbf16, #tpu.memory_space<hbm>>
    %dma_start3A_77 = arith.constant 0 : i32
    %dma_start3A_78 = arith.constant 0 : i32
    %dma_start3A_79 = tpu.memref_slice %dma_start3A_76[%dma_start3A_77, %dma_start3A_78] : memref<10000x64xbf16, #tpu.memory_space<hbm>> -> memref<10000x64xbf16, #tpu.memory_space<hbm>>
    tpu.enqueue_indirect_dma source(%dma_start3A_79 : memref<10000x64xbf16, #tpu.memory_space<hbm>>) target(%dma_start3A_69 : memref<125x64xbf16, #tpu.memory_space<vmem>>) offsets(%dma_start3A_72 : memref<125xi32, #tpu.memory_space<vmem>>) semaphore(%arg11 : memref<!tpu.dma_semaphore, #tpu.memory_space<semaphore_mem>>)
    %dma_start3A_80 = arith.constant 5 : i32
    %dma_start3A_81 = arith.constant 5 : i32
    %dma_start3A_82 = arith.constant 0 : i32
    %dma_start3A_83 = arith.constant 0 : i32
    %dma_start3A_84 = tpu.memref_slice %arg9[%dma_start3A_81, %dma_start3A_82, %dma_start3A_83] : memref<8x125x64xbf16, #tpu.memory_space<vmem>> -> memref<1x125x64xbf16, #tpu.memory_space<vmem>>
    %dma_start3A_85 = tpu.memref_squeeze %dma_start3A_84 : memref<1x125x64xbf16, #tpu.memory_space<vmem>> -> memref<125x64xbf16, #tpu.memory_space<vmem>>
    %dma_start3A_86 = arith.constant 0 : i32
    %dma_start3A_87 = tpu.memref_slice %arg7[%dma_start3A_80, %dma_start3A_86] : memref<160x125xi32, #tpu.memory_space<vmem>> -> memref<1x125xi32, #tpu.memory_space<vmem>>
    %dma_start3A_88 = tpu.memref_squeeze %dma_start3A_87 : memref<1x125xi32, #tpu.memory_space<vmem>> -> memref<125xi32, #tpu.memory_space<vmem>>
    %dma_start3A_89 = arith.constant 0 : i32
    %dma_start3A_90 = arith.constant 0 : i32
    %dma_start3A_91 = tpu.memref_slice %arg2[%arg0, %dma_start3A_89, %dma_start3A_90] : memref<2x10000x64xbf16, #tpu.memory_space<hbm>> -> memref<1x10000x64xbf16, #tpu.memory_space<hbm>>
    %dma_start3A_92 = tpu.memref_squeeze %dma_start3A_91 : memref<1x10000x64xbf16, #tpu.memory_space<hbm>> -> memref<10000x64xbf16, #tpu.memory_space<hbm>>
    %dma_start3A_93 = arith.constant 0 : i32
    %dma_start3A_94 = arith.constant 0 : i32
    %dma_start3A_95 = tpu.memref_slice %dma_start3A_92[%dma_start3A_93, %dma_start3A_94] : memref<10000x64xbf16, #tpu.memory_space<hbm>> -> memref<10000x64xbf16, #tpu.memory_space<hbm>>
    tpu.enqueue_indirect_dma source(%dma_start3A_95 : memref<10000x64xbf16, #tpu.memory_space<hbm>>) target(%dma_start3A_85 : memref<125x64xbf16, #tpu.memory_space<vmem>>) offsets(%dma_start3A_88 : memref<125xi32, #tpu.memory_space<vmem>>) semaphore(%arg11 : memref<!tpu.dma_semaphore, #tpu.memory_space<semaphore_mem>>)
    %dma_wait3A = arith.constant 0 : i32
    %dma_wait3A_96 = arith.constant 0 : i32
    %dma_wait3A_97 = arith.constant 0 : i32
    %dma_wait3A_98 = arith.constant 0 : i32
    %dma_wait3A_99 = tpu.memref_slice %arg9[%dma_wait3A_96, %dma_wait3A_97, %dma_wait3A_98] : memref<8x125x64xbf16, #tpu.memory_space<vmem>> -> memref<1x125x64xbf16, #tpu.memory_space<vmem>>
    %dma_wait3A_100 = tpu.memref_squeeze %dma_wait3A_99 : memref<1x125x64xbf16, #tpu.memory_space<vmem>> -> memref<125x64xbf16, #tpu.memory_space<vmem>>
    %dma_wait3A_101 = arith.constant 0 : i32
    %dma_wait3A_102 = tpu.memref_slice %arg7[%dma_wait3A, %dma_wait3A_101] : memref<160x125xi32, #tpu.memory_space<vmem>> -> memref<1x125xi32, #tpu.memory_space<vmem>>
    %dma_wait3A_103 = tpu.memref_squeeze %dma_wait3A_102 : memref<1x125xi32, #tpu.memory_space<vmem>> -> memref<125xi32, #tpu.memory_space<vmem>>
    %dma_wait3A_104 = arith.constant 0 : i32
    %dma_wait3A_105 = arith.constant 0 : i32
    %dma_wait3A_106 = tpu.memref_slice %arg2[%arg0, %dma_wait3A_104, %dma_wait3A_105] : memref<2x10000x64xbf16, #tpu.memory_space<hbm>> -> memref<1x10000x64xbf16, #tpu.memory_space<hbm>>
    %dma_wait3A_107 = tpu.memref_squeeze %dma_wait3A_106 : memref<1x10000x64xbf16, #tpu.memory_space<hbm>> -> memref<10000x64xbf16, #tpu.memory_space<hbm>>
    %dma_wait3A_108 = arith.constant 0 : i32
    %dma_wait3A_109 = arith.constant 0 : i32
    %dma_wait3A_110 = tpu.memref_slice %dma_wait3A_107[%dma_wait3A_108, %dma_wait3A_109] : memref<10000x64xbf16, #tpu.memory_space<hbm>> -> memref<10000x64xbf16, #tpu.memory_space<hbm>>
    tpu.wait_indirect_dma semaphore(%arg11 : memref<!tpu.dma_semaphore, #tpu.memory_space<semaphore_mem>>) src(%dma_wait3A_110 : memref<10000x64xbf16, #tpu.memory_space<hbm>>) dst(%dma_wait3A_100 : memref<125x64xbf16, #tpu.memory_space<vmem>>)
    %dma_start3A_111 = arith.constant 0 : i32
    %dma_start3A_112 = arith.constant 0 : i32
    %dma_start3A_113 = arith.constant 0 : i32
    %dma_start3A_114 = arith.constant 0 : i32
    %dma_start3A_115 = tpu.memref_slice %arg9[%dma_start3A_111, %dma_start3A_113, %dma_start3A_114] : memref<8x125x64xbf16, #tpu.memory_space<vmem>> -> memref<1x125x64xbf16, #tpu.memory_space<vmem>>
    %dma_start3A_116 = tpu.memref_squeeze %dma_start3A_115 : memref<1x125x64xbf16, #tpu.memory_space<vmem>> -> memref<125x64xbf16, #tpu.memory_space<vmem>>
    %dma_start3A_117 = arith.constant 0 : i32
    %dma_start3A_118 = tpu.memref_slice %arg8[%dma_start3A_112, %dma_start3A_117] : memref<160x125xi32, #tpu.memory_space<vmem>> -> memref<1x125xi32, #tpu.memory_space<vmem>>
    %dma_start3A_119 = tpu.memref_squeeze %dma_start3A_118 : memref<1x125xi32, #tpu.memory_space<vmem>> -> memref<125xi32, #tpu.memory_space<vmem>>
    %dma_start3A_120 = arith.constant 0 : i32
    %dma_start3A_121 = arith.constant 0 : i32
    %dma_start3A_122 = tpu.memref_slice %arg10[%dma_start3A_120, %dma_start3A_121] : memref<10000x64xbf16, #tpu.memory_space<vmem_shared>> -> memref<10000x64xbf16, #tpu.memory_space<vmem_shared>>
    tpu.enqueue_indirect_dma source(%dma_start3A_116 : memref<125x64xbf16, #tpu.memory_space<vmem>>) target(%dma_start3A_122 : memref<10000x64xbf16, #tpu.memory_space<vmem_shared>>) offsets(%dma_start3A_119 : memref<125xi32, #tpu.memory_space<vmem>>) semaphore(%arg12 : memref<!tpu.dma_semaphore, #tpu.memory_space<semaphore_mem>>) {add = true}
    %dma_start3A_123 = arith.constant 6 : i32
    %dma_start3A_124 = arith.constant 6 : i32
    %dma_start3A_125 = arith.constant 0 : i32
    %dma_start3A_126 = arith.constant 0 : i32
    %dma_start3A_127 = tpu.memref_slice %arg9[%dma_start3A_124, %dma_start3A_125, %dma_start3A_126] : memref<8x125x64xbf16, #tpu.memory_space<vmem>> -> memref<1x125x64xbf16, #tpu.memory_space<vmem>>
    %dma_start3A_128 = tpu.memref_squeeze %dma_start3A_127 : memref<1x125x64xbf16, #tpu.memory_space<vmem>> -> memref<125x64xbf16, #tpu.memory_space<vmem>>
    %dma_start3A_129 = arith.constant 0 : i32
    %dma_start3A_130 = tpu.memref_slice %arg7[%dma_start3A_123, %dma_start3A_129] : memref<160x125xi32, #tpu.memory_space<vmem>> -> memref<1x125xi32, #tpu.memory_space<vmem>>
    %dma_start3A_131 = tpu.memref_squeeze %dma_start3A_130 : memref<1x125xi32, #tpu.memory_space<vmem>> -> memref<125xi32, #tpu.memory_space<vmem>>
    %dma_start3A_132 = arith.constant 0 : i32
    %dma_start3A_133 = arith.constant 0 : i32
    %dma_start3A_134 = tpu.memref_slice %arg2[%arg0, %dma_start3A_132, %dma_start3A_133] : memref<2x10000x64xbf16, #tpu.memory_space<hbm>> -> memref<1x10000x64xbf16, #tpu.memory_space<hbm>>
    %dma_start3A_135 = tpu.memref_squeeze %dma_start3A_134 : memref<1x10000x64xbf16, #tpu.memory_space<hbm>> -> memref<10000x64xbf16, #tpu.memory_space<hbm>>
    %dma_start3A_136 = arith.constant 0 : i32
    %dma_start3A_137 = arith.constant 0 : i32
    %dma_start3A_138 = tpu.memref_slice %dma_start3A_135[%dma_start3A_136, %dma_start3A_137] : memref<10000x64xbf16, #tpu.memory_space<hbm>> -> memref<10000x64xbf16, #tpu.memory_space<hbm>>
    tpu.enqueue_indirect_dma source(%dma_start3A_138 : memref<10000x64xbf16, #tpu.memory_space<hbm>>) target(%dma_start3A_128 : memref<125x64xbf16, #tpu.memory_space<vmem>>) offsets(%dma_start3A_131 : memref<125xi32, #tpu.memory_space<vmem>>) semaphore(%arg11 : memref<!tpu.dma_semaphore, #tpu.memory_space<semaphore_mem>>)
    %dma_wait3A_139 = arith.constant 0 : i32
    %dma_wait3A_140 = arith.constant 1 : i32
    %dma_wait3A_141 = arith.constant 0 : i32
    %dma_wait3A_142 = arith.constant 0 : i32
    %dma_wait3A_143 = tpu.memref_slice %arg9[%dma_wait3A_140, %dma_wait3A_141, %dma_wait3A_142] : memref<8x125x64xbf16, #tpu.memory_space<vmem>> -> memref<1x125x64xbf16, #tpu.memory_space<vmem>>
    %dma_wait3A_144 = tpu.memref_squeeze %dma_wait3A_143 : memref<1x125x64xbf16, #tpu.memory_space<vmem>> -> memref<125x64xbf16, #tpu.memory_space<vmem>>
    %dma_wait3A_145 = arith.constant 0 : i32
    %dma_wait3A_146 = tpu.memref_slice %arg7[%dma_wait3A_139, %dma_wait3A_145] : memref<160x125xi32, #tpu.memory_space<vmem>> -> memref<1x125xi32, #tpu.memory_space<vmem>>
    %dma_wait3A_147 = tpu.memref_squeeze %dma_wait3A_146 : memref<1x125xi32, #tpu.memory_space<vmem>> -> memref<125xi32, #tpu.memory_space<vmem>>
    %dma_wait3A_148 = arith.constant 0 : i32
    %dma_wait3A_149 = arith.constant 0 : i32
    %dma_wait3A_150 = tpu.memref_slice %arg2[%arg0, %dma_wait3A_148, %dma_wait3A_149] : memref<2x10000x64xbf16, #tpu.memory_space<hbm>> -> memref<1x10000x64xbf16, #tpu.memory_space<hbm>>
    %dma_wait3A_151 = tpu.memref_squeeze %dma_wait3A_150 : memref<1x10000x64xbf16, #tpu.memory_space<hbm>> -> memref<10000x64xbf16, #tpu.memory_space<hbm>>
    %dma_wait3A_152 = arith.constant 0 : i32
    %dma_wait3A_153 = arith.constant 0 : i32
    %dma_wait3A_154 = tpu.memref_slice %dma_wait3A_151[%dma_wait3A_152, %dma_wait3A_153] : memref<10000x64xbf16, #tpu.memory_space<hbm>> -> memref<10000x64xbf16, #tpu.memory_space<hbm>>
    tpu.wait_indirect_dma semaphore(%arg11 : memref<!tpu.dma_semaphore, #tpu.memory_space<semaphore_mem>>) src(%dma_wait3A_154 : memref<10000x64xbf16, #tpu.memory_space<hbm>>) dst(%dma_wait3A_144 : memref<125x64xbf16, #tpu.memory_space<vmem>>)
    %dma_start3A_155 = arith.constant 1 : i32
    %dma_start3A_156 = arith.constant 1 : i32
    %dma_start3A_157 = arith.constant 0 : i32
    %dma_start3A_158 = arith.constant 0 : i32
    %dma_start3A_159 = tpu.memref_slice %arg9[%dma_start3A_155, %dma_start3A_157, %dma_start3A_158] : memref<8x125x64xbf16, #tpu.memory_space<vmem>> -> memref<1x125x64xbf16, #tpu.memory_space<vmem>>
    %dma_start3A_160 = tpu.memref_squeeze %dma_start3A_159 : memref<1x125x64xbf16, #tpu.memory_space<vmem>> -> memref<125x64xbf16, #tpu.memory_space<vmem>>
    %dma_start3A_161 = arith.constant 0 : i32
    %dma_start3A_162 = tpu.memref_slice %arg8[%dma_start3A_156, %dma_start3A_161] : memref<160x125xi32, #tpu.memory_space<vmem>> -> memref<1x125xi32, #tpu.memory_space<vmem>>
    %dma_start3A_163 = tpu.memref_squeeze %dma_start3A_162 : memref<1x125xi32, #tpu.memory_space<vmem>> -> memref<125xi32, #tpu.memory_space<vmem>>
    %dma_start3A_164 = arith.constant 0 : i32
    %dma_start3A_165 = arith.constant 0 : i32
    %dma_start3A_166 = tpu.memref_slice %arg10[%dma_start3A_164, %dma_start3A_165] : memref<10000x64xbf16, #tpu.memory_space<vmem_shared>> -> memref<10000x64xbf16, #tpu.memory_space<vmem_shared>>
    tpu.enqueue_indirect_dma source(%dma_start3A_160 : memref<125x64xbf16, #tpu.memory_space<vmem>>) target(%dma_start3A_166 : memref<10000x64xbf16, #tpu.memory_space<vmem_shared>>) offsets(%dma_start3A_163 : memref<125xi32, #tpu.memory_space<vmem>>) semaphore(%arg12 : memref<!tpu.dma_semaphore, #tpu.memory_space<semaphore_mem>>) {add = true}
    %dma_start3A_167 = arith.constant 7 : i32
    %dma_start3A_168 = arith.constant 7 : i32
    %dma_start3A_169 = arith.constant 0 : i32
    %dma_start3A_170 = arith.constant 0 : i32
    %dma_start3A_171 = tpu.memref_slice %arg9[%dma_start3A_168, %dma_start3A_169, %dma_start3A_170] : memref<8x125x64xbf16, #tpu.memory_space<vmem>> -> memref<1x125x64xbf16, #tpu.memory_space<vmem>>
    %dma_start3A_172 = tpu.memref_squeeze %dma_start3A_171 : memref<1x125x64xbf16, #tpu.memory_space<vmem>> -> memref<125x64xbf16, #tpu.memory_space<vmem>>
    %dma_start3A_173 = arith.constant 0 : i32
    %dma_start3A_174 = tpu.memref_slice %arg7[%dma_start3A_167, %dma_start3A_173] : memref<160x125xi32, #tpu.memory_space<vmem>> -> memref<1x125xi32, #tpu.memory_space<vmem>>
    %dma_start3A_175 = tpu.memref_squeeze %dma_start3A_174 : memref<1x125xi32, #tpu.memory_space<vmem>> -> memref<125xi32, #tpu.memory_space<vmem>>
    %dma_start3A_176 = arith.constant 0 : i32
    %dma_start3A_177 = arith.constant 0 : i32
    %dma_start3A_178 = tpu.memref_slice %arg2[%arg0, %dma_start3A_176, %dma_start3A_177] : memref<2x10000x64xbf16, #tpu.memory_space<hbm>> -> memref<1x10000x64xbf16, #tpu.memory_space<hbm>>
    %dma_start3A_179 = tpu.memref_squeeze %dma_start3A_178 : memref<1x10000x64xbf16, #tpu.memory_space<hbm>> -> memref<10000x64xbf16, #tpu.memory_space<hbm>>
    %dma_start3A_180 = arith.constant 0 : i32
    %dma_start3A_181 = arith.constant 0 : i32
    %dma_start3A_182 = tpu.memref_slice %dma_start3A_179[%dma_start3A_180, %dma_start3A_181] : memref<10000x64xbf16, #tpu.memory_space<hbm>> -> memref<10000x64xbf16, #tpu.memory_space<hbm>>
    tpu.enqueue_indirect_dma source(%dma_start3A_182 : memref<10000x64xbf16, #tpu.memory_space<hbm>>) target(%dma_start3A_172 : memref<125x64xbf16, #tpu.memory_space<vmem>>) offsets(%dma_start3A_175 : memref<125xi32, #tpu.memory_space<vmem>>) semaphore(%arg11 : memref<!tpu.dma_semaphore, #tpu.memory_space<semaphore_mem>>)
    %dma_wait3A_183 = arith.constant 0 : i32
    %dma_wait3A_184 = arith.constant 2 : i32
    %dma_wait3A_185 = arith.constant 0 : i32
    %dma_wait3A_186 = arith.constant 0 : i32
    %dma_wait3A_187 = tpu.memref_slice %arg9[%dma_wait3A_184, %dma_wait3A_185, %dma_wait3A_186] : memref<8x125x64xbf16, #tpu.memory_space<vmem>> -> memref<1x125x64xbf16, #tpu.memory_space<vmem>>
    %dma_wait3A_188 = tpu.memref_squeeze %dma_wait3A_187 : memref<1x125x64xbf16, #tpu.memory_space<vmem>> -> memref<125x64xbf16, #tpu.memory_space<vmem>>
    %dma_wait3A_189 = arith.constant 0 : i32
    %dma_wait3A_190 = tpu.memref_slice %arg7[%dma_wait3A_183, %dma_wait3A_189] : memref<160x125xi32, #tpu.memory_space<vmem>> -> memref<1x125xi32, #tpu.memory_space<vmem>>
    %dma_wait3A_191 = tpu.memref_squeeze %dma_wait3A_190 : memref<1x125xi32, #tpu.memory_space<vmem>> -> memref<125xi32, #tpu.memory_space<vmem>>
    %dma_wait3A_192 = arith.constant 0 : i32
    %dma_wait3A_193 = arith.constant 0 : i32
    %dma_wait3A_194 = tpu.memref_slice %arg2[%arg0, %dma_wait3A_192, %dma_wait3A_193] : memref<2x10000x64xbf16, #tpu.memory_space<hbm>> -> memref<1x10000x64xbf16, #tpu.memory_space<hbm>>
    %dma_wait3A_195 = tpu.memref_squeeze %dma_wait3A_194 : memref<1x10000x64xbf16, #tpu.memory_space<hbm>> -> memref<10000x64xbf16, #tpu.memory_space<hbm>>
    %dma_wait3A_196 = arith.constant 0 : i32
    %dma_wait3A_197 = arith.constant 0 : i32
    %dma_wait3A_198 = tpu.memref_slice %dma_wait3A_195[%dma_wait3A_196, %dma_wait3A_197] : memref<10000x64xbf16, #tpu.memory_space<hbm>> -> memref<10000x64xbf16, #tpu.memory_space<hbm>>
    tpu.wait_indirect_dma semaphore(%arg11 : memref<!tpu.dma_semaphore, #tpu.memory_space<semaphore_mem>>) src(%dma_wait3A_198 : memref<10000x64xbf16, #tpu.memory_space<hbm>>) dst(%dma_wait3A_188 : memref<125x64xbf16, #tpu.memory_space<vmem>>)
    %dma_start3A_199 = arith.constant 2 : i32
    %dma_start3A_200 = arith.constant 2 : i32
    %dma_start3A_201 = arith.constant 0 : i32
    %dma_start3A_202 = arith.constant 0 : i32
    %dma_start3A_203 = tpu.memref_slice %arg9[%dma_start3A_199, %dma_start3A_201, %dma_start3A_202] : memref<8x125x64xbf16, #tpu.memory_space<vmem>> -> memref<1x125x64xbf16, #tpu.memory_space<vmem>>
    %dma_start3A_204 = tpu.memref_squeeze %dma_start3A_203 : memref<1x125x64xbf16, #tpu.memory_space<vmem>> -> memref<125x64xbf16, #tpu.memory_space<vmem>>
    %dma_start3A_205 = arith.constant 0 : i32
    %dma_start3A_206 = tpu.memref_slice %arg8[%dma_start3A_200, %dma_start3A_205] : memref<160x125xi32, #tpu.memory_space<vmem>> -> memref<1x125xi32, #tpu.memory_space<vmem>>
    %dma_start3A_207 = tpu.memref_squeeze %dma_start3A_206 : memref<1x125xi32, #tpu.memory_space<vmem>> -> memref<125xi32, #tpu.memory_space<vmem>>
    %dma_start3A_208 = arith.constant 0 : i32
    %dma_start3A_209 = arith.constant 0 : i32
    %dma_start3A_210 = tpu.memref_slice %arg10[%dma_start3A_208, %dma_start3A_209] : memref<10000x64xbf16, #tpu.memory_space<vmem_shared>> -> memref<10000x64xbf16, #tpu.memory_space<vmem_shared>>
    tpu.enqueue_indirect_dma source(%dma_start3A_204 : memref<125x64xbf16, #tpu.memory_space<vmem>>) target(%dma_start3A_210 : memref<10000x64xbf16, #tpu.memory_space<vmem_shared>>) offsets(%dma_start3A_207 : memref<125xi32, #tpu.memory_space<vmem>>) semaphore(%arg12 : memref<!tpu.dma_semaphore, #tpu.memory_space<semaphore_mem>>) {add = true}
    %dma_wait3A_211 = arith.constant 0 : i32
    %dma_wait3A_212 = arith.constant 0 : i32
    %dma_wait3A_213 = arith.constant 0 : i32
    %dma_wait3A_214 = arith.constant 0 : i32
    %dma_wait3A_215 = tpu.memref_slice %arg9[%dma_wait3A_211, %dma_wait3A_213, %dma_wait3A_214] : memref<8x125x64xbf16, #tpu.memory_space<vmem>> -> memref<1x125x64xbf16, #tpu.memory_space<vmem>>
    %dma_wait3A_216 = tpu.memref_squeeze %dma_wait3A_215 : memref<1x125x64xbf16, #tpu.memory_space<vmem>> -> memref<125x64xbf16, #tpu.memory_space<vmem>>
    %dma_wait3A_217 = arith.constant 0 : i32
    %dma_wait3A_218 = tpu.memref_slice %arg8[%dma_wait3A_212, %dma_wait3A_217] : memref<160x125xi32, #tpu.memory_space<vmem>> -> memref<1x125xi32, #tpu.memory_space<vmem>>
    %dma_wait3A_219 = tpu.memref_squeeze %dma_wait3A_218 : memref<1x125xi32, #tpu.memory_space<vmem>> -> memref<125xi32, #tpu.memory_space<vmem>>
    %dma_wait3A_220 = arith.constant 0 : i32
    %dma_wait3A_221 = arith.constant 0 : i32
    %dma_wait3A_222 = tpu.memref_slice %arg10[%dma_wait3A_220, %dma_wait3A_221] : memref<10000x64xbf16, #tpu.memory_space<vmem_shared>> -> memref<10000x64xbf16, #tpu.memory_space<vmem_shared>>
    tpu.wait_indirect_dma semaphore(%arg12 : memref<!tpu.dma_semaphore, #tpu.memory_space<semaphore_mem>>) src(%dma_wait3A_216 : memref<125x64xbf16, #tpu.memory_space<vmem>>) dst(%dma_wait3A_222 : memref<10000x64xbf16, #tpu.memory_space<vmem_shared>>)
    %dma_start3A_223 = arith.constant 8 : i32
    %dma_start3A_224 = arith.constant 0 : i32
    %dma_start3A_225 = arith.constant 0 : i32
    %dma_start3A_226 = arith.constant 0 : i32
    %dma_start3A_227 = tpu.memref_slice %arg9[%dma_start3A_224, %dma_start3A_225, %dma_start3A_226] : memref<8x125x64xbf16, #tpu.memory_space<vmem>> -> memref<1x125x64xbf16, #tpu.memory_space<vmem>>
    %dma_start3A_228 = tpu.memref_squeeze %dma_start3A_227 : memref<1x125x64xbf16, #tpu.memory_space<vmem>> -> memref<125x64xbf16, #tpu.memory_space<vmem>>
    %dma_start3A_229 = arith.constant 0 : i32
    %dma_start3A_230 = tpu.memref_slice %arg7[%dma_start3A_223, %dma_start3A_229] : memref<160x125xi32, #tpu.memory_space<vmem>> -> memref<1x125xi32, #tpu.memory_space<vmem>>
    %dma_start3A_231 = tpu.memref_squeeze %dma_start3A_230 : memref<1x125xi32, #tpu.memory_space<vmem>> -> memref<125xi32, #tpu.memory_space<vmem>>
    %dma_start3A_232 = arith.constant 0 : i32
    %dma_start3A_233 = arith.constant 0 : i32
    %dma_start3A_234 = tpu.memref_slice %arg2[%arg0, %dma_start3A_232, %dma_start3A_233] : memref<2x10000x64xbf16, #tpu.memory_space<hbm>> -> memref<1x10000x64xbf16, #tpu.memory_space<hbm>>
    %dma_start3A_235 = tpu.memref_squeeze %dma_start3A_234 : memref<1x10000x64xbf16, #tpu.memory_space<hbm>> -> memref<10000x64xbf16, #tpu.memory_space<hbm>>
    %dma_start3A_236 = arith.constant 0 : i32
    %dma_start3A_237 = arith.constant 0 : i32
    %dma_start3A_238 = tpu.memref_slice %dma_start3A_235[%dma_start3A_236, %dma_start3A_237] : memref<10000x64xbf16, #tpu.memory_space<hbm>> -> memref<10000x64xbf16, #tpu.memory_space<hbm>>
    tpu.enqueue_indirect_dma source(%dma_start3A_238 : memref<10000x64xbf16, #tpu.memory_space<hbm>>) target(%dma_start3A_228 : memref<125x64xbf16, #tpu.memory_space<vmem>>) offsets(%dma_start3A_231 : memref<125xi32, #tpu.memory_space<vmem>>) semaphore(%arg11 : memref<!tpu.dma_semaphore, #tpu.memory_space<semaphore_mem>>)
    %dma_wait3A_239 = arith.constant 0 : i32
    %dma_wait3A_240 = arith.constant 3 : i32
    %dma_wait3A_241 = arith.constant 0 : i32
    %dma_wait3A_242 = arith.constant 0 : i32
    %dma_wait3A_243 = tpu.memref_slice %arg9[%dma_wait3A_240, %dma_wait3A_241, %dma_wait3A_242] : memref<8x125x64xbf16, #tpu.memory_space<vmem>> -> memref<1x125x64xbf16, #tpu.memory_space<vmem>>
    %dma_wait3A_244 = tpu.memref_squeeze %dma_wait3A_243 : memref<1x125x64xbf16, #tpu.memory_space<vmem>> -> memref<125x64xbf16, #tpu.memory_space<vmem>>
    %dma_wait3A_245 = arith.constant 0 : i32
    %dma_wait3A_246 = tpu.memref_slice %arg7[%dma_wait3A_239, %dma_wait3A_245] : memref<160x125xi32, #tpu.memory_space<vmem>> -> memref<1x125xi32, #tpu.memory_space<vmem>>
    %dma_wait3A_247 = tpu.memref_squeeze %dma_wait3A_246 : memref<1x125xi32, #tpu.memory_space<vmem>> -> memref<125xi32, #tpu.memory_space<vmem>>
    %dma_wait3A_248 = arith.constant 0 : i32
    %dma_wait3A_249 = arith.constant 0 : i32
    %dma_wait3A_250 = tpu.memref_slice %arg2[%arg0, %dma_wait3A_248, %dma_wait3A_249] : memref<2x10000x64xbf16, #tpu.memory_space<hbm>> -> memref<1x10000x64xbf16, #tpu.memory_space<hbm>>
    %dma_wait3A_251 = tpu.memref_squeeze %dma_wait3A_250 : memref<1x10000x64xbf16, #tpu.memory_space<hbm>> -> memref<10000x64xbf16, #tpu.memory_space<hbm>>
    %dma_wait3A_252 = arith.constant 0 : i32
    %dma_wait3A_253 = arith.constant 0 : i32
    %dma_wait3A_254 = tpu.memref_slice %dma_wait3A_251[%dma_wait3A_252, %dma_wait3A_253] : memref<10000x64xbf16, #tpu.memory_space<hbm>> -> memref<10000x64xbf16, #tpu.memory_space<hbm>>
    tpu.wait_indirect_dma semaphore(%arg11 : memref<!tpu.dma_semaphore, #tpu.memory_space<semaphore_mem>>) src(%dma_wait3A_254 : memref<10000x64xbf16, #tpu.memory_space<hbm>>) dst(%dma_wait3A_244 : memref<125x64xbf16, #tpu.memory_space<vmem>>)
    %dma_start3A_255 = arith.constant 3 : i32
    %dma_start3A_256 = arith.constant 3 : i32
    %dma_start3A_257 = arith.constant 0 : i32
    %dma_start3A_258 = arith.constant 0 : i32
    %dma_start3A_259 = tpu.memref_slice %arg9[%dma_start3A_255, %dma_start3A_257, %dma_start3A_258] : memref<8x125x64xbf16, #tpu.memory_space<vmem>> -> memref<1x125x64xbf16, #tpu.memory_space<vmem>>
    %dma_start3A_260 = tpu.memref_squeeze %dma_start3A_259 : memref<1x125x64xbf16, #tpu.memory_space<vmem>> -> memref<125x64xbf16, #tpu.memory_space<vmem>>
    %dma_start3A_261 = arith.constant 0 : i32
    %dma_start3A_262 = tpu.memref_slice %arg8[%dma_start3A_256, %dma_start3A_261] : memref<160x125xi32, #tpu.memory_space<vmem>> -> memref<1x125xi32, #tpu.memory_space<vmem>>
    %dma_start3A_263 = tpu.memref_squeeze %dma_start3A_262 : memref<1x125xi32, #tpu.memory_space<vmem>> -> memref<125xi32, #tpu.memory_space<vmem>>
    %dma_start3A_264 = arith.constant 0 : i32
    %dma_start3A_265 = arith.constant 0 : i32
    %dma_start3A_266 = tpu.memref_slice %arg10[%dma_start3A_264, %dma_start3A_265] : memref<10000x64xbf16, #tpu.memory_space<vmem_shared>> -> memref<10000x64xbf16, #tpu.memory_space<vmem_shared>>
    tpu.enqueue_indirect_dma source(%dma_start3A_260 : memref<125x64xbf16, #tpu.memory_space<vmem>>) target(%dma_start3A_266 : memref<10000x64xbf16, #tpu.memory_space<vmem_shared>>) offsets(%dma_start3A_263 : memref<125xi32, #tpu.memory_space<vmem>>) semaphore(%arg12 : memref<!tpu.dma_semaphore, #tpu.memory_space<semaphore_mem>>) {add = true}
    %dma_wait3A_267 = arith.constant 0 : i32
    %dma_wait3A_268 = arith.constant 0 : i32
    %dma_wait3A_269 = arith.constant 0 : i32
    %dma_wait3A_270 = arith.constant 0 : i32
    %dma_wait3A_271 = tpu.memref_slice %arg9[%dma_wait3A_267, %dma_wait3A_269, %dma_wait3A_270] : memref<8x125x64xbf16, #tpu.memory_space<vmem>> -> memref<1x125x64xbf16, #tpu.memory_space<vmem>>
    %dma_wait3A_272 = tpu.memref_squeeze %dma_wait3A_271 : memref<1x125x64xbf16, #tpu.memory_space<vmem>> -> memref<125x64xbf16, #tpu.memory_space<vmem>>
    %dma_wait3A_273 = arith.constant 0 : i32
    %dma_wait3A_274 = tpu.memref_slice %arg8[%dma_wait3A_268, %dma_wait3A_273] : memref<160x125xi32, #tpu.memory_space<vmem>> -> memref<1x125xi32, #tpu.memory_space<vmem>>
    %dma_wait3A_275 = tpu.memref_squeeze %dma_wait3A_274 : memref<1x125xi32, #tpu.memory_space<vmem>> -> memref<125xi32, #tpu.memory_space<vmem>>
    %dma_wait3A_276 = arith.constant 0 : i32
    %dma_wait3A_277 = arith.constant 0 : i32
    %dma_wait3A_278 = tpu.memref_slice %arg10[%dma_wait3A_276, %dma_wait3A_277] : memref<10000x64xbf16, #tpu.memory_space<vmem_shared>> -> memref<10000x64xbf16, #tpu.memory_space<vmem_shared>>
    tpu.wait_indirect_dma semaphore(%arg12 : memref<!tpu.dma_semaphore, #tpu.memory_space<semaphore_mem>>) src(%dma_wait3A_272 : memref<125x64xbf16, #tpu.memory_space<vmem>>) dst(%dma_wait3A_278 : memref<10000x64xbf16, #tpu.memory_space<vmem_shared>>)
    %dma_start3A_279 = arith.constant 9 : i32
    %dma_start3A_280 = arith.constant 1 : i32
    %dma_start3A_281 = arith.constant 0 : i32
    %dma_start3A_282 = arith.constant 0 : i32
    %dma_start3A_283 = tpu.memref_slice %arg9[%dma_start3A_280, %dma_start3A_281, %dma_start3A_282] : memref<8x125x64xbf16, #tpu.memory_space<vmem>> -> memref<1x125x64xbf16, #tpu.memory_space<vmem>>
    %dma_start3A_284 = tpu.memref_squeeze %dma_start3A_283 : memref<1x125x64xbf16, #tpu.memory_space<vmem>> -> memref<125x64xbf16, #tpu.memory_space<vmem>>
    %dma_start3A_285 = arith.constant 0 : i32
    %dma_start3A_286 = tpu.memref_slice %arg7[%dma_start3A_279, %dma_start3A_285] : memref<160x125xi32, #tpu.memory_space<vmem>> -> memref<1x125xi32, #tpu.memory_space<vmem>>
    %dma_start3A_287 = tpu.memref_squeeze %dma_start3A_286 : memref<1x125xi32, #tpu.memory_space<vmem>> -> memref<125xi32, #tpu.memory_space<vmem>>
    %dma_start3A_288 = arith.constant 0 : i32
    %dma_start3A_289 = arith.constant 0 : i32
    %dma_start3A_290 = tpu.memref_slice %arg2[%arg0, %dma_start3A_288, %dma_start3A_289] : memref<2x10000x64xbf16, #tpu.memory_space<hbm>> -> memref<1x10000x64xbf16, #tpu.memory_space<hbm>>
    %dma_start3A_291 = tpu.memref_squeeze %dma_start3A_290 : memref<1x10000x64xbf16, #tpu.memory_space<hbm>> -> memref<10000x64xbf16, #tpu.memory_space<hbm>>
    %dma_start3A_292 = arith.constant 0 : i32
    %dma_start3A_293 = arith.constant 0 : i32
    %dma_start3A_294 = tpu.memref_slice %dma_start3A_291[%dma_start3A_292, %dma_start3A_293] : memref<10000x64xbf16, #tpu.memory_space<hbm>> -> memref<10000x64xbf16, #tpu.memory_space<hbm>>
    tpu.enqueue_indirect_dma source(%dma_start3A_294 : memref<10000x64xbf16, #tpu.memory_space<hbm>>) target(%dma_start3A_284 : memref<125x64xbf16, #tpu.memory_space<vmem>>) offsets(%dma_start3A_287 : memref<125xi32, #tpu.memory_space<vmem>>) semaphore(%arg11 : memref<!tpu.dma_semaphore, #tpu.memory_space<semaphore_mem>>)
    %dma_wait3A_295 = arith.constant 0 : i32
    %dma_wait3A_296 = arith.constant 4 : i32
    %dma_wait3A_297 = arith.constant 0 : i32
    %dma_wait3A_298 = arith.constant 0 : i32
    %dma_wait3A_299 = tpu.memref_slice %arg9[%dma_wait3A_296, %dma_wait3A_297, %dma_wait3A_298] : memref<8x125x64xbf16, #tpu.memory_space<vmem>> -> memref<1x125x64xbf16, #tpu.memory_space<vmem>>
    %dma_wait3A_300 = tpu.memref_squeeze %dma_wait3A_299 : memref<1x125x64xbf16, #tpu.memory_space<vmem>> -> memref<125x64xbf16, #tpu.memory_space<vmem>>
    %dma_wait3A_301 = arith.constant 0 : i32
    %dma_wait3A_302 = tpu.memref_slice %arg7[%dma_wait3A_295, %dma_wait3A_301] : memref<160x125xi32, #tpu.memory_space<vmem>> -> memref<1x125xi32, #tpu.memory_space<vmem>>
    %dma_wait3A_303 = tpu.memref_squeeze %dma_wait3A_302 : memref<1x125xi32, #tpu.memory_space<vmem>> -> memref<125xi32, #tpu.memory_space<vmem>>
    %dma_wait3A_304 = arith.constant 0 : i32
    %dma_wait3A_305 = arith.constant 0 : i32
    %dma_wait3A_306 = tpu.memref_slice %arg2[%arg0, %dma_wait3A_304, %dma_wait3A_305] : memref<2x10000x64xbf16, #tpu.memory_space<hbm>> -> memref<1x10000x64xbf16, #tpu.memory_space<hbm>>
    %dma_wait3A_307 = tpu.memref_squeeze %dma_wait3A_306 : memref<1x10000x64xbf16, #tpu.memory_space<hbm>> -> memref<10000x64xbf16, #tpu.memory_space<hbm>>
    %dma_wait3A_308 = arith.constant 0 : i32
    %dma_wait3A_309 = arith.constant 0 : i32
    %dma_wait3A_310 = tpu.memref_slice %dma_wait3A_307[%dma_wait3A_308, %dma_wait3A_309] : memref<10000x64xbf16, #tpu.memory_space<hbm>> -> memref<10000x64xbf16, #tpu.memory_space<hbm>>
    tpu.wait_indirect_dma semaphore(%arg11 : memref<!tpu.dma_semaphore, #tpu.memory_space<semaphore_mem>>) src(%dma_wait3A_310 : memref<10000x64xbf16, #tpu.memory_space<hbm>>) dst(%dma_wait3A_300 : memref<125x64xbf16, #tpu.memory_space<vmem>>)
    %dma_start3A_311 = arith.constant 4 : i32
    %dma_start3A_312 = arith.constant 4 : i32
    %dma_start3A_313 = arith.constant 0 : i32
    %dma_start3A_314 = arith.constant 0 : i32
    %dma_start3A_315 = tpu.memref_slice %arg9[%dma_start3A_311, %dma_start3A_313, %dma_start3A_314] : memref<8x125x64xbf16, #tpu.memory_space<vmem>> -> memref<1x125x64xbf16, #tpu.memory_space<vmem>>
    %dma_start3A_316 = tpu.memref_squeeze %dma_start3A_315 : memref<1x125x64xbf16, #tpu.memory_space<vmem>> -> memref<125x64xbf16, #tpu.memory_space<vmem>>
    %dma_start3A_317 = arith.constant 0 : i32
    %dma_start3A_318 = tpu.memref_slice %arg8[%dma_start3A_312, %dma_start3A_317] : memref<160x125xi32, #tpu.memory_space<vmem>> -> memref<1x125xi32, #tpu.memory_space<vmem>>
    %dma_start3A_319 = tpu.memref_squeeze %dma_start3A_318 : memref<1x125xi32, #tpu.memory_space<vmem>> -> memref<125xi32, #tpu.memory_space<vmem>>
    %dma_start3A_320 = arith.constant 0 : i32
    %dma_start3A_321 = arith.constant 0 : i32
    %dma_start3A_322 = tpu.memref_slice %arg10[%dma_start3A_320, %dma_start3A_321] : memref<10000x64xbf16, #tpu.memory_space<vmem_shared>> -> memref<10000x64xbf16, #tpu.memory_space<vmem_shared>>
    tpu.enqueue_indirect_dma source(%dma_start3A_316 : memref<125x64xbf16, #tpu.memory_space<vmem>>) target(%dma_start3A_322 : memref<10000x64xbf16, #tpu.memory_space<vmem_shared>>) offsets(%dma_start3A_319 : memref<125xi32, #tpu.memory_space<vmem>>) semaphore(%arg12 : memref<!tpu.dma_semaphore, #tpu.memory_space<semaphore_mem>>) {add = true}
    %dma_wait3A_323 = arith.constant 0 : i32
    %dma_wait3A_324 = arith.constant 0 : i32
    %dma_wait3A_325 = arith.constant 0 : i32
    %dma_wait3A_326 = arith.constant 0 : i32
    %dma_wait3A_327 = tpu.memref_slice %arg9[%dma_wait3A_323, %dma_wait3A_325, %dma_wait3A_326] : memref<8x125x64xbf16, #tpu.memory_space<vmem>> -> memref<1x125x64xbf16, #tpu.memory_space<vmem>>
    %dma_wait3A_328 = tpu.memref_squeeze %dma_wait3A_327 : memref<1x125x64xbf16, #tpu.memory_space<vmem>> -> memref<125x64xbf16, #tpu.memory_space<vmem>>
    %dma_wait3A_329 = arith.constant 0 : i32
    %dma_wait3A_330 = tpu.memref_slice %arg8[%dma_wait3A_324, %dma_wait3A_329] : memref<160x125xi32, #tpu.memory_space<vmem>> -> memref<1x125xi32, #tpu.memory_space<vmem>>
    %dma_wait3A_331 = tpu.memref_squeeze %dma_wait3A_330 : memref<1x125xi32, #tpu.memory_space<vmem>> -> memref<125xi32, #tpu.memory_space<vmem>>
    %dma_wait3A_332 = arith.constant 0 : i32
    %dma_wait3A_333 = arith.constant 0 : i32
    %dma_wait3A_334 = tpu.memref_slice %arg10[%dma_wait3A_332, %dma_wait3A_333] : memref<10000x64xbf16, #tpu.memory_space<vmem_shared>> -> memref<10000x64xbf16, #tpu.memory_space<vmem_shared>>
    tpu.wait_indirect_dma semaphore(%arg12 : memref<!tpu.dma_semaphore, #tpu.memory_space<semaphore_mem>>) src(%dma_wait3A_328 : memref<125x64xbf16, #tpu.memory_space<vmem>>) dst(%dma_wait3A_334 : memref<10000x64xbf16, #tpu.memory_space<vmem_shared>>)
    %dma_start3A_335 = arith.constant 10 : i32
    %dma_start3A_336 = arith.constant 2 : i32
    %dma_start3A_337 = arith.constant 0 : i32
    %dma_start3A_338 = arith.constant 0 : i32
    %dma_start3A_339 = tpu.memref_slice %arg9[%dma_start3A_336, %dma_start3A_337, %dma_start3A_338] : memref<8x125x64xbf16, #tpu.memory_space<vmem>> -> memref<1x125x64xbf16, #tpu.memory_space<vmem>>
    %dma_start3A_340 = tpu.memref_squeeze %dma_start3A_339 : memref<1x125x64xbf16, #tpu.memory_space<vmem>> -> memref<125x64xbf16, #tpu.memory_space<vmem>>
    %dma_start3A_341 = arith.constant 0 : i32
    %dma_start3A_342 = tpu.memref_slice %arg7[%dma_start3A_335, %dma_start3A_341] : memref<160x125xi32, #tpu.memory_space<vmem>> -> memref<1x125xi32, #tpu.memory_space<vmem>>
    %dma_start3A_343 = tpu.memref_squeeze %dma_start3A_342 : memref<1x125xi32, #tpu.memory_space<vmem>> -> memref<125xi32, #tpu.memory_space<vmem>>
    %dma_start3A_344 = arith.constant 0 : i32
    %dma_start3A_345 = arith.constant 0 : i32
    %dma_start3A_346 = tpu.memref_slice %arg2[%arg0, %dma_start3A_344, %dma_start3A_345] : memref<2x10000x64xbf16, #tpu.memory_space<hbm>> -> memref<1x10000x64xbf16, #tpu.memory_space<hbm>>
    %dma_start3A_347 = tpu.memref_squeeze %dma_start3A_346 : memref<1x10000x64xbf16, #tpu.memory_space<hbm>> -> memref<10000x64xbf16, #tpu.memory_space<hbm>>
    %dma_start3A_348 = arith.constant 0 : i32
    %dma_start3A_349 = arith.constant 0 : i32
    %dma_start3A_350 = tpu.memref_slice %dma_start3A_347[%dma_start3A_348, %dma_start3A_349] : memref<10000x64xbf16, #tpu.memory_space<hbm>> -> memref<10000x64xbf16, #tpu.memory_space<hbm>>
    tpu.enqueue_indirect_dma source(%dma_start3A_350 : memref<10000x64xbf16, #tpu.memory_space<hbm>>) target(%dma_start3A_340 : memref<125x64xbf16, #tpu.memory_space<vmem>>) offsets(%dma_start3A_343 : memref<125xi32, #tpu.memory_space<vmem>>) semaphore(%arg11 : memref<!tpu.dma_semaphore, #tpu.memory_space<semaphore_mem>>)
    %dma_wait3A_351 = arith.constant 0 : i32
    %dma_wait3A_352 = arith.constant 5 : i32
    %dma_wait3A_353 = arith.constant 0 : i32
    %dma_wait3A_354 = arith.constant 0 : i32
    %dma_wait3A_355 = tpu.memref_slice %arg9[%dma_wait3A_352, %dma_wait3A_353, %dma_wait3A_354] : memref<8x125x64xbf16, #tpu.memory_space<vmem>> -> memref<1x125x64xbf16, #tpu.memory_space<vmem>>
    %dma_wait3A_356 = tpu.memref_squeeze %dma_wait3A_355 : memref<1x125x64xbf16, #tpu.memory_space<vmem>> -> memref<125x64xbf16, #tpu.memory_space<vmem>>
    %dma_wait3A_357 = arith.constant 0 : i32
    %dma_wait3A_358 = tpu.memref_slice %arg7[%dma_wait3A_351, %dma_wait3A_357] : memref<160x125xi32, #tpu.memory_space<vmem>> -> memref<1x125xi32, #tpu.memory_space<vmem>>
    %dma_wait3A_359 = tpu.memref_squeeze %dma_wait3A_358 : memref<1x125xi32, #tpu.memory_space<vmem>> -> memref<125xi32, #tpu.memory_space<vmem>>
    %dma_wait3A_360 = arith.constant 0 : i32
    %dma_wait3A_361 = arith.constant 0 : i32
    %dma_wait3A_362 = tpu.memref_slice %arg2[%arg0, %dma_wait3A_360, %dma_wait3A_361] : memref<2x10000x64xbf16, #tpu.memory_space<hbm>> -> memref<1x10000x64xbf16, #tpu.memory_space<hbm>>
    %dma_wait3A_363 = tpu.memref_squeeze %dma_wait3A_362 : memref<1x10000x64xbf16, #tpu.memory_space<hbm>> -> memref<10000x64xbf16, #tpu.memory_space<hbm>>
    %dma_wait3A_364 = arith.constant 0 : i32
    %dma_wait3A_365 = arith.constant 0 : i32
    %dma_wait3A_366 = tpu.memref_slice %dma_wait3A_363[%dma_wait3A_364, %dma_wait3A_365] : memref<10000x64xbf16, #tpu.memory_space<hbm>> -> memref<10000x64xbf16, #tpu.memory_space<hbm>>
    tpu.wait_indirect_dma semaphore(%arg11 : memref<!tpu.dma_semaphore, #tpu.memory_space<semaphore_mem>>) src(%dma_wait3A_366 : memref<10000x64xbf16, #tpu.memory_space<hbm>>) dst(%dma_wait3A_356 : memref<125x64xbf16, #tpu.memory_space<vmem>>)
    %dma_start3A_367 = arith.constant 5 : i32
    %dma_start3A_368 = arith.constant 5 : i32
    %dma_start3A_369 = arith.constant 0 : i32
    %dma_start3A_370 = arith.constant 0 : i32
    %dma_start3A_371 = tpu.memref_slice %arg9[%dma_start3A_367, %dma_start3A_369, %dma_start3A_370] : memref<8x125x64xbf16, #tpu.memory_space<vmem>> -> memref<1x125x64xbf16, #tpu.memory_space<vmem>>
    %dma_start3A_372 = tpu.memref_squeeze %dma_start3A_371 : memref<1x125x64xbf16, #tpu.memory_space<vmem>> -> memref<125x64xbf16, #tpu.memory_space<vmem>>
    %dma_start3A_373 = arith.constant 0 : i32
    %dma_start3A_374 = tpu.memref_slice %arg8[%dma_start3A_368, %dma_start3A_373] : memref<160x125xi32, #tpu.memory_space<vmem>> -> memref<1x125xi32, #tpu.memory_space<vmem>>
    %dma_start3A_375 = tpu.memref_squeeze %dma_start3A_374 : memref<1x125xi32, #tpu.memory_space<vmem>> -> memref<125xi32, #tpu.memory_space<vmem>>
    %dma_start3A_376 = arith.constant 0 : i32
    %dma_start3A_377 = arith.constant 0 : i32
    %dma_start3A_378 = tpu.memref_slice %arg10[%dma_start3A_376, %dma_start3A_377] : memref<10000x64xbf16, #tpu.memory_space<vmem_shared>> -> memref<10000x64xbf16, #tpu.memory_space<vmem_shared>>
    tpu.enqueue_indirect_dma source(%dma_start3A_372 : memref<125x64xbf16, #tpu.memory_space<vmem>>) target(%dma_start3A_378 : memref<10000x64xbf16, #tpu.memory_space<vmem_shared>>) offsets(%dma_start3A_375 : memref<125xi32, #tpu.memory_space<vmem>>) semaphore(%arg12 : memref<!tpu.dma_semaphore, #tpu.memory_space<semaphore_mem>>) {add = true}
    %dma_wait3A_379 = arith.constant 0 : i32
    %dma_wait3A_380 = arith.constant 0 : i32
    %dma_wait3A_381 = arith.constant 0 : i32
    %dma_wait3A_382 = arith.constant 0 : i32
    %dma_wait3A_383 = tpu.memref_slice %arg9[%dma_wait3A_379, %dma_wait3A_381, %dma_wait3A_382] : memref<8x125x64xbf16, #tpu.memory_space<vmem>> -> memref<1x125x64xbf16, #tpu.memory_space<vmem>>
    %dma_wait3A_384 = tpu.memref_squeeze %dma_wait3A_383 : memref<1x125x64xbf16, #tpu.memory_space<vmem>> -> memref<125x64xbf16, #tpu.memory_space<vmem>>
    %dma_wait3A_385 = arith.constant 0 : i32
    %dma_wait3A_386 = tpu.memref_slice %arg8[%dma_wait3A_380, %dma_wait3A_385] : memref<160x125xi32, #tpu.memory_space<vmem>> -> memref<1x125xi32, #tpu.memory_space<vmem>>
    %dma_wait3A_387 = tpu.memref_squeeze %dma_wait3A_386 : memref<1x125xi32, #tpu.memory_space<vmem>> -> memref<125xi32, #tpu.memory_space<vmem>>
    %dma_wait3A_388 = arith.constant 0 : i32
    %dma_wait3A_389 = arith.constant 0 : i32
    %dma_wait3A_390 = tpu.memref_slice %arg10[%dma_wait3A_388, %dma_wait3A_389] : memref<10000x64xbf16, #tpu.memory_space<vmem_shared>> -> memref<10000x64xbf16, #tpu.memory_space<vmem_shared>>
    tpu.wait_indirect_dma semaphore(%arg12 : memref<!tpu.dma_semaphore, #tpu.memory_space<semaphore_mem>>) src(%dma_wait3A_384 : memref<125x64xbf16, #tpu.memory_space<vmem>>) dst(%dma_wait3A_390 : memref<10000x64xbf16, #tpu.memory_space<vmem_shared>>)
    %dma_start3A_391 = arith.constant 11 : i32
    %dma_start3A_392 = arith.constant 3 : i32
    %dma_start3A_393 = arith.constant 0 : i32
    %dma_start3A_394 = arith.constant 0 : i32
    %dma_start3A_395 = tpu.memref_slice %arg9[%dma_start3A_392, %dma_start3A_393, %dma_start3A_394] : memref<8x125x64xbf16, #tpu.memory_space<vmem>> -> memref<1x125x64xbf16, #tpu.memory_space<vmem>>
    %dma_start3A_396 = tpu.memref_squeeze %dma_start3A_395 : memref<1x125x64xbf16, #tpu.memory_space<vmem>> -> memref<125x64xbf16, #tpu.memory_space<vmem>>
    %dma_start3A_397 = arith.constant 0 : i32
    %dma_start3A_398 = tpu.memref_slice %arg7[%dma_start3A_391, %dma_start3A_397] : memref<160x125xi32, #tpu.memory_space<vmem>> -> memref<1x125xi32, #tpu.memory_space<vmem>>
    %dma_start3A_399 = tpu.memref_squeeze %dma_start3A_398 : memref<1x125xi32, #tpu.memory_space<vmem>> -> memref<125xi32, #tpu.memory_space<vmem>>
    %dma_start3A_400 = arith.constant 0 : i32
    %dma_start3A_401 = arith.constant 0 : i32
    %dma_start3A_402 = tpu.memref_slice %arg2[%arg0, %dma_start3A_400, %dma_start3A_401] : memref<2x10000x64xbf16, #tpu.memory_space<hbm>> -> memref<1x10000x64xbf16, #tpu.memory_space<hbm>>
    %dma_start3A_403 = tpu.memref_squeeze %dma_start3A_402 : memref<1x10000x64xbf16, #tpu.memory_space<hbm>> -> memref<10000x64xbf16, #tpu.memory_space<hbm>>
    %dma_start3A_404 = arith.constant 0 : i32
    %dma_start3A_405 = arith.constant 0 : i32
    %dma_start3A_406 = tpu.memref_slice %dma_start3A_403[%dma_start3A_404, %dma_start3A_405] : memref<10000x64xbf16, #tpu.memory_space<hbm>> -> memref<10000x64xbf16, #tpu.memory_space<hbm>>
    tpu.enqueue_indirect_dma source(%dma_start3A_406 : memref<10000x64xbf16, #tpu.memory_space<hbm>>) target(%dma_start3A_396 : memref<125x64xbf16, #tpu.memory_space<vmem>>) offsets(%dma_start3A_399 : memref<125xi32, #tpu.memory_space<vmem>>) semaphore(%arg11 : memref<!tpu.dma_semaphore, #tpu.memory_space<semaphore_mem>>)
    %dma_wait3A_407 = arith.constant 0 : i32
    %dma_wait3A_408 = arith.constant 6 : i32
    %dma_wait3A_409 = arith.constant 0 : i32
    %dma_wait3A_410 = arith.constant 0 : i32
    %dma_wait3A_411 = tpu.memref_slice %arg9[%dma_wait3A_408, %dma_wait3A_409, %dma_wait3A_410] : memref<8x125x64xbf16, #tpu.memory_space<vmem>> -> memref<1x125x64xbf16, #tpu.memory_space<vmem>>
    %dma_wait3A_412 = tpu.memref_squeeze %dma_wait3A_411 : memref<1x125x64xbf16, #tpu.memory_space<vmem>> -> memref<125x64xbf16, #tpu.memory_space<vmem>>
    %dma_wait3A_413 = arith.constant 0 : i32
    %dma_wait3A_414 = tpu.memref_slice %arg7[%dma_wait3A_407, %dma_wait3A_413] : memref<160x125xi32, #tpu.memory_space<vmem>> -> memref<1x125xi32, #tpu.memory_space<vmem>>
    %dma_wait3A_415 = tpu.memref_squeeze %dma_wait3A_414 : memref<1x125xi32, #tpu.memory_space<vmem>> -> memref<125xi32, #tpu.memory_space<vmem>>
    %dma_wait3A_416 = arith.constant 0 : i32
    %dma_wait3A_417 = arith.constant 0 : i32
    %dma_wait3A_418 = tpu.memref_slice %arg2[%arg0, %dma_wait3A_416, %dma_wait3A_417] : memref<2x10000x64xbf16, #tpu.memory_space<hbm>> -> memref<1x10000x64xbf16, #tpu.memory_space<hbm>>
    %dma_wait3A_419 = tpu.memref_squeeze %dma_wait3A_418 : memref<1x10000x64xbf16, #tpu.memory_space<hbm>> -> memref<10000x64xbf16, #tpu.memory_space<hbm>>
    %dma_wait3A_420 = arith.constant 0 : i32
    %dma_wait3A_421 = arith.constant 0 : i32
    %dma_wait3A_422 = tpu.memref_slice %dma_wait3A_419[%dma_wait3A_420, %dma_wait3A_421] : memref<10000x64xbf16, #tpu.memory_space<hbm>> -> memref<10000x64xbf16, #tpu.memory_space<hbm>>
    tpu.wait_indirect_dma semaphore(%arg11 : memref<!tpu.dma_semaphore, #tpu.memory_space<semaphore_mem>>) src(%dma_wait3A_422 : memref<10000x64xbf16, #tpu.memory_space<hbm>>) dst(%dma_wait3A_412 : memref<125x64xbf16, #tpu.memory_space<vmem>>)
    %dma_start3A_423 = arith.constant 6 : i32
    %dma_start3A_424 = arith.constant 6 : i32
    %dma_start3A_425 = arith.constant 0 : i32
    %dma_start3A_426 = arith.constant 0 : i32
    %dma_start3A_427 = tpu.memref_slice %arg9[%dma_start3A_423, %dma_start3A_425, %dma_start3A_426] : memref<8x125x64xbf16, #tpu.memory_space<vmem>> -> memref<1x125x64xbf16, #tpu.memory_space<vmem>>
    %dma_start3A_428 = tpu.memref_squeeze %dma_start3A_427 : memref<1x125x64xbf16, #tpu.memory_space<vmem>> -> memref<125x64xbf16, #tpu.memory_space<vmem>>
    %dma_start3A_429 = arith.constant 0 : i32
    %dma_start3A_430 = tpu.memref_slice %arg8[%dma_start3A_424, %dma_start3A_429] : memref<160x125xi32, #tpu.memory_space<vmem>> -> memref<1x125xi32, #tpu.memory_space<vmem>>
    %dma_start3A_431 = tpu.memref_squeeze %dma_start3A_430 : memref<1x125xi32, #tpu.memory_space<vmem>> -> memref<125xi32, #tpu.memory_space<vmem>>
    %dma_start3A_432 = arith.constant 0 : i32
    %dma_start3A_433 = arith.constant 0 : i32
    %dma_start3A_434 = tpu.memref_slice %arg10[%dma_start3A_432, %dma_start3A_433] : memref<10000x64xbf16, #tpu.memory_space<vmem_shared>> -> memref<10000x64xbf16, #tpu.memory_space<vmem_shared>>
    tpu.enqueue_indirect_dma source(%dma_start3A_428 : memref<125x64xbf16, #tpu.memory_space<vmem>>) target(%dma_start3A_434 : memref<10000x64xbf16, #tpu.memory_space<vmem_shared>>) offsets(%dma_start3A_431 : memref<125xi32, #tpu.memory_space<vmem>>) semaphore(%arg12 : memref<!tpu.dma_semaphore, #tpu.memory_space<semaphore_mem>>) {add = true}
    %dma_wait3A_435 = arith.constant 0 : i32
    %dma_wait3A_436 = arith.constant 0 : i32
    %dma_wait3A_437 = arith.constant 0 : i32
    %dma_wait3A_438 = arith.constant 0 : i32
    %dma_wait3A_439 = tpu.memref_slice %arg9[%dma_wait3A_435, %dma_wait3A_437, %dma_wait3A_438] : memref<8x125x64xbf16, #tpu.memory_space<vmem>> -> memref<1x125x64xbf16, #tpu.memory_space<vmem>>
    %dma_wait3A_440 = tpu.memref_squeeze %dma_wait3A_439 : memref<1x125x64xbf16, #tpu.memory_space<vmem>> -> memref<125x64xbf16, #tpu.memory_space<vmem>>
    %dma_wait3A_441 = arith.constant 0 : i32
    %dma_wait3A_442 = tpu.memref_slice %arg8[%dma_wait3A_436, %dma_wait3A_441] : memref<160x125xi32, #tpu.memory_space<vmem>> -> memref<1x125xi32, #tpu.memory_space<vmem>>
    %dma_wait3A_443 = tpu.memref_squeeze %dma_wait3A_442 : memref<1x125xi32, #tpu.memory_space<vmem>> -> memref<125xi32, #tpu.memory_space<vmem>>
    %dma_wait3A_444 = arith.constant 0 : i32
    %dma_wait3A_445 = arith.constant 0 : i32
    %dma_wait3A_446 = tpu.memref_slice %arg10[%dma_wait3A_444, %dma_wait3A_445] : memref<10000x64xbf16, #tpu.memory_space<vmem_shared>> -> memref<10000x64xbf16, #tpu.memory_space<vmem_shared>>
    tpu.wait_indirect_dma semaphore(%arg12 : memref<!tpu.dma_semaphore, #tpu.memory_space<semaphore_mem>>) src(%dma_wait3A_440 : memref<125x64xbf16, #tpu.memory_space<vmem>>) dst(%dma_wait3A_446 : memref<10000x64xbf16, #tpu.memory_space<vmem_shared>>)
    %dma_start3A_447 = arith.constant 12 : i32
    %dma_start3A_448 = arith.constant 4 : i32
    %dma_start3A_449 = arith.constant 0 : i32
    %dma_start3A_450 = arith.constant 0 : i32
    %dma_start3A_451 = tpu.memref_slice %arg9[%dma_start3A_448, %dma_start3A_449, %dma_start3A_450] : memref<8x125x64xbf16, #tpu.memory_space<vmem>> -> memref<1x125x64xbf16, #tpu.memory_space<vmem>>
    %dma_start3A_452 = tpu.memref_squeeze %dma_start3A_451 : memref<1x125x64xbf16, #tpu.memory_space<vmem>> -> memref<125x64xbf16, #tpu.memory_space<vmem>>
    %dma_start3A_453 = arith.constant 0 : i32
    %dma_start3A_454 = tpu.memref_slice %arg7[%dma_start3A_447, %dma_start3A_453] : memref<160x125xi32, #tpu.memory_space<vmem>> -> memref<1x125xi32, #tpu.memory_space<vmem>>
    %dma_start3A_455 = tpu.memref_squeeze %dma_start3A_454 : memref<1x125xi32, #tpu.memory_space<vmem>> -> memref<125xi32, #tpu.memory_space<vmem>>
    %dma_start3A_456 = arith.constant 0 : i32
    %dma_start3A_457 = arith.constant 0 : i32
    %dma_start3A_458 = tpu.memref_slice %arg2[%arg0, %dma_start3A_456, %dma_start3A_457] : memref<2x10000x64xbf16, #tpu.memory_space<hbm>> -> memref<1x10000x64xbf16, #tpu.memory_space<hbm>>
    %dma_start3A_459 = tpu.memref_squeeze %dma_start3A_458 : memref<1x10000x64xbf16, #tpu.memory_space<hbm>> -> memref<10000x64xbf16, #tpu.memory_space<hbm>>
    %dma_start3A_460 = arith.constant 0 : i32
    %dma_start3A_461 = arith.constant 0 : i32
    %dma_start3A_462 = tpu.memref_slice %dma_start3A_459[%dma_start3A_460, %dma_start3A_461] : memref<10000x64xbf16, #tpu.memory_space<hbm>> -> memref<10000x64xbf16, #tpu.memory_space<hbm>>
    tpu.enqueue_indirect_dma source(%dma_start3A_462 : memref<10000x64xbf16, #tpu.memory_space<hbm>>) target(%dma_start3A_452 : memref<125x64xbf16, #tpu.memory_space<vmem>>) offsets(%dma_start3A_455 : memref<125xi32, #tpu.memory_space<vmem>>) semaphore(%arg11 : memref<!tpu.dma_semaphore, #tpu.memory_space<semaphore_mem>>)
    %dma_wait3A_463 = arith.constant 0 : i32
    %dma_wait3A_464 = arith.constant 7 : i32
    %dma_wait3A_465 = arith.constant 0 : i32
    %dma_wait3A_466 = arith.constant 0 : i32
    %dma_wait3A_467 = tpu.memref_slice %arg9[%dma_wait3A_464, %dma_wait3A_465, %dma_wait3A_466] : memref<8x125x64xbf16, #tpu.memory_space<vmem>> -> memref<1x125x64xbf16, #tpu.memory_space<vmem>>
    %dma_wait3A_468 = tpu.memref_squeeze %dma_wait3A_467 : memref<1x125x64xbf16, #tpu.memory_space<vmem>> -> memref<125x64xbf16, #tpu.memory_space<vmem>>
    %dma_wait3A_469 = arith.constant 0 : i32
    %dma_wait3A_470 = tpu.memref_slice %arg7[%dma_wait3A_463, %dma_wait3A_469] : memref<160x125xi32, #tpu.memory_space<vmem>> -> memref<1x125xi32, #tpu.memory_space<vmem>>
    %dma_wait3A_471 = tpu.memref_squeeze %dma_wait3A_470 : memref<1x125xi32, #tpu.memory_space<vmem>> -> memref<125xi32, #tpu.memory_space<vmem>>
    %dma_wait3A_472 = arith.constant 0 : i32
    %dma_wait3A_473 = arith.constant 0 : i32
    %dma_wait3A_474 = tpu.memref_slice %arg2[%arg0, %dma_wait3A_472, %dma_wait3A_473] : memref<2x10000x64xbf16, #tpu.memory_space<hbm>> -> memref<1x10000x64xbf16, #tpu.memory_space<hbm>>
    %dma_wait3A_475 = tpu.memref_squeeze %dma_wait3A_474 : memref<1x10000x64xbf16, #tpu.memory_space<hbm>> -> memref<10000x64xbf16, #tpu.memory_space<hbm>>
    %dma_wait3A_476 = arith.constant 0 : i32
    %dma_wait3A_477 = arith.constant 0 : i32
    %dma_wait3A_478 = tpu.memref_slice %dma_wait3A_475[%dma_wait3A_476, %dma_wait3A_477] : memref<10000x64xbf16, #tpu.memory_space<hbm>> -> memref<10000x64xbf16, #tpu.memory_space<hbm>>
    tpu.wait_indirect_dma semaphore(%arg11 : memref<!tpu.dma_semaphore, #tpu.memory_space<semaphore_mem>>) src(%dma_wait3A_478 : memref<10000x64xbf16, #tpu.memory_space<hbm>>) dst(%dma_wait3A_468 : memref<125x64xbf16, #tpu.memory_space<vmem>>)
    %dma_start3A_479 = arith.constant 7 : i32
    %dma_start3A_480 = arith.constant 7 : i32
    %dma_start3A_481 = arith.constant 0 : i32
    %dma_start3A_482 = arith.constant 0 : i32
    %dma_start3A_483 = tpu.memref_slice %arg9[%dma_start3A_479, %dma_start3A_481, %dma_start3A_482] : memref<8x125x64xbf16, #tpu.memory_space<vmem>> -> memref<1x125x64xbf16, #tpu.memory_space<vmem>>
    %dma_start3A_484 = tpu.memref_squeeze %dma_start3A_483 : memref<1x125x64xbf16, #tpu.memory_space<vmem>> -> memref<125x64xbf16, #tpu.memory_space<vmem>>
    %dma_start3A_485 = arith.constant 0 : i32
    %dma_start3A_486 = tpu.memref_slice %arg8[%dma_start3A_480, %dma_start3A_485] : memref<160x125xi32, #tpu.memory_space<vmem>> -> memref<1x125xi32, #tpu.memory_space<vmem>>
    %dma_start3A_487 = tpu.memref_squeeze %dma_start3A_486 : memref<1x125xi32, #tpu.memory_space<vmem>> -> memref<125xi32, #tpu.memory_space<vmem>>
    %dma_start3A_488 = arith.constant 0 : i32
    %dma_start3A_489 = arith.constant 0 : i32
    %dma_start3A_490 = tpu.memref_slice %arg10[%dma_start3A_488, %dma_start3A_489] : memref<10000x64xbf16, #tpu.memory_space<vmem_shared>> -> memref<10000x64xbf16, #tpu.memory_space<vmem_shared>>
    tpu.enqueue_indirect_dma source(%dma_start3A_484 : memref<125x64xbf16, #tpu.memory_space<vmem>>) target(%dma_start3A_490 : memref<10000x64xbf16, #tpu.memory_space<vmem_shared>>) offsets(%dma_start3A_487 : memref<125xi32, #tpu.memory_space<vmem>>) semaphore(%arg12 : memref<!tpu.dma_semaphore, #tpu.memory_space<semaphore_mem>>) {add = true}
    %dma_wait3A_491 = arith.constant 0 : i32
    %dma_wait3A_492 = arith.constant 0 : i32
    %dma_wait3A_493 = arith.constant 0 : i32
    %dma_wait3A_494 = arith.constant 0 : i32
    %dma_wait3A_495 = tpu.memref_slice %arg9[%dma_wait3A_491, %dma_wait3A_493, %dma_wait3A_494] : memref<8x125x64xbf16, #tpu.memory_space<vmem>> -> memref<1x125x64xbf16, #tpu.memory_space<vmem>>
    %dma_wait3A_496 = tpu.memref_squeeze %dma_wait3A_495 : memref<1x125x64xbf16, #tpu.memory_space<vmem>> -> memref<125x64xbf16, #tpu.memory_space<vmem>>
    %dma_wait3A_497 = arith.constant 0 : i32
    %dma_wait3A_498 = tpu.memref_slice %arg8[%dma_wait3A_492, %dma_wait3A_497] : memref<160x125xi32, #tpu.memory_space<vmem>> -> memref<1x125xi32, #tpu.memory_space<vmem>>
    %dma_wait3A_499 = tpu.memref_squeeze %dma_wait3A_498 : memref<1x125xi32, #tpu.memory_space<vmem>> -> memref<125xi32, #tpu.memory_space<vmem>>
    %dma_wait3A_500 = arith.constant 0 : i32
    %dma_wait3A_501 = arith.constant 0 : i32
    %dma_wait3A_502 = tpu.memref_slice %arg10[%dma_wait3A_500, %dma_wait3A_501] : memref<10000x64xbf16, #tpu.memory_space<vmem_shared>> -> memref<10000x64xbf16, #tpu.memory_space<vmem_shared>>
    tpu.wait_indirect_dma semaphore(%arg12 : memref<!tpu.dma_semaphore, #tpu.memory_space<semaphore_mem>>) src(%dma_wait3A_496 : memref<125x64xbf16, #tpu.memory_space<vmem>>) dst(%dma_wait3A_502 : memref<10000x64xbf16, #tpu.memory_space<vmem_shared>>)
    %dma_start3A_503 = arith.constant 13 : i32
    %dma_start3A_504 = arith.constant 5 : i32
    %dma_start3A_505 = arith.constant 0 : i32
    %dma_start3A_506 = arith.constant 0 : i32
    %dma_start3A_507 = tpu.memref_slice %arg9[%dma_start3A_504, %dma_start3A_505, %dma_start3A_506] : memref<8x125x64xbf16, #tpu.memory_space<vmem>> -> memref<1x125x64xbf16, #tpu.memory_space<vmem>>
    %dma_start3A_508 = tpu.memref_squeeze %dma_start3A_507 : memref<1x125x64xbf16, #tpu.memory_space<vmem>> -> memref<125x64xbf16, #tpu.memory_space<vmem>>
    %dma_start3A_509 = arith.constant 0 : i32
    %dma_start3A_510 = tpu.memref_slice %arg7[%dma_start3A_503, %dma_start3A_509] : memref<160x125xi32, #tpu.memory_space<vmem>> -> memref<1x125xi32, #tpu.memory_space<vmem>>
    %dma_start3A_511 = tpu.memref_squeeze %dma_start3A_510 : memref<1x125xi32, #tpu.memory_space<vmem>> -> memref<125xi32, #tpu.memory_space<vmem>>
    %dma_start3A_512 = arith.constant 0 : i32
    %dma_start3A_513 = arith.constant 0 : i32
    %dma_start3A_514 = tpu.memref_slice %arg2[%arg0, %dma_start3A_512, %dma_start3A_513] : memref<2x10000x64xbf16, #tpu.memory_space<hbm>> -> memref<1x10000x64xbf16, #tpu.memory_space<hbm>>
    %dma_start3A_515 = tpu.memref_squeeze %dma_start3A_514 : memref<1x10000x64xbf16, #tpu.memory_space<hbm>> -> memref<10000x64xbf16, #tpu.memory_space<hbm>>
    %dma_start3A_516 = arith.constant 0 : i32
    %dma_start3A_517 = arith.constant 0 : i32
    %dma_start3A_518 = tpu.memref_slice %dma_start3A_515[%dma_start3A_516, %dma_start3A_517] : memref<10000x64xbf16, #tpu.memory_space<hbm>> -> memref<10000x64xbf16, #tpu.memory_space<hbm>>
    tpu.enqueue_indirect_dma source(%dma_start3A_518 : memref<10000x64xbf16, #tpu.memory_space<hbm>>) target(%dma_start3A_508 : memref<125x64xbf16, #tpu.memory_space<vmem>>) offsets(%dma_start3A_511 : memref<125xi32, #tpu.memory_space<vmem>>) semaphore(%arg11 : memref<!tpu.dma_semaphore, #tpu.memory_space<semaphore_mem>>)
    %scan3A = arith.constant 0 : i32
    %scan3A_519 = arith.constant 1 : i32
    %scan3A_520 = arith.constant 18 : i32
    %scan3A_521 = arith.addi %scan3A_519, %scan3A_520 : i32
    %scan3A_522 = arith.constant 1 : i32
    scf.for %scan3A_955 = %scan3A_519 to %scan3A_521 step %scan3A_522  : i32 {
      %mul3A_956 = arith.constant 8 : i32
      %mul3A_957 = arith.muli %scan3A_955, %mul3A_956 : i32
      %add3A_958 = arith.constant 0 : i32
      %add3A_959 = arith.addi %mul3A_957, %add3A_958 : i32
      %dma_wait3A_960 = arith.constant 0 : i32
      %dma_wait3A_961 = arith.constant 0 : i32
      %dma_wait3A_962 = arith.constant 0 : i32
      %dma_wait3A_963 = arith.constant 0 : i32
      %dma_wait3A_964 = tpu.memref_slice %arg9[%dma_wait3A_961, %dma_wait3A_962, %dma_wait3A_963] : memref<8x125x64xbf16, #tpu.memory_space<vmem>> -> memref<1x125x64xbf16, #tpu.memory_space<vmem>>
      %dma_wait3A_965 = tpu.memref_squeeze %dma_wait3A_964 : memref<1x125x64xbf16, #tpu.memory_space<vmem>> -> memref<125x64xbf16, #tpu.memory_space<vmem>>
      %dma_wait3A_966 = arith.constant 0 : i32
      %dma_wait3A_967 = tpu.memref_slice %arg7[%dma_wait3A_960, %dma_wait3A_966] : memref<160x125xi32, #tpu.memory_space<vmem>> -> memref<1x125xi32, #tpu.memory_space<vmem>>
      %dma_wait3A_968 = tpu.memref_squeeze %dma_wait3A_967 : memref<1x125xi32, #tpu.memory_space<vmem>> -> memref<125xi32, #tpu.memory_space<vmem>>
      %dma_wait3A_969 = arith.constant 0 : i32
      %dma_wait3A_970 = arith.constant 0 : i32
      %dma_wait3A_971 = tpu.memref_slice %arg2[%arg0, %dma_wait3A_969, %dma_wait3A_970] : memref<2x10000x64xbf16, #tpu.memory_space<hbm>> -> memref<1x10000x64xbf16, #tpu.memory_space<hbm>>
      %dma_wait3A_972 = tpu.memref_squeeze %dma_wait3A_971 : memref<1x10000x64xbf16, #tpu.memory_space<hbm>> -> memref<10000x64xbf16, #tpu.memory_space<hbm>>
      %dma_wait3A_973 = arith.constant 0 : i32
      %dma_wait3A_974 = arith.constant 0 : i32
      %dma_wait3A_975 = tpu.memref_slice %dma_wait3A_972[%dma_wait3A_973, %dma_wait3A_974] : memref<10000x64xbf16, #tpu.memory_space<hbm>> -> memref<10000x64xbf16, #tpu.memory_space<hbm>>
      tpu.wait_indirect_dma semaphore(%arg11 : memref<!tpu.dma_semaphore, #tpu.memory_space<semaphore_mem>>) src(%dma_wait3A_975 : memref<10000x64xbf16, #tpu.memory_space<hbm>>) dst(%dma_wait3A_965 : memref<125x64xbf16, #tpu.memory_space<vmem>>)
      %dma_start3A_976 = arith.constant 0 : i32
      %dma_start3A_977 = arith.constant 0 : i32
      %dma_start3A_978 = arith.constant 0 : i32
      %dma_start3A_979 = tpu.memref_slice %arg9[%dma_start3A_976, %dma_start3A_977, %dma_start3A_978] : memref<8x125x64xbf16, #tpu.memory_space<vmem>> -> memref<1x125x64xbf16, #tpu.memory_space<vmem>>
      %dma_start3A_980 = tpu.memref_squeeze %dma_start3A_979 : memref<1x125x64xbf16, #tpu.memory_space<vmem>> -> memref<125x64xbf16, #tpu.memory_space<vmem>>
      %dma_start3A_981 = arith.constant 0 : i32
      %dma_start3A_982 = tpu.memref_slice %arg8[%add3A_959, %dma_start3A_981] : memref<160x125xi32, #tpu.memory_space<vmem>> -> memref<1x125xi32, #tpu.memory_space<vmem>>
      %dma_start3A_983 = tpu.memref_squeeze %dma_start3A_982 : memref<1x125xi32, #tpu.memory_space<vmem>> -> memref<125xi32, #tpu.memory_space<vmem>>
      %dma_start3A_984 = arith.constant 0 : i32
      %dma_start3A_985 = arith.constant 0 : i32
      %dma_start3A_986 = tpu.memref_slice %arg10[%dma_start3A_984, %dma_start3A_985] : memref<10000x64xbf16, #tpu.memory_space<vmem_shared>> -> memref<10000x64xbf16, #tpu.memory_space<vmem_shared>>
      tpu.enqueue_indirect_dma source(%dma_start3A_980 : memref<125x64xbf16, #tpu.memory_space<vmem>>) target(%dma_start3A_986 : memref<10000x64xbf16, #tpu.memory_space<vmem_shared>>) offsets(%dma_start3A_983 : memref<125xi32, #tpu.memory_space<vmem>>) semaphore(%arg12 : memref<!tpu.dma_semaphore, #tpu.memory_space<semaphore_mem>>) {add = true}
      %dma_wait3A_987 = arith.constant 0 : i32
      %dma_wait3A_988 = arith.constant 0 : i32
      %dma_wait3A_989 = arith.constant 0 : i32
      %dma_wait3A_990 = arith.constant 0 : i32
      %dma_wait3A_991 = tpu.memref_slice %arg9[%dma_wait3A_987, %dma_wait3A_989, %dma_wait3A_990] : memref<8x125x64xbf16, #tpu.memory_space<vmem>> -> memref<1x125x64xbf16, #tpu.memory_space<vmem>>
      %dma_wait3A_992 = tpu.memref_squeeze %dma_wait3A_991 : memref<1x125x64xbf16, #tpu.memory_space<vmem>> -> memref<125x64xbf16, #tpu.memory_space<vmem>>
      %dma_wait3A_993 = arith.constant 0 : i32
      %dma_wait3A_994 = tpu.memref_slice %arg8[%dma_wait3A_988, %dma_wait3A_993] : memref<160x125xi32, #tpu.memory_space<vmem>> -> memref<1x125xi32, #tpu.memory_space<vmem>>
      %dma_wait3A_995 = tpu.memref_squeeze %dma_wait3A_994 : memref<1x125xi32, #tpu.memory_space<vmem>> -> memref<125xi32, #tpu.memory_space<vmem>>
      %dma_wait3A_996 = arith.constant 0 : i32
      %dma_wait3A_997 = arith.constant 0 : i32
      %dma_wait3A_998 = tpu.memref_slice %arg10[%dma_wait3A_996, %dma_wait3A_997] : memref<10000x64xbf16, #tpu.memory_space<vmem_shared>> -> memref<10000x64xbf16, #tpu.memory_space<vmem_shared>>
      tpu.wait_indirect_dma semaphore(%arg12 : memref<!tpu.dma_semaphore, #tpu.memory_space<semaphore_mem>>) src(%dma_wait3A_992 : memref<125x64xbf16, #tpu.memory_space<vmem>>) dst(%dma_wait3A_998 : memref<10000x64xbf16, #tpu.memory_space<vmem_shared>>)
      %add3A_999 = arith.constant 6 : i32
      %add3A_1000 = arith.addi %add3A_959, %add3A_999 : i32
      %dma_start3A_1001 = arith.constant 6 : i32
      %dma_start3A_1002 = arith.constant 0 : i32
      %dma_start3A_1003 = arith.constant 0 : i32
      %dma_start3A_1004 = tpu.memref_slice %arg9[%dma_start3A_1001, %dma_start3A_1002, %dma_start3A_1003] : memref<8x125x64xbf16, #tpu.memory_space<vmem>> -> memref<1x125x64xbf16, #tpu.memory_space<vmem>>
      %dma_start3A_1005 = tpu.memref_squeeze %dma_start3A_1004 : memref<1x125x64xbf16, #tpu.memory_space<vmem>> -> memref<125x64xbf16, #tpu.memory_space<vmem>>
      %dma_start3A_1006 = arith.constant 0 : i32
      %dma_start3A_1007 = tpu.memref_slice %arg7[%add3A_1000, %dma_start3A_1006] : memref<160x125xi32, #tpu.memory_space<vmem>> -> memref<1x125xi32, #tpu.memory_space<vmem>>
      %dma_start3A_1008 = tpu.memref_squeeze %dma_start3A_1007 : memref<1x125xi32, #tpu.memory_space<vmem>> -> memref<125xi32, #tpu.memory_space<vmem>>
      %dma_start3A_1009 = arith.constant 0 : i32
      %dma_start3A_1010 = arith.constant 0 : i32
      %dma_start3A_1011 = tpu.memref_slice %arg2[%arg0, %dma_start3A_1009, %dma_start3A_1010] : memref<2x10000x64xbf16, #tpu.memory_space<hbm>> -> memref<1x10000x64xbf16, #tpu.memory_space<hbm>>
      %dma_start3A_1012 = tpu.memref_squeeze %dma_start3A_1011 : memref<1x10000x64xbf16, #tpu.memory_space<hbm>> -> memref<10000x64xbf16, #tpu.memory_space<hbm>>
      %dma_start3A_1013 = arith.constant 0 : i32
      %dma_start3A_1014 = arith.constant 0 : i32
      %dma_start3A_1015 = tpu.memref_slice %dma_start3A_1012[%dma_start3A_1013, %dma_start3A_1014] : memref<10000x64xbf16, #tpu.memory_space<hbm>> -> memref<10000x64xbf16, #tpu.memory_space<hbm>>
      tpu.enqueue_indirect_dma source(%dma_start3A_1015 : memref<10000x64xbf16, #tpu.memory_space<hbm>>) target(%dma_start3A_1005 : memref<125x64xbf16, #tpu.memory_space<vmem>>) offsets(%dma_start3A_1008 : memref<125xi32, #tpu.memory_space<vmem>>) semaphore(%arg11 : memref<!tpu.dma_semaphore, #tpu.memory_space<semaphore_mem>>)
      %add3A_1016 = arith.constant 1 : i32
      %add3A_1017 = arith.addi %mul3A_957, %add3A_1016 : i32
      %dma_wait3A_1018 = arith.constant 0 : i32
      %dma_wait3A_1019 = arith.constant 1 : i32
      %dma_wait3A_1020 = arith.constant 0 : i32
      %dma_wait3A_1021 = arith.constant 0 : i32
      %dma_wait3A_1022 = tpu.memref_slice %arg9[%dma_wait3A_1019, %dma_wait3A_1020, %dma_wait3A_1021] : memref<8x125x64xbf16, #tpu.memory_space<vmem>> -> memref<1x125x64xbf16, #tpu.memory_space<vmem>>
      %dma_wait3A_1023 = tpu.memref_squeeze %dma_wait3A_1022 : memref<1x125x64xbf16, #tpu.memory_space<vmem>> -> memref<125x64xbf16, #tpu.memory_space<vmem>>
      %dma_wait3A_1024 = arith.constant 0 : i32
      %dma_wait3A_1025 = tpu.memref_slice %arg7[%dma_wait3A_1018, %dma_wait3A_1024] : memref<160x125xi32, #tpu.memory_space<vmem>> -> memref<1x125xi32, #tpu.memory_space<vmem>>
      %dma_wait3A_1026 = tpu.memref_squeeze %dma_wait3A_1025 : memref<1x125xi32, #tpu.memory_space<vmem>> -> memref<125xi32, #tpu.memory_space<vmem>>
      %dma_wait3A_1027 = arith.constant 0 : i32
      %dma_wait3A_1028 = arith.constant 0 : i32
      %dma_wait3A_1029 = tpu.memref_slice %arg2[%arg0, %dma_wait3A_1027, %dma_wait3A_1028] : memref<2x10000x64xbf16, #tpu.memory_space<hbm>> -> memref<1x10000x64xbf16, #tpu.memory_space<hbm>>
      %dma_wait3A_1030 = tpu.memref_squeeze %dma_wait3A_1029 : memref<1x10000x64xbf16, #tpu.memory_space<hbm>> -> memref<10000x64xbf16, #tpu.memory_space<hbm>>
      %dma_wait3A_1031 = arith.constant 0 : i32
      %dma_wait3A_1032 = arith.constant 0 : i32
      %dma_wait3A_1033 = tpu.memref_slice %dma_wait3A_1030[%dma_wait3A_1031, %dma_wait3A_1032] : memref<10000x64xbf16, #tpu.memory_space<hbm>> -> memref<10000x64xbf16, #tpu.memory_space<hbm>>
      tpu.wait_indirect_dma semaphore(%arg11 : memref<!tpu.dma_semaphore, #tpu.memory_space<semaphore_mem>>) src(%dma_wait3A_1033 : memref<10000x64xbf16, #tpu.memory_space<hbm>>) dst(%dma_wait3A_1023 : memref<125x64xbf16, #tpu.memory_space<vmem>>)
      %dma_start3A_1034 = arith.constant 1 : i32
      %dma_start3A_1035 = arith.constant 0 : i32
      %dma_start3A_1036 = arith.constant 0 : i32
      %dma_start3A_1037 = tpu.memref_slice %arg9[%dma_start3A_1034, %dma_start3A_1035, %dma_start3A_1036] : memref<8x125x64xbf16, #tpu.memory_space<vmem>> -> memref<1x125x64xbf16, #tpu.memory_space<vmem>>
      %dma_start3A_1038 = tpu.memref_squeeze %dma_start3A_1037 : memref<1x125x64xbf16, #tpu.memory_space<vmem>> -> memref<125x64xbf16, #tpu.memory_space<vmem>>
      %dma_start3A_1039 = arith.constant 0 : i32
      %dma_start3A_1040 = tpu.memref_slice %arg8[%add3A_1017, %dma_start3A_1039] : memref<160x125xi32, #tpu.memory_space<vmem>> -> memref<1x125xi32, #tpu.memory_space<vmem>>
      %dma_start3A_1041 = tpu.memref_squeeze %dma_start3A_1040 : memref<1x125xi32, #tpu.memory_space<vmem>> -> memref<125xi32, #tpu.memory_space<vmem>>
      %dma_start3A_1042 = arith.constant 0 : i32
      %dma_start3A_1043 = arith.constant 0 : i32
      %dma_start3A_1044 = tpu.memref_slice %arg10[%dma_start3A_1042, %dma_start3A_1043] : memref<10000x64xbf16, #tpu.memory_space<vmem_shared>> -> memref<10000x64xbf16, #tpu.memory_space<vmem_shared>>
      tpu.enqueue_indirect_dma source(%dma_start3A_1038 : memref<125x64xbf16, #tpu.memory_space<vmem>>) target(%dma_start3A_1044 : memref<10000x64xbf16, #tpu.memory_space<vmem_shared>>) offsets(%dma_start3A_1041 : memref<125xi32, #tpu.memory_space<vmem>>) semaphore(%arg12 : memref<!tpu.dma_semaphore, #tpu.memory_space<semaphore_mem>>) {add = true}
      %dma_wait3A_1045 = arith.constant 0 : i32
      %dma_wait3A_1046 = arith.constant 0 : i32
      %dma_wait3A_1047 = arith.constant 0 : i32
      %dma_wait3A_1048 = arith.constant 0 : i32
      %dma_wait3A_1049 = tpu.memref_slice %arg9[%dma_wait3A_1045, %dma_wait3A_1047, %dma_wait3A_1048] : memref<8x125x64xbf16, #tpu.memory_space<vmem>> -> memref<1x125x64xbf16, #tpu.memory_space<vmem>>
      %dma_wait3A_1050 = tpu.memref_squeeze %dma_wait3A_1049 : memref<1x125x64xbf16, #tpu.memory_space<vmem>> -> memref<125x64xbf16, #tpu.memory_space<vmem>>
      %dma_wait3A_1051 = arith.constant 0 : i32
      %dma_wait3A_1052 = tpu.memref_slice %arg8[%dma_wait3A_1046, %dma_wait3A_1051] : memref<160x125xi32, #tpu.memory_space<vmem>> -> memref<1x125xi32, #tpu.memory_space<vmem>>
      %dma_wait3A_1053 = tpu.memref_squeeze %dma_wait3A_1052 : memref<1x125xi32, #tpu.memory_space<vmem>> -> memref<125xi32, #tpu.memory_space<vmem>>
      %dma_wait3A_1054 = arith.constant 0 : i32
      %dma_wait3A_1055 = arith.constant 0 : i32
      %dma_wait3A_1056 = tpu.memref_slice %arg10[%dma_wait3A_1054, %dma_wait3A_1055] : memref<10000x64xbf16, #tpu.memory_space<vmem_shared>> -> memref<10000x64xbf16, #tpu.memory_space<vmem_shared>>
      tpu.wait_indirect_dma semaphore(%arg12 : memref<!tpu.dma_semaphore, #tpu.memory_space<semaphore_mem>>) src(%dma_wait3A_1050 : memref<125x64xbf16, #tpu.memory_space<vmem>>) dst(%dma_wait3A_1056 : memref<10000x64xbf16, #tpu.memory_space<vmem_shared>>)
      %add3A_1057 = arith.constant 6 : i32
      %add3A_1058 = arith.addi %add3A_1017, %add3A_1057 : i32
      %dma_start3A_1059 = arith.constant 7 : i32
      %dma_start3A_1060 = arith.constant 0 : i32
      %dma_start3A_1061 = arith.constant 0 : i32
      %dma_start3A_1062 = tpu.memref_slice %arg9[%dma_start3A_1059, %dma_start3A_1060, %dma_start3A_1061] : memref<8x125x64xbf16, #tpu.memory_space<vmem>> -> memref<1x125x64xbf16, #tpu.memory_space<vmem>>
      %dma_start3A_1063 = tpu.memref_squeeze %dma_start3A_1062 : memref<1x125x64xbf16, #tpu.memory_space<vmem>> -> memref<125x64xbf16, #tpu.memory_space<vmem>>
      %dma_start3A_1064 = arith.constant 0 : i32
      %dma_start3A_1065 = tpu.memref_slice %arg7[%add3A_1058, %dma_start3A_1064] : memref<160x125xi32, #tpu.memory_space<vmem>> -> memref<1x125xi32, #tpu.memory_space<vmem>>
      %dma_start3A_1066 = tpu.memref_squeeze %dma_start3A_1065 : memref<1x125xi32, #tpu.memory_space<vmem>> -> memref<125xi32, #tpu.memory_space<vmem>>
      %dma_start3A_1067 = arith.constant 0 : i32
      %dma_start3A_1068 = arith.constant 0 : i32
      %dma_start3A_1069 = tpu.memref_slice %arg2[%arg0, %dma_start3A_1067, %dma_start3A_1068] : memref<2x10000x64xbf16, #tpu.memory_space<hbm>> -> memref<1x10000x64xbf16, #tpu.memory_space<hbm>>
      %dma_start3A_1070 = tpu.memref_squeeze %dma_start3A_1069 : memref<1x10000x64xbf16, #tpu.memory_space<hbm>> -> memref<10000x64xbf16, #tpu.memory_space<hbm>>
      %dma_start3A_1071 = arith.constant 0 : i32
      %dma_start3A_1072 = arith.constant 0 : i32
      %dma_start3A_1073 = tpu.memref_slice %dma_start3A_1070[%dma_start3A_1071, %dma_start3A_1072] : memref<10000x64xbf16, #tpu.memory_space<hbm>> -> memref<10000x64xbf16, #tpu.memory_space<hbm>>
      tpu.enqueue_indirect_dma source(%dma_start3A_1073 : memref<10000x64xbf16, #tpu.memory_space<hbm>>) target(%dma_start3A_1063 : memref<125x64xbf16, #tpu.memory_space<vmem>>) offsets(%dma_start3A_1066 : memref<125xi32, #tpu.memory_space<vmem>>) semaphore(%arg11 : memref<!tpu.dma_semaphore, #tpu.memory_space<semaphore_mem>>)
      %add3A_1074 = arith.constant 2 : i32
      %add3A_1075 = arith.addi %mul3A_957, %add3A_1074 : i32
      %dma_wait3A_1076 = arith.constant 0 : i32
      %dma_wait3A_1077 = arith.constant 2 : i32
      %dma_wait3A_1078 = arith.constant 0 : i32
      %dma_wait3A_1079 = arith.constant 0 : i32
      %dma_wait3A_1080 = tpu.memref_slice %arg9[%dma_wait3A_1077, %dma_wait3A_1078, %dma_wait3A_1079] : memref<8x125x64xbf16, #tpu.memory_space<vmem>> -> memref<1x125x64xbf16, #tpu.memory_space<vmem>>
      %dma_wait3A_1081 = tpu.memref_squeeze %dma_wait3A_1080 : memref<1x125x64xbf16, #tpu.memory_space<vmem>> -> memref<125x64xbf16, #tpu.memory_space<vmem>>
      %dma_wait3A_1082 = arith.constant 0 : i32
      %dma_wait3A_1083 = tpu.memref_slice %arg7[%dma_wait3A_1076, %dma_wait3A_1082] : memref<160x125xi32, #tpu.memory_space<vmem>> -> memref<1x125xi32, #tpu.memory_space<vmem>>
      %dma_wait3A_1084 = tpu.memref_squeeze %dma_wait3A_1083 : memref<1x125xi32, #tpu.memory_space<vmem>> -> memref<125xi32, #tpu.memory_space<vmem>>
      %dma_wait3A_1085 = arith.constant 0 : i32
      %dma_wait3A_1086 = arith.constant 0 : i32
      %dma_wait3A_1087 = tpu.memref_slice %arg2[%arg0, %dma_wait3A_1085, %dma_wait3A_1086] : memref<2x10000x64xbf16, #tpu.memory_space<hbm>> -> memref<1x10000x64xbf16, #tpu.memory_space<hbm>>
      %dma_wait3A_1088 = tpu.memref_squeeze %dma_wait3A_1087 : memref<1x10000x64xbf16, #tpu.memory_space<hbm>> -> memref<10000x64xbf16, #tpu.memory_space<hbm>>
      %dma_wait3A_1089 = arith.constant 0 : i32
      %dma_wait3A_1090 = arith.constant 0 : i32
      %dma_wait3A_1091 = tpu.memref_slice %dma_wait3A_1088[%dma_wait3A_1089, %dma_wait3A_1090] : memref<10000x64xbf16, #tpu.memory_space<hbm>> -> memref<10000x64xbf16, #tpu.memory_space<hbm>>
      tpu.wait_indirect_dma semaphore(%arg11 : memref<!tpu.dma_semaphore, #tpu.memory_space<semaphore_mem>>) src(%dma_wait3A_1091 : memref<10000x64xbf16, #tpu.memory_space<hbm>>) dst(%dma_wait3A_1081 : memref<125x64xbf16, #tpu.memory_space<vmem>>)
      %dma_start3A_1092 = arith.constant 2 : i32
      %dma_start3A_1093 = arith.constant 0 : i32
      %dma_start3A_1094 = arith.constant 0 : i32
      %dma_start3A_1095 = tpu.memref_slice %arg9[%dma_start3A_1092, %dma_start3A_1093, %dma_start3A_1094] : memref<8x125x64xbf16, #tpu.memory_space<vmem>> -> memref<1x125x64xbf16, #tpu.memory_space<vmem>>
      %dma_start3A_1096 = tpu.memref_squeeze %dma_start3A_1095 : memref<1x125x64xbf16, #tpu.memory_space<vmem>> -> memref<125x64xbf16, #tpu.memory_space<vmem>>
      %dma_start3A_1097 = arith.constant 0 : i32
      %dma_start3A_1098 = tpu.memref_slice %arg8[%add3A_1075, %dma_start3A_1097] : memref<160x125xi32, #tpu.memory_space<vmem>> -> memref<1x125xi32, #tpu.memory_space<vmem>>
      %dma_start3A_1099 = tpu.memref_squeeze %dma_start3A_1098 : memref<1x125xi32, #tpu.memory_space<vmem>> -> memref<125xi32, #tpu.memory_space<vmem>>
      %dma_start3A_1100 = arith.constant 0 : i32
      %dma_start3A_1101 = arith.constant 0 : i32
      %dma_start3A_1102 = tpu.memref_slice %arg10[%dma_start3A_1100, %dma_start3A_1101] : memref<10000x64xbf16, #tpu.memory_space<vmem_shared>> -> memref<10000x64xbf16, #tpu.memory_space<vmem_shared>>
      tpu.enqueue_indirect_dma source(%dma_start3A_1096 : memref<125x64xbf16, #tpu.memory_space<vmem>>) target(%dma_start3A_1102 : memref<10000x64xbf16, #tpu.memory_space<vmem_shared>>) offsets(%dma_start3A_1099 : memref<125xi32, #tpu.memory_space<vmem>>) semaphore(%arg12 : memref<!tpu.dma_semaphore, #tpu.memory_space<semaphore_mem>>) {add = true}
      %dma_wait3A_1103 = arith.constant 0 : i32
      %dma_wait3A_1104 = arith.constant 0 : i32
      %dma_wait3A_1105 = arith.constant 0 : i32
      %dma_wait3A_1106 = arith.constant 0 : i32
      %dma_wait3A_1107 = tpu.memref_slice %arg9[%dma_wait3A_1103, %dma_wait3A_1105, %dma_wait3A_1106] : memref<8x125x64xbf16, #tpu.memory_space<vmem>> -> memref<1x125x64xbf16, #tpu.memory_space<vmem>>
      %dma_wait3A_1108 = tpu.memref_squeeze %dma_wait3A_1107 : memref<1x125x64xbf16, #tpu.memory_space<vmem>> -> memref<125x64xbf16, #tpu.memory_space<vmem>>
      %dma_wait3A_1109 = arith.constant 0 : i32
      %dma_wait3A_1110 = tpu.memref_slice %arg8[%dma_wait3A_1104, %dma_wait3A_1109] : memref<160x125xi32, #tpu.memory_space<vmem>> -> memref<1x125xi32, #tpu.memory_space<vmem>>
      %dma_wait3A_1111 = tpu.memref_squeeze %dma_wait3A_1110 : memref<1x125xi32, #tpu.memory_space<vmem>> -> memref<125xi32, #tpu.memory_space<vmem>>
      %dma_wait3A_1112 = arith.constant 0 : i32
      %dma_wait3A_1113 = arith.constant 0 : i32
      %dma_wait3A_1114 = tpu.memref_slice %arg10[%dma_wait3A_1112, %dma_wait3A_1113] : memref<10000x64xbf16, #tpu.memory_space<vmem_shared>> -> memref<10000x64xbf16, #tpu.memory_space<vmem_shared>>
      tpu.wait_indirect_dma semaphore(%arg12 : memref<!tpu.dma_semaphore, #tpu.memory_space<semaphore_mem>>) src(%dma_wait3A_1108 : memref<125x64xbf16, #tpu.memory_space<vmem>>) dst(%dma_wait3A_1114 : memref<10000x64xbf16, #tpu.memory_space<vmem_shared>>)
      %add3A_1115 = arith.constant 6 : i32
      %add3A_1116 = arith.addi %add3A_1075, %add3A_1115 : i32
      %dma_start3A_1117 = arith.constant 0 : i32
      %dma_start3A_1118 = arith.constant 0 : i32
      %dma_start3A_1119 = arith.constant 0 : i32
      %dma_start3A_1120 = tpu.memref_slice %arg9[%dma_start3A_1117, %dma_start3A_1118, %dma_start3A_1119] : memref<8x125x64xbf16, #tpu.memory_space<vmem>> -> memref<1x125x64xbf16, #tpu.memory_space<vmem>>
      %dma_start3A_1121 = tpu.memref_squeeze %dma_start3A_1120 : memref<1x125x64xbf16, #tpu.memory_space<vmem>> -> memref<125x64xbf16, #tpu.memory_space<vmem>>
      %dma_start3A_1122 = arith.constant 0 : i32
      %dma_start3A_1123 = tpu.memref_slice %arg7[%add3A_1116, %dma_start3A_1122] : memref<160x125xi32, #tpu.memory_space<vmem>> -> memref<1x125xi32, #tpu.memory_space<vmem>>
      %dma_start3A_1124 = tpu.memref_squeeze %dma_start3A_1123 : memref<1x125xi32, #tpu.memory_space<vmem>> -> memref<125xi32, #tpu.memory_space<vmem>>
      %dma_start3A_1125 = arith.constant 0 : i32
      %dma_start3A_1126 = arith.constant 0 : i32
      %dma_start3A_1127 = tpu.memref_slice %arg2[%arg0, %dma_start3A_1125, %dma_start3A_1126] : memref<2x10000x64xbf16, #tpu.memory_space<hbm>> -> memref<1x10000x64xbf16, #tpu.memory_space<hbm>>
      %dma_start3A_1128 = tpu.memref_squeeze %dma_start3A_1127 : memref<1x10000x64xbf16, #tpu.memory_space<hbm>> -> memref<10000x64xbf16, #tpu.memory_space<hbm>>
      %dma_start3A_1129 = arith.constant 0 : i32
      %dma_start3A_1130 = arith.constant 0 : i32
      %dma_start3A_1131 = tpu.memref_slice %dma_start3A_1128[%dma_start3A_1129, %dma_start3A_1130] : memref<10000x64xbf16, #tpu.memory_space<hbm>> -> memref<10000x64xbf16, #tpu.memory_space<hbm>>
      tpu.enqueue_indirect_dma source(%dma_start3A_1131 : memref<10000x64xbf16, #tpu.memory_space<hbm>>) target(%dma_start3A_1121 : memref<125x64xbf16, #tpu.memory_space<vmem>>) offsets(%dma_start3A_1124 : memref<125xi32, #tpu.memory_space<vmem>>) semaphore(%arg11 : memref<!tpu.dma_semaphore, #tpu.memory_space<semaphore_mem>>)
      %add3A_1132 = arith.constant 3 : i32
      %add3A_1133 = arith.addi %mul3A_957, %add3A_1132 : i32
      %dma_wait3A_1134 = arith.constant 0 : i32
      %dma_wait3A_1135 = arith.constant 3 : i32
      %dma_wait3A_1136 = arith.constant 0 : i32
      %dma_wait3A_1137 = arith.constant 0 : i32
      %dma_wait3A_1138 = tpu.memref_slice %arg9[%dma_wait3A_1135, %dma_wait3A_1136, %dma_wait3A_1137] : memref<8x125x64xbf16, #tpu.memory_space<vmem>> -> memref<1x125x64xbf16, #tpu.memory_space<vmem>>
      %dma_wait3A_1139 = tpu.memref_squeeze %dma_wait3A_1138 : memref<1x125x64xbf16, #tpu.memory_space<vmem>> -> memref<125x64xbf16, #tpu.memory_space<vmem>>
      %dma_wait3A_1140 = arith.constant 0 : i32
      %dma_wait3A_1141 = tpu.memref_slice %arg7[%dma_wait3A_1134, %dma_wait3A_1140] : memref<160x125xi32, #tpu.memory_space<vmem>> -> memref<1x125xi32, #tpu.memory_space<vmem>>
      %dma_wait3A_1142 = tpu.memref_squeeze %dma_wait3A_1141 : memref<1x125xi32, #tpu.memory_space<vmem>> -> memref<125xi32, #tpu.memory_space<vmem>>
      %dma_wait3A_1143 = arith.constant 0 : i32
      %dma_wait3A_1144 = arith.constant 0 : i32
      %dma_wait3A_1145 = tpu.memref_slice %arg2[%arg0, %dma_wait3A_1143, %dma_wait3A_1144] : memref<2x10000x64xbf16, #tpu.memory_space<hbm>> -> memref<1x10000x64xbf16, #tpu.memory_space<hbm>>
      %dma_wait3A_1146 = tpu.memref_squeeze %dma_wait3A_1145 : memref<1x10000x64xbf16, #tpu.memory_space<hbm>> -> memref<10000x64xbf16, #tpu.memory_space<hbm>>
      %dma_wait3A_1147 = arith.constant 0 : i32
      %dma_wait3A_1148 = arith.constant 0 : i32
      %dma_wait3A_1149 = tpu.memref_slice %dma_wait3A_1146[%dma_wait3A_1147, %dma_wait3A_1148] : memref<10000x64xbf16, #tpu.memory_space<hbm>> -> memref<10000x64xbf16, #tpu.memory_space<hbm>>
      tpu.wait_indirect_dma semaphore(%arg11 : memref<!tpu.dma_semaphore, #tpu.memory_space<semaphore_mem>>) src(%dma_wait3A_1149 : memref<10000x64xbf16, #tpu.memory_space<hbm>>) dst(%dma_wait3A_1139 : memref<125x64xbf16, #tpu.memory_space<vmem>>)
      %dma_start3A_1150 = arith.constant 3 : i32
      %dma_start3A_1151 = arith.constant 0 : i32
      %dma_start3A_1152 = arith.constant 0 : i32
      %dma_start3A_1153 = tpu.memref_slice %arg9[%dma_start3A_1150, %dma_start3A_1151, %dma_start3A_1152] : memref<8x125x64xbf16, #tpu.memory_space<vmem>> -> memref<1x125x64xbf16, #tpu.memory_space<vmem>>
      %dma_start3A_1154 = tpu.memref_squeeze %dma_start3A_1153 : memref<1x125x64xbf16, #tpu.memory_space<vmem>> -> memref<125x64xbf16, #tpu.memory_space<vmem>>
      %dma_start3A_1155 = arith.constant 0 : i32
      %dma_start3A_1156 = tpu.memref_slice %arg8[%add3A_1133, %dma_start3A_1155] : memref<160x125xi32, #tpu.memory_space<vmem>> -> memref<1x125xi32, #tpu.memory_space<vmem>>
      %dma_start3A_1157 = tpu.memref_squeeze %dma_start3A_1156 : memref<1x125xi32, #tpu.memory_space<vmem>> -> memref<125xi32, #tpu.memory_space<vmem>>
      %dma_start3A_1158 = arith.constant 0 : i32
      %dma_start3A_1159 = arith.constant 0 : i32
      %dma_start3A_1160 = tpu.memref_slice %arg10[%dma_start3A_1158, %dma_start3A_1159] : memref<10000x64xbf16, #tpu.memory_space<vmem_shared>> -> memref<10000x64xbf16, #tpu.memory_space<vmem_shared>>
      tpu.enqueue_indirect_dma source(%dma_start3A_1154 : memref<125x64xbf16, #tpu.memory_space<vmem>>) target(%dma_start3A_1160 : memref<10000x64xbf16, #tpu.memory_space<vmem_shared>>) offsets(%dma_start3A_1157 : memref<125xi32, #tpu.memory_space<vmem>>) semaphore(%arg12 : memref<!tpu.dma_semaphore, #tpu.memory_space<semaphore_mem>>) {add = true}
      %dma_wait3A_1161 = arith.constant 0 : i32
      %dma_wait3A_1162 = arith.constant 0 : i32
      %dma_wait3A_1163 = arith.constant 0 : i32
      %dma_wait3A_1164 = arith.constant 0 : i32
      %dma_wait3A_1165 = tpu.memref_slice %arg9[%dma_wait3A_1161, %dma_wait3A_1163, %dma_wait3A_1164] : memref<8x125x64xbf16, #tpu.memory_space<vmem>> -> memref<1x125x64xbf16, #tpu.memory_space<vmem>>
      %dma_wait3A_1166 = tpu.memref_squeeze %dma_wait3A_1165 : memref<1x125x64xbf16, #tpu.memory_space<vmem>> -> memref<125x64xbf16, #tpu.memory_space<vmem>>
      %dma_wait3A_1167 = arith.constant 0 : i32
      %dma_wait3A_1168 = tpu.memref_slice %arg8[%dma_wait3A_1162, %dma_wait3A_1167] : memref<160x125xi32, #tpu.memory_space<vmem>> -> memref<1x125xi32, #tpu.memory_space<vmem>>
      %dma_wait3A_1169 = tpu.memref_squeeze %dma_wait3A_1168 : memref<1x125xi32, #tpu.memory_space<vmem>> -> memref<125xi32, #tpu.memory_space<vmem>>
      %dma_wait3A_1170 = arith.constant 0 : i32
      %dma_wait3A_1171 = arith.constant 0 : i32
      %dma_wait3A_1172 = tpu.memref_slice %arg10[%dma_wait3A_1170, %dma_wait3A_1171] : memref<10000x64xbf16, #tpu.memory_space<vmem_shared>> -> memref<10000x64xbf16, #tpu.memory_space<vmem_shared>>
      tpu.wait_indirect_dma semaphore(%arg12 : memref<!tpu.dma_semaphore, #tpu.memory_space<semaphore_mem>>) src(%dma_wait3A_1166 : memref<125x64xbf16, #tpu.memory_space<vmem>>) dst(%dma_wait3A_1172 : memref<10000x64xbf16, #tpu.memory_space<vmem_shared>>)
      %add3A_1173 = arith.constant 6 : i32
      %add3A_1174 = arith.addi %add3A_1133, %add3A_1173 : i32
      %dma_start3A_1175 = arith.constant 1 : i32
      %dma_start3A_1176 = arith.constant 0 : i32
      %dma_start3A_1177 = arith.constant 0 : i32
      %dma_start3A_1178 = tpu.memref_slice %arg9[%dma_start3A_1175, %dma_start3A_1176, %dma_start3A_1177] : memref<8x125x64xbf16, #tpu.memory_space<vmem>> -> memref<1x125x64xbf16, #tpu.memory_space<vmem>>
      %dma_start3A_1179 = tpu.memref_squeeze %dma_start3A_1178 : memref<1x125x64xbf16, #tpu.memory_space<vmem>> -> memref<125x64xbf16, #tpu.memory_space<vmem>>
      %dma_start3A_1180 = arith.constant 0 : i32
      %dma_start3A_1181 = tpu.memref_slice %arg7[%add3A_1174, %dma_start3A_1180] : memref<160x125xi32, #tpu.memory_space<vmem>> -> memref<1x125xi32, #tpu.memory_space<vmem>>
      %dma_start3A_1182 = tpu.memref_squeeze %dma_start3A_1181 : memref<1x125xi32, #tpu.memory_space<vmem>> -> memref<125xi32, #tpu.memory_space<vmem>>
      %dma_start3A_1183 = arith.constant 0 : i32
      %dma_start3A_1184 = arith.constant 0 : i32
      %dma_start3A_1185 = tpu.memref_slice %arg2[%arg0, %dma_start3A_1183, %dma_start3A_1184] : memref<2x10000x64xbf16, #tpu.memory_space<hbm>> -> memref<1x10000x64xbf16, #tpu.memory_space<hbm>>
      %dma_start3A_1186 = tpu.memref_squeeze %dma_start3A_1185 : memref<1x10000x64xbf16, #tpu.memory_space<hbm>> -> memref<10000x64xbf16, #tpu.memory_space<hbm>>
      %dma_start3A_1187 = arith.constant 0 : i32
      %dma_start3A_1188 = arith.constant 0 : i32
      %dma_start3A_1189 = tpu.memref_slice %dma_start3A_1186[%dma_start3A_1187, %dma_start3A_1188] : memref<10000x64xbf16, #tpu.memory_space<hbm>> -> memref<10000x64xbf16, #tpu.memory_space<hbm>>
      tpu.enqueue_indirect_dma source(%dma_start3A_1189 : memref<10000x64xbf16, #tpu.memory_space<hbm>>) target(%dma_start3A_1179 : memref<125x64xbf16, #tpu.memory_space<vmem>>) offsets(%dma_start3A_1182 : memref<125xi32, #tpu.memory_space<vmem>>) semaphore(%arg11 : memref<!tpu.dma_semaphore, #tpu.memory_space<semaphore_mem>>)
      %add3A_1190 = arith.constant 4 : i32
      %add3A_1191 = arith.addi %mul3A_957, %add3A_1190 : i32
      %dma_wait3A_1192 = arith.constant 0 : i32
      %dma_wait3A_1193 = arith.constant 4 : i32
      %dma_wait3A_1194 = arith.constant 0 : i32
      %dma_wait3A_1195 = arith.constant 0 : i32
      %dma_wait3A_1196 = tpu.memref_slice %arg9[%dma_wait3A_1193, %dma_wait3A_1194, %dma_wait3A_1195] : memref<8x125x64xbf16, #tpu.memory_space<vmem>> -> memref<1x125x64xbf16, #tpu.memory_space<vmem>>
      %dma_wait3A_1197 = tpu.memref_squeeze %dma_wait3A_1196 : memref<1x125x64xbf16, #tpu.memory_space<vmem>> -> memref<125x64xbf16, #tpu.memory_space<vmem>>
      %dma_wait3A_1198 = arith.constant 0 : i32
      %dma_wait3A_1199 = tpu.memref_slice %arg7[%dma_wait3A_1192, %dma_wait3A_1198] : memref<160x125xi32, #tpu.memory_space<vmem>> -> memref<1x125xi32, #tpu.memory_space<vmem>>
      %dma_wait3A_1200 = tpu.memref_squeeze %dma_wait3A_1199 : memref<1x125xi32, #tpu.memory_space<vmem>> -> memref<125xi32, #tpu.memory_space<vmem>>
      %dma_wait3A_1201 = arith.constant 0 : i32
      %dma_wait3A_1202 = arith.constant 0 : i32
      %dma_wait3A_1203 = tpu.memref_slice %arg2[%arg0, %dma_wait3A_1201, %dma_wait3A_1202] : memref<2x10000x64xbf16, #tpu.memory_space<hbm>> -> memref<1x10000x64xbf16, #tpu.memory_space<hbm>>
      %dma_wait3A_1204 = tpu.memref_squeeze %dma_wait3A_1203 : memref<1x10000x64xbf16, #tpu.memory_space<hbm>> -> memref<10000x64xbf16, #tpu.memory_space<hbm>>
      %dma_wait3A_1205 = arith.constant 0 : i32
      %dma_wait3A_1206 = arith.constant 0 : i32
      %dma_wait3A_1207 = tpu.memref_slice %dma_wait3A_1204[%dma_wait3A_1205, %dma_wait3A_1206] : memref<10000x64xbf16, #tpu.memory_space<hbm>> -> memref<10000x64xbf16, #tpu.memory_space<hbm>>
      tpu.wait_indirect_dma semaphore(%arg11 : memref<!tpu.dma_semaphore, #tpu.memory_space<semaphore_mem>>) src(%dma_wait3A_1207 : memref<10000x64xbf16, #tpu.memory_space<hbm>>) dst(%dma_wait3A_1197 : memref<125x64xbf16, #tpu.memory_space<vmem>>)
      %dma_start3A_1208 = arith.constant 4 : i32
      %dma_start3A_1209 = arith.constant 0 : i32
      %dma_start3A_1210 = arith.constant 0 : i32
      %dma_start3A_1211 = tpu.memref_slice %arg9[%dma_start3A_1208, %dma_start3A_1209, %dma_start3A_1210] : memref<8x125x64xbf16, #tpu.memory_space<vmem>> -> memref<1x125x64xbf16, #tpu.memory_space<vmem>>
      %dma_start3A_1212 = tpu.memref_squeeze %dma_start3A_1211 : memref<1x125x64xbf16, #tpu.memory_space<vmem>> -> memref<125x64xbf16, #tpu.memory_space<vmem>>
      %dma_start3A_1213 = arith.constant 0 : i32
      %dma_start3A_1214 = tpu.memref_slice %arg8[%add3A_1191, %dma_start3A_1213] : memref<160x125xi32, #tpu.memory_space<vmem>> -> memref<1x125xi32, #tpu.memory_space<vmem>>
      %dma_start3A_1215 = tpu.memref_squeeze %dma_start3A_1214 : memref<1x125xi32, #tpu.memory_space<vmem>> -> memref<125xi32, #tpu.memory_space<vmem>>
      %dma_start3A_1216 = arith.constant 0 : i32
      %dma_start3A_1217 = arith.constant 0 : i32
      %dma_start3A_1218 = tpu.memref_slice %arg10[%dma_start3A_1216, %dma_start3A_1217] : memref<10000x64xbf16, #tpu.memory_space<vmem_shared>> -> memref<10000x64xbf16, #tpu.memory_space<vmem_shared>>
      tpu.enqueue_indirect_dma source(%dma_start3A_1212 : memref<125x64xbf16, #tpu.memory_space<vmem>>) target(%dma_start3A_1218 : memref<10000x64xbf16, #tpu.memory_space<vmem_shared>>) offsets(%dma_start3A_1215 : memref<125xi32, #tpu.memory_space<vmem>>) semaphore(%arg12 : memref<!tpu.dma_semaphore, #tpu.memory_space<semaphore_mem>>) {add = true}
      %dma_wait3A_1219 = arith.constant 0 : i32
      %dma_wait3A_1220 = arith.constant 0 : i32
      %dma_wait3A_1221 = arith.constant 0 : i32
      %dma_wait3A_1222 = arith.constant 0 : i32
      %dma_wait3A_1223 = tpu.memref_slice %arg9[%dma_wait3A_1219, %dma_wait3A_1221, %dma_wait3A_1222] : memref<8x125x64xbf16, #tpu.memory_space<vmem>> -> memref<1x125x64xbf16, #tpu.memory_space<vmem>>
      %dma_wait3A_1224 = tpu.memref_squeeze %dma_wait3A_1223 : memref<1x125x64xbf16, #tpu.memory_space<vmem>> -> memref<125x64xbf16, #tpu.memory_space<vmem>>
      %dma_wait3A_1225 = arith.constant 0 : i32
      %dma_wait3A_1226 = tpu.memref_slice %arg8[%dma_wait3A_1220, %dma_wait3A_1225] : memref<160x125xi32, #tpu.memory_space<vmem>> -> memref<1x125xi32, #tpu.memory_space<vmem>>
      %dma_wait3A_1227 = tpu.memref_squeeze %dma_wait3A_1226 : memref<1x125xi32, #tpu.memory_space<vmem>> -> memref<125xi32, #tpu.memory_space<vmem>>
      %dma_wait3A_1228 = arith.constant 0 : i32
      %dma_wait3A_1229 = arith.constant 0 : i32
      %dma_wait3A_1230 = tpu.memref_slice %arg10[%dma_wait3A_1228, %dma_wait3A_1229] : memref<10000x64xbf16, #tpu.memory_space<vmem_shared>> -> memref<10000x64xbf16, #tpu.memory_space<vmem_shared>>
      tpu.wait_indirect_dma semaphore(%arg12 : memref<!tpu.dma_semaphore, #tpu.memory_space<semaphore_mem>>) src(%dma_wait3A_1224 : memref<125x64xbf16, #tpu.memory_space<vmem>>) dst(%dma_wait3A_1230 : memref<10000x64xbf16, #tpu.memory_space<vmem_shared>>)
      %add3A_1231 = arith.constant 6 : i32
      %add3A_1232 = arith.addi %add3A_1191, %add3A_1231 : i32
      %dma_start3A_1233 = arith.constant 2 : i32
      %dma_start3A_1234 = arith.constant 0 : i32
      %dma_start3A_1235 = arith.constant 0 : i32
      %dma_start3A_1236 = tpu.memref_slice %arg9[%dma_start3A_1233, %dma_start3A_1234, %dma_start3A_1235] : memref<8x125x64xbf16, #tpu.memory_space<vmem>> -> memref<1x125x64xbf16, #tpu.memory_space<vmem>>
      %dma_start3A_1237 = tpu.memref_squeeze %dma_start3A_1236 : memref<1x125x64xbf16, #tpu.memory_space<vmem>> -> memref<125x64xbf16, #tpu.memory_space<vmem>>
      %dma_start3A_1238 = arith.constant 0 : i32
      %dma_start3A_1239 = tpu.memref_slice %arg7[%add3A_1232, %dma_start3A_1238] : memref<160x125xi32, #tpu.memory_space<vmem>> -> memref<1x125xi32, #tpu.memory_space<vmem>>
      %dma_start3A_1240 = tpu.memref_squeeze %dma_start3A_1239 : memref<1x125xi32, #tpu.memory_space<vmem>> -> memref<125xi32, #tpu.memory_space<vmem>>
      %dma_start3A_1241 = arith.constant 0 : i32
      %dma_start3A_1242 = arith.constant 0 : i32
      %dma_start3A_1243 = tpu.memref_slice %arg2[%arg0, %dma_start3A_1241, %dma_start3A_1242] : memref<2x10000x64xbf16, #tpu.memory_space<hbm>> -> memref<1x10000x64xbf16, #tpu.memory_space<hbm>>
      %dma_start3A_1244 = tpu.memref_squeeze %dma_start3A_1243 : memref<1x10000x64xbf16, #tpu.memory_space<hbm>> -> memref<10000x64xbf16, #tpu.memory_space<hbm>>
      %dma_start3A_1245 = arith.constant 0 : i32
      %dma_start3A_1246 = arith.constant 0 : i32
      %dma_start3A_1247 = tpu.memref_slice %dma_start3A_1244[%dma_start3A_1245, %dma_start3A_1246] : memref<10000x64xbf16, #tpu.memory_space<hbm>> -> memref<10000x64xbf16, #tpu.memory_space<hbm>>
      tpu.enqueue_indirect_dma source(%dma_start3A_1247 : memref<10000x64xbf16, #tpu.memory_space<hbm>>) target(%dma_start3A_1237 : memref<125x64xbf16, #tpu.memory_space<vmem>>) offsets(%dma_start3A_1240 : memref<125xi32, #tpu.memory_space<vmem>>) semaphore(%arg11 : memref<!tpu.dma_semaphore, #tpu.memory_space<semaphore_mem>>)
      %add3A_1248 = arith.constant 5 : i32
      %add3A_1249 = arith.addi %mul3A_957, %add3A_1248 : i32
      %dma_wait3A_1250 = arith.constant 0 : i32
      %dma_wait3A_1251 = arith.constant 5 : i32
      %dma_wait3A_1252 = arith.constant 0 : i32
      %dma_wait3A_1253 = arith.constant 0 : i32
      %dma_wait3A_1254 = tpu.memref_slice %arg9[%dma_wait3A_1251, %dma_wait3A_1252, %dma_wait3A_1253] : memref<8x125x64xbf16, #tpu.memory_space<vmem>> -> memref<1x125x64xbf16, #tpu.memory_space<vmem>>
      %dma_wait3A_1255 = tpu.memref_squeeze %dma_wait3A_1254 : memref<1x125x64xbf16, #tpu.memory_space<vmem>> -> memref<125x64xbf16, #tpu.memory_space<vmem>>
      %dma_wait3A_1256 = arith.constant 0 : i32
      %dma_wait3A_1257 = tpu.memref_slice %arg7[%dma_wait3A_1250, %dma_wait3A_1256] : memref<160x125xi32, #tpu.memory_space<vmem>> -> memref<1x125xi32, #tpu.memory_space<vmem>>
      %dma_wait3A_1258 = tpu.memref_squeeze %dma_wait3A_1257 : memref<1x125xi32, #tpu.memory_space<vmem>> -> memref<125xi32, #tpu.memory_space<vmem>>
      %dma_wait3A_1259 = arith.constant 0 : i32
      %dma_wait3A_1260 = arith.constant 0 : i32
      %dma_wait3A_1261 = tpu.memref_slice %arg2[%arg0, %dma_wait3A_1259, %dma_wait3A_1260] : memref<2x10000x64xbf16, #tpu.memory_space<hbm>> -> memref<1x10000x64xbf16, #tpu.memory_space<hbm>>
      %dma_wait3A_1262 = tpu.memref_squeeze %dma_wait3A_1261 : memref<1x10000x64xbf16, #tpu.memory_space<hbm>> -> memref<10000x64xbf16, #tpu.memory_space<hbm>>
      %dma_wait3A_1263 = arith.constant 0 : i32
      %dma_wait3A_1264 = arith.constant 0 : i32
      %dma_wait3A_1265 = tpu.memref_slice %dma_wait3A_1262[%dma_wait3A_1263, %dma_wait3A_1264] : memref<10000x64xbf16, #tpu.memory_space<hbm>> -> memref<10000x64xbf16, #tpu.memory_space<hbm>>
      tpu.wait_indirect_dma semaphore(%arg11 : memref<!tpu.dma_semaphore, #tpu.memory_space<semaphore_mem>>) src(%dma_wait3A_1265 : memref<10000x64xbf16, #tpu.memory_space<hbm>>) dst(%dma_wait3A_1255 : memref<125x64xbf16, #tpu.memory_space<vmem>>)
      %dma_start3A_1266 = arith.constant 5 : i32
      %dma_start3A_1267 = arith.constant 0 : i32
      %dma_start3A_1268 = arith.constant 0 : i32
      %dma_start3A_1269 = tpu.memref_slice %arg9[%dma_start3A_1266, %dma_start3A_1267, %dma_start3A_1268] : memref<8x125x64xbf16, #tpu.memory_space<vmem>> -> memref<1x125x64xbf16, #tpu.memory_space<vmem>>
      %dma_start3A_1270 = tpu.memref_squeeze %dma_start3A_1269 : memref<1x125x64xbf16, #tpu.memory_space<vmem>> -> memref<125x64xbf16, #tpu.memory_space<vmem>>
      %dma_start3A_1271 = arith.constant 0 : i32
      %dma_start3A_1272 = tpu.memref_slice %arg8[%add3A_1249, %dma_start3A_1271] : memref<160x125xi32, #tpu.memory_space<vmem>> -> memref<1x125xi32, #tpu.memory_space<vmem>>
      %dma_start3A_1273 = tpu.memref_squeeze %dma_start3A_1272 : memref<1x125xi32, #tpu.memory_space<vmem>> -> memref<125xi32, #tpu.memory_space<vmem>>
      %dma_start3A_1274 = arith.constant 0 : i32
      %dma_start3A_1275 = arith.constant 0 : i32
      %dma_start3A_1276 = tpu.memref_slice %arg10[%dma_start3A_1274, %dma_start3A_1275] : memref<10000x64xbf16, #tpu.memory_space<vmem_shared>> -> memref<10000x64xbf16, #tpu.memory_space<vmem_shared>>
      tpu.enqueue_indirect_dma source(%dma_start3A_1270 : memref<125x64xbf16, #tpu.memory_space<vmem>>) target(%dma_start3A_1276 : memref<10000x64xbf16, #tpu.memory_space<vmem_shared>>) offsets(%dma_start3A_1273 : memref<125xi32, #tpu.memory_space<vmem>>) semaphore(%arg12 : memref<!tpu.dma_semaphore, #tpu.memory_space<semaphore_mem>>) {add = true}
      %dma_wait3A_1277 = arith.constant 0 : i32
      %dma_wait3A_1278 = arith.constant 0 : i32
      %dma_wait3A_1279 = arith.constant 0 : i32
      %dma_wait3A_1280 = arith.constant 0 : i32
      %dma_wait3A_1281 = tpu.memref_slice %arg9[%dma_wait3A_1277, %dma_wait3A_1279, %dma_wait3A_1280] : memref<8x125x64xbf16, #tpu.memory_space<vmem>> -> memref<1x125x64xbf16, #tpu.memory_space<vmem>>
      %dma_wait3A_1282 = tpu.memref_squeeze %dma_wait3A_1281 : memref<1x125x64xbf16, #tpu.memory_space<vmem>> -> memref<125x64xbf16, #tpu.memory_space<vmem>>
      %dma_wait3A_1283 = arith.constant 0 : i32
      %dma_wait3A_1284 = tpu.memref_slice %arg8[%dma_wait3A_1278, %dma_wait3A_1283] : memref<160x125xi32, #tpu.memory_space<vmem>> -> memref<1x125xi32, #tpu.memory_space<vmem>>
      %dma_wait3A_1285 = tpu.memref_squeeze %dma_wait3A_1284 : memref<1x125xi32, #tpu.memory_space<vmem>> -> memref<125xi32, #tpu.memory_space<vmem>>
      %dma_wait3A_1286 = arith.constant 0 : i32
      %dma_wait3A_1287 = arith.constant 0 : i32
      %dma_wait3A_1288 = tpu.memref_slice %arg10[%dma_wait3A_1286, %dma_wait3A_1287] : memref<10000x64xbf16, #tpu.memory_space<vmem_shared>> -> memref<10000x64xbf16, #tpu.memory_space<vmem_shared>>
      tpu.wait_indirect_dma semaphore(%arg12 : memref<!tpu.dma_semaphore, #tpu.memory_space<semaphore_mem>>) src(%dma_wait3A_1282 : memref<125x64xbf16, #tpu.memory_space<vmem>>) dst(%dma_wait3A_1288 : memref<10000x64xbf16, #tpu.memory_space<vmem_shared>>)
      %add3A_1289 = arith.constant 6 : i32
      %add3A_1290 = arith.addi %add3A_1249, %add3A_1289 : i32
      %dma_start3A_1291 = arith.constant 3 : i32
      %dma_start3A_1292 = arith.constant 0 : i32
      %dma_start3A_1293 = arith.constant 0 : i32
      %dma_start3A_1294 = tpu.memref_slice %arg9[%dma_start3A_1291, %dma_start3A_1292, %dma_start3A_1293] : memref<8x125x64xbf16, #tpu.memory_space<vmem>> -> memref<1x125x64xbf16, #tpu.memory_space<vmem>>
      %dma_start3A_1295 = tpu.memref_squeeze %dma_start3A_1294 : memref<1x125x64xbf16, #tpu.memory_space<vmem>> -> memref<125x64xbf16, #tpu.memory_space<vmem>>
      %dma_start3A_1296 = arith.constant 0 : i32
      %dma_start3A_1297 = tpu.memref_slice %arg7[%add3A_1290, %dma_start3A_1296] : memref<160x125xi32, #tpu.memory_space<vmem>> -> memref<1x125xi32, #tpu.memory_space<vmem>>
      %dma_start3A_1298 = tpu.memref_squeeze %dma_start3A_1297 : memref<1x125xi32, #tpu.memory_space<vmem>> -> memref<125xi32, #tpu.memory_space<vmem>>
      %dma_start3A_1299 = arith.constant 0 : i32
      %dma_start3A_1300 = arith.constant 0 : i32
      %dma_start3A_1301 = tpu.memref_slice %arg2[%arg0, %dma_start3A_1299, %dma_start3A_1300] : memref<2x10000x64xbf16, #tpu.memory_space<hbm>> -> memref<1x10000x64xbf16, #tpu.memory_space<hbm>>
      %dma_start3A_1302 = tpu.memref_squeeze %dma_start3A_1301 : memref<1x10000x64xbf16, #tpu.memory_space<hbm>> -> memref<10000x64xbf16, #tpu.memory_space<hbm>>
      %dma_start3A_1303 = arith.constant 0 : i32
      %dma_start3A_1304 = arith.constant 0 : i32
      %dma_start3A_1305 = tpu.memref_slice %dma_start3A_1302[%dma_start3A_1303, %dma_start3A_1304] : memref<10000x64xbf16, #tpu.memory_space<hbm>> -> memref<10000x64xbf16, #tpu.memory_space<hbm>>
      tpu.enqueue_indirect_dma source(%dma_start3A_1305 : memref<10000x64xbf16, #tpu.memory_space<hbm>>) target(%dma_start3A_1295 : memref<125x64xbf16, #tpu.memory_space<vmem>>) offsets(%dma_start3A_1298 : memref<125xi32, #tpu.memory_space<vmem>>) semaphore(%arg11 : memref<!tpu.dma_semaphore, #tpu.memory_space<semaphore_mem>>)
      %add3A_1306 = arith.constant 6 : i32
      %add3A_1307 = arith.addi %mul3A_957, %add3A_1306 : i32
      %dma_wait3A_1308 = arith.constant 0 : i32
      %dma_wait3A_1309 = arith.constant 6 : i32
      %dma_wait3A_1310 = arith.constant 0 : i32
      %dma_wait3A_1311 = arith.constant 0 : i32
      %dma_wait3A_1312 = tpu.memref_slice %arg9[%dma_wait3A_1309, %dma_wait3A_1310, %dma_wait3A_1311] : memref<8x125x64xbf16, #tpu.memory_space<vmem>> -> memref<1x125x64xbf16, #tpu.memory_space<vmem>>
      %dma_wait3A_1313 = tpu.memref_squeeze %dma_wait3A_1312 : memref<1x125x64xbf16, #tpu.memory_space<vmem>> -> memref<125x64xbf16, #tpu.memory_space<vmem>>
      %dma_wait3A_1314 = arith.constant 0 : i32
      %dma_wait3A_1315 = tpu.memref_slice %arg7[%dma_wait3A_1308, %dma_wait3A_1314] : memref<160x125xi32, #tpu.memory_space<vmem>> -> memref<1x125xi32, #tpu.memory_space<vmem>>
      %dma_wait3A_1316 = tpu.memref_squeeze %dma_wait3A_1315 : memref<1x125xi32, #tpu.memory_space<vmem>> -> memref<125xi32, #tpu.memory_space<vmem>>
      %dma_wait3A_1317 = arith.constant 0 : i32
      %dma_wait3A_1318 = arith.constant 0 : i32
      %dma_wait3A_1319 = tpu.memref_slice %arg2[%arg0, %dma_wait3A_1317, %dma_wait3A_1318] : memref<2x10000x64xbf16, #tpu.memory_space<hbm>> -> memref<1x10000x64xbf16, #tpu.memory_space<hbm>>
      %dma_wait3A_1320 = tpu.memref_squeeze %dma_wait3A_1319 : memref<1x10000x64xbf16, #tpu.memory_space<hbm>> -> memref<10000x64xbf16, #tpu.memory_space<hbm>>
      %dma_wait3A_1321 = arith.constant 0 : i32
      %dma_wait3A_1322 = arith.constant 0 : i32
      %dma_wait3A_1323 = tpu.memref_slice %dma_wait3A_1320[%dma_wait3A_1321, %dma_wait3A_1322] : memref<10000x64xbf16, #tpu.memory_space<hbm>> -> memref<10000x64xbf16, #tpu.memory_space<hbm>>
      tpu.wait_indirect_dma semaphore(%arg11 : memref<!tpu.dma_semaphore, #tpu.memory_space<semaphore_mem>>) src(%dma_wait3A_1323 : memref<10000x64xbf16, #tpu.memory_space<hbm>>) dst(%dma_wait3A_1313 : memref<125x64xbf16, #tpu.memory_space<vmem>>)
      %dma_start3A_1324 = arith.constant 6 : i32
      %dma_start3A_1325 = arith.constant 0 : i32
      %dma_start3A_1326 = arith.constant 0 : i32
      %dma_start3A_1327 = tpu.memref_slice %arg9[%dma_start3A_1324, %dma_start3A_1325, %dma_start3A_1326] : memref<8x125x64xbf16, #tpu.memory_space<vmem>> -> memref<1x125x64xbf16, #tpu.memory_space<vmem>>
      %dma_start3A_1328 = tpu.memref_squeeze %dma_start3A_1327 : memref<1x125x64xbf16, #tpu.memory_space<vmem>> -> memref<125x64xbf16, #tpu.memory_space<vmem>>
      %dma_start3A_1329 = arith.constant 0 : i32
      %dma_start3A_1330 = tpu.memref_slice %arg8[%add3A_1307, %dma_start3A_1329] : memref<160x125xi32, #tpu.memory_space<vmem>> -> memref<1x125xi32, #tpu.memory_space<vmem>>
      %dma_start3A_1331 = tpu.memref_squeeze %dma_start3A_1330 : memref<1x125xi32, #tpu.memory_space<vmem>> -> memref<125xi32, #tpu.memory_space<vmem>>
      %dma_start3A_1332 = arith.constant 0 : i32
      %dma_start3A_1333 = arith.constant 0 : i32
      %dma_start3A_1334 = tpu.memref_slice %arg10[%dma_start3A_1332, %dma_start3A_1333] : memref<10000x64xbf16, #tpu.memory_space<vmem_shared>> -> memref<10000x64xbf16, #tpu.memory_space<vmem_shared>>
      tpu.enqueue_indirect_dma source(%dma_start3A_1328 : memref<125x64xbf16, #tpu.memory_space<vmem>>) target(%dma_start3A_1334 : memref<10000x64xbf16, #tpu.memory_space<vmem_shared>>) offsets(%dma_start3A_1331 : memref<125xi32, #tpu.memory_space<vmem>>) semaphore(%arg12 : memref<!tpu.dma_semaphore, #tpu.memory_space<semaphore_mem>>) {add = true}
      %dma_wait3A_1335 = arith.constant 0 : i32
      %dma_wait3A_1336 = arith.constant 0 : i32
      %dma_wait3A_1337 = arith.constant 0 : i32
      %dma_wait3A_1338 = arith.constant 0 : i32
      %dma_wait3A_1339 = tpu.memref_slice %arg9[%dma_wait3A_1335, %dma_wait3A_1337, %dma_wait3A_1338] : memref<8x125x64xbf16, #tpu.memory_space<vmem>> -> memref<1x125x64xbf16, #tpu.memory_space<vmem>>
      %dma_wait3A_1340 = tpu.memref_squeeze %dma_wait3A_1339 : memref<1x125x64xbf16, #tpu.memory_space<vmem>> -> memref<125x64xbf16, #tpu.memory_space<vmem>>
      %dma_wait3A_1341 = arith.constant 0 : i32
      %dma_wait3A_1342 = tpu.memref_slice %arg8[%dma_wait3A_1336, %dma_wait3A_1341] : memref<160x125xi32, #tpu.memory_space<vmem>> -> memref<1x125xi32, #tpu.memory_space<vmem>>
      %dma_wait3A_1343 = tpu.memref_squeeze %dma_wait3A_1342 : memref<1x125xi32, #tpu.memory_space<vmem>> -> memref<125xi32, #tpu.memory_space<vmem>>
      %dma_wait3A_1344 = arith.constant 0 : i32
      %dma_wait3A_1345 = arith.constant 0 : i32
      %dma_wait3A_1346 = tpu.memref_slice %arg10[%dma_wait3A_1344, %dma_wait3A_1345] : memref<10000x64xbf16, #tpu.memory_space<vmem_shared>> -> memref<10000x64xbf16, #tpu.memory_space<vmem_shared>>
      tpu.wait_indirect_dma semaphore(%arg12 : memref<!tpu.dma_semaphore, #tpu.memory_space<semaphore_mem>>) src(%dma_wait3A_1340 : memref<125x64xbf16, #tpu.memory_space<vmem>>) dst(%dma_wait3A_1346 : memref<10000x64xbf16, #tpu.memory_space<vmem_shared>>)
      %add3A_1347 = arith.constant 6 : i32
      %add3A_1348 = arith.addi %add3A_1307, %add3A_1347 : i32
      %dma_start3A_1349 = arith.constant 4 : i32
      %dma_start3A_1350 = arith.constant 0 : i32
      %dma_start3A_1351 = arith.constant 0 : i32
      %dma_start3A_1352 = tpu.memref_slice %arg9[%dma_start3A_1349, %dma_start3A_1350, %dma_start3A_1351] : memref<8x125x64xbf16, #tpu.memory_space<vmem>> -> memref<1x125x64xbf16, #tpu.memory_space<vmem>>
      %dma_start3A_1353 = tpu.memref_squeeze %dma_start3A_1352 : memref<1x125x64xbf16, #tpu.memory_space<vmem>> -> memref<125x64xbf16, #tpu.memory_space<vmem>>
      %dma_start3A_1354 = arith.constant 0 : i32
      %dma_start3A_1355 = tpu.memref_slice %arg7[%add3A_1348, %dma_start3A_1354] : memref<160x125xi32, #tpu.memory_space<vmem>> -> memref<1x125xi32, #tpu.memory_space<vmem>>
      %dma_start3A_1356 = tpu.memref_squeeze %dma_start3A_1355 : memref<1x125xi32, #tpu.memory_space<vmem>> -> memref<125xi32, #tpu.memory_space<vmem>>
      %dma_start3A_1357 = arith.constant 0 : i32
      %dma_start3A_1358 = arith.constant 0 : i32
      %dma_start3A_1359 = tpu.memref_slice %arg2[%arg0, %dma_start3A_1357, %dma_start3A_1358] : memref<2x10000x64xbf16, #tpu.memory_space<hbm>> -> memref<1x10000x64xbf16, #tpu.memory_space<hbm>>
      %dma_start3A_1360 = tpu.memref_squeeze %dma_start3A_1359 : memref<1x10000x64xbf16, #tpu.memory_space<hbm>> -> memref<10000x64xbf16, #tpu.memory_space<hbm>>
      %dma_start3A_1361 = arith.constant 0 : i32
      %dma_start3A_1362 = arith.constant 0 : i32
      %dma_start3A_1363 = tpu.memref_slice %dma_start3A_1360[%dma_start3A_1361, %dma_start3A_1362] : memref<10000x64xbf16, #tpu.memory_space<hbm>> -> memref<10000x64xbf16, #tpu.memory_space<hbm>>
      tpu.enqueue_indirect_dma source(%dma_start3A_1363 : memref<10000x64xbf16, #tpu.memory_space<hbm>>) target(%dma_start3A_1353 : memref<125x64xbf16, #tpu.memory_space<vmem>>) offsets(%dma_start3A_1356 : memref<125xi32, #tpu.memory_space<vmem>>) semaphore(%arg11 : memref<!tpu.dma_semaphore, #tpu.memory_space<semaphore_mem>>)
      %add3A_1364 = arith.constant 7 : i32
      %add3A_1365 = arith.addi %mul3A_957, %add3A_1364 : i32
      %dma_wait3A_1366 = arith.constant 0 : i32
      %dma_wait3A_1367 = arith.constant 7 : i32
      %dma_wait3A_1368 = arith.constant 0 : i32
      %dma_wait3A_1369 = arith.constant 0 : i32
      %dma_wait3A_1370 = tpu.memref_slice %arg9[%dma_wait3A_1367, %dma_wait3A_1368, %dma_wait3A_1369] : memref<8x125x64xbf16, #tpu.memory_space<vmem>> -> memref<1x125x64xbf16, #tpu.memory_space<vmem>>
      %dma_wait3A_1371 = tpu.memref_squeeze %dma_wait3A_1370 : memref<1x125x64xbf16, #tpu.memory_space<vmem>> -> memref<125x64xbf16, #tpu.memory_space<vmem>>
      %dma_wait3A_1372 = arith.constant 0 : i32
      %dma_wait3A_1373 = tpu.memref_slice %arg7[%dma_wait3A_1366, %dma_wait3A_1372] : memref<160x125xi32, #tpu.memory_space<vmem>> -> memref<1x125xi32, #tpu.memory_space<vmem>>
      %dma_wait3A_1374 = tpu.memref_squeeze %dma_wait3A_1373 : memref<1x125xi32, #tpu.memory_space<vmem>> -> memref<125xi32, #tpu.memory_space<vmem>>
      %dma_wait3A_1375 = arith.constant 0 : i32
      %dma_wait3A_1376 = arith.constant 0 : i32
      %dma_wait3A_1377 = tpu.memref_slice %arg2[%arg0, %dma_wait3A_1375, %dma_wait3A_1376] : memref<2x10000x64xbf16, #tpu.memory_space<hbm>> -> memref<1x10000x64xbf16, #tpu.memory_space<hbm>>
      %dma_wait3A_1378 = tpu.memref_squeeze %dma_wait3A_1377 : memref<1x10000x64xbf16, #tpu.memory_space<hbm>> -> memref<10000x64xbf16, #tpu.memory_space<hbm>>
      %dma_wait3A_1379 = arith.constant 0 : i32
      %dma_wait3A_1380 = arith.constant 0 : i32
      %dma_wait3A_1381 = tpu.memref_slice %dma_wait3A_1378[%dma_wait3A_1379, %dma_wait3A_1380] : memref<10000x64xbf16, #tpu.memory_space<hbm>> -> memref<10000x64xbf16, #tpu.memory_space<hbm>>
      tpu.wait_indirect_dma semaphore(%arg11 : memref<!tpu.dma_semaphore, #tpu.memory_space<semaphore_mem>>) src(%dma_wait3A_1381 : memref<10000x64xbf16, #tpu.memory_space<hbm>>) dst(%dma_wait3A_1371 : memref<125x64xbf16, #tpu.memory_space<vmem>>)
      %dma_start3A_1382 = arith.constant 7 : i32
      %dma_start3A_1383 = arith.constant 0 : i32
      %dma_start3A_1384 = arith.constant 0 : i32
      %dma_start3A_1385 = tpu.memref_slice %arg9[%dma_start3A_1382, %dma_start3A_1383, %dma_start3A_1384] : memref<8x125x64xbf16, #tpu.memory_space<vmem>> -> memref<1x125x64xbf16, #tpu.memory_space<vmem>>
      %dma_start3A_1386 = tpu.memref_squeeze %dma_start3A_1385 : memref<1x125x64xbf16, #tpu.memory_space<vmem>> -> memref<125x64xbf16, #tpu.memory_space<vmem>>
      %dma_start3A_1387 = arith.constant 0 : i32
      %dma_start3A_1388 = tpu.memref_slice %arg8[%add3A_1365, %dma_start3A_1387] : memref<160x125xi32, #tpu.memory_space<vmem>> -> memref<1x125xi32, #tpu.memory_space<vmem>>
      %dma_start3A_1389 = tpu.memref_squeeze %dma_start3A_1388 : memref<1x125xi32, #tpu.memory_space<vmem>> -> memref<125xi32, #tpu.memory_space<vmem>>
      %dma_start3A_1390 = arith.constant 0 : i32
      %dma_start3A_1391 = arith.constant 0 : i32
      %dma_start3A_1392 = tpu.memref_slice %arg10[%dma_start3A_1390, %dma_start3A_1391] : memref<10000x64xbf16, #tpu.memory_space<vmem_shared>> -> memref<10000x64xbf16, #tpu.memory_space<vmem_shared>>
      tpu.enqueue_indirect_dma source(%dma_start3A_1386 : memref<125x64xbf16, #tpu.memory_space<vmem>>) target(%dma_start3A_1392 : memref<10000x64xbf16, #tpu.memory_space<vmem_shared>>) offsets(%dma_start3A_1389 : memref<125xi32, #tpu.memory_space<vmem>>) semaphore(%arg12 : memref<!tpu.dma_semaphore, #tpu.memory_space<semaphore_mem>>) {add = true}
      %dma_wait3A_1393 = arith.constant 0 : i32
      %dma_wait3A_1394 = arith.constant 0 : i32
      %dma_wait3A_1395 = arith.constant 0 : i32
      %dma_wait3A_1396 = arith.constant 0 : i32
      %dma_wait3A_1397 = tpu.memref_slice %arg9[%dma_wait3A_1393, %dma_wait3A_1395, %dma_wait3A_1396] : memref<8x125x64xbf16, #tpu.memory_space<vmem>> -> memref<1x125x64xbf16, #tpu.memory_space<vmem>>
      %dma_wait3A_1398 = tpu.memref_squeeze %dma_wait3A_1397 : memref<1x125x64xbf16, #tpu.memory_space<vmem>> -> memref<125x64xbf16, #tpu.memory_space<vmem>>
      %dma_wait3A_1399 = arith.constant 0 : i32
      %dma_wait3A_1400 = tpu.memref_slice %arg8[%dma_wait3A_1394, %dma_wait3A_1399] : memref<160x125xi32, #tpu.memory_space<vmem>> -> memref<1x125xi32, #tpu.memory_space<vmem>>
      %dma_wait3A_1401 = tpu.memref_squeeze %dma_wait3A_1400 : memref<1x125xi32, #tpu.memory_space<vmem>> -> memref<125xi32, #tpu.memory_space<vmem>>
      %dma_wait3A_1402 = arith.constant 0 : i32
      %dma_wait3A_1403 = arith.constant 0 : i32
      %dma_wait3A_1404 = tpu.memref_slice %arg10[%dma_wait3A_1402, %dma_wait3A_1403] : memref<10000x64xbf16, #tpu.memory_space<vmem_shared>> -> memref<10000x64xbf16, #tpu.memory_space<vmem_shared>>
      tpu.wait_indirect_dma semaphore(%arg12 : memref<!tpu.dma_semaphore, #tpu.memory_space<semaphore_mem>>) src(%dma_wait3A_1398 : memref<125x64xbf16, #tpu.memory_space<vmem>>) dst(%dma_wait3A_1404 : memref<10000x64xbf16, #tpu.memory_space<vmem_shared>>)
      %add3A_1405 = arith.constant 6 : i32
      %add3A_1406 = arith.addi %add3A_1365, %add3A_1405 : i32
      %dma_start3A_1407 = arith.constant 5 : i32
      %dma_start3A_1408 = arith.constant 0 : i32
      %dma_start3A_1409 = arith.constant 0 : i32
      %dma_start3A_1410 = tpu.memref_slice %arg9[%dma_start3A_1407, %dma_start3A_1408, %dma_start3A_1409] : memref<8x125x64xbf16, #tpu.memory_space<vmem>> -> memref<1x125x64xbf16, #tpu.memory_space<vmem>>
      %dma_start3A_1411 = tpu.memref_squeeze %dma_start3A_1410 : memref<1x125x64xbf16, #tpu.memory_space<vmem>> -> memref<125x64xbf16, #tpu.memory_space<vmem>>
      %dma_start3A_1412 = arith.constant 0 : i32
      %dma_start3A_1413 = tpu.memref_slice %arg7[%add3A_1406, %dma_start3A_1412] : memref<160x125xi32, #tpu.memory_space<vmem>> -> memref<1x125xi32, #tpu.memory_space<vmem>>
      %dma_start3A_1414 = tpu.memref_squeeze %dma_start3A_1413 : memref<1x125xi32, #tpu.memory_space<vmem>> -> memref<125xi32, #tpu.memory_space<vmem>>
      %dma_start3A_1415 = arith.constant 0 : i32
      %dma_start3A_1416 = arith.constant 0 : i32
      %dma_start3A_1417 = tpu.memref_slice %arg2[%arg0, %dma_start3A_1415, %dma_start3A_1416] : memref<2x10000x64xbf16, #tpu.memory_space<hbm>> -> memref<1x10000x64xbf16, #tpu.memory_space<hbm>>
      %dma_start3A_1418 = tpu.memref_squeeze %dma_start3A_1417 : memref<1x10000x64xbf16, #tpu.memory_space<hbm>> -> memref<10000x64xbf16, #tpu.memory_space<hbm>>
      %dma_start3A_1419 = arith.constant 0 : i32
      %dma_start3A_1420 = arith.constant 0 : i32
      %dma_start3A_1421 = tpu.memref_slice %dma_start3A_1418[%dma_start3A_1419, %dma_start3A_1420] : memref<10000x64xbf16, #tpu.memory_space<hbm>> -> memref<10000x64xbf16, #tpu.memory_space<hbm>>
      tpu.enqueue_indirect_dma source(%dma_start3A_1421 : memref<10000x64xbf16, #tpu.memory_space<hbm>>) target(%dma_start3A_1411 : memref<125x64xbf16, #tpu.memory_space<vmem>>) offsets(%dma_start3A_1414 : memref<125xi32, #tpu.memory_space<vmem>>) semaphore(%arg11 : memref<!tpu.dma_semaphore, #tpu.memory_space<semaphore_mem>>)
    }
    %scan3A_523 = arith.constant 18 : i32
    %dma_wait3A_524 = arith.constant 0 : i32
    %dma_wait3A_525 = arith.constant 0 : i32
    %dma_wait3A_526 = arith.constant 0 : i32
    %dma_wait3A_527 = arith.constant 0 : i32
    %dma_wait3A_528 = tpu.memref_slice %arg9[%dma_wait3A_525, %dma_wait3A_526, %dma_wait3A_527] : memref<8x125x64xbf16, #tpu.memory_space<vmem>> -> memref<1x125x64xbf16, #tpu.memory_space<vmem>>
    %dma_wait3A_529 = tpu.memref_squeeze %dma_wait3A_528 : memref<1x125x64xbf16, #tpu.memory_space<vmem>> -> memref<125x64xbf16, #tpu.memory_space<vmem>>
    %dma_wait3A_530 = arith.constant 0 : i32
    %dma_wait3A_531 = tpu.memref_slice %arg7[%dma_wait3A_524, %dma_wait3A_530] : memref<160x125xi32, #tpu.memory_space<vmem>> -> memref<1x125xi32, #tpu.memory_space<vmem>>
    %dma_wait3A_532 = tpu.memref_squeeze %dma_wait3A_531 : memref<1x125xi32, #tpu.memory_space<vmem>> -> memref<125xi32, #tpu.memory_space<vmem>>
    %dma_wait3A_533 = arith.constant 0 : i32
    %dma_wait3A_534 = arith.constant 0 : i32
    %dma_wait3A_535 = tpu.memref_slice %arg2[%arg0, %dma_wait3A_533, %dma_wait3A_534] : memref<2x10000x64xbf16, #tpu.memory_space<hbm>> -> memref<1x10000x64xbf16, #tpu.memory_space<hbm>>
    %dma_wait3A_536 = tpu.memref_squeeze %dma_wait3A_535 : memref<1x10000x64xbf16, #tpu.memory_space<hbm>> -> memref<10000x64xbf16, #tpu.memory_space<hbm>>
    %dma_wait3A_537 = arith.constant 0 : i32
    %dma_wait3A_538 = arith.constant 0 : i32
    %dma_wait3A_539 = tpu.memref_slice %dma_wait3A_536[%dma_wait3A_537, %dma_wait3A_538] : memref<10000x64xbf16, #tpu.memory_space<hbm>> -> memref<10000x64xbf16, #tpu.memory_space<hbm>>
    tpu.wait_indirect_dma semaphore(%arg11 : memref<!tpu.dma_semaphore, #tpu.memory_space<semaphore_mem>>) src(%dma_wait3A_539 : memref<10000x64xbf16, #tpu.memory_space<hbm>>) dst(%dma_wait3A_529 : memref<125x64xbf16, #tpu.memory_space<vmem>>)
    %dma_start3A_540 = arith.constant 0 : i32
    %dma_start3A_541 = arith.constant 152 : i32
    %dma_start3A_542 = arith.constant 0 : i32
    %dma_start3A_543 = arith.constant 0 : i32
    %dma_start3A_544 = tpu.memref_slice %arg9[%dma_start3A_540, %dma_start3A_542, %dma_start3A_543] : memref<8x125x64xbf16, #tpu.memory_space<vmem>> -> memref<1x125x64xbf16, #tpu.memory_space<vmem>>
    %dma_start3A_545 = tpu.memref_squeeze %dma_start3A_544 : memref<1x125x64xbf16, #tpu.memory_space<vmem>> -> memref<125x64xbf16, #tpu.memory_space<vmem>>
    %dma_start3A_546 = arith.constant 0 : i32
    %dma_start3A_547 = tpu.memref_slice %arg8[%dma_start3A_541, %dma_start3A_546] : memref<160x125xi32, #tpu.memory_space<vmem>> -> memref<1x125xi32, #tpu.memory_space<vmem>>
    %dma_start3A_548 = tpu.memref_squeeze %dma_start3A_547 : memref<1x125xi32, #tpu.memory_space<vmem>> -> memref<125xi32, #tpu.memory_space<vmem>>
    %dma_start3A_549 = arith.constant 0 : i32
    %dma_start3A_550 = arith.constant 0 : i32
    %dma_start3A_551 = tpu.memref_slice %arg10[%dma_start3A_549, %dma_start3A_550] : memref<10000x64xbf16, #tpu.memory_space<vmem_shared>> -> memref<10000x64xbf16, #tpu.memory_space<vmem_shared>>
    tpu.enqueue_indirect_dma source(%dma_start3A_545 : memref<125x64xbf16, #tpu.memory_space<vmem>>) target(%dma_start3A_551 : memref<10000x64xbf16, #tpu.memory_space<vmem_shared>>) offsets(%dma_start3A_548 : memref<125xi32, #tpu.memory_space<vmem>>) semaphore(%arg12 : memref<!tpu.dma_semaphore, #tpu.memory_space<semaphore_mem>>) {add = true}
    %dma_wait3A_552 = arith.constant 0 : i32
    %dma_wait3A_553 = arith.constant 0 : i32
    %dma_wait3A_554 = arith.constant 0 : i32
    %dma_wait3A_555 = arith.constant 0 : i32
    %dma_wait3A_556 = tpu.memref_slice %arg9[%dma_wait3A_552, %dma_wait3A_554, %dma_wait3A_555] : memref<8x125x64xbf16, #tpu.memory_space<vmem>> -> memref<1x125x64xbf16, #tpu.memory_space<vmem>>
    %dma_wait3A_557 = tpu.memref_squeeze %dma_wait3A_556 : memref<1x125x64xbf16, #tpu.memory_space<vmem>> -> memref<125x64xbf16, #tpu.memory_space<vmem>>
    %dma_wait3A_558 = arith.constant 0 : i32
    %dma_wait3A_559 = tpu.memref_slice %arg8[%dma_wait3A_553, %dma_wait3A_558] : memref<160x125xi32, #tpu.memory_space<vmem>> -> memref<1x125xi32, #tpu.memory_space<vmem>>
    %dma_wait3A_560 = tpu.memref_squeeze %dma_wait3A_559 : memref<1x125xi32, #tpu.memory_space<vmem>> -> memref<125xi32, #tpu.memory_space<vmem>>
    %dma_wait3A_561 = arith.constant 0 : i32
    %dma_wait3A_562 = arith.constant 0 : i32
    %dma_wait3A_563 = tpu.memref_slice %arg10[%dma_wait3A_561, %dma_wait3A_562] : memref<10000x64xbf16, #tpu.memory_space<vmem_shared>> -> memref<10000x64xbf16, #tpu.memory_space<vmem_shared>>
    tpu.wait_indirect_dma semaphore(%arg12 : memref<!tpu.dma_semaphore, #tpu.memory_space<semaphore_mem>>) src(%dma_wait3A_557 : memref<125x64xbf16, #tpu.memory_space<vmem>>) dst(%dma_wait3A_563 : memref<10000x64xbf16, #tpu.memory_space<vmem_shared>>)
    %dma_start3A_564 = arith.constant 158 : i32
    %dma_start3A_565 = arith.constant 6 : i32
    %dma_start3A_566 = arith.constant 0 : i32
    %dma_start3A_567 = arith.constant 0 : i32
    %dma_start3A_568 = tpu.memref_slice %arg9[%dma_start3A_565, %dma_start3A_566, %dma_start3A_567] : memref<8x125x64xbf16, #tpu.memory_space<vmem>> -> memref<1x125x64xbf16, #tpu.memory_space<vmem>>
    %dma_start3A_569 = tpu.memref_squeeze %dma_start3A_568 : memref<1x125x64xbf16, #tpu.memory_space<vmem>> -> memref<125x64xbf16, #tpu.memory_space<vmem>>
    %dma_start3A_570 = arith.constant 0 : i32
    %dma_start3A_571 = tpu.memref_slice %arg7[%dma_start3A_564, %dma_start3A_570] : memref<160x125xi32, #tpu.memory_space<vmem>> -> memref<1x125xi32, #tpu.memory_space<vmem>>
    %dma_start3A_572 = tpu.memref_squeeze %dma_start3A_571 : memref<1x125xi32, #tpu.memory_space<vmem>> -> memref<125xi32, #tpu.memory_space<vmem>>
    %dma_start3A_573 = arith.constant 0 : i32
    %dma_start3A_574 = arith.constant 0 : i32
    %dma_start3A_575 = tpu.memref_slice %arg2[%arg0, %dma_start3A_573, %dma_start3A_574] : memref<2x10000x64xbf16, #tpu.memory_space<hbm>> -> memref<1x10000x64xbf16, #tpu.memory_space<hbm>>
    %dma_start3A_576 = tpu.memref_squeeze %dma_start3A_575 : memref<1x10000x64xbf16, #tpu.memory_space<hbm>> -> memref<10000x64xbf16, #tpu.memory_space<hbm>>
    %dma_start3A_577 = arith.constant 0 : i32
    %dma_start3A_578 = arith.constant 0 : i32
    %dma_start3A_579 = tpu.memref_slice %dma_start3A_576[%dma_start3A_577, %dma_start3A_578] : memref<10000x64xbf16, #tpu.memory_space<hbm>> -> memref<10000x64xbf16, #tpu.memory_space<hbm>>
    tpu.enqueue_indirect_dma source(%dma_start3A_579 : memref<10000x64xbf16, #tpu.memory_space<hbm>>) target(%dma_start3A_569 : memref<125x64xbf16, #tpu.memory_space<vmem>>) offsets(%dma_start3A_572 : memref<125xi32, #tpu.memory_space<vmem>>) semaphore(%arg11 : memref<!tpu.dma_semaphore, #tpu.memory_space<semaphore_mem>>)
    %dma_wait3A_580 = arith.constant 0 : i32
    %dma_wait3A_581 = arith.constant 1 : i32
    %dma_wait3A_582 = arith.constant 0 : i32
    %dma_wait3A_583 = arith.constant 0 : i32
    %dma_wait3A_584 = tpu.memref_slice %arg9[%dma_wait3A_581, %dma_wait3A_582, %dma_wait3A_583] : memref<8x125x64xbf16, #tpu.memory_space<vmem>> -> memref<1x125x64xbf16, #tpu.memory_space<vmem>>
    %dma_wait3A_585 = tpu.memref_squeeze %dma_wait3A_584 : memref<1x125x64xbf16, #tpu.memory_space<vmem>> -> memref<125x64xbf16, #tpu.memory_space<vmem>>
    %dma_wait3A_586 = arith.constant 0 : i32
    %dma_wait3A_587 = tpu.memref_slice %arg7[%dma_wait3A_580, %dma_wait3A_586] : memref<160x125xi32, #tpu.memory_space<vmem>> -> memref<1x125xi32, #tpu.memory_space<vmem>>
    %dma_wait3A_588 = tpu.memref_squeeze %dma_wait3A_587 : memref<1x125xi32, #tpu.memory_space<vmem>> -> memref<125xi32, #tpu.memory_space<vmem>>
    %dma_wait3A_589 = arith.constant 0 : i32
    %dma_wait3A_590 = arith.constant 0 : i32
    %dma_wait3A_591 = tpu.memref_slice %arg2[%arg0, %dma_wait3A_589, %dma_wait3A_590] : memref<2x10000x64xbf16, #tpu.memory_space<hbm>> -> memref<1x10000x64xbf16, #tpu.memory_space<hbm>>
    %dma_wait3A_592 = tpu.memref_squeeze %dma_wait3A_591 : memref<1x10000x64xbf16, #tpu.memory_space<hbm>> -> memref<10000x64xbf16, #tpu.memory_space<hbm>>
    %dma_wait3A_593 = arith.constant 0 : i32
    %dma_wait3A_594 = arith.constant 0 : i32
    %dma_wait3A_595 = tpu.memref_slice %dma_wait3A_592[%dma_wait3A_593, %dma_wait3A_594] : memref<10000x64xbf16, #tpu.memory_space<hbm>> -> memref<10000x64xbf16, #tpu.memory_space<hbm>>
    tpu.wait_indirect_dma semaphore(%arg11 : memref<!tpu.dma_semaphore, #tpu.memory_space<semaphore_mem>>) src(%dma_wait3A_595 : memref<10000x64xbf16, #tpu.memory_space<hbm>>) dst(%dma_wait3A_585 : memref<125x64xbf16, #tpu.memory_space<vmem>>)
    %dma_start3A_596 = arith.constant 1 : i32
    %dma_start3A_597 = arith.constant 153 : i32
    %dma_start3A_598 = arith.constant 0 : i32
    %dma_start3A_599 = arith.constant 0 : i32
    %dma_start3A_600 = tpu.memref_slice %arg9[%dma_start3A_596, %dma_start3A_598, %dma_start3A_599] : memref<8x125x64xbf16, #tpu.memory_space<vmem>> -> memref<1x125x64xbf16, #tpu.memory_space<vmem>>
    %dma_start3A_601 = tpu.memref_squeeze %dma_start3A_600 : memref<1x125x64xbf16, #tpu.memory_space<vmem>> -> memref<125x64xbf16, #tpu.memory_space<vmem>>
    %dma_start3A_602 = arith.constant 0 : i32
    %dma_start3A_603 = tpu.memref_slice %arg8[%dma_start3A_597, %dma_start3A_602] : memref<160x125xi32, #tpu.memory_space<vmem>> -> memref<1x125xi32, #tpu.memory_space<vmem>>
    %dma_start3A_604 = tpu.memref_squeeze %dma_start3A_603 : memref<1x125xi32, #tpu.memory_space<vmem>> -> memref<125xi32, #tpu.memory_space<vmem>>
    %dma_start3A_605 = arith.constant 0 : i32
    %dma_start3A_606 = arith.constant 0 : i32
    %dma_start3A_607 = tpu.memref_slice %arg10[%dma_start3A_605, %dma_start3A_606] : memref<10000x64xbf16, #tpu.memory_space<vmem_shared>> -> memref<10000x64xbf16, #tpu.memory_space<vmem_shared>>
    tpu.enqueue_indirect_dma source(%dma_start3A_601 : memref<125x64xbf16, #tpu.memory_space<vmem>>) target(%dma_start3A_607 : memref<10000x64xbf16, #tpu.memory_space<vmem_shared>>) offsets(%dma_start3A_604 : memref<125xi32, #tpu.memory_space<vmem>>) semaphore(%arg12 : memref<!tpu.dma_semaphore, #tpu.memory_space<semaphore_mem>>) {add = true}
    %dma_wait3A_608 = arith.constant 0 : i32
    %dma_wait3A_609 = arith.constant 0 : i32
    %dma_wait3A_610 = arith.constant 0 : i32
    %dma_wait3A_611 = arith.constant 0 : i32
    %dma_wait3A_612 = tpu.memref_slice %arg9[%dma_wait3A_608, %dma_wait3A_610, %dma_wait3A_611] : memref<8x125x64xbf16, #tpu.memory_space<vmem>> -> memref<1x125x64xbf16, #tpu.memory_space<vmem>>
    %dma_wait3A_613 = tpu.memref_squeeze %dma_wait3A_612 : memref<1x125x64xbf16, #tpu.memory_space<vmem>> -> memref<125x64xbf16, #tpu.memory_space<vmem>>
    %dma_wait3A_614 = arith.constant 0 : i32
    %dma_wait3A_615 = tpu.memref_slice %arg8[%dma_wait3A_609, %dma_wait3A_614] : memref<160x125xi32, #tpu.memory_space<vmem>> -> memref<1x125xi32, #tpu.memory_space<vmem>>
    %dma_wait3A_616 = tpu.memref_squeeze %dma_wait3A_615 : memref<1x125xi32, #tpu.memory_space<vmem>> -> memref<125xi32, #tpu.memory_space<vmem>>
    %dma_wait3A_617 = arith.constant 0 : i32
    %dma_wait3A_618 = arith.constant 0 : i32
    %dma_wait3A_619 = tpu.memref_slice %arg10[%dma_wait3A_617, %dma_wait3A_618] : memref<10000x64xbf16, #tpu.memory_space<vmem_shared>> -> memref<10000x64xbf16, #tpu.memory_space<vmem_shared>>
    tpu.wait_indirect_dma semaphore(%arg12 : memref<!tpu.dma_semaphore, #tpu.memory_space<semaphore_mem>>) src(%dma_wait3A_613 : memref<125x64xbf16, #tpu.memory_space<vmem>>) dst(%dma_wait3A_619 : memref<10000x64xbf16, #tpu.memory_space<vmem_shared>>)
    %dma_start3A_620 = arith.constant 159 : i32
    %dma_start3A_621 = arith.constant 7 : i32
    %dma_start3A_622 = arith.constant 0 : i32
    %dma_start3A_623 = arith.constant 0 : i32
    %dma_start3A_624 = tpu.memref_slice %arg9[%dma_start3A_621, %dma_start3A_622, %dma_start3A_623] : memref<8x125x64xbf16, #tpu.memory_space<vmem>> -> memref<1x125x64xbf16, #tpu.memory_space<vmem>>
    %dma_start3A_625 = tpu.memref_squeeze %dma_start3A_624 : memref<1x125x64xbf16, #tpu.memory_space<vmem>> -> memref<125x64xbf16, #tpu.memory_space<vmem>>
    %dma_start3A_626 = arith.constant 0 : i32
    %dma_start3A_627 = tpu.memref_slice %arg7[%dma_start3A_620, %dma_start3A_626] : memref<160x125xi32, #tpu.memory_space<vmem>> -> memref<1x125xi32, #tpu.memory_space<vmem>>
    %dma_start3A_628 = tpu.memref_squeeze %dma_start3A_627 : memref<1x125xi32, #tpu.memory_space<vmem>> -> memref<125xi32, #tpu.memory_space<vmem>>
    %dma_start3A_629 = arith.constant 0 : i32
    %dma_start3A_630 = arith.constant 0 : i32
    %dma_start3A_631 = tpu.memref_slice %arg2[%arg0, %dma_start3A_629, %dma_start3A_630] : memref<2x10000x64xbf16, #tpu.memory_space<hbm>> -> memref<1x10000x64xbf16, #tpu.memory_space<hbm>>
    %dma_start3A_632 = tpu.memref_squeeze %dma_start3A_631 : memref<1x10000x64xbf16, #tpu.memory_space<hbm>> -> memref<10000x64xbf16, #tpu.memory_space<hbm>>
    %dma_start3A_633 = arith.constant 0 : i32
    %dma_start3A_634 = arith.constant 0 : i32
    %dma_start3A_635 = tpu.memref_slice %dma_start3A_632[%dma_start3A_633, %dma_start3A_634] : memref<10000x64xbf16, #tpu.memory_space<hbm>> -> memref<10000x64xbf16, #tpu.memory_space<hbm>>
    tpu.enqueue_indirect_dma source(%dma_start3A_635 : memref<10000x64xbf16, #tpu.memory_space<hbm>>) target(%dma_start3A_625 : memref<125x64xbf16, #tpu.memory_space<vmem>>) offsets(%dma_start3A_628 : memref<125xi32, #tpu.memory_space<vmem>>) semaphore(%arg11 : memref<!tpu.dma_semaphore, #tpu.memory_space<semaphore_mem>>)
    %dma_wait3A_636 = arith.constant 0 : i32
    %dma_wait3A_637 = arith.constant 2 : i32
    %dma_wait3A_638 = arith.constant 0 : i32
    %dma_wait3A_639 = arith.constant 0 : i32
    %dma_wait3A_640 = tpu.memref_slice %arg9[%dma_wait3A_637, %dma_wait3A_638, %dma_wait3A_639] : memref<8x125x64xbf16, #tpu.memory_space<vmem>> -> memref<1x125x64xbf16, #tpu.memory_space<vmem>>
    %dma_wait3A_641 = tpu.memref_squeeze %dma_wait3A_640 : memref<1x125x64xbf16, #tpu.memory_space<vmem>> -> memref<125x64xbf16, #tpu.memory_space<vmem>>
    %dma_wait3A_642 = arith.constant 0 : i32
    %dma_wait3A_643 = tpu.memref_slice %arg7[%dma_wait3A_636, %dma_wait3A_642] : memref<160x125xi32, #tpu.memory_space<vmem>> -> memref<1x125xi32, #tpu.memory_space<vmem>>
    %dma_wait3A_644 = tpu.memref_squeeze %dma_wait3A_643 : memref<1x125xi32, #tpu.memory_space<vmem>> -> memref<125xi32, #tpu.memory_space<vmem>>
    %dma_wait3A_645 = arith.constant 0 : i32
    %dma_wait3A_646 = arith.constant 0 : i32
    %dma_wait3A_647 = tpu.memref_slice %arg2[%arg0, %dma_wait3A_645, %dma_wait3A_646] : memref<2x10000x64xbf16, #tpu.memory_space<hbm>> -> memref<1x10000x64xbf16, #tpu.memory_space<hbm>>
    %dma_wait3A_648 = tpu.memref_squeeze %dma_wait3A_647 : memref<1x10000x64xbf16, #tpu.memory_space<hbm>> -> memref<10000x64xbf16, #tpu.memory_space<hbm>>
    %dma_wait3A_649 = arith.constant 0 : i32
    %dma_wait3A_650 = arith.constant 0 : i32
    %dma_wait3A_651 = tpu.memref_slice %dma_wait3A_648[%dma_wait3A_649, %dma_wait3A_650] : memref<10000x64xbf16, #tpu.memory_space<hbm>> -> memref<10000x64xbf16, #tpu.memory_space<hbm>>
    tpu.wait_indirect_dma semaphore(%arg11 : memref<!tpu.dma_semaphore, #tpu.memory_space<semaphore_mem>>) src(%dma_wait3A_651 : memref<10000x64xbf16, #tpu.memory_space<hbm>>) dst(%dma_wait3A_641 : memref<125x64xbf16, #tpu.memory_space<vmem>>)
    %dma_start3A_652 = arith.constant 2 : i32
    %dma_start3A_653 = arith.constant 154 : i32
    %dma_start3A_654 = arith.constant 0 : i32
    %dma_start3A_655 = arith.constant 0 : i32
    %dma_start3A_656 = tpu.memref_slice %arg9[%dma_start3A_652, %dma_start3A_654, %dma_start3A_655] : memref<8x125x64xbf16, #tpu.memory_space<vmem>> -> memref<1x125x64xbf16, #tpu.memory_space<vmem>>
    %dma_start3A_657 = tpu.memref_squeeze %dma_start3A_656 : memref<1x125x64xbf16, #tpu.memory_space<vmem>> -> memref<125x64xbf16, #tpu.memory_space<vmem>>
    %dma_start3A_658 = arith.constant 0 : i32
    %dma_start3A_659 = tpu.memref_slice %arg8[%dma_start3A_653, %dma_start3A_658] : memref<160x125xi32, #tpu.memory_space<vmem>> -> memref<1x125xi32, #tpu.memory_space<vmem>>
    %dma_start3A_660 = tpu.memref_squeeze %dma_start3A_659 : memref<1x125xi32, #tpu.memory_space<vmem>> -> memref<125xi32, #tpu.memory_space<vmem>>
    %dma_start3A_661 = arith.constant 0 : i32
    %dma_start3A_662 = arith.constant 0 : i32
    %dma_start3A_663 = tpu.memref_slice %arg10[%dma_start3A_661, %dma_start3A_662] : memref<10000x64xbf16, #tpu.memory_space<vmem_shared>> -> memref<10000x64xbf16, #tpu.memory_space<vmem_shared>>
    tpu.enqueue_indirect_dma source(%dma_start3A_657 : memref<125x64xbf16, #tpu.memory_space<vmem>>) target(%dma_start3A_663 : memref<10000x64xbf16, #tpu.memory_space<vmem_shared>>) offsets(%dma_start3A_660 : memref<125xi32, #tpu.memory_space<vmem>>) semaphore(%arg12 : memref<!tpu.dma_semaphore, #tpu.memory_space<semaphore_mem>>) {add = true}
    %dma_wait3A_664 = arith.constant 0 : i32
    %dma_wait3A_665 = arith.constant 0 : i32
    %dma_wait3A_666 = arith.constant 0 : i32
    %dma_wait3A_667 = arith.constant 0 : i32
    %dma_wait3A_668 = tpu.memref_slice %arg9[%dma_wait3A_664, %dma_wait3A_666, %dma_wait3A_667] : memref<8x125x64xbf16, #tpu.memory_space<vmem>> -> memref<1x125x64xbf16, #tpu.memory_space<vmem>>
    %dma_wait3A_669 = tpu.memref_squeeze %dma_wait3A_668 : memref<1x125x64xbf16, #tpu.memory_space<vmem>> -> memref<125x64xbf16, #tpu.memory_space<vmem>>
    %dma_wait3A_670 = arith.constant 0 : i32
    %dma_wait3A_671 = tpu.memref_slice %arg8[%dma_wait3A_665, %dma_wait3A_670] : memref<160x125xi32, #tpu.memory_space<vmem>> -> memref<1x125xi32, #tpu.memory_space<vmem>>
    %dma_wait3A_672 = tpu.memref_squeeze %dma_wait3A_671 : memref<1x125xi32, #tpu.memory_space<vmem>> -> memref<125xi32, #tpu.memory_space<vmem>>
    %dma_wait3A_673 = arith.constant 0 : i32
    %dma_wait3A_674 = arith.constant 0 : i32
    %dma_wait3A_675 = tpu.memref_slice %arg10[%dma_wait3A_673, %dma_wait3A_674] : memref<10000x64xbf16, #tpu.memory_space<vmem_shared>> -> memref<10000x64xbf16, #tpu.memory_space<vmem_shared>>
    tpu.wait_indirect_dma semaphore(%arg12 : memref<!tpu.dma_semaphore, #tpu.memory_space<semaphore_mem>>) src(%dma_wait3A_669 : memref<125x64xbf16, #tpu.memory_space<vmem>>) dst(%dma_wait3A_675 : memref<10000x64xbf16, #tpu.memory_space<vmem_shared>>)
    %dma_wait3A_676 = arith.constant 0 : i32
    %dma_wait3A_677 = arith.constant 3 : i32
    %dma_wait3A_678 = arith.constant 0 : i32
    %dma_wait3A_679 = arith.constant 0 : i32
    %dma_wait3A_680 = tpu.memref_slice %arg9[%dma_wait3A_677, %dma_wait3A_678, %dma_wait3A_679] : memref<8x125x64xbf16, #tpu.memory_space<vmem>> -> memref<1x125x64xbf16, #tpu.memory_space<vmem>>
    %dma_wait3A_681 = tpu.memref_squeeze %dma_wait3A_680 : memref<1x125x64xbf16, #tpu.memory_space<vmem>> -> memref<125x64xbf16, #tpu.memory_space<vmem>>
    %dma_wait3A_682 = arith.constant 0 : i32
    %dma_wait3A_683 = tpu.memref_slice %arg7[%dma_wait3A_676, %dma_wait3A_682] : memref<160x125xi32, #tpu.memory_space<vmem>> -> memref<1x125xi32, #tpu.memory_space<vmem>>
    %dma_wait3A_684 = tpu.memref_squeeze %dma_wait3A_683 : memref<1x125xi32, #tpu.memory_space<vmem>> -> memref<125xi32, #tpu.memory_space<vmem>>
    %dma_wait3A_685 = arith.constant 0 : i32
    %dma_wait3A_686 = arith.constant 0 : i32
    %dma_wait3A_687 = tpu.memref_slice %arg2[%arg0, %dma_wait3A_685, %dma_wait3A_686] : memref<2x10000x64xbf16, #tpu.memory_space<hbm>> -> memref<1x10000x64xbf16, #tpu.memory_space<hbm>>
    %dma_wait3A_688 = tpu.memref_squeeze %dma_wait3A_687 : memref<1x10000x64xbf16, #tpu.memory_space<hbm>> -> memref<10000x64xbf16, #tpu.memory_space<hbm>>
    %dma_wait3A_689 = arith.constant 0 : i32
    %dma_wait3A_690 = arith.constant 0 : i32
    %dma_wait3A_691 = tpu.memref_slice %dma_wait3A_688[%dma_wait3A_689, %dma_wait3A_690] : memref<10000x64xbf16, #tpu.memory_space<hbm>> -> memref<10000x64xbf16, #tpu.memory_space<hbm>>
    tpu.wait_indirect_dma semaphore(%arg11 : memref<!tpu.dma_semaphore, #tpu.memory_space<semaphore_mem>>) src(%dma_wait3A_691 : memref<10000x64xbf16, #tpu.memory_space<hbm>>) dst(%dma_wait3A_681 : memref<125x64xbf16, #tpu.memory_space<vmem>>)
    %dma_start3A_692 = arith.constant 3 : i32
    %dma_start3A_693 = arith.constant 155 : i32
    %dma_start3A_694 = arith.constant 0 : i32
    %dma_start3A_695 = arith.constant 0 : i32
    %dma_start3A_696 = tpu.memref_slice %arg9[%dma_start3A_692, %dma_start3A_694, %dma_start3A_695] : memref<8x125x64xbf16, #tpu.memory_space<vmem>> -> memref<1x125x64xbf16, #tpu.memory_space<vmem>>
    %dma_start3A_697 = tpu.memref_squeeze %dma_start3A_696 : memref<1x125x64xbf16, #tpu.memory_space<vmem>> -> memref<125x64xbf16, #tpu.memory_space<vmem>>
    %dma_start3A_698 = arith.constant 0 : i32
    %dma_start3A_699 = tpu.memref_slice %arg8[%dma_start3A_693, %dma_start3A_698] : memref<160x125xi32, #tpu.memory_space<vmem>> -> memref<1x125xi32, #tpu.memory_space<vmem>>
    %dma_start3A_700 = tpu.memref_squeeze %dma_start3A_699 : memref<1x125xi32, #tpu.memory_space<vmem>> -> memref<125xi32, #tpu.memory_space<vmem>>
    %dma_start3A_701 = arith.constant 0 : i32
    %dma_start3A_702 = arith.constant 0 : i32
    %dma_start3A_703 = tpu.memref_slice %arg10[%dma_start3A_701, %dma_start3A_702] : memref<10000x64xbf16, #tpu.memory_space<vmem_shared>> -> memref<10000x64xbf16, #tpu.memory_space<vmem_shared>>
    tpu.enqueue_indirect_dma source(%dma_start3A_697 : memref<125x64xbf16, #tpu.memory_space<vmem>>) target(%dma_start3A_703 : memref<10000x64xbf16, #tpu.memory_space<vmem_shared>>) offsets(%dma_start3A_700 : memref<125xi32, #tpu.memory_space<vmem>>) semaphore(%arg12 : memref<!tpu.dma_semaphore, #tpu.memory_space<semaphore_mem>>) {add = true}
    %dma_wait3A_704 = arith.constant 0 : i32
    %dma_wait3A_705 = arith.constant 0 : i32
    %dma_wait3A_706 = arith.constant 0 : i32
    %dma_wait3A_707 = arith.constant 0 : i32
    %dma_wait3A_708 = tpu.memref_slice %arg9[%dma_wait3A_704, %dma_wait3A_706, %dma_wait3A_707] : memref<8x125x64xbf16, #tpu.memory_space<vmem>> -> memref<1x125x64xbf16, #tpu.memory_space<vmem>>
    %dma_wait3A_709 = tpu.memref_squeeze %dma_wait3A_708 : memref<1x125x64xbf16, #tpu.memory_space<vmem>> -> memref<125x64xbf16, #tpu.memory_space<vmem>>
    %dma_wait3A_710 = arith.constant 0 : i32
    %dma_wait3A_711 = tpu.memref_slice %arg8[%dma_wait3A_705, %dma_wait3A_710] : memref<160x125xi32, #tpu.memory_space<vmem>> -> memref<1x125xi32, #tpu.memory_space<vmem>>
    %dma_wait3A_712 = tpu.memref_squeeze %dma_wait3A_711 : memref<1x125xi32, #tpu.memory_space<vmem>> -> memref<125xi32, #tpu.memory_space<vmem>>
    %dma_wait3A_713 = arith.constant 0 : i32
    %dma_wait3A_714 = arith.constant 0 : i32
    %dma_wait3A_715 = tpu.memref_slice %arg10[%dma_wait3A_713, %dma_wait3A_714] : memref<10000x64xbf16, #tpu.memory_space<vmem_shared>> -> memref<10000x64xbf16, #tpu.memory_space<vmem_shared>>
    tpu.wait_indirect_dma semaphore(%arg12 : memref<!tpu.dma_semaphore, #tpu.memory_space<semaphore_mem>>) src(%dma_wait3A_709 : memref<125x64xbf16, #tpu.memory_space<vmem>>) dst(%dma_wait3A_715 : memref<10000x64xbf16, #tpu.memory_space<vmem_shared>>)
    %dma_wait3A_716 = arith.constant 0 : i32
    %dma_wait3A_717 = arith.constant 4 : i32
    %dma_wait3A_718 = arith.constant 0 : i32
    %dma_wait3A_719 = arith.constant 0 : i32
    %dma_wait3A_720 = tpu.memref_slice %arg9[%dma_wait3A_717, %dma_wait3A_718, %dma_wait3A_719] : memref<8x125x64xbf16, #tpu.memory_space<vmem>> -> memref<1x125x64xbf16, #tpu.memory_space<vmem>>
    %dma_wait3A_721 = tpu.memref_squeeze %dma_wait3A_720 : memref<1x125x64xbf16, #tpu.memory_space<vmem>> -> memref<125x64xbf16, #tpu.memory_space<vmem>>
    %dma_wait3A_722 = arith.constant 0 : i32
    %dma_wait3A_723 = tpu.memref_slice %arg7[%dma_wait3A_716, %dma_wait3A_722] : memref<160x125xi32, #tpu.memory_space<vmem>> -> memref<1x125xi32, #tpu.memory_space<vmem>>
    %dma_wait3A_724 = tpu.memref_squeeze %dma_wait3A_723 : memref<1x125xi32, #tpu.memory_space<vmem>> -> memref<125xi32, #tpu.memory_space<vmem>>
    %dma_wait3A_725 = arith.constant 0 : i32
    %dma_wait3A_726 = arith.constant 0 : i32
    %dma_wait3A_727 = tpu.memref_slice %arg2[%arg0, %dma_wait3A_725, %dma_wait3A_726] : memref<2x10000x64xbf16, #tpu.memory_space<hbm>> -> memref<1x10000x64xbf16, #tpu.memory_space<hbm>>
    %dma_wait3A_728 = tpu.memref_squeeze %dma_wait3A_727 : memref<1x10000x64xbf16, #tpu.memory_space<hbm>> -> memref<10000x64xbf16, #tpu.memory_space<hbm>>
    %dma_wait3A_729 = arith.constant 0 : i32
    %dma_wait3A_730 = arith.constant 0 : i32
    %dma_wait3A_731 = tpu.memref_slice %dma_wait3A_728[%dma_wait3A_729, %dma_wait3A_730] : memref<10000x64xbf16, #tpu.memory_space<hbm>> -> memref<10000x64xbf16, #tpu.memory_space<hbm>>
    tpu.wait_indirect_dma semaphore(%arg11 : memref<!tpu.dma_semaphore, #tpu.memory_space<semaphore_mem>>) src(%dma_wait3A_731 : memref<10000x64xbf16, #tpu.memory_space<hbm>>) dst(%dma_wait3A_721 : memref<125x64xbf16, #tpu.memory_space<vmem>>)
    %dma_start3A_732 = arith.constant 4 : i32
    %dma_start3A_733 = arith.constant 156 : i32
    %dma_start3A_734 = arith.constant 0 : i32
    %dma_start3A_735 = arith.constant 0 : i32
    %dma_start3A_736 = tpu.memref_slice %arg9[%dma_start3A_732, %dma_start3A_734, %dma_start3A_735] : memref<8x125x64xbf16, #tpu.memory_space<vmem>> -> memref<1x125x64xbf16, #tpu.memory_space<vmem>>
    %dma_start3A_737 = tpu.memref_squeeze %dma_start3A_736 : memref<1x125x64xbf16, #tpu.memory_space<vmem>> -> memref<125x64xbf16, #tpu.memory_space<vmem>>
    %dma_start3A_738 = arith.constant 0 : i32
    %dma_start3A_739 = tpu.memref_slice %arg8[%dma_start3A_733, %dma_start3A_738] : memref<160x125xi32, #tpu.memory_space<vmem>> -> memref<1x125xi32, #tpu.memory_space<vmem>>
    %dma_start3A_740 = tpu.memref_squeeze %dma_start3A_739 : memref<1x125xi32, #tpu.memory_space<vmem>> -> memref<125xi32, #tpu.memory_space<vmem>>
    %dma_start3A_741 = arith.constant 0 : i32
    %dma_start3A_742 = arith.constant 0 : i32
    %dma_start3A_743 = tpu.memref_slice %arg10[%dma_start3A_741, %dma_start3A_742] : memref<10000x64xbf16, #tpu.memory_space<vmem_shared>> -> memref<10000x64xbf16, #tpu.memory_space<vmem_shared>>
    tpu.enqueue_indirect_dma source(%dma_start3A_737 : memref<125x64xbf16, #tpu.memory_space<vmem>>) target(%dma_start3A_743 : memref<10000x64xbf16, #tpu.memory_space<vmem_shared>>) offsets(%dma_start3A_740 : memref<125xi32, #tpu.memory_space<vmem>>) semaphore(%arg12 : memref<!tpu.dma_semaphore, #tpu.memory_space<semaphore_mem>>) {add = true}
    %dma_wait3A_744 = arith.constant 0 : i32
    %dma_wait3A_745 = arith.constant 5 : i32
    %dma_wait3A_746 = arith.constant 0 : i32
    %dma_wait3A_747 = arith.constant 0 : i32
    %dma_wait3A_748 = tpu.memref_slice %arg9[%dma_wait3A_745, %dma_wait3A_746, %dma_wait3A_747] : memref<8x125x64xbf16, #tpu.memory_space<vmem>> -> memref<1x125x64xbf16, #tpu.memory_space<vmem>>
    %dma_wait3A_749 = tpu.memref_squeeze %dma_wait3A_748 : memref<1x125x64xbf16, #tpu.memory_space<vmem>> -> memref<125x64xbf16, #tpu.memory_space<vmem>>
    %dma_wait3A_750 = arith.constant 0 : i32
    %dma_wait3A_751 = tpu.memref_slice %arg7[%dma_wait3A_744, %dma_wait3A_750] : memref<160x125xi32, #tpu.memory_space<vmem>> -> memref<1x125xi32, #tpu.memory_space<vmem>>
    %dma_wait3A_752 = tpu.memref_squeeze %dma_wait3A_751 : memref<1x125xi32, #tpu.memory_space<vmem>> -> memref<125xi32, #tpu.memory_space<vmem>>
    %dma_wait3A_753 = arith.constant 0 : i32
    %dma_wait3A_754 = arith.constant 0 : i32
    %dma_wait3A_755 = tpu.memref_slice %arg2[%arg0, %dma_wait3A_753, %dma_wait3A_754] : memref<2x10000x64xbf16, #tpu.memory_space<hbm>> -> memref<1x10000x64xbf16, #tpu.memory_space<hbm>>
    %dma_wait3A_756 = tpu.memref_squeeze %dma_wait3A_755 : memref<1x10000x64xbf16, #tpu.memory_space<hbm>> -> memref<10000x64xbf16, #tpu.memory_space<hbm>>
    %dma_wait3A_757 = arith.constant 0 : i32
    %dma_wait3A_758 = arith.constant 0 : i32
    %dma_wait3A_759 = tpu.memref_slice %dma_wait3A_756[%dma_wait3A_757, %dma_wait3A_758] : memref<10000x64xbf16, #tpu.memory_space<hbm>> -> memref<10000x64xbf16, #tpu.memory_space<hbm>>
    tpu.wait_indirect_dma semaphore(%arg11 : memref<!tpu.dma_semaphore, #tpu.memory_space<semaphore_mem>>) src(%dma_wait3A_759 : memref<10000x64xbf16, #tpu.memory_space<hbm>>) dst(%dma_wait3A_749 : memref<125x64xbf16, #tpu.memory_space<vmem>>)
    %dma_start3A_760 = arith.constant 5 : i32
    %dma_start3A_761 = arith.constant 157 : i32
    %dma_start3A_762 = arith.constant 0 : i32
    %dma_start3A_763 = arith.constant 0 : i32
    %dma_start3A_764 = tpu.memref_slice %arg9[%dma_start3A_760, %dma_start3A_762, %dma_start3A_763] : memref<8x125x64xbf16, #tpu.memory_space<vmem>> -> memref<1x125x64xbf16, #tpu.memory_space<vmem>>
    %dma_start3A_765 = tpu.memref_squeeze %dma_start3A_764 : memref<1x125x64xbf16, #tpu.memory_space<vmem>> -> memref<125x64xbf16, #tpu.memory_space<vmem>>
    %dma_start3A_766 = arith.constant 0 : i32
    %dma_start3A_767 = tpu.memref_slice %arg8[%dma_start3A_761, %dma_start3A_766] : memref<160x125xi32, #tpu.memory_space<vmem>> -> memref<1x125xi32, #tpu.memory_space<vmem>>
    %dma_start3A_768 = tpu.memref_squeeze %dma_start3A_767 : memref<1x125xi32, #tpu.memory_space<vmem>> -> memref<125xi32, #tpu.memory_space<vmem>>
    %dma_start3A_769 = arith.constant 0 : i32
    %dma_start3A_770 = arith.constant 0 : i32
    %dma_start3A_771 = tpu.memref_slice %arg10[%dma_start3A_769, %dma_start3A_770] : memref<10000x64xbf16, #tpu.memory_space<vmem_shared>> -> memref<10000x64xbf16, #tpu.memory_space<vmem_shared>>
    tpu.enqueue_indirect_dma source(%dma_start3A_765 : memref<125x64xbf16, #tpu.memory_space<vmem>>) target(%dma_start3A_771 : memref<10000x64xbf16, #tpu.memory_space<vmem_shared>>) offsets(%dma_start3A_768 : memref<125xi32, #tpu.memory_space<vmem>>) semaphore(%arg12 : memref<!tpu.dma_semaphore, #tpu.memory_space<semaphore_mem>>) {add = true}
    %dma_wait3A_772 = arith.constant 0 : i32
    %dma_wait3A_773 = arith.constant 6 : i32
    %dma_wait3A_774 = arith.constant 0 : i32
    %dma_wait3A_775 = arith.constant 0 : i32
    %dma_wait3A_776 = tpu.memref_slice %arg9[%dma_wait3A_773, %dma_wait3A_774, %dma_wait3A_775] : memref<8x125x64xbf16, #tpu.memory_space<vmem>> -> memref<1x125x64xbf16, #tpu.memory_space<vmem>>
    %dma_wait3A_777 = tpu.memref_squeeze %dma_wait3A_776 : memref<1x125x64xbf16, #tpu.memory_space<vmem>> -> memref<125x64xbf16, #tpu.memory_space<vmem>>
    %dma_wait3A_778 = arith.constant 0 : i32
    %dma_wait3A_779 = tpu.memref_slice %arg7[%dma_wait3A_772, %dma_wait3A_778] : memref<160x125xi32, #tpu.memory_space<vmem>> -> memref<1x125xi32, #tpu.memory_space<vmem>>
    %dma_wait3A_780 = tpu.memref_squeeze %dma_wait3A_779 : memref<1x125xi32, #tpu.memory_space<vmem>> -> memref<125xi32, #tpu.memory_space<vmem>>
    %dma_wait3A_781 = arith.constant 0 : i32
    %dma_wait3A_782 = arith.constant 0 : i32
    %dma_wait3A_783 = tpu.memref_slice %arg2[%arg0, %dma_wait3A_781, %dma_wait3A_782] : memref<2x10000x64xbf16, #tpu.memory_space<hbm>> -> memref<1x10000x64xbf16, #tpu.memory_space<hbm>>
    %dma_wait3A_784 = tpu.memref_squeeze %dma_wait3A_783 : memref<1x10000x64xbf16, #tpu.memory_space<hbm>> -> memref<10000x64xbf16, #tpu.memory_space<hbm>>
    %dma_wait3A_785 = arith.constant 0 : i32
    %dma_wait3A_786 = arith.constant 0 : i32
    %dma_wait3A_787 = tpu.memref_slice %dma_wait3A_784[%dma_wait3A_785, %dma_wait3A_786] : memref<10000x64xbf16, #tpu.memory_space<hbm>> -> memref<10000x64xbf16, #tpu.memory_space<hbm>>
    tpu.wait_indirect_dma semaphore(%arg11 : memref<!tpu.dma_semaphore, #tpu.memory_space<semaphore_mem>>) src(%dma_wait3A_787 : memref<10000x64xbf16, #tpu.memory_space<hbm>>) dst(%dma_wait3A_777 : memref<125x64xbf16, #tpu.memory_space<vmem>>)
    %dma_start3A_788 = arith.constant 6 : i32
    %dma_start3A_789 = arith.constant 158 : i32
    %dma_start3A_790 = arith.constant 0 : i32
    %dma_start3A_791 = arith.constant 0 : i32
    %dma_start3A_792 = tpu.memref_slice %arg9[%dma_start3A_788, %dma_start3A_790, %dma_start3A_791] : memref<8x125x64xbf16, #tpu.memory_space<vmem>> -> memref<1x125x64xbf16, #tpu.memory_space<vmem>>
    %dma_start3A_793 = tpu.memref_squeeze %dma_start3A_792 : memref<1x125x64xbf16, #tpu.memory_space<vmem>> -> memref<125x64xbf16, #tpu.memory_space<vmem>>
    %dma_start3A_794 = arith.constant 0 : i32
    %dma_start3A_795 = tpu.memref_slice %arg8[%dma_start3A_789, %dma_start3A_794] : memref<160x125xi32, #tpu.memory_space<vmem>> -> memref<1x125xi32, #tpu.memory_space<vmem>>
    %dma_start3A_796 = tpu.memref_squeeze %dma_start3A_795 : memref<1x125xi32, #tpu.memory_space<vmem>> -> memref<125xi32, #tpu.memory_space<vmem>>
    %dma_start3A_797 = arith.constant 0 : i32
    %dma_start3A_798 = arith.constant 0 : i32
    %dma_start3A_799 = tpu.memref_slice %arg10[%dma_start3A_797, %dma_start3A_798] : memref<10000x64xbf16, #tpu.memory_space<vmem_shared>> -> memref<10000x64xbf16, #tpu.memory_space<vmem_shared>>
    tpu.enqueue_indirect_dma source(%dma_start3A_793 : memref<125x64xbf16, #tpu.memory_space<vmem>>) target(%dma_start3A_799 : memref<10000x64xbf16, #tpu.memory_space<vmem_shared>>) offsets(%dma_start3A_796 : memref<125xi32, #tpu.memory_space<vmem>>) semaphore(%arg12 : memref<!tpu.dma_semaphore, #tpu.memory_space<semaphore_mem>>) {add = true}
    %dma_wait3A_800 = arith.constant 0 : i32
    %dma_wait3A_801 = arith.constant 7 : i32
    %dma_wait3A_802 = arith.constant 0 : i32
    %dma_wait3A_803 = arith.constant 0 : i32
    %dma_wait3A_804 = tpu.memref_slice %arg9[%dma_wait3A_801, %dma_wait3A_802, %dma_wait3A_803] : memref<8x125x64xbf16, #tpu.memory_space<vmem>> -> memref<1x125x64xbf16, #tpu.memory_space<vmem>>
    %dma_wait3A_805 = tpu.memref_squeeze %dma_wait3A_804 : memref<1x125x64xbf16, #tpu.memory_space<vmem>> -> memref<125x64xbf16, #tpu.memory_space<vmem>>
    %dma_wait3A_806 = arith.constant 0 : i32
    %dma_wait3A_807 = tpu.memref_slice %arg7[%dma_wait3A_800, %dma_wait3A_806] : memref<160x125xi32, #tpu.memory_space<vmem>> -> memref<1x125xi32, #tpu.memory_space<vmem>>
    %dma_wait3A_808 = tpu.memref_squeeze %dma_wait3A_807 : memref<1x125xi32, #tpu.memory_space<vmem>> -> memref<125xi32, #tpu.memory_space<vmem>>
    %dma_wait3A_809 = arith.constant 0 : i32
    %dma_wait3A_810 = arith.constant 0 : i32
    %dma_wait3A_811 = tpu.memref_slice %arg2[%arg0, %dma_wait3A_809, %dma_wait3A_810] : memref<2x10000x64xbf16, #tpu.memory_space<hbm>> -> memref<1x10000x64xbf16, #tpu.memory_space<hbm>>
    %dma_wait3A_812 = tpu.memref_squeeze %dma_wait3A_811 : memref<1x10000x64xbf16, #tpu.memory_space<hbm>> -> memref<10000x64xbf16, #tpu.memory_space<hbm>>
    %dma_wait3A_813 = arith.constant 0 : i32
    %dma_wait3A_814 = arith.constant 0 : i32
    %dma_wait3A_815 = tpu.memref_slice %dma_wait3A_812[%dma_wait3A_813, %dma_wait3A_814] : memref<10000x64xbf16, #tpu.memory_space<hbm>> -> memref<10000x64xbf16, #tpu.memory_space<hbm>>
    tpu.wait_indirect_dma semaphore(%arg11 : memref<!tpu.dma_semaphore, #tpu.memory_space<semaphore_mem>>) src(%dma_wait3A_815 : memref<10000x64xbf16, #tpu.memory_space<hbm>>) dst(%dma_wait3A_805 : memref<125x64xbf16, #tpu.memory_space<vmem>>)
    %dma_start3A_816 = arith.constant 7 : i32
    %dma_start3A_817 = arith.constant 159 : i32
    %dma_start3A_818 = arith.constant 0 : i32
    %dma_start3A_819 = arith.constant 0 : i32
    %dma_start3A_820 = tpu.memref_slice %arg9[%dma_start3A_816, %dma_start3A_818, %dma_start3A_819] : memref<8x125x64xbf16, #tpu.memory_space<vmem>> -> memref<1x125x64xbf16, #tpu.memory_space<vmem>>
    %dma_start3A_821 = tpu.memref_squeeze %dma_start3A_820 : memref<1x125x64xbf16, #tpu.memory_space<vmem>> -> memref<125x64xbf16, #tpu.memory_space<vmem>>
    %dma_start3A_822 = arith.constant 0 : i32
    %dma_start3A_823 = tpu.memref_slice %arg8[%dma_start3A_817, %dma_start3A_822] : memref<160x125xi32, #tpu.memory_space<vmem>> -> memref<1x125xi32, #tpu.memory_space<vmem>>
    %dma_start3A_824 = tpu.memref_squeeze %dma_start3A_823 : memref<1x125xi32, #tpu.memory_space<vmem>> -> memref<125xi32, #tpu.memory_space<vmem>>
    %dma_start3A_825 = arith.constant 0 : i32
    %dma_start3A_826 = arith.constant 0 : i32
    %dma_start3A_827 = tpu.memref_slice %arg10[%dma_start3A_825, %dma_start3A_826] : memref<10000x64xbf16, #tpu.memory_space<vmem_shared>> -> memref<10000x64xbf16, #tpu.memory_space<vmem_shared>>
    tpu.enqueue_indirect_dma source(%dma_start3A_821 : memref<125x64xbf16, #tpu.memory_space<vmem>>) target(%dma_start3A_827 : memref<10000x64xbf16, #tpu.memory_space<vmem_shared>>) offsets(%dma_start3A_824 : memref<125xi32, #tpu.memory_space<vmem>>) semaphore(%arg12 : memref<!tpu.dma_semaphore, #tpu.memory_space<semaphore_mem>>) {add = true}
    %dma_wait3A_828 = arith.constant 0 : i32
    %dma_wait3A_829 = arith.constant 0 : i32
    %dma_wait3A_830 = arith.constant 0 : i32
    %dma_wait3A_831 = arith.constant 0 : i32
    %dma_wait3A_832 = tpu.memref_slice %arg9[%dma_wait3A_828, %dma_wait3A_830, %dma_wait3A_831] : memref<8x125x64xbf16, #tpu.memory_space<vmem>> -> memref<1x125x64xbf16, #tpu.memory_space<vmem>>
    %dma_wait3A_833 = tpu.memref_squeeze %dma_wait3A_832 : memref<1x125x64xbf16, #tpu.memory_space<vmem>> -> memref<125x64xbf16, #tpu.memory_space<vmem>>
    %dma_wait3A_834 = arith.constant 0 : i32
    %dma_wait3A_835 = tpu.memref_slice %arg8[%dma_wait3A_829, %dma_wait3A_834] : memref<160x125xi32, #tpu.memory_space<vmem>> -> memref<1x125xi32, #tpu.memory_space<vmem>>
    %dma_wait3A_836 = tpu.memref_squeeze %dma_wait3A_835 : memref<1x125xi32, #tpu.memory_space<vmem>> -> memref<125xi32, #tpu.memory_space<vmem>>
    %dma_wait3A_837 = arith.constant 0 : i32
    %dma_wait3A_838 = arith.constant 0 : i32
    %dma_wait3A_839 = tpu.memref_slice %arg10[%dma_wait3A_837, %dma_wait3A_838] : memref<10000x64xbf16, #tpu.memory_space<vmem_shared>> -> memref<10000x64xbf16, #tpu.memory_space<vmem_shared>>
    tpu.wait_indirect_dma semaphore(%arg12 : memref<!tpu.dma_semaphore, #tpu.memory_space<semaphore_mem>>) src(%dma_wait3A_833 : memref<125x64xbf16, #tpu.memory_space<vmem>>) dst(%dma_wait3A_839 : memref<10000x64xbf16, #tpu.memory_space<vmem_shared>>)
    %dma_wait3A_840 = arith.constant 0 : i32
    %dma_wait3A_841 = arith.constant 0 : i32
    %dma_wait3A_842 = arith.constant 0 : i32
    %dma_wait3A_843 = arith.constant 0 : i32
    %dma_wait3A_844 = tpu.memref_slice %arg9[%dma_wait3A_840, %dma_wait3A_842, %dma_wait3A_843] : memref<8x125x64xbf16, #tpu.memory_space<vmem>> -> memref<1x125x64xbf16, #tpu.memory_space<vmem>>
    %dma_wait3A_845 = tpu.memref_squeeze %dma_wait3A_844 : memref<1x125x64xbf16, #tpu.memory_space<vmem>> -> memref<125x64xbf16, #tpu.memory_space<vmem>>
    %dma_wait3A_846 = arith.constant 0 : i32
    %dma_wait3A_847 = tpu.memref_slice %arg8[%dma_wait3A_841, %dma_wait3A_846] : memref<160x125xi32, #tpu.memory_space<vmem>> -> memref<1x125xi32, #tpu.memory_space<vmem>>
    %dma_wait3A_848 = tpu.memref_squeeze %dma_wait3A_847 : memref<1x125xi32, #tpu.memory_space<vmem>> -> memref<125xi32, #tpu.memory_space<vmem>>
    %dma_wait3A_849 = arith.constant 0 : i32
    %dma_wait3A_850 = arith.constant 0 : i32
    %dma_wait3A_851 = tpu.memref_slice %arg10[%dma_wait3A_849, %dma_wait3A_850] : memref<10000x64xbf16, #tpu.memory_space<vmem_shared>> -> memref<10000x64xbf16, #tpu.memory_space<vmem_shared>>
    tpu.wait_indirect_dma semaphore(%arg12 : memref<!tpu.dma_semaphore, #tpu.memory_space<semaphore_mem>>) src(%dma_wait3A_845 : memref<125x64xbf16, #tpu.memory_space<vmem>>) dst(%dma_wait3A_851 : memref<10000x64xbf16, #tpu.memory_space<vmem_shared>>)
    %dma_wait3A_852 = arith.constant 0 : i32
    %dma_wait3A_853 = arith.constant 0 : i32
    %dma_wait3A_854 = arith.constant 0 : i32
    %dma_wait3A_855 = arith.constant 0 : i32
    %dma_wait3A_856 = tpu.memref_slice %arg9[%dma_wait3A_852, %dma_wait3A_854, %dma_wait3A_855] : memref<8x125x64xbf16, #tpu.memory_space<vmem>> -> memref<1x125x64xbf16, #tpu.memory_space<vmem>>
    %dma_wait3A_857 = tpu.memref_squeeze %dma_wait3A_856 : memref<1x125x64xbf16, #tpu.memory_space<vmem>> -> memref<125x64xbf16, #tpu.memory_space<vmem>>
    %dma_wait3A_858 = arith.constant 0 : i32
    %dma_wait3A_859 = tpu.memref_slice %arg8[%dma_wait3A_853, %dma_wait3A_858] : memref<160x125xi32, #tpu.memory_space<vmem>> -> memref<1x125xi32, #tpu.memory_space<vmem>>
    %dma_wait3A_860 = tpu.memref_squeeze %dma_wait3A_859 : memref<1x125xi32, #tpu.memory_space<vmem>> -> memref<125xi32, #tpu.memory_space<vmem>>
    %dma_wait3A_861 = arith.constant 0 : i32
    %dma_wait3A_862 = arith.constant 0 : i32
    %dma_wait3A_863 = tpu.memref_slice %arg10[%dma_wait3A_861, %dma_wait3A_862] : memref<10000x64xbf16, #tpu.memory_space<vmem_shared>> -> memref<10000x64xbf16, #tpu.memory_space<vmem_shared>>
    tpu.wait_indirect_dma semaphore(%arg12 : memref<!tpu.dma_semaphore, #tpu.memory_space<semaphore_mem>>) src(%dma_wait3A_857 : memref<125x64xbf16, #tpu.memory_space<vmem>>) dst(%dma_wait3A_863 : memref<10000x64xbf16, #tpu.memory_space<vmem_shared>>)
    %dma_wait3A_864 = arith.constant 0 : i32
    %dma_wait3A_865 = arith.constant 0 : i32
    %dma_wait3A_866 = arith.constant 0 : i32
    %dma_wait3A_867 = arith.constant 0 : i32
    %dma_wait3A_868 = tpu.memref_slice %arg9[%dma_wait3A_864, %dma_wait3A_866, %dma_wait3A_867] : memref<8x125x64xbf16, #tpu.memory_space<vmem>> -> memref<1x125x64xbf16, #tpu.memory_space<vmem>>
    %dma_wait3A_869 = tpu.memref_squeeze %dma_wait3A_868 : memref<1x125x64xbf16, #tpu.memory_space<vmem>> -> memref<125x64xbf16, #tpu.memory_space<vmem>>
    %dma_wait3A_870 = arith.constant 0 : i32
    %dma_wait3A_871 = tpu.memref_slice %arg8[%dma_wait3A_865, %dma_wait3A_870] : memref<160x125xi32, #tpu.memory_space<vmem>> -> memref<1x125xi32, #tpu.memory_space<vmem>>
    %dma_wait3A_872 = tpu.memref_squeeze %dma_wait3A_871 : memref<1x125xi32, #tpu.memory_space<vmem>> -> memref<125xi32, #tpu.memory_space<vmem>>
    %dma_wait3A_873 = arith.constant 0 : i32
    %dma_wait3A_874 = arith.constant 0 : i32
    %dma_wait3A_875 = tpu.memref_slice %arg10[%dma_wait3A_873, %dma_wait3A_874] : memref<10000x64xbf16, #tpu.memory_space<vmem_shared>> -> memref<10000x64xbf16, #tpu.memory_space<vmem_shared>>
    tpu.wait_indirect_dma semaphore(%arg12 : memref<!tpu.dma_semaphore, #tpu.memory_space<semaphore_mem>>) src(%dma_wait3A_869 : memref<125x64xbf16, #tpu.memory_space<vmem>>) dst(%dma_wait3A_875 : memref<10000x64xbf16, #tpu.memory_space<vmem_shared>>)
    %dma_wait3A_876 = arith.constant 0 : i32
    %dma_wait3A_877 = arith.constant 0 : i32
    %dma_wait3A_878 = arith.constant 0 : i32
    %dma_wait3A_879 = arith.constant 0 : i32
    %dma_wait3A_880 = tpu.memref_slice %arg9[%dma_wait3A_876, %dma_wait3A_878, %dma_wait3A_879] : memref<8x125x64xbf16, #tpu.memory_space<vmem>> -> memref<1x125x64xbf16, #tpu.memory_space<vmem>>
    %dma_wait3A_881 = tpu.memref_squeeze %dma_wait3A_880 : memref<1x125x64xbf16, #tpu.memory_space<vmem>> -> memref<125x64xbf16, #tpu.memory_space<vmem>>
    %dma_wait3A_882 = arith.constant 0 : i32
    %dma_wait3A_883 = tpu.memref_slice %arg8[%dma_wait3A_877, %dma_wait3A_882] : memref<160x125xi32, #tpu.memory_space<vmem>> -> memref<1x125xi32, #tpu.memory_space<vmem>>
    %dma_wait3A_884 = tpu.memref_squeeze %dma_wait3A_883 : memref<1x125xi32, #tpu.memory_space<vmem>> -> memref<125xi32, #tpu.memory_space<vmem>>
    %dma_wait3A_885 = arith.constant 0 : i32
    %dma_wait3A_886 = arith.constant 0 : i32
    %dma_wait3A_887 = tpu.memref_slice %arg10[%dma_wait3A_885, %dma_wait3A_886] : memref<10000x64xbf16, #tpu.memory_space<vmem_shared>> -> memref<10000x64xbf16, #tpu.memory_space<vmem_shared>>
    tpu.wait_indirect_dma semaphore(%arg12 : memref<!tpu.dma_semaphore, #tpu.memory_space<semaphore_mem>>) src(%dma_wait3A_881 : memref<125x64xbf16, #tpu.memory_space<vmem>>) dst(%dma_wait3A_887 : memref<10000x64xbf16, #tpu.memory_space<vmem_shared>>)
    %dma_wait3A_888 = arith.constant 0 : i32
    %dma_wait3A_889 = arith.constant 0 : i32
    %dma_wait3A_890 = arith.constant 0 : i32
    %dma_wait3A_891 = arith.constant 0 : i32
    %dma_wait3A_892 = tpu.memref_slice %arg9[%dma_wait3A_888, %dma_wait3A_890, %dma_wait3A_891] : memref<8x125x64xbf16, #tpu.memory_space<vmem>> -> memref<1x125x64xbf16, #tpu.memory_space<vmem>>
    %dma_wait3A_893 = tpu.memref_squeeze %dma_wait3A_892 : memref<1x125x64xbf16, #tpu.memory_space<vmem>> -> memref<125x64xbf16, #tpu.memory_space<vmem>>
    %dma_wait3A_894 = arith.constant 0 : i32
    %dma_wait3A_895 = tpu.memref_slice %arg8[%dma_wait3A_889, %dma_wait3A_894] : memref<160x125xi32, #tpu.memory_space<vmem>> -> memref<1x125xi32, #tpu.memory_space<vmem>>
    %dma_wait3A_896 = tpu.memref_squeeze %dma_wait3A_895 : memref<1x125xi32, #tpu.memory_space<vmem>> -> memref<125xi32, #tpu.memory_space<vmem>>
    %dma_wait3A_897 = arith.constant 0 : i32
    %dma_wait3A_898 = arith.constant 0 : i32
    %dma_wait3A_899 = tpu.memref_slice %arg10[%dma_wait3A_897, %dma_wait3A_898] : memref<10000x64xbf16, #tpu.memory_space<vmem_shared>> -> memref<10000x64xbf16, #tpu.memory_space<vmem_shared>>
    tpu.wait_indirect_dma semaphore(%arg12 : memref<!tpu.dma_semaphore, #tpu.memory_space<semaphore_mem>>) src(%dma_wait3A_893 : memref<125x64xbf16, #tpu.memory_space<vmem>>) dst(%dma_wait3A_899 : memref<10000x64xbf16, #tpu.memory_space<vmem_shared>>)
    %barrier3A_900 = arith.constant 0 : index
    tpu.barrier barrier_id(%barrier3A_900)
    %mul3A_901 = arith.constant 625 : i32
    %mul3A_902 = arith.muli %arg1, %mul3A_901 : i32
    %add3A = arith.constant 0 : i32
    %add3A_903 = arith.addi %mul3A_902, %add3A : i32
    %mul3A_904 = arith.constant 16 : i32
    %mul3A_905 = arith.muli %arg0, %mul3A_904 : i32
    %add3A_906 = arith.addi %mul3A_905, %arg1 : i32
    %mul3A_907 = arith.constant 5 : i32
    %mul3A_908 = arith.muli %add3A_906, %mul3A_907 : i32
    %add3A_909 = arith.constant 0 : i32
    %add3A_910 = arith.addi %mul3A_908, %add3A_909 : i32
    "tpu.region"() ({
      %run_scoped3A = tpu.sem_alloc : memref<!tpu.dma_semaphore, #tpu.memory_space<semaphore_mem>>
      %dma_start3A_955 = arith.constant 0 : i32
      %dma_start3A_956 = arith.constant 0 : i32
      %dma_start3A_957 = tpu.memref_slice %arg6[%add3A_910, %dma_start3A_955, %dma_start3A_956] : memref<160x125x64xbf16, #tpu.memory_space<hbm>> -> memref<1x125x64xbf16, #tpu.memory_space<hbm>>
      %dma_start3A_958 = tpu.memref_squeeze %dma_start3A_957 : memref<1x125x64xbf16, #tpu.memory_space<hbm>> -> memref<125x64xbf16, #tpu.memory_space<hbm>>
      %dma_start3A_959 = arith.constant 0 : i32
      %dma_start3A_960 = tpu.memref_slice %arg10[%add3A_903, %dma_start3A_959] : memref<10000x64xbf16, #tpu.memory_space<vmem_shared>> -> memref<125x64xbf16, #tpu.memory_space<vmem_shared>>
      tpu.enqueue_dma source(%dma_start3A_960 : memref<125x64xbf16, #tpu.memory_space<vmem_shared>>) target(%dma_start3A_958 : memref<125x64xbf16, #tpu.memory_space<hbm>>) target_semaphore(%run_scoped3A : memref<!tpu.dma_semaphore, #tpu.memory_space<semaphore_mem>>)
      %dma_wait3A_961 = arith.constant 0 : i32
      %dma_wait3A_962 = arith.constant 0 : i32
      %dma_wait3A_963 = tpu.memref_slice %arg6[%add3A_910, %dma_wait3A_961, %dma_wait3A_962] : memref<160x125x64xbf16, #tpu.memory_space<hbm>> -> memref<1x125x64xbf16, #tpu.memory_space<hbm>>
      %dma_wait3A_964 = tpu.memref_squeeze %dma_wait3A_963 : memref<1x125x64xbf16, #tpu.memory_space<hbm>> -> memref<125x64xbf16, #tpu.memory_space<hbm>>
      %dma_wait3A_965 = arith.constant 0 : i32
      %dma_wait3A_966 = tpu.memref_slice %arg10[%add3A_903, %dma_wait3A_965] : memref<10000x64xbf16, #tpu.memory_space<vmem_shared>> -> memref<125x64xbf16, #tpu.memory_space<vmem_shared>>
      tpu.wait_dma2 semaphore(%run_scoped3A : memref<!tpu.dma_semaphore, #tpu.memory_space<semaphore_mem>>) src(%dma_wait3A_966 : memref<125x64xbf16, #tpu.memory_space<vmem_shared>>) dst(%dma_wait3A_964 : memref<125x64xbf16, #tpu.memory_space<hbm>>)
      tpu.yield
    }) : () -> ()
    %mul3A_911 = arith.constant 625 : i32
    %mul3A_912 = arith.muli %arg1, %mul3A_911 : i32
    %add3A_913 = arith.constant 125 : i32
    %add3A_914 = arith.addi %mul3A_912, %add3A_913 : i32
    %mul3A_915 = arith.constant 16 : i32
    %mul3A_916 = arith.muli %arg0, %mul3A_915 : i32
    %add3A_917 = arith.addi %mul3A_916, %arg1 : i32
    %mul3A_918 = arith.constant 5 : i32
    %mul3A_919 = arith.muli %add3A_917, %mul3A_918 : i32
    %add3A_920 = arith.constant 1 : i32
    %add3A_921 = arith.addi %mul3A_919, %add3A_920 : i32
    "tpu.region"() ({
      %run_scoped3A = tpu.sem_alloc : memref<!tpu.dma_semaphore, #tpu.memory_space<semaphore_mem>>
      %dma_start3A_955 = arith.constant 0 : i32
      %dma_start3A_956 = arith.constant 0 : i32
      %dma_start3A_957 = tpu.memref_slice %arg6[%add3A_921, %dma_start3A_955, %dma_start3A_956] : memref<160x125x64xbf16, #tpu.memory_space<hbm>> -> memref<1x125x64xbf16, #tpu.memory_space<hbm>>
      %dma_start3A_958 = tpu.memref_squeeze %dma_start3A_957 : memref<1x125x64xbf16, #tpu.memory_space<hbm>> -> memref<125x64xbf16, #tpu.memory_space<hbm>>
      %dma_start3A_959 = arith.constant 0 : i32
      %dma_start3A_960 = tpu.memref_slice %arg10[%add3A_914, %dma_start3A_959] : memref<10000x64xbf16, #tpu.memory_space<vmem_shared>> -> memref<125x64xbf16, #tpu.memory_space<vmem_shared>>
      tpu.enqueue_dma source(%dma_start3A_960 : memref<125x64xbf16, #tpu.memory_space<vmem_shared>>) target(%dma_start3A_958 : memref<125x64xbf16, #tpu.memory_space<hbm>>) target_semaphore(%run_scoped3A : memref<!tpu.dma_semaphore, #tpu.memory_space<semaphore_mem>>)
      %dma_wait3A_961 = arith.constant 0 : i32
      %dma_wait3A_962 = arith.constant 0 : i32
      %dma_wait3A_963 = tpu.memref_slice %arg6[%add3A_921, %dma_wait3A_961, %dma_wait3A_962] : memref<160x125x64xbf16, #tpu.memory_space<hbm>> -> memref<1x125x64xbf16, #tpu.memory_space<hbm>>
      %dma_wait3A_964 = tpu.memref_squeeze %dma_wait3A_963 : memref<1x125x64xbf16, #tpu.memory_space<hbm>> -> memref<125x64xbf16, #tpu.memory_space<hbm>>
      %dma_wait3A_965 = arith.constant 0 : i32
      %dma_wait3A_966 = tpu.memref_slice %arg10[%add3A_914, %dma_wait3A_965] : memref<10000x64xbf16, #tpu.memory_space<vmem_shared>> -> memref<125x64xbf16, #tpu.memory_space<vmem_shared>>
      tpu.wait_dma2 semaphore(%run_scoped3A : memref<!tpu.dma_semaphore, #tpu.memory_space<semaphore_mem>>) src(%dma_wait3A_966 : memref<125x64xbf16, #tpu.memory_space<vmem_shared>>) dst(%dma_wait3A_964 : memref<125x64xbf16, #tpu.memory_space<hbm>>)
      tpu.yield
    }) : () -> ()
    %mul3A_922 = arith.constant 625 : i32
    %mul3A_923 = arith.muli %arg1, %mul3A_922 : i32
    %add3A_924 = arith.constant 250 : i32
    %add3A_925 = arith.addi %mul3A_923, %add3A_924 : i32
    %mul3A_926 = arith.constant 16 : i32
    %mul3A_927 = arith.muli %arg0, %mul3A_926 : i32
    %add3A_928 = arith.addi %mul3A_927, %arg1 : i32
    %mul3A_929 = arith.constant 5 : i32
    %mul3A_930 = arith.muli %add3A_928, %mul3A_929 : i32
    %add3A_931 = arith.constant 2 : i32
    %add3A_932 = arith.addi %mul3A_930, %add3A_931 : i32
    "tpu.region"() ({
      %run_scoped3A = tpu.sem_alloc : memref<!tpu.dma_semaphore, #tpu.memory_space<semaphore_mem>>
      %dma_start3A_955 = arith.constant 0 : i32
      %dma_start3A_956 = arith.constant 0 : i32
      %dma_start3A_957 = tpu.memref_slice %arg6[%add3A_932, %dma_start3A_955, %dma_start3A_956] : memref<160x125x64xbf16, #tpu.memory_space<hbm>> -> memref<1x125x64xbf16, #tpu.memory_space<hbm>>
      %dma_start3A_958 = tpu.memref_squeeze %dma_start3A_957 : memref<1x125x64xbf16, #tpu.memory_space<hbm>> -> memref<125x64xbf16, #tpu.memory_space<hbm>>
      %dma_start3A_959 = arith.constant 0 : i32
      %dma_start3A_960 = tpu.memref_slice %arg10[%add3A_925, %dma_start3A_959] : memref<10000x64xbf16, #tpu.memory_space<vmem_shared>> -> memref<125x64xbf16, #tpu.memory_space<vmem_shared>>
      tpu.enqueue_dma source(%dma_start3A_960 : memref<125x64xbf16, #tpu.memory_space<vmem_shared>>) target(%dma_start3A_958 : memref<125x64xbf16, #tpu.memory_space<hbm>>) target_semaphore(%run_scoped3A : memref<!tpu.dma_semaphore, #tpu.memory_space<semaphore_mem>>)
      %dma_wait3A_961 = arith.constant 0 : i32
      %dma_wait3A_962 = arith.constant 0 : i32
      %dma_wait3A_963 = tpu.memref_slice %arg6[%add3A_932, %dma_wait3A_961, %dma_wait3A_962] : memref<160x125x64xbf16, #tpu.memory_space<hbm>> -> memref<1x125x64xbf16, #tpu.memory_space<hbm>>
      %dma_wait3A_964 = tpu.memref_squeeze %dma_wait3A_963 : memref<1x125x64xbf16, #tpu.memory_space<hbm>> -> memref<125x64xbf16, #tpu.memory_space<hbm>>
      %dma_wait3A_965 = arith.constant 0 : i32
      %dma_wait3A_966 = tpu.memref_slice %arg10[%add3A_925, %dma_wait3A_965] : memref<10000x64xbf16, #tpu.memory_space<vmem_shared>> -> memref<125x64xbf16, #tpu.memory_space<vmem_shared>>
      tpu.wait_dma2 semaphore(%run_scoped3A : memref<!tpu.dma_semaphore, #tpu.memory_space<semaphore_mem>>) src(%dma_wait3A_966 : memref<125x64xbf16, #tpu.memory_space<vmem_shared>>) dst(%dma_wait3A_964 : memref<125x64xbf16, #tpu.memory_space<hbm>>)
      tpu.yield
    }) : () -> ()
    %mul3A_933 = arith.constant 625 : i32
    %mul3A_934 = arith.muli %arg1, %mul3A_933 : i32
    %add3A_935 = arith.constant 375 : i32
    %add3A_936 = arith.addi %mul3A_934, %add3A_935 : i32
    %mul3A_937 = arith.constant 16 : i32
    %mul3A_938 = arith.muli %arg0, %mul3A_937 : i32
    %add3A_939 = arith.addi %mul3A_938, %arg1 : i32
    %mul3A_940 = arith.constant 5 : i32
    %mul3A_941 = arith.muli %add3A_939, %mul3A_940 : i32
    %add3A_942 = arith.constant 3 : i32
    %add3A_943 = arith.addi %mul3A_941, %add3A_942 : i32
    "tpu.region"() ({
      %run_scoped3A = tpu.sem_alloc : memref<!tpu.dma_semaphore, #tpu.memory_space<semaphore_mem>>
      %dma_start3A_955 = arith.constant 0 : i32
      %dma_start3A_956 = arith.constant 0 : i32
      %dma_start3A_957 = tpu.memref_slice %arg6[%add3A_943, %dma_start3A_955, %dma_start3A_956] : memref<160x125x64xbf16, #tpu.memory_space<hbm>> -> memref<1x125x64xbf16, #tpu.memory_space<hbm>>
      %dma_start3A_958 = tpu.memref_squeeze %dma_start3A_957 : memref<1x125x64xbf16, #tpu.memory_space<hbm>> -> memref<125x64xbf16, #tpu.memory_space<hbm>>
      %dma_start3A_959 = arith.constant 0 : i32
      %dma_start3A_960 = tpu.memref_slice %arg10[%add3A_936, %dma_start3A_959] : memref<10000x64xbf16, #tpu.memory_space<vmem_shared>> -> memref<125x64xbf16, #tpu.memory_space<vmem_shared>>
      tpu.enqueue_dma source(%dma_start3A_960 : memref<125x64xbf16, #tpu.memory_space<vmem_shared>>) target(%dma_start3A_958 : memref<125x64xbf16, #tpu.memory_space<hbm>>) target_semaphore(%run_scoped3A : memref<!tpu.dma_semaphore, #tpu.memory_space<semaphore_mem>>)
      %dma_wait3A_961 = arith.constant 0 : i32
      %dma_wait3A_962 = arith.constant 0 : i32
      %dma_wait3A_963 = tpu.memref_slice %arg6[%add3A_943, %dma_wait3A_961, %dma_wait3A_962] : memref<160x125x64xbf16, #tpu.memory_space<hbm>> -> memref<1x125x64xbf16, #tpu.memory_space<hbm>>
      %dma_wait3A_964 = tpu.memref_squeeze %dma_wait3A_963 : memref<1x125x64xbf16, #tpu.memory_space<hbm>> -> memref<125x64xbf16, #tpu.memory_space<hbm>>
      %dma_wait3A_965 = arith.constant 0 : i32
      %dma_wait3A_966 = tpu.memref_slice %arg10[%add3A_936, %dma_wait3A_965] : memref<10000x64xbf16, #tpu.memory_space<vmem_shared>> -> memref<125x64xbf16, #tpu.memory_space<vmem_shared>>
      tpu.wait_dma2 semaphore(%run_scoped3A : memref<!tpu.dma_semaphore, #tpu.memory_space<semaphore_mem>>) src(%dma_wait3A_966 : memref<125x64xbf16, #tpu.memory_space<vmem_shared>>) dst(%dma_wait3A_964 : memref<125x64xbf16, #tpu.memory_space<hbm>>)
      tpu.yield
    }) : () -> ()
    %mul3A_944 = arith.constant 625 : i32
    %mul3A_945 = arith.muli %arg1, %mul3A_944 : i32
    %add3A_946 = arith.constant 500 : i32
    %add3A_947 = arith.addi %mul3A_945, %add3A_946 : i32
    %mul3A_948 = arith.constant 16 : i32
    %mul3A_949 = arith.muli %arg0, %mul3A_948 : i32
    %add3A_950 = arith.addi %mul3A_949, %arg1 : i32
    %mul3A_951 = arith.constant 5 : i32
    %mul3A_952 = arith.muli %add3A_950, %mul3A_951 : i32
    %add3A_953 = arith.constant 4 : i32
    %add3A_954 = arith.addi %mul3A_952, %add3A_953 : i32
    "tpu.region"() ({
      %run_scoped3A = tpu.sem_alloc : memref<!tpu.dma_semaphore, #tpu.memory_space<semaphore_mem>>
      %dma_start3A_955 = arith.constant 0 : i32
      %dma_start3A_956 = arith.constant 0 : i32
      %dma_start3A_957 = tpu.memref_slice %arg6[%add3A_954, %dma_start3A_955, %dma_start3A_956] : memref<160x125x64xbf16, #tpu.memory_space<hbm>> -> memref<1x125x64xbf16, #tpu.memory_space<hbm>>
      %dma_start3A_958 = tpu.memref_squeeze %dma_start3A_957 : memref<1x125x64xbf16, #tpu.memory_space<hbm>> -> memref<125x64xbf16, #tpu.memory_space<hbm>>
      %dma_start3A_959 = arith.constant 0 : i32
      %dma_start3A_960 = tpu.memref_slice %arg10[%add3A_947, %dma_start3A_959] : memref<10000x64xbf16, #tpu.memory_space<vmem_shared>> -> memref<125x64xbf16, #tpu.memory_space<vmem_shared>>
      tpu.enqueue_dma source(%dma_start3A_960 : memref<125x64xbf16, #tpu.memory_space<vmem_shared>>) target(%dma_start3A_958 : memref<125x64xbf16, #tpu.memory_space<hbm>>) target_semaphore(%run_scoped3A : memref<!tpu.dma_semaphore, #tpu.memory_space<semaphore_mem>>)
      %dma_wait3A_961 = arith.constant 0 : i32
      %dma_wait3A_962 = arith.constant 0 : i32
      %dma_wait3A_963 = tpu.memref_slice %arg6[%add3A_954, %dma_wait3A_961, %dma_wait3A_962] : memref<160x125x64xbf16, #tpu.memory_space<hbm>> -> memref<1x125x64xbf16, #tpu.memory_space<hbm>>
      %dma_wait3A_964 = tpu.memref_squeeze %dma_wait3A_963 : memref<1x125x64xbf16, #tpu.memory_space<hbm>> -> memref<125x64xbf16, #tpu.memory_space<hbm>>
      %dma_wait3A_965 = arith.constant 0 : i32
      %dma_wait3A_966 = tpu.memref_slice %arg10[%add3A_947, %dma_wait3A_965] : memref<10000x64xbf16, #tpu.memory_space<vmem_shared>> -> memref<125x64xbf16, #tpu.memory_space<vmem_shared>>
      tpu.wait_dma2 semaphore(%run_scoped3A : memref<!tpu.dma_semaphore, #tpu.memory_space<semaphore_mem>>) src(%dma_wait3A_966 : memref<125x64xbf16, #tpu.memory_space<vmem_shared>>) dst(%dma_wait3A_964 : memref<125x64xbf16, #tpu.memory_space<hbm>>)
      tpu.yield
    }) : () -> ()
    return
  }
}

#map = affine_map<(d0, d1) -> (0, 0, 0)>
#map1 = affine_map<(d0, d1) -> (0)>
module attributes {stable_mosaic.version = 14 : i64} {
  func.func @_sc_degree(%arg0: i32, %arg1: i32, %arg2: memref<32x125x80xi32, #tpu.memory_space<hbm>>, %arg3: memref<20480xf32, #tpu.memory_space<hbm>>, %arg4: memref<125x80xi32, #tpu.memory_space<vmem>>, %arg5: memref<80xf32, #tpu.memory_space<vmem>>, %arg6: memref<640xf32, #tpu.memory_space<vmem>>, %arg7: memref<10240xf32, #tpu.memory_space<vmem_shared>>) attributes {dimension_semantics = [#tpu.dimension_semantics<core_parallel>, #tpu.dimension_semantics<subcore_parallel>], iteration_bounds = array<i64: 2, 16>, scalar_prefetch = 0 : i64, scratch_operands = 4 : i64, tpu.core_type = #tpu.core_type<sc_vector_subcore>, window_params = [{transform_indices = #map}, {transform_indices = #map1}]} {
    %mul3A = arith.constant 16 : i32
    %mul3A_0 = arith.muli %arg0, %mul3A : i32
    %add3A = arith.addi %mul3A_0, %arg1 : i32
    %broadcast_in_dim3A = arith.constant 1.000000e+00 : f32
    %broadcast_in_dim3A_1 = vector.broadcast %broadcast_in_dim3A : f32 to vector<16xf32>
    %swap3A = arith.constant 0 : index
    %swap3A_2 = tpu.vector_load %arg5[%swap3A] {strides = array<i32>} : memref<80xf32, #tpu.memory_space<vmem>>, vector<16xf32>,
    %swap3A_3 = vector.shape_cast %swap3A_2 : vector<16xf32> to vector<16xf32>
    %swap3A_4 = vector.shape_cast %broadcast_in_dim3A_1 : vector<16xf32> to vector<16xf32>
    tpu.vector_store %arg5[%swap3A], %swap3A_4 {strides = array<i32>} : memref<80xf32, #tpu.memory_space<vmem>>, vector<16xf32>,
    %broadcast_in_dim3A_5 = arith.constant 1.000000e+00 : f32
    %broadcast_in_dim3A_6 = vector.broadcast %broadcast_in_dim3A_5 : f32 to vector<16xf32>
    %swap3A_7 = arith.constant 16 : index
    %swap3A_8 = tpu.vector_load %arg5[%swap3A_7] {strides = array<i32>} : memref<80xf32, #tpu.memory_space<vmem>>, vector<16xf32>,
    %swap3A_9 = vector.shape_cast %swap3A_8 : vector<16xf32> to vector<16xf32>
    %swap3A_10 = vector.shape_cast %broadcast_in_dim3A_6 : vector<16xf32> to vector<16xf32>
    tpu.vector_store %arg5[%swap3A_7], %swap3A_10 {strides = array<i32>} : memref<80xf32, #tpu.memory_space<vmem>>, vector<16xf32>,
    %broadcast_in_dim3A_11 = arith.constant 1.000000e+00 : f32
    %broadcast_in_dim3A_12 = vector.broadcast %broadcast_in_dim3A_11 : f32 to vector<16xf32>
    %swap3A_13 = arith.constant 32 : index
    %swap3A_14 = tpu.vector_load %arg5[%swap3A_13] {strides = array<i32>} : memref<80xf32, #tpu.memory_space<vmem>>, vector<16xf32>,
    %swap3A_15 = vector.shape_cast %swap3A_14 : vector<16xf32> to vector<16xf32>
    %swap3A_16 = vector.shape_cast %broadcast_in_dim3A_12 : vector<16xf32> to vector<16xf32>
    tpu.vector_store %arg5[%swap3A_13], %swap3A_16 {strides = array<i32>} : memref<80xf32, #tpu.memory_space<vmem>>, vector<16xf32>,
    %broadcast_in_dim3A_17 = arith.constant 1.000000e+00 : f32
    %broadcast_in_dim3A_18 = vector.broadcast %broadcast_in_dim3A_17 : f32 to vector<16xf32>
    %swap3A_19 = arith.constant 48 : index
    %swap3A_20 = tpu.vector_load %arg5[%swap3A_19] {strides = array<i32>} : memref<80xf32, #tpu.memory_space<vmem>>, vector<16xf32>,
    %swap3A_21 = vector.shape_cast %swap3A_20 : vector<16xf32> to vector<16xf32>
    %swap3A_22 = vector.shape_cast %broadcast_in_dim3A_18 : vector<16xf32> to vector<16xf32>
    tpu.vector_store %arg5[%swap3A_19], %swap3A_22 {strides = array<i32>} : memref<80xf32, #tpu.memory_space<vmem>>, vector<16xf32>,
    %broadcast_in_dim3A_23 = arith.constant 1.000000e+00 : f32
    %broadcast_in_dim3A_24 = vector.broadcast %broadcast_in_dim3A_23 : f32 to vector<16xf32>
    %swap3A_25 = arith.constant 64 : index
    %swap3A_26 = tpu.vector_load %arg5[%swap3A_25] {strides = array<i32>} : memref<80xf32, #tpu.memory_space<vmem>>, vector<16xf32>,
    %swap3A_27 = vector.shape_cast %swap3A_26 : vector<16xf32> to vector<16xf32>
    %swap3A_28 = vector.shape_cast %broadcast_in_dim3A_24 : vector<16xf32> to vector<16xf32>
    tpu.vector_store %arg5[%swap3A_25], %swap3A_28 {strides = array<i32>} : memref<80xf32, #tpu.memory_space<vmem>>, vector<16xf32>,
    %broadcast_in_dim3A_29 = arith.constant 0.000000e+00 : f32
    %broadcast_in_dim3A_30 = vector.broadcast %broadcast_in_dim3A_29 : f32 to vector<16xf32>
    %swap3A_31 = arith.constant 0 : index
    %swap3A_32 = tpu.vector_load %arg6[%swap3A_31] {strides = array<i32>} : memref<640xf32, #tpu.memory_space<vmem>>, vector<16xf32>,
    %swap3A_33 = vector.shape_cast %swap3A_32 : vector<16xf32> to vector<16xf32>
    %swap3A_34 = vector.shape_cast %broadcast_in_dim3A_30 : vector<16xf32> to vector<16xf32>
    tpu.vector_store %arg6[%swap3A_31], %swap3A_34 {strides = array<i32>} : memref<640xf32, #tpu.memory_space<vmem>>, vector<16xf32>,
    %broadcast_in_dim3A_35 = arith.constant 0.000000e+00 : f32
    %broadcast_in_dim3A_36 = vector.broadcast %broadcast_in_dim3A_35 : f32 to vector<16xf32>
    %swap3A_37 = arith.constant 16 : index
    %swap3A_38 = tpu.vector_load %arg6[%swap3A_37] {strides = array<i32>} : memref<640xf32, #tpu.memory_space<vmem>>, vector<16xf32>,
    %swap3A_39 = vector.shape_cast %swap3A_38 : vector<16xf32> to vector<16xf32>
    %swap3A_40 = vector.shape_cast %broadcast_in_dim3A_36 : vector<16xf32> to vector<16xf32>
    tpu.vector_store %arg6[%swap3A_37], %swap3A_40 {strides = array<i32>} : memref<640xf32, #tpu.memory_space<vmem>>, vector<16xf32>,
    %broadcast_in_dim3A_41 = arith.constant 0.000000e+00 : f32
    %broadcast_in_dim3A_42 = vector.broadcast %broadcast_in_dim3A_41 : f32 to vector<16xf32>
    %swap3A_43 = arith.constant 32 : index
    %swap3A_44 = tpu.vector_load %arg6[%swap3A_43] {strides = array<i32>} : memref<640xf32, #tpu.memory_space<vmem>>, vector<16xf32>,
    %swap3A_45 = vector.shape_cast %swap3A_44 : vector<16xf32> to vector<16xf32>
    %swap3A_46 = vector.shape_cast %broadcast_in_dim3A_42 : vector<16xf32> to vector<16xf32>
    tpu.vector_store %arg6[%swap3A_43], %swap3A_46 {strides = array<i32>} : memref<640xf32, #tpu.memory_space<vmem>>, vector<16xf32>,
    %broadcast_in_dim3A_47 = arith.constant 0.000000e+00 : f32
    %broadcast_in_dim3A_48 = vector.broadcast %broadcast_in_dim3A_47 : f32 to vector<16xf32>
    %swap3A_49 = arith.constant 48 : index
    %swap3A_50 = tpu.vector_load %arg6[%swap3A_49] {strides = array<i32>} : memref<640xf32, #tpu.memory_space<vmem>>, vector<16xf32>,
    %swap3A_51 = vector.shape_cast %swap3A_50 : vector<16xf32> to vector<16xf32>
    %swap3A_52 = vector.shape_cast %broadcast_in_dim3A_48 : vector<16xf32> to vector<16xf32>
    tpu.vector_store %arg6[%swap3A_49], %swap3A_52 {strides = array<i32>} : memref<640xf32, #tpu.memory_space<vmem>>, vector<16xf32>,
    %broadcast_in_dim3A_53 = arith.constant 0.000000e+00 : f32
    %broadcast_in_dim3A_54 = vector.broadcast %broadcast_in_dim3A_53 : f32 to vector<16xf32>
    %swap3A_55 = arith.constant 64 : index
    %swap3A_56 = tpu.vector_load %arg6[%swap3A_55] {strides = array<i32>} : memref<640xf32, #tpu.memory_space<vmem>>, vector<16xf32>,
    %swap3A_57 = vector.shape_cast %swap3A_56 : vector<16xf32> to vector<16xf32>
    %swap3A_58 = vector.shape_cast %broadcast_in_dim3A_54 : vector<16xf32> to vector<16xf32>
    tpu.vector_store %arg6[%swap3A_55], %swap3A_58 {strides = array<i32>} : memref<640xf32, #tpu.memory_space<vmem>>, vector<16xf32>,
    %broadcast_in_dim3A_59 = arith.constant 0.000000e+00 : f32
    %broadcast_in_dim3A_60 = vector.broadcast %broadcast_in_dim3A_59 : f32 to vector<16xf32>
    %swap3A_61 = arith.constant 80 : index
    %swap3A_62 = tpu.vector_load %arg6[%swap3A_61] {strides = array<i32>} : memref<640xf32, #tpu.memory_space<vmem>>, vector<16xf32>,
    %swap3A_63 = vector.shape_cast %swap3A_62 : vector<16xf32> to vector<16xf32>
    %swap3A_64 = vector.shape_cast %broadcast_in_dim3A_60 : vector<16xf32> to vector<16xf32>
    tpu.vector_store %arg6[%swap3A_61], %swap3A_64 {strides = array<i32>} : memref<640xf32, #tpu.memory_space<vmem>>, vector<16xf32>,
    %broadcast_in_dim3A_65 = arith.constant 0.000000e+00 : f32
    %broadcast_in_dim3A_66 = vector.broadcast %broadcast_in_dim3A_65 : f32 to vector<16xf32>
    %swap3A_67 = arith.constant 96 : index
    %swap3A_68 = tpu.vector_load %arg6[%swap3A_67] {strides = array<i32>} : memref<640xf32, #tpu.memory_space<vmem>>, vector<16xf32>,
    %swap3A_69 = vector.shape_cast %swap3A_68 : vector<16xf32> to vector<16xf32>
    %swap3A_70 = vector.shape_cast %broadcast_in_dim3A_66 : vector<16xf32> to vector<16xf32>
    tpu.vector_store %arg6[%swap3A_67], %swap3A_70 {strides = array<i32>} : memref<640xf32, #tpu.memory_space<vmem>>, vector<16xf32>,
    %broadcast_in_dim3A_71 = arith.constant 0.000000e+00 : f32
    %broadcast_in_dim3A_72 = vector.broadcast %broadcast_in_dim3A_71 : f32 to vector<16xf32>
    %swap3A_73 = arith.constant 112 : index
    %swap3A_74 = tpu.vector_load %arg6[%swap3A_73] {strides = array<i32>} : memref<640xf32, #tpu.memory_space<vmem>>, vector<16xf32>,
    %swap3A_75 = vector.shape_cast %swap3A_74 : vector<16xf32> to vector<16xf32>
    %swap3A_76 = vector.shape_cast %broadcast_in_dim3A_72 : vector<16xf32> to vector<16xf32>
    tpu.vector_store %arg6[%swap3A_73], %swap3A_76 {strides = array<i32>} : memref<640xf32, #tpu.memory_space<vmem>>, vector<16xf32>,
    %broadcast_in_dim3A_77 = arith.constant 0.000000e+00 : f32
    %broadcast_in_dim3A_78 = vector.broadcast %broadcast_in_dim3A_77 : f32 to vector<16xf32>
    %swap3A_79 = arith.constant 128 : index
    %swap3A_80 = tpu.vector_load %arg6[%swap3A_79] {strides = array<i32>} : memref<640xf32, #tpu.memory_space<vmem>>, vector<16xf32>,
    %swap3A_81 = vector.shape_cast %swap3A_80 : vector<16xf32> to vector<16xf32>
    %swap3A_82 = vector.shape_cast %broadcast_in_dim3A_78 : vector<16xf32> to vector<16xf32>
    tpu.vector_store %arg6[%swap3A_79], %swap3A_82 {strides = array<i32>} : memref<640xf32, #tpu.memory_space<vmem>>, vector<16xf32>,
    %broadcast_in_dim3A_83 = arith.constant 0.000000e+00 : f32
    %broadcast_in_dim3A_84 = vector.broadcast %broadcast_in_dim3A_83 : f32 to vector<16xf32>
    %swap3A_85 = arith.constant 144 : index
    %swap3A_86 = tpu.vector_load %arg6[%swap3A_85] {strides = array<i32>} : memref<640xf32, #tpu.memory_space<vmem>>, vector<16xf32>,
    %swap3A_87 = vector.shape_cast %swap3A_86 : vector<16xf32> to vector<16xf32>
    %swap3A_88 = vector.shape_cast %broadcast_in_dim3A_84 : vector<16xf32> to vector<16xf32>
    tpu.vector_store %arg6[%swap3A_85], %swap3A_88 {strides = array<i32>} : memref<640xf32, #tpu.memory_space<vmem>>, vector<16xf32>,
    %broadcast_in_dim3A_89 = arith.constant 0.000000e+00 : f32
    %broadcast_in_dim3A_90 = vector.broadcast %broadcast_in_dim3A_89 : f32 to vector<16xf32>
    %swap3A_91 = arith.constant 160 : index
    %swap3A_92 = tpu.vector_load %arg6[%swap3A_91] {strides = array<i32>} : memref<640xf32, #tpu.memory_space<vmem>>, vector<16xf32>,
    %swap3A_93 = vector.shape_cast %swap3A_92 : vector<16xf32> to vector<16xf32>
    %swap3A_94 = vector.shape_cast %broadcast_in_dim3A_90 : vector<16xf32> to vector<16xf32>
    tpu.vector_store %arg6[%swap3A_91], %swap3A_94 {strides = array<i32>} : memref<640xf32, #tpu.memory_space<vmem>>, vector<16xf32>,
    %broadcast_in_dim3A_95 = arith.constant 0.000000e+00 : f32
    %broadcast_in_dim3A_96 = vector.broadcast %broadcast_in_dim3A_95 : f32 to vector<16xf32>
    %swap3A_97 = arith.constant 176 : index
    %swap3A_98 = tpu.vector_load %arg6[%swap3A_97] {strides = array<i32>} : memref<640xf32, #tpu.memory_space<vmem>>, vector<16xf32>,
    %swap3A_99 = vector.shape_cast %swap3A_98 : vector<16xf32> to vector<16xf32>
    %swap3A_100 = vector.shape_cast %broadcast_in_dim3A_96 : vector<16xf32> to vector<16xf32>
    tpu.vector_store %arg6[%swap3A_97], %swap3A_100 {strides = array<i32>} : memref<640xf32, #tpu.memory_space<vmem>>, vector<16xf32>,
    %broadcast_in_dim3A_101 = arith.constant 0.000000e+00 : f32
    %broadcast_in_dim3A_102 = vector.broadcast %broadcast_in_dim3A_101 : f32 to vector<16xf32>
    %swap3A_103 = arith.constant 192 : index
    %swap3A_104 = tpu.vector_load %arg6[%swap3A_103] {strides = array<i32>} : memref<640xf32, #tpu.memory_space<vmem>>, vector<16xf32>,
    %swap3A_105 = vector.shape_cast %swap3A_104 : vector<16xf32> to vector<16xf32>
    %swap3A_106 = vector.shape_cast %broadcast_in_dim3A_102 : vector<16xf32> to vector<16xf32>
    tpu.vector_store %arg6[%swap3A_103], %swap3A_106 {strides = array<i32>} : memref<640xf32, #tpu.memory_space<vmem>>, vector<16xf32>,
    %broadcast_in_dim3A_107 = arith.constant 0.000000e+00 : f32
    %broadcast_in_dim3A_108 = vector.broadcast %broadcast_in_dim3A_107 : f32 to vector<16xf32>
    %swap3A_109 = arith.constant 208 : index
    %swap3A_110 = tpu.vector_load %arg6[%swap3A_109] {strides = array<i32>} : memref<640xf32, #tpu.memory_space<vmem>>, vector<16xf32>,
    %swap3A_111 = vector.shape_cast %swap3A_110 : vector<16xf32> to vector<16xf32>
    %swap3A_112 = vector.shape_cast %broadcast_in_dim3A_108 : vector<16xf32> to vector<16xf32>
    tpu.vector_store %arg6[%swap3A_109], %swap3A_112 {strides = array<i32>} : memref<640xf32, #tpu.memory_space<vmem>>, vector<16xf32>,
    %broadcast_in_dim3A_113 = arith.constant 0.000000e+00 : f32
    %broadcast_in_dim3A_114 = vector.broadcast %broadcast_in_dim3A_113 : f32 to vector<16xf32>
    %swap3A_115 = arith.constant 224 : index
    %swap3A_116 = tpu.vector_load %arg6[%swap3A_115] {strides = array<i32>} : memref<640xf32, #tpu.memory_space<vmem>>, vector<16xf32>,
    %swap3A_117 = vector.shape_cast %swap3A_116 : vector<16xf32> to vector<16xf32>
    %swap3A_118 = vector.shape_cast %broadcast_in_dim3A_114 : vector<16xf32> to vector<16xf32>
    tpu.vector_store %arg6[%swap3A_115], %swap3A_118 {strides = array<i32>} : memref<640xf32, #tpu.memory_space<vmem>>, vector<16xf32>,
    %broadcast_in_dim3A_119 = arith.constant 0.000000e+00 : f32
    %broadcast_in_dim3A_120 = vector.broadcast %broadcast_in_dim3A_119 : f32 to vector<16xf32>
    %swap3A_121 = arith.constant 240 : index
    %swap3A_122 = tpu.vector_load %arg6[%swap3A_121] {strides = array<i32>} : memref<640xf32, #tpu.memory_space<vmem>>, vector<16xf32>,
    %swap3A_123 = vector.shape_cast %swap3A_122 : vector<16xf32> to vector<16xf32>
    %swap3A_124 = vector.shape_cast %broadcast_in_dim3A_120 : vector<16xf32> to vector<16xf32>
    tpu.vector_store %arg6[%swap3A_121], %swap3A_124 {strides = array<i32>} : memref<640xf32, #tpu.memory_space<vmem>>, vector<16xf32>,
    %broadcast_in_dim3A_125 = arith.constant 0.000000e+00 : f32
    %broadcast_in_dim3A_126 = vector.broadcast %broadcast_in_dim3A_125 : f32 to vector<16xf32>
    %swap3A_127 = arith.constant 256 : index
    %swap3A_128 = tpu.vector_load %arg6[%swap3A_127] {strides = array<i32>} : memref<640xf32, #tpu.memory_space<vmem>>, vector<16xf32>,
    %swap3A_129 = vector.shape_cast %swap3A_128 : vector<16xf32> to vector<16xf32>
    %swap3A_130 = vector.shape_cast %broadcast_in_dim3A_126 : vector<16xf32> to vector<16xf32>
    tpu.vector_store %arg6[%swap3A_127], %swap3A_130 {strides = array<i32>} : memref<640xf32, #tpu.memory_space<vmem>>, vector<16xf32>,
    %broadcast_in_dim3A_131 = arith.constant 0.000000e+00 : f32
    %broadcast_in_dim3A_132 = vector.broadcast %broadcast_in_dim3A_131 : f32 to vector<16xf32>
    %swap3A_133 = arith.constant 272 : index
    %swap3A_134 = tpu.vector_load %arg6[%swap3A_133] {strides = array<i32>} : memref<640xf32, #tpu.memory_space<vmem>>, vector<16xf32>,
    %swap3A_135 = vector.shape_cast %swap3A_134 : vector<16xf32> to vector<16xf32>
    %swap3A_136 = vector.shape_cast %broadcast_in_dim3A_132 : vector<16xf32> to vector<16xf32>
    tpu.vector_store %arg6[%swap3A_133], %swap3A_136 {strides = array<i32>} : memref<640xf32, #tpu.memory_space<vmem>>, vector<16xf32>,
    %broadcast_in_dim3A_137 = arith.constant 0.000000e+00 : f32
    %broadcast_in_dim3A_138 = vector.broadcast %broadcast_in_dim3A_137 : f32 to vector<16xf32>
    %swap3A_139 = arith.constant 288 : index
    %swap3A_140 = tpu.vector_load %arg6[%swap3A_139] {strides = array<i32>} : memref<640xf32, #tpu.memory_space<vmem>>, vector<16xf32>,
    %swap3A_141 = vector.shape_cast %swap3A_140 : vector<16xf32> to vector<16xf32>
    %swap3A_142 = vector.shape_cast %broadcast_in_dim3A_138 : vector<16xf32> to vector<16xf32>
    tpu.vector_store %arg6[%swap3A_139], %swap3A_142 {strides = array<i32>} : memref<640xf32, #tpu.memory_space<vmem>>, vector<16xf32>,
    %broadcast_in_dim3A_143 = arith.constant 0.000000e+00 : f32
    %broadcast_in_dim3A_144 = vector.broadcast %broadcast_in_dim3A_143 : f32 to vector<16xf32>
    %swap3A_145 = arith.constant 304 : index
    %swap3A_146 = tpu.vector_load %arg6[%swap3A_145] {strides = array<i32>} : memref<640xf32, #tpu.memory_space<vmem>>, vector<16xf32>,
    %swap3A_147 = vector.shape_cast %swap3A_146 : vector<16xf32> to vector<16xf32>
    %swap3A_148 = vector.shape_cast %broadcast_in_dim3A_144 : vector<16xf32> to vector<16xf32>
    tpu.vector_store %arg6[%swap3A_145], %swap3A_148 {strides = array<i32>} : memref<640xf32, #tpu.memory_space<vmem>>, vector<16xf32>,
    %broadcast_in_dim3A_149 = arith.constant 0.000000e+00 : f32
    %broadcast_in_dim3A_150 = vector.broadcast %broadcast_in_dim3A_149 : f32 to vector<16xf32>
    %swap3A_151 = arith.constant 320 : index
    %swap3A_152 = tpu.vector_load %arg6[%swap3A_151] {strides = array<i32>} : memref<640xf32, #tpu.memory_space<vmem>>, vector<16xf32>,
    %swap3A_153 = vector.shape_cast %swap3A_152 : vector<16xf32> to vector<16xf32>
    %swap3A_154 = vector.shape_cast %broadcast_in_dim3A_150 : vector<16xf32> to vector<16xf32>
    tpu.vector_store %arg6[%swap3A_151], %swap3A_154 {strides = array<i32>} : memref<640xf32, #tpu.memory_space<vmem>>, vector<16xf32>,
    %broadcast_in_dim3A_155 = arith.constant 0.000000e+00 : f32
    %broadcast_in_dim3A_156 = vector.broadcast %broadcast_in_dim3A_155 : f32 to vector<16xf32>
    %swap3A_157 = arith.constant 336 : index
    %swap3A_158 = tpu.vector_load %arg6[%swap3A_157] {strides = array<i32>} : memref<640xf32, #tpu.memory_space<vmem>>, vector<16xf32>,
    %swap3A_159 = vector.shape_cast %swap3A_158 : vector<16xf32> to vector<16xf32>
    %swap3A_160 = vector.shape_cast %broadcast_in_dim3A_156 : vector<16xf32> to vector<16xf32>
    tpu.vector_store %arg6[%swap3A_157], %swap3A_160 {strides = array<i32>} : memref<640xf32, #tpu.memory_space<vmem>>, vector<16xf32>,
    %broadcast_in_dim3A_161 = arith.constant 0.000000e+00 : f32
    %broadcast_in_dim3A_162 = vector.broadcast %broadcast_in_dim3A_161 : f32 to vector<16xf32>
    %swap3A_163 = arith.constant 352 : index
    %swap3A_164 = tpu.vector_load %arg6[%swap3A_163] {strides = array<i32>} : memref<640xf32, #tpu.memory_space<vmem>>, vector<16xf32>,
    %swap3A_165 = vector.shape_cast %swap3A_164 : vector<16xf32> to vector<16xf32>
    %swap3A_166 = vector.shape_cast %broadcast_in_dim3A_162 : vector<16xf32> to vector<16xf32>
    tpu.vector_store %arg6[%swap3A_163], %swap3A_166 {strides = array<i32>} : memref<640xf32, #tpu.memory_space<vmem>>, vector<16xf32>,
    %broadcast_in_dim3A_167 = arith.constant 0.000000e+00 : f32
    %broadcast_in_dim3A_168 = vector.broadcast %broadcast_in_dim3A_167 : f32 to vector<16xf32>
    %swap3A_169 = arith.constant 368 : index
    %swap3A_170 = tpu.vector_load %arg6[%swap3A_169] {strides = array<i32>} : memref<640xf32, #tpu.memory_space<vmem>>, vector<16xf32>,
    %swap3A_171 = vector.shape_cast %swap3A_170 : vector<16xf32> to vector<16xf32>
    %swap3A_172 = vector.shape_cast %broadcast_in_dim3A_168 : vector<16xf32> to vector<16xf32>
    tpu.vector_store %arg6[%swap3A_169], %swap3A_172 {strides = array<i32>} : memref<640xf32, #tpu.memory_space<vmem>>, vector<16xf32>,
    %broadcast_in_dim3A_173 = arith.constant 0.000000e+00 : f32
    %broadcast_in_dim3A_174 = vector.broadcast %broadcast_in_dim3A_173 : f32 to vector<16xf32>
    %swap3A_175 = arith.constant 384 : index
    %swap3A_176 = tpu.vector_load %arg6[%swap3A_175] {strides = array<i32>} : memref<640xf32, #tpu.memory_space<vmem>>, vector<16xf32>,
    %swap3A_177 = vector.shape_cast %swap3A_176 : vector<16xf32> to vector<16xf32>
    %swap3A_178 = vector.shape_cast %broadcast_in_dim3A_174 : vector<16xf32> to vector<16xf32>
    tpu.vector_store %arg6[%swap3A_175], %swap3A_178 {strides = array<i32>} : memref<640xf32, #tpu.memory_space<vmem>>, vector<16xf32>,
    %broadcast_in_dim3A_179 = arith.constant 0.000000e+00 : f32
    %broadcast_in_dim3A_180 = vector.broadcast %broadcast_in_dim3A_179 : f32 to vector<16xf32>
    %swap3A_181 = arith.constant 400 : index
    %swap3A_182 = tpu.vector_load %arg6[%swap3A_181] {strides = array<i32>} : memref<640xf32, #tpu.memory_space<vmem>>, vector<16xf32>,
    %swap3A_183 = vector.shape_cast %swap3A_182 : vector<16xf32> to vector<16xf32>
    %swap3A_184 = vector.shape_cast %broadcast_in_dim3A_180 : vector<16xf32> to vector<16xf32>
    tpu.vector_store %arg6[%swap3A_181], %swap3A_184 {strides = array<i32>} : memref<640xf32, #tpu.memory_space<vmem>>, vector<16xf32>,
    %broadcast_in_dim3A_185 = arith.constant 0.000000e+00 : f32
    %broadcast_in_dim3A_186 = vector.broadcast %broadcast_in_dim3A_185 : f32 to vector<16xf32>
    %swap3A_187 = arith.constant 416 : index
    %swap3A_188 = tpu.vector_load %arg6[%swap3A_187] {strides = array<i32>} : memref<640xf32, #tpu.memory_space<vmem>>, vector<16xf32>,
    %swap3A_189 = vector.shape_cast %swap3A_188 : vector<16xf32> to vector<16xf32>
    %swap3A_190 = vector.shape_cast %broadcast_in_dim3A_186 : vector<16xf32> to vector<16xf32>
    tpu.vector_store %arg6[%swap3A_187], %swap3A_190 {strides = array<i32>} : memref<640xf32, #tpu.memory_space<vmem>>, vector<16xf32>,
    %broadcast_in_dim3A_191 = arith.constant 0.000000e+00 : f32
    %broadcast_in_dim3A_192 = vector.broadcast %broadcast_in_dim3A_191 : f32 to vector<16xf32>
    %swap3A_193 = arith.constant 432 : index
    %swap3A_194 = tpu.vector_load %arg6[%swap3A_193] {strides = array<i32>} : memref<640xf32, #tpu.memory_space<vmem>>, vector<16xf32>,
    %swap3A_195 = vector.shape_cast %swap3A_194 : vector<16xf32> to vector<16xf32>
    %swap3A_196 = vector.shape_cast %broadcast_in_dim3A_192 : vector<16xf32> to vector<16xf32>
    tpu.vector_store %arg6[%swap3A_193], %swap3A_196 {strides = array<i32>} : memref<640xf32, #tpu.memory_space<vmem>>, vector<16xf32>,
    %broadcast_in_dim3A_197 = arith.constant 0.000000e+00 : f32
    %broadcast_in_dim3A_198 = vector.broadcast %broadcast_in_dim3A_197 : f32 to vector<16xf32>
    %swap3A_199 = arith.constant 448 : index
    %swap3A_200 = tpu.vector_load %arg6[%swap3A_199] {strides = array<i32>} : memref<640xf32, #tpu.memory_space<vmem>>, vector<16xf32>,
    %swap3A_201 = vector.shape_cast %swap3A_200 : vector<16xf32> to vector<16xf32>
    %swap3A_202 = vector.shape_cast %broadcast_in_dim3A_198 : vector<16xf32> to vector<16xf32>
    tpu.vector_store %arg6[%swap3A_199], %swap3A_202 {strides = array<i32>} : memref<640xf32, #tpu.memory_space<vmem>>, vector<16xf32>,
    %broadcast_in_dim3A_203 = arith.constant 0.000000e+00 : f32
    %broadcast_in_dim3A_204 = vector.broadcast %broadcast_in_dim3A_203 : f32 to vector<16xf32>
    %swap3A_205 = arith.constant 464 : index
    %swap3A_206 = tpu.vector_load %arg6[%swap3A_205] {strides = array<i32>} : memref<640xf32, #tpu.memory_space<vmem>>, vector<16xf32>,
    %swap3A_207 = vector.shape_cast %swap3A_206 : vector<16xf32> to vector<16xf32>
    %swap3A_208 = vector.shape_cast %broadcast_in_dim3A_204 : vector<16xf32> to vector<16xf32>
    tpu.vector_store %arg6[%swap3A_205], %swap3A_208 {strides = array<i32>} : memref<640xf32, #tpu.memory_space<vmem>>, vector<16xf32>,
    %broadcast_in_dim3A_209 = arith.constant 0.000000e+00 : f32
    %broadcast_in_dim3A_210 = vector.broadcast %broadcast_in_dim3A_209 : f32 to vector<16xf32>
    %swap3A_211 = arith.constant 480 : index
    %swap3A_212 = tpu.vector_load %arg6[%swap3A_211] {strides = array<i32>} : memref<640xf32, #tpu.memory_space<vmem>>, vector<16xf32>,
    %swap3A_213 = vector.shape_cast %swap3A_212 : vector<16xf32> to vector<16xf32>
    %swap3A_214 = vector.shape_cast %broadcast_in_dim3A_210 : vector<16xf32> to vector<16xf32>
    tpu.vector_store %arg6[%swap3A_211], %swap3A_214 {strides = array<i32>} : memref<640xf32, #tpu.memory_space<vmem>>, vector<16xf32>,
    %broadcast_in_dim3A_215 = arith.constant 0.000000e+00 : f32
    %broadcast_in_dim3A_216 = vector.broadcast %broadcast_in_dim3A_215 : f32 to vector<16xf32>
    %swap3A_217 = arith.constant 496 : index
    %swap3A_218 = tpu.vector_load %arg6[%swap3A_217] {strides = array<i32>} : memref<640xf32, #tpu.memory_space<vmem>>, vector<16xf32>,
    %swap3A_219 = vector.shape_cast %swap3A_218 : vector<16xf32> to vector<16xf32>
    %swap3A_220 = vector.shape_cast %broadcast_in_dim3A_216 : vector<16xf32> to vector<16xf32>
    tpu.vector_store %arg6[%swap3A_217], %swap3A_220 {strides = array<i32>} : memref<640xf32, #tpu.memory_space<vmem>>, vector<16xf32>,
    %broadcast_in_dim3A_221 = arith.constant 0.000000e+00 : f32
    %broadcast_in_dim3A_222 = vector.broadcast %broadcast_in_dim3A_221 : f32 to vector<16xf32>
    %swap3A_223 = arith.constant 512 : index
    %swap3A_224 = tpu.vector_load %arg6[%swap3A_223] {strides = array<i32>} : memref<640xf32, #tpu.memory_space<vmem>>, vector<16xf32>,
    %swap3A_225 = vector.shape_cast %swap3A_224 : vector<16xf32> to vector<16xf32>
    %swap3A_226 = vector.shape_cast %broadcast_in_dim3A_222 : vector<16xf32> to vector<16xf32>
    tpu.vector_store %arg6[%swap3A_223], %swap3A_226 {strides = array<i32>} : memref<640xf32, #tpu.memory_space<vmem>>, vector<16xf32>,
    %broadcast_in_dim3A_227 = arith.constant 0.000000e+00 : f32
    %broadcast_in_dim3A_228 = vector.broadcast %broadcast_in_dim3A_227 : f32 to vector<16xf32>
    %swap3A_229 = arith.constant 528 : index
    %swap3A_230 = tpu.vector_load %arg6[%swap3A_229] {strides = array<i32>} : memref<640xf32, #tpu.memory_space<vmem>>, vector<16xf32>,
    %swap3A_231 = vector.shape_cast %swap3A_230 : vector<16xf32> to vector<16xf32>
    %swap3A_232 = vector.shape_cast %broadcast_in_dim3A_228 : vector<16xf32> to vector<16xf32>
    tpu.vector_store %arg6[%swap3A_229], %swap3A_232 {strides = array<i32>} : memref<640xf32, #tpu.memory_space<vmem>>, vector<16xf32>,
    %broadcast_in_dim3A_233 = arith.constant 0.000000e+00 : f32
    %broadcast_in_dim3A_234 = vector.broadcast %broadcast_in_dim3A_233 : f32 to vector<16xf32>
    %swap3A_235 = arith.constant 544 : index
    %swap3A_236 = tpu.vector_load %arg6[%swap3A_235] {strides = array<i32>} : memref<640xf32, #tpu.memory_space<vmem>>, vector<16xf32>,
    %swap3A_237 = vector.shape_cast %swap3A_236 : vector<16xf32> to vector<16xf32>
    %swap3A_238 = vector.shape_cast %broadcast_in_dim3A_234 : vector<16xf32> to vector<16xf32>
    tpu.vector_store %arg6[%swap3A_235], %swap3A_238 {strides = array<i32>} : memref<640xf32, #tpu.memory_space<vmem>>, vector<16xf32>,
    %broadcast_in_dim3A_239 = arith.constant 0.000000e+00 : f32
    %broadcast_in_dim3A_240 = vector.broadcast %broadcast_in_dim3A_239 : f32 to vector<16xf32>
    %swap3A_241 = arith.constant 560 : index
    %swap3A_242 = tpu.vector_load %arg6[%swap3A_241] {strides = array<i32>} : memref<640xf32, #tpu.memory_space<vmem>>, vector<16xf32>,
    %swap3A_243 = vector.shape_cast %swap3A_242 : vector<16xf32> to vector<16xf32>
    %swap3A_244 = vector.shape_cast %broadcast_in_dim3A_240 : vector<16xf32> to vector<16xf32>
    tpu.vector_store %arg6[%swap3A_241], %swap3A_244 {strides = array<i32>} : memref<640xf32, #tpu.memory_space<vmem>>, vector<16xf32>,
    %broadcast_in_dim3A_245 = arith.constant 0.000000e+00 : f32
    %broadcast_in_dim3A_246 = vector.broadcast %broadcast_in_dim3A_245 : f32 to vector<16xf32>
    %swap3A_247 = arith.constant 576 : index
    %swap3A_248 = tpu.vector_load %arg6[%swap3A_247] {strides = array<i32>} : memref<640xf32, #tpu.memory_space<vmem>>, vector<16xf32>,
    %swap3A_249 = vector.shape_cast %swap3A_248 : vector<16xf32> to vector<16xf32>
    %swap3A_250 = vector.shape_cast %broadcast_in_dim3A_246 : vector<16xf32> to vector<16xf32>
    tpu.vector_store %arg6[%swap3A_247], %swap3A_250 {strides = array<i32>} : memref<640xf32, #tpu.memory_space<vmem>>, vector<16xf32>,
    %broadcast_in_dim3A_251 = arith.constant 0.000000e+00 : f32
    %broadcast_in_dim3A_252 = vector.broadcast %broadcast_in_dim3A_251 : f32 to vector<16xf32>
    %swap3A_253 = arith.constant 592 : index
    %swap3A_254 = tpu.vector_load %arg6[%swap3A_253] {strides = array<i32>} : memref<640xf32, #tpu.memory_space<vmem>>, vector<16xf32>,
    %swap3A_255 = vector.shape_cast %swap3A_254 : vector<16xf32> to vector<16xf32>
    %swap3A_256 = vector.shape_cast %broadcast_in_dim3A_252 : vector<16xf32> to vector<16xf32>
    tpu.vector_store %arg6[%swap3A_253], %swap3A_256 {strides = array<i32>} : memref<640xf32, #tpu.memory_space<vmem>>, vector<16xf32>,
    %broadcast_in_dim3A_257 = arith.constant 0.000000e+00 : f32
    %broadcast_in_dim3A_258 = vector.broadcast %broadcast_in_dim3A_257 : f32 to vector<16xf32>
    %swap3A_259 = arith.constant 608 : index
    %swap3A_260 = tpu.vector_load %arg6[%swap3A_259] {strides = array<i32>} : memref<640xf32, #tpu.memory_space<vmem>>, vector<16xf32>,
    %swap3A_261 = vector.shape_cast %swap3A_260 : vector<16xf32> to vector<16xf32>
    %swap3A_262 = vector.shape_cast %broadcast_in_dim3A_258 : vector<16xf32> to vector<16xf32>
    tpu.vector_store %arg6[%swap3A_259], %swap3A_262 {strides = array<i32>} : memref<640xf32, #tpu.memory_space<vmem>>, vector<16xf32>,
    %broadcast_in_dim3A_263 = arith.constant 0.000000e+00 : f32
    %broadcast_in_dim3A_264 = vector.broadcast %broadcast_in_dim3A_263 : f32 to vector<16xf32>
    %swap3A_265 = arith.constant 624 : index
    %swap3A_266 = tpu.vector_load %arg6[%swap3A_265] {strides = array<i32>} : memref<640xf32, #tpu.memory_space<vmem>>, vector<16xf32>,
    %swap3A_267 = vector.shape_cast %swap3A_266 : vector<16xf32> to vector<16xf32>
    %swap3A_268 = vector.shape_cast %broadcast_in_dim3A_264 : vector<16xf32> to vector<16xf32>
    tpu.vector_store %arg6[%swap3A_265], %swap3A_268 {strides = array<i32>} : memref<640xf32, #tpu.memory_space<vmem>>, vector<16xf32>,
    %mul3A_269 = arith.constant 640 : i32
    %mul3A_270 = arith.muli %arg1, %mul3A_269 : i32
    "tpu.region"() ({
      %run_scoped3A = tpu.sem_alloc : memref<!tpu.dma_semaphore, #tpu.memory_space<semaphore_mem>>
      %dma_start3A = tpu.memref_slice %arg7[%mul3A_270] : memref<10240xf32, #tpu.memory_space<vmem_shared>> -> memref<640xf32, #tpu.memory_space<vmem_shared>>
      %dma_start3A_284 = tpu.memref_slice %arg7[%mul3A_270] : memref<10240xf32, #tpu.memory_space<vmem_shared>> -> memref<640xf32, #tpu.memory_space<vmem_shared>>
      tpu.enqueue_dma source(%arg6 : memref<640xf32, #tpu.memory_space<vmem>>) target(%dma_start3A_284 : memref<640xf32, #tpu.memory_space<vmem_shared>>) target_semaphore(%run_scoped3A : memref<!tpu.dma_semaphore, #tpu.memory_space<semaphore_mem>>)
      %dma_wait3A = tpu.memref_slice %arg7[%mul3A_270] : memref<10240xf32, #tpu.memory_space<vmem_shared>> -> memref<640xf32, #tpu.memory_space<vmem_shared>>
      %dma_wait3A_285 = tpu.memref_slice %arg7[%mul3A_270] : memref<10240xf32, #tpu.memory_space<vmem_shared>> -> memref<640xf32, #tpu.memory_space<vmem_shared>>
      tpu.wait_dma2 semaphore(%run_scoped3A : memref<!tpu.dma_semaphore, #tpu.memory_space<semaphore_mem>>) src(%arg6 : memref<640xf32, #tpu.memory_space<vmem>>) dst(%dma_wait3A_285 : memref<640xf32, #tpu.memory_space<vmem_shared>>)
      tpu.yield
    }) : () -> ()
    %barrier3A = arith.constant 0 : index
    tpu.barrier barrier_id(%barrier3A)
    "tpu.region"() ({
      %run_scoped3A = tpu.sem_alloc : memref<!tpu.dma_semaphore, #tpu.memory_space<semaphore_mem>>
      %dma_start3A = arith.constant 0 : i32
      %dma_start3A_284 = arith.constant 0 : i32
      %dma_start3A_285 = tpu.memref_slice %arg2[%add3A, %dma_start3A, %dma_start3A_284] : memref<32x125x80xi32, #tpu.memory_space<hbm>> -> memref<1x125x80xi32, #tpu.memory_space<hbm>>
      %dma_start3A_286 = tpu.memref_squeeze %dma_start3A_285 : memref<1x125x80xi32, #tpu.memory_space<hbm>> -> memref<125x80xi32, #tpu.memory_space<hbm>>
      %dma_start3A_287 = arith.constant 0 : i32
      %dma_start3A_288 = arith.constant 0 : i32
      %dma_start3A_289 = tpu.memref_slice %arg2[%add3A, %dma_start3A_287, %dma_start3A_288] : memref<32x125x80xi32, #tpu.memory_space<hbm>> -> memref<1x125x80xi32, #tpu.memory_space<hbm>>
      %dma_start3A_290 = tpu.memref_squeeze %dma_start3A_289 : memref<1x125x80xi32, #tpu.memory_space<hbm>> -> memref<125x80xi32, #tpu.memory_space<hbm>>
      tpu.enqueue_dma source(%dma_start3A_290 : memref<125x80xi32, #tpu.memory_space<hbm>>) target(%arg4 : memref<125x80xi32, #tpu.memory_space<vmem>>) target_semaphore(%run_scoped3A : memref<!tpu.dma_semaphore, #tpu.memory_space<semaphore_mem>>)
      %dma_wait3A = arith.constant 0 : i32
      %dma_wait3A_291 = arith.constant 0 : i32
      %dma_wait3A_292 = tpu.memref_slice %arg2[%add3A, %dma_wait3A, %dma_wait3A_291] : memref<32x125x80xi32, #tpu.memory_space<hbm>> -> memref<1x125x80xi32, #tpu.memory_space<hbm>>
      %dma_wait3A_293 = tpu.memref_squeeze %dma_wait3A_292 : memref<1x125x80xi32, #tpu.memory_space<hbm>> -> memref<125x80xi32, #tpu.memory_space<hbm>>
      %dma_wait3A_294 = arith.constant 0 : i32
      %dma_wait3A_295 = arith.constant 0 : i32
      %dma_wait3A_296 = tpu.memref_slice %arg2[%add3A, %dma_wait3A_294, %dma_wait3A_295] : memref<32x125x80xi32, #tpu.memory_space<hbm>> -> memref<1x125x80xi32, #tpu.memory_space<hbm>>
      %dma_wait3A_297 = tpu.memref_squeeze %dma_wait3A_296 : memref<1x125x80xi32, #tpu.memory_space<hbm>> -> memref<125x80xi32, #tpu.memory_space<hbm>>
      tpu.wait_dma2 semaphore(%run_scoped3A : memref<!tpu.dma_semaphore, #tpu.memory_space<semaphore_mem>>) src(%dma_wait3A_297 : memref<125x80xi32, #tpu.memory_space<hbm>>) dst(%arg4 : memref<125x80xi32, #tpu.memory_space<vmem>>)
      tpu.yield
    }) : () -> ()
    %scan3A = arith.constant 0 : i32
    %scan3A_271 = arith.constant 0 : i32
    %scan3A_272 = arith.constant 125 : i32
    %scan3A_273 = arith.addi %scan3A_271, %scan3A_272 : i32
    %scan3A_274 = arith.constant 1 : i32
    scf.for %scan3A_284 = %scan3A_271 to %scan3A_273 step %scan3A_274  : i32 {
      "tpu.region"() ({
        %run_scoped3A = tpu.sem_alloc : memref<!tpu.dma_semaphore, #tpu.memory_space<semaphore_mem>>
        %dma_start3A = arith.constant 0 : i32
        %dma_start3A_285 = tpu.memref_slice %arg4[%scan3A_284, %dma_start3A] : memref<125x80xi32, #tpu.memory_space<vmem>> -> memref<1x80xi32, #tpu.memory_space<vmem>>
        %dma_start3A_286 = tpu.memref_squeeze %dma_start3A_285 : memref<1x80xi32, #tpu.memory_space<vmem>> -> memref<80xi32, #tpu.memory_space<vmem>>
        %dma_start3A_287 = arith.constant 0 : i32
        %dma_start3A_288 = tpu.memref_slice %arg7[%dma_start3A_287] : memref<10240xf32, #tpu.memory_space<vmem_shared>> -> memref<10240xf32, #tpu.memory_space<vmem_shared>>
        tpu.enqueue_indirect_dma source(%arg5 : memref<80xf32, #tpu.memory_space<vmem>>) target(%dma_start3A_288 : memref<10240xf32, #tpu.memory_space<vmem_shared>>) offsets(%dma_start3A_286 : memref<80xi32, #tpu.memory_space<vmem>>) semaphore(%run_scoped3A : memref<!tpu.dma_semaphore, #tpu.memory_space<semaphore_mem>>) {add = true}
        %dma_wait3A = arith.constant 0 : i32
        %dma_wait3A_289 = tpu.memref_slice %arg4[%scan3A_284, %dma_wait3A] : memref<125x80xi32, #tpu.memory_space<vmem>> -> memref<1x80xi32, #tpu.memory_space<vmem>>
        %dma_wait3A_290 = tpu.memref_squeeze %dma_wait3A_289 : memref<1x80xi32, #tpu.memory_space<vmem>> -> memref<80xi32, #tpu.memory_space<vmem>>
        %dma_wait3A_291 = arith.constant 0 : i32
        %dma_wait3A_292 = tpu.memref_slice %arg7[%dma_wait3A_291] : memref<10240xf32, #tpu.memory_space<vmem_shared>> -> memref<10240xf32, #tpu.memory_space<vmem_shared>>
        tpu.wait_indirect_dma semaphore(%run_scoped3A : memref<!tpu.dma_semaphore, #tpu.memory_space<semaphore_mem>>) src(%arg5 : memref<80xf32, #tpu.memory_space<vmem>>) dst(%dma_wait3A_292 : memref<10240xf32, #tpu.memory_space<vmem_shared>>)
        tpu.yield
      }) : () -> ()
    }
    %scan3A_275 = arith.constant 125 : i32
    %barrier3A_276 = arith.constant 0 : index
    tpu.barrier barrier_id(%barrier3A_276)
    %mul3A_277 = arith.constant 640 : i32
    %mul3A_278 = arith.muli %arg1, %mul3A_277 : i32
    "tpu.region"() ({
      %run_scoped3A = tpu.sem_alloc : memref<!tpu.dma_semaphore, #tpu.memory_space<semaphore_mem>>
      %dma_start3A = tpu.memref_slice %arg7[%mul3A_278] : memref<10240xf32, #tpu.memory_space<vmem_shared>> -> memref<640xf32, #tpu.memory_space<vmem_shared>>
      %dma_start3A_284 = tpu.memref_slice %arg7[%mul3A_278] : memref<10240xf32, #tpu.memory_space<vmem_shared>> -> memref<640xf32, #tpu.memory_space<vmem_shared>>
      tpu.enqueue_dma source(%dma_start3A_284 : memref<640xf32, #tpu.memory_space<vmem_shared>>) target(%arg6 : memref<640xf32, #tpu.memory_space<vmem>>) target_semaphore(%run_scoped3A : memref<!tpu.dma_semaphore, #tpu.memory_space<semaphore_mem>>)
      %dma_wait3A = tpu.memref_slice %arg7[%mul3A_278] : memref<10240xf32, #tpu.memory_space<vmem_shared>> -> memref<640xf32, #tpu.memory_space<vmem_shared>>
      %dma_wait3A_285 = tpu.memref_slice %arg7[%mul3A_278] : memref<10240xf32, #tpu.memory_space<vmem_shared>> -> memref<640xf32, #tpu.memory_space<vmem_shared>>
      tpu.wait_dma2 semaphore(%run_scoped3A : memref<!tpu.dma_semaphore, #tpu.memory_space<semaphore_mem>>) src(%dma_wait3A_285 : memref<640xf32, #tpu.memory_space<vmem_shared>>) dst(%arg6 : memref<640xf32, #tpu.memory_space<vmem>>)
      tpu.yield
    }) : () -> ()
    %mul3A_279 = arith.constant 10240 : i32
    %mul3A_280 = arith.muli %arg0, %mul3A_279 : i32
    %mul3A_281 = arith.constant 640 : i32
    %mul3A_282 = arith.muli %arg1, %mul3A_281 : i32
    %add3A_283 = arith.addi %mul3A_280, %mul3A_282 : i32
    "tpu.region"() ({
      %run_scoped3A = tpu.sem_alloc : memref<!tpu.dma_semaphore, #tpu.memory_space<semaphore_mem>>
      %dma_start3A = tpu.memref_slice %arg3[%add3A_283] : memref<20480xf32, #tpu.memory_space<hbm>> -> memref<640xf32, #tpu.memory_space<hbm>>
      %dma_start3A_284 = tpu.memref_slice %arg3[%add3A_283] : memref<20480xf32, #tpu.memory_space<hbm>> -> memref<640xf32, #tpu.memory_space<hbm>>
      tpu.enqueue_dma source(%arg6 : memref<640xf32, #tpu.memory_space<vmem>>) target(%dma_start3A_284 : memref<640xf32, #tpu.memory_space<hbm>>) target_semaphore(%run_scoped3A : memref<!tpu.dma_semaphore, #tpu.memory_space<semaphore_mem>>)
      %dma_wait3A = tpu.memref_slice %arg3[%add3A_283] : memref<20480xf32, #tpu.memory_space<hbm>> -> memref<640xf32, #tpu.memory_space<hbm>>
      %dma_wait3A_285 = tpu.memref_slice %arg3[%add3A_283] : memref<20480xf32, #tpu.memory_space<hbm>> -> memref<640xf32, #tpu.memory_space<hbm>>
      tpu.wait_dma2 semaphore(%run_scoped3A : memref<!tpu.dma_semaphore, #tpu.memory_space<semaphore_mem>>) src(%arg6 : memref<640xf32, #tpu.memory_space<vmem>>) dst(%dma_wait3A_285 : memref<640xf32, #tpu.memory_space<hbm>>)
      tpu.yield
    }) : () -> ()
    return
  }
}

#map = affine_map<(d0, d1) -> (0, 0, 0)>
#map1 = affine_map<(d0, d1) -> (0, 0)>
module attributes {stable_mosaic.version = 14 : i64} {
  func.func @_sc_aggregate(%arg0: i32, %arg1: i32, %arg2: memref<2x10000x64xbf16, #tpu.memory_space<hbm>>, %arg3: memref<16x160x125xi32, #tpu.memory_space<hbm>>, %arg4: memref<16x160x125xi32, #tpu.memory_space<hbm>>, %arg5: memref<625x64xbf16, #tpu.memory_space<hbm>>, %arg6: memref<160x125x64xbf16, #tpu.memory_space<hbm>>, %arg7: memref<160x125xi32, #tpu.memory_space<vmem>>, %arg8: memref<160x125xi32, #tpu.memory_space<vmem>>, %arg9: memref<8x125x64xbf16, #tpu.memory_space<vmem>>, %arg10: memref<10000x64xbf16, #tpu.memory_space<vmem_shared>>, %arg11: memref<!tpu.dma_semaphore, #tpu.memory_space<semaphore_mem>>, %arg12: memref<!tpu.dma_semaphore, #tpu.memory_space<semaphore_mem>>) attributes {dimension_semantics = [#tpu.dimension_semantics<core_parallel>, #tpu.dimension_semantics<subcore_parallel>], iteration_bounds = array<i64: 2, 16>, scalar_prefetch = 0 : i64, scratch_operands = 6 : i64, tpu.core_type = #tpu.core_type<sc_vector_subcore>, window_params = [{transform_indices = #map}, {transform_indices = #map}, {transform_indices = #map}, {transform_indices = #map1}, {transform_indices = #map}]} {
    %mul3A = arith.constant 625 : i32
    %mul3A_0 = arith.muli %arg1, %mul3A : i32
    "tpu.region"() ({
      %run_scoped3A = tpu.sem_alloc : memref<!tpu.dma_semaphore, #tpu.memory_space<semaphore_mem>>
      %dma_start3A_955 = arith.constant 0 : i32
      %dma_start3A_956 = tpu.memref_slice %arg10[%mul3A_0, %dma_start3A_955] : memref<10000x64xbf16, #tpu.memory_space<vmem_shared>> -> memref<625x64xbf16, #tpu.memory_space<vmem_shared>>
      tpu.enqueue_dma source(%arg5 : memref<625x64xbf16, #tpu.memory_space<hbm>>) target(%dma_start3A_956 : memref<625x64xbf16, #tpu.memory_space<vmem_shared>>) target_semaphore(%run_scoped3A : memref<!tpu.dma_semaphore, #tpu.memory_space<semaphore_mem>>)
      %dma_wait3A_957 = arith.constant 0 : i32
      %dma_wait3A_958 = tpu.memref_slice %arg10[%mul3A_0, %dma_wait3A_957] : memref<10000x64xbf16, #tpu.memory_space<vmem_shared>> -> memref<625x64xbf16, #tpu.memory_space<vmem_shared>>
      tpu.wait_dma2 semaphore(%run_scoped3A : memref<!tpu.dma_semaphore, #tpu.memory_space<semaphore_mem>>) src(%arg5 : memref<625x64xbf16, #tpu.memory_space<hbm>>) dst(%dma_wait3A_958 : memref<625x64xbf16, #tpu.memory_space<vmem_shared>>)
      tpu.yield
    }) : () -> ()
    %barrier3A = arith.constant 0 : index
    tpu.barrier barrier_id(%barrier3A)
    "tpu.region"() ({
      %run_scoped3A = tpu.sem_alloc : memref<!tpu.dma_semaphore, #tpu.memory_space<semaphore_mem>>
      %dma_start3A_955 = arith.constant 0 : i32
      %dma_start3A_956 = arith.constant 0 : i32
      %dma_start3A_957 = tpu.memref_slice %arg3[%arg1, %dma_start3A_955, %dma_start3A_956] : memref<16x160x125xi32, #tpu.memory_space<hbm>> -> memref<1x160x125xi32, #tpu.memory_space<hbm>>
      %dma_start3A_958 = tpu.memref_squeeze %dma_start3A_957 : memref<1x160x125xi32, #tpu.memory_space<hbm>> -> memref<160x125xi32, #tpu.memory_space<hbm>>
      %dma_start3A_959 = arith.constant 0 : i32
      %dma_start3A_960 = arith.constant 0 : i32
      %dma_start3A_961 = tpu.memref_slice %arg3[%arg1, %dma_start3A_959, %dma_start3A_960] : memref<16x160x125xi32, #tpu.memory_space<hbm>> -> memref<1x160x125xi32, #tpu.memory_space<hbm>>
      %dma_start3A_962 = tpu.memref_squeeze %dma_start3A_961 : memref<1x160x125xi32, #tpu.memory_space<hbm>> -> memref<160x125xi32, #tpu.memory_space<hbm>>
      tpu.enqueue_dma source(%dma_start3A_962 : memref<160x125xi32, #tpu.memory_space<hbm>>) target(%arg7 : memref<160x125xi32, #tpu.memory_space<vmem>>) target_semaphore(%run_scoped3A : memref<!tpu.dma_semaphore, #tpu.memory_space<semaphore_mem>>)
      %dma_wait3A_963 = arith.constant 0 : i32
      %dma_wait3A_964 = arith.constant 0 : i32
      %dma_wait3A_965 = tpu.memref_slice %arg3[%arg1, %dma_wait3A_963, %dma_wait3A_964] : memref<16x160x125xi32, #tpu.memory_space<hbm>> -> memref<1x160x125xi32, #tpu.memory_space<hbm>>
      %dma_wait3A_966 = tpu.memref_squeeze %dma_wait3A_965 : memref<1x160x125xi32, #tpu.memory_space<hbm>> -> memref<160x125xi32, #tpu.memory_space<hbm>>
      %dma_wait3A_967 = arith.constant 0 : i32
      %dma_wait3A_968 = arith.constant 0 : i32
      %dma_wait3A_969 = tpu.memref_slice %arg3[%arg1, %dma_wait3A_967, %dma_wait3A_968] : memref<16x160x125xi32, #tpu.memory_space<hbm>> -> memref<1x160x125xi32, #tpu.memory_space<hbm>>
      %dma_wait3A_970 = tpu.memref_squeeze %dma_wait3A_969 : memref<1x160x125xi32, #tpu.memory_space<hbm>> -> memref<160x125xi32, #tpu.memory_space<hbm>>
      tpu.wait_dma2 semaphore(%run_scoped3A : memref<!tpu.dma_semaphore, #tpu.memory_space<semaphore_mem>>) src(%dma_wait3A_970 : memref<160x125xi32, #tpu.memory_space<hbm>>) dst(%arg7 : memref<160x125xi32, #tpu.memory_space<vmem>>)
      tpu.yield
    }) : () -> ()
    "tpu.region"() ({
      %run_scoped3A = tpu.sem_alloc : memref<!tpu.dma_semaphore, #tpu.memory_space<semaphore_mem>>
      %dma_start3A_955 = arith.constant 0 : i32
      %dma_start3A_956 = arith.constant 0 : i32
      %dma_start3A_957 = tpu.memref_slice %arg4[%arg1, %dma_start3A_955, %dma_start3A_956] : memref<16x160x125xi32, #tpu.memory_space<hbm>> -> memref<1x160x125xi32, #tpu.memory_space<hbm>>
      %dma_start3A_958 = tpu.memref_squeeze %dma_start3A_957 : memref<1x160x125xi32, #tpu.memory_space<hbm>> -> memref<160x125xi32, #tpu.memory_space<hbm>>
      %dma_start3A_959 = arith.constant 0 : i32
      %dma_start3A_960 = arith.constant 0 : i32
      %dma_start3A_961 = tpu.memref_slice %arg4[%arg1, %dma_start3A_959, %dma_start3A_960] : memref<16x160x125xi32, #tpu.memory_space<hbm>> -> memref<1x160x125xi32, #tpu.memory_space<hbm>>
      %dma_start3A_962 = tpu.memref_squeeze %dma_start3A_961 : memref<1x160x125xi32, #tpu.memory_space<hbm>> -> memref<160x125xi32, #tpu.memory_space<hbm>>
      tpu.enqueue_dma source(%dma_start3A_962 : memref<160x125xi32, #tpu.memory_space<hbm>>) target(%arg8 : memref<160x125xi32, #tpu.memory_space<vmem>>) target_semaphore(%run_scoped3A : memref<!tpu.dma_semaphore, #tpu.memory_space<semaphore_mem>>)
      %dma_wait3A_963 = arith.constant 0 : i32
      %dma_wait3A_964 = arith.constant 0 : i32
      %dma_wait3A_965 = tpu.memref_slice %arg4[%arg1, %dma_wait3A_963, %dma_wait3A_964] : memref<16x160x125xi32, #tpu.memory_space<hbm>> -> memref<1x160x125xi32, #tpu.memory_space<hbm>>
      %dma_wait3A_966 = tpu.memref_squeeze %dma_wait3A_965 : memref<1x160x125xi32, #tpu.memory_space<hbm>> -> memref<160x125xi32, #tpu.memory_space<hbm>>
      %dma_wait3A_967 = arith.constant 0 : i32
      %dma_wait3A_968 = arith.constant 0 : i32
      %dma_wait3A_969 = tpu.memref_slice %arg4[%arg1, %dma_wait3A_967, %dma_wait3A_968] : memref<16x160x125xi32, #tpu.memory_space<hbm>> -> memref<1x160x125xi32, #tpu.memory_space<hbm>>
      %dma_wait3A_970 = tpu.memref_squeeze %dma_wait3A_969 : memref<1x160x125xi32, #tpu.memory_space<hbm>> -> memref<160x125xi32, #tpu.memory_space<hbm>>
      tpu.wait_dma2 semaphore(%run_scoped3A : memref<!tpu.dma_semaphore, #tpu.memory_space<semaphore_mem>>) src(%dma_wait3A_970 : memref<160x125xi32, #tpu.memory_space<hbm>>) dst(%arg8 : memref<160x125xi32, #tpu.memory_space<vmem>>)
      tpu.yield
    }) : () -> ()
    %dma_start3A = arith.constant 0 : i32
    %dma_start3A_1 = arith.constant 0 : i32
    %dma_start3A_2 = arith.constant 0 : i32
    %dma_start3A_3 = arith.constant 0 : i32
    %dma_start3A_4 = tpu.memref_slice %arg9[%dma_start3A_1, %dma_start3A_2, %dma_start3A_3] : memref<8x125x64xbf16, #tpu.memory_space<vmem>> -> memref<1x125x64xbf16, #tpu.memory_space<vmem>>
    %dma_start3A_5 = tpu.memref_squeeze %dma_start3A_4 : memref<1x125x64xbf16, #tpu.memory_space<vmem>> -> memref<125x64xbf16, #tpu.memory_space<vmem>>
    %dma_start3A_6 = arith.constant 0 : i32
    %dma_start3A_7 = tpu.memref_slice %arg7[%dma_start3A, %dma_start3A_6] : memref<160x125xi32, #tpu.memory_space<vmem>> -> memref<1x125xi32, #tpu.memory_space<vmem>>
    %dma_start3A_8 = tpu.memref_squeeze %dma_start3A_7 : memref<1x125xi32, #tpu.memory_space<vmem>> -> memref<125xi32, #tpu.memory_space<vmem>>
    %dma_start3A_9 = arith.constant 0 : i32
    %dma_start3A_10 = arith.constant 0 : i32
    %dma_start3A_11 = tpu.memref_slice %arg2[%arg0, %dma_start3A_9, %dma_start3A_10] : memref<2x10000x64xbf16, #tpu.memory_space<hbm>> -> memref<1x10000x64xbf16, #tpu.memory_space<hbm>>
    %dma_start3A_12 = tpu.memref_squeeze %dma_start3A_11 : memref<1x10000x64xbf16, #tpu.memory_space<hbm>> -> memref<10000x64xbf16, #tpu.memory_space<hbm>>
    %dma_start3A_13 = arith.constant 0 : i32
    %dma_start3A_14 = arith.constant 0 : i32
    %dma_start3A_15 = tpu.memref_slice %dma_start3A_12[%dma_start3A_13, %dma_start3A_14] : memref<10000x64xbf16, #tpu.memory_space<hbm>> -> memref<10000x64xbf16, #tpu.memory_space<hbm>>
    tpu.enqueue_indirect_dma source(%dma_start3A_15 : memref<10000x64xbf16, #tpu.memory_space<hbm>>) target(%dma_start3A_5 : memref<125x64xbf16, #tpu.memory_space<vmem>>) offsets(%dma_start3A_8 : memref<125xi32, #tpu.memory_space<vmem>>) semaphore(%arg11 : memref<!tpu.dma_semaphore, #tpu.memory_space<semaphore_mem>>)
    %dma_start3A_16 = arith.constant 1 : i32
    %dma_start3A_17 = arith.constant 1 : i32
    %dma_start3A_18 = arith.constant 0 : i32
    %dma_start3A_19 = arith.constant 0 : i32
    %dma_start3A_20 = tpu.memref_slice %arg9[%dma_start3A_17, %dma_start3A_18, %dma_start3A_19] : memref<8x125x64xbf16, #tpu.memory_space<vmem>> -> memref<1x125x64xbf16, #tpu.memory_space<vmem>>
    %dma_start3A_21 = tpu.memref_squeeze %dma_start3A_20 : memref<1x125x64xbf16, #tpu.memory_space<vmem>> -> memref<125x64xbf16, #tpu.memory_space<vmem>>
    %dma_start3A_22 = arith.constant 0 : i32
    %dma_start3A_23 = tpu.memref_slice %arg7[%dma_start3A_16, %dma_start3A_22] : memref<160x125xi32, #tpu.memory_space<vmem>> -> memref<1x125xi32, #tpu.memory_space<vmem>>
    %dma_start3A_24 = tpu.memref_squeeze %dma_start3A_23 : memref<1x125xi32, #tpu.memory_space<vmem>> -> memref<125xi32, #tpu.memory_space<vmem>>
    %dma_start3A_25 = arith.constant 0 : i32
    %dma_start3A_26 = arith.constant 0 : i32
    %dma_start3A_27 = tpu.memref_slice %arg2[%arg0, %dma_start3A_25, %dma_start3A_26] : memref<2x10000x64xbf16, #tpu.memory_space<hbm>> -> memref<1x10000x64xbf16, #tpu.memory_space<hbm>>
    %dma_start3A_28 = tpu.memref_squeeze %dma_start3A_27 : memref<1x10000x64xbf16, #tpu.memory_space<hbm>> -> memref<10000x64xbf16, #tpu.memory_space<hbm>>
    %dma_start3A_29 = arith.constant 0 : i32
    %dma_start3A_30 = arith.constant 0 : i32
    %dma_start3A_31 = tpu.memref_slice %dma_start3A_28[%dma_start3A_29, %dma_start3A_30] : memref<10000x64xbf16, #tpu.memory_space<hbm>> -> memref<10000x64xbf16, #tpu.memory_space<hbm>>
    tpu.enqueue_indirect_dma source(%dma_start3A_31 : memref<10000x64xbf16, #tpu.memory_space<hbm>>) target(%dma_start3A_21 : memref<125x64xbf16, #tpu.memory_space<vmem>>) offsets(%dma_start3A_24 : memref<125xi32, #tpu.memory_space<vmem>>) semaphore(%arg11 : memref<!tpu.dma_semaphore, #tpu.memory_space<semaphore_mem>>)
    %dma_start3A_32 = arith.constant 2 : i32
    %dma_start3A_33 = arith.constant 2 : i32
    %dma_start3A_34 = arith.constant 0 : i32
    %dma_start3A_35 = arith.constant 0 : i32
    %dma_start3A_36 = tpu.memref_slice %arg9[%dma_start3A_33, %dma_start3A_34, %dma_start3A_35] : memref<8x125x64xbf16, #tpu.memory_space<vmem>> -> memref<1x125x64xbf16, #tpu.memory_space<vmem>>
    %dma_start3A_37 = tpu.memref_squeeze %dma_start3A_36 : memref<1x125x64xbf16, #tpu.memory_space<vmem>> -> memref<125x64xbf16, #tpu.memory_space<vmem>>
    %dma_start3A_38 = arith.constant 0 : i32
    %dma_start3A_39 = tpu.memref_slice %arg7[%dma_start3A_32, %dma_start3A_38] : memref<160x125xi32, #tpu.memory_space<vmem>> -> memref<1x125xi32, #tpu.memory_space<vmem>>
    %dma_start3A_40 = tpu.memref_squeeze %dma_start3A_39 : memref<1x125xi32, #tpu.memory_space<vmem>> -> memref<125xi32, #tpu.memory_space<vmem>>
    %dma_start3A_41 = arith.constant 0 : i32
    %dma_start3A_42 = arith.constant 0 : i32
    %dma_start3A_43 = tpu.memref_slice %arg2[%arg0, %dma_start3A_41, %dma_start3A_42] : memref<2x10000x64xbf16, #tpu.memory_space<hbm>> -> memref<1x10000x64xbf16, #tpu.memory_space<hbm>>
    %dma_start3A_44 = tpu.memref_squeeze %dma_start3A_43 : memref<1x10000x64xbf16, #tpu.memory_space<hbm>> -> memref<10000x64xbf16, #tpu.memory_space<hbm>>
    %dma_start3A_45 = arith.constant 0 : i32
    %dma_start3A_46 = arith.constant 0 : i32
    %dma_start3A_47 = tpu.memref_slice %dma_start3A_44[%dma_start3A_45, %dma_start3A_46] : memref<10000x64xbf16, #tpu.memory_space<hbm>> -> memref<10000x64xbf16, #tpu.memory_space<hbm>>
    tpu.enqueue_indirect_dma source(%dma_start3A_47 : memref<10000x64xbf16, #tpu.memory_space<hbm>>) target(%dma_start3A_37 : memref<125x64xbf16, #tpu.memory_space<vmem>>) offsets(%dma_start3A_40 : memref<125xi32, #tpu.memory_space<vmem>>) semaphore(%arg11 : memref<!tpu.dma_semaphore, #tpu.memory_space<semaphore_mem>>)
    %dma_start3A_48 = arith.constant 3 : i32
    %dma_start3A_49 = arith.constant 3 : i32
    %dma_start3A_50 = arith.constant 0 : i32
    %dma_start3A_51 = arith.constant 0 : i32
    %dma_start3A_52 = tpu.memref_slice %arg9[%dma_start3A_49, %dma_start3A_50, %dma_start3A_51] : memref<8x125x64xbf16, #tpu.memory_space<vmem>> -> memref<1x125x64xbf16, #tpu.memory_space<vmem>>
    %dma_start3A_53 = tpu.memref_squeeze %dma_start3A_52 : memref<1x125x64xbf16, #tpu.memory_space<vmem>> -> memref<125x64xbf16, #tpu.memory_space<vmem>>
    %dma_start3A_54 = arith.constant 0 : i32
    %dma_start3A_55 = tpu.memref_slice %arg7[%dma_start3A_48, %dma_start3A_54] : memref<160x125xi32, #tpu.memory_space<vmem>> -> memref<1x125xi32, #tpu.memory_space<vmem>>
    %dma_start3A_56 = tpu.memref_squeeze %dma_start3A_55 : memref<1x125xi32, #tpu.memory_space<vmem>> -> memref<125xi32, #tpu.memory_space<vmem>>
    %dma_start3A_57 = arith.constant 0 : i32
    %dma_start3A_58 = arith.constant 0 : i32
    %dma_start3A_59 = tpu.memref_slice %arg2[%arg0, %dma_start3A_57, %dma_start3A_58] : memref<2x10000x64xbf16, #tpu.memory_space<hbm>> -> memref<1x10000x64xbf16, #tpu.memory_space<hbm>>
    %dma_start3A_60 = tpu.memref_squeeze %dma_start3A_59 : memref<1x10000x64xbf16, #tpu.memory_space<hbm>> -> memref<10000x64xbf16, #tpu.memory_space<hbm>>
    %dma_start3A_61 = arith.constant 0 : i32
    %dma_start3A_62 = arith.constant 0 : i32
    %dma_start3A_63 = tpu.memref_slice %dma_start3A_60[%dma_start3A_61, %dma_start3A_62] : memref<10000x64xbf16, #tpu.memory_space<hbm>> -> memref<10000x64xbf16, #tpu.memory_space<hbm>>
    tpu.enqueue_indirect_dma source(%dma_start3A_63 : memref<10000x64xbf16, #tpu.memory_space<hbm>>) target(%dma_start3A_53 : memref<125x64xbf16, #tpu.memory_space<vmem>>) offsets(%dma_start3A_56 : memref<125xi32, #tpu.memory_space<vmem>>) semaphore(%arg11 : memref<!tpu.dma_semaphore, #tpu.memory_space<semaphore_mem>>)
    %dma_start3A_64 = arith.constant 4 : i32
    %dma_start3A_65 = arith.constant 4 : i32
    %dma_start3A_66 = arith.constant 0 : i32
    %dma_start3A_67 = arith.constant 0 : i32
    %dma_start3A_68 = tpu.memref_slice %arg9[%dma_start3A_65, %dma_start3A_66, %dma_start3A_67] : memref<8x125x64xbf16, #tpu.memory_space<vmem>> -> memref<1x125x64xbf16, #tpu.memory_space<vmem>>
    %dma_start3A_69 = tpu.memref_squeeze %dma_start3A_68 : memref<1x125x64xbf16, #tpu.memory_space<vmem>> -> memref<125x64xbf16, #tpu.memory_space<vmem>>
    %dma_start3A_70 = arith.constant 0 : i32
    %dma_start3A_71 = tpu.memref_slice %arg7[%dma_start3A_64, %dma_start3A_70] : memref<160x125xi32, #tpu.memory_space<vmem>> -> memref<1x125xi32, #tpu.memory_space<vmem>>
    %dma_start3A_72 = tpu.memref_squeeze %dma_start3A_71 : memref<1x125xi32, #tpu.memory_space<vmem>> -> memref<125xi32, #tpu.memory_space<vmem>>
    %dma_start3A_73 = arith.constant 0 : i32
    %dma_start3A_74 = arith.constant 0 : i32
    %dma_start3A_75 = tpu.memref_slice %arg2[%arg0, %dma_start3A_73, %dma_start3A_74] : memref<2x10000x64xbf16, #tpu.memory_space<hbm>> -> memref<1x10000x64xbf16, #tpu.memory_space<hbm>>
    %dma_start3A_76 = tpu.memref_squeeze %dma_start3A_75 : memref<1x10000x64xbf16, #tpu.memory_space<hbm>> -> memref<10000x64xbf16, #tpu.memory_space<hbm>>
    %dma_start3A_77 = arith.constant 0 : i32
    %dma_start3A_78 = arith.constant 0 : i32
    %dma_start3A_79 = tpu.memref_slice %dma_start3A_76[%dma_start3A_77, %dma_start3A_78] : memref<10000x64xbf16, #tpu.memory_space<hbm>> -> memref<10000x64xbf16, #tpu.memory_space<hbm>>
    tpu.enqueue_indirect_dma source(%dma_start3A_79 : memref<10000x64xbf16, #tpu.memory_space<hbm>>) target(%dma_start3A_69 : memref<125x64xbf16, #tpu.memory_space<vmem>>) offsets(%dma_start3A_72 : memref<125xi32, #tpu.memory_space<vmem>>) semaphore(%arg11 : memref<!tpu.dma_semaphore, #tpu.memory_space<semaphore_mem>>)
    %dma_start3A_80 = arith.constant 5 : i32
    %dma_start3A_81 = arith.constant 5 : i32
    %dma_start3A_82 = arith.constant 0 : i32
    %dma_start3A_83 = arith.constant 0 : i32
    %dma_start3A_84 = tpu.memref_slice %arg9[%dma_start3A_81, %dma_start3A_82, %dma_start3A_83] : memref<8x125x64xbf16, #tpu.memory_space<vmem>> -> memref<1x125x64xbf16, #tpu.memory_space<vmem>>
    %dma_start3A_85 = tpu.memref_squeeze %dma_start3A_84 : memref<1x125x64xbf16, #tpu.memory_space<vmem>> -> memref<125x64xbf16, #tpu.memory_space<vmem>>
    %dma_start3A_86 = arith.constant 0 : i32
    %dma_start3A_87 = tpu.memref_slice %arg7[%dma_start3A_80, %dma_start3A_86] : memref<160x125xi32, #tpu.memory_space<vmem>> -> memref<1x125xi32, #tpu.memory_space<vmem>>
    %dma_start3A_88 = tpu.memref_squeeze %dma_start3A_87 : memref<1x125xi32, #tpu.memory_space<vmem>> -> memref<125xi32, #tpu.memory_space<vmem>>
    %dma_start3A_89 = arith.constant 0 : i32
    %dma_start3A_90 = arith.constant 0 : i32
    %dma_start3A_91 = tpu.memref_slice %arg2[%arg0, %dma_start3A_89, %dma_start3A_90] : memref<2x10000x64xbf16, #tpu.memory_space<hbm>> -> memref<1x10000x64xbf16, #tpu.memory_space<hbm>>
    %dma_start3A_92 = tpu.memref_squeeze %dma_start3A_91 : memref<1x10000x64xbf16, #tpu.memory_space<hbm>> -> memref<10000x64xbf16, #tpu.memory_space<hbm>>
    %dma_start3A_93 = arith.constant 0 : i32
    %dma_start3A_94 = arith.constant 0 : i32
    %dma_start3A_95 = tpu.memref_slice %dma_start3A_92[%dma_start3A_93, %dma_start3A_94] : memref<10000x64xbf16, #tpu.memory_space<hbm>> -> memref<10000x64xbf16, #tpu.memory_space<hbm>>
    tpu.enqueue_indirect_dma source(%dma_start3A_95 : memref<10000x64xbf16, #tpu.memory_space<hbm>>) target(%dma_start3A_85 : memref<125x64xbf16, #tpu.memory_space<vmem>>) offsets(%dma_start3A_88 : memref<125xi32, #tpu.memory_space<vmem>>) semaphore(%arg11 : memref<!tpu.dma_semaphore, #tpu.memory_space<semaphore_mem>>)
    %dma_wait3A = arith.constant 0 : i32
    %dma_wait3A_96 = arith.constant 0 : i32
    %dma_wait3A_97 = arith.constant 0 : i32
    %dma_wait3A_98 = arith.constant 0 : i32
    %dma_wait3A_99 = tpu.memref_slice %arg9[%dma_wait3A_96, %dma_wait3A_97, %dma_wait3A_98] : memref<8x125x64xbf16, #tpu.memory_space<vmem>> -> memref<1x125x64xbf16, #tpu.memory_space<vmem>>
    %dma_wait3A_100 = tpu.memref_squeeze %dma_wait3A_99 : memref<1x125x64xbf16, #tpu.memory_space<vmem>> -> memref<125x64xbf16, #tpu.memory_space<vmem>>
    %dma_wait3A_101 = arith.constant 0 : i32
    %dma_wait3A_102 = tpu.memref_slice %arg7[%dma_wait3A, %dma_wait3A_101] : memref<160x125xi32, #tpu.memory_space<vmem>> -> memref<1x125xi32, #tpu.memory_space<vmem>>
    %dma_wait3A_103 = tpu.memref_squeeze %dma_wait3A_102 : memref<1x125xi32, #tpu.memory_space<vmem>> -> memref<125xi32, #tpu.memory_space<vmem>>
    %dma_wait3A_104 = arith.constant 0 : i32
    %dma_wait3A_105 = arith.constant 0 : i32
    %dma_wait3A_106 = tpu.memref_slice %arg2[%arg0, %dma_wait3A_104, %dma_wait3A_105] : memref<2x10000x64xbf16, #tpu.memory_space<hbm>> -> memref<1x10000x64xbf16, #tpu.memory_space<hbm>>
    %dma_wait3A_107 = tpu.memref_squeeze %dma_wait3A_106 : memref<1x10000x64xbf16, #tpu.memory_space<hbm>> -> memref<10000x64xbf16, #tpu.memory_space<hbm>>
    %dma_wait3A_108 = arith.constant 0 : i32
    %dma_wait3A_109 = arith.constant 0 : i32
    %dma_wait3A_110 = tpu.memref_slice %dma_wait3A_107[%dma_wait3A_108, %dma_wait3A_109] : memref<10000x64xbf16, #tpu.memory_space<hbm>> -> memref<10000x64xbf16, #tpu.memory_space<hbm>>
    tpu.wait_indirect_dma semaphore(%arg11 : memref<!tpu.dma_semaphore, #tpu.memory_space<semaphore_mem>>) src(%dma_wait3A_110 : memref<10000x64xbf16, #tpu.memory_space<hbm>>) dst(%dma_wait3A_100 : memref<125x64xbf16, #tpu.memory_space<vmem>>)
    %dma_start3A_111 = arith.constant 0 : i32
    %dma_start3A_112 = arith.constant 0 : i32
    %dma_start3A_113 = arith.constant 0 : i32
    %dma_start3A_114 = arith.constant 0 : i32
    %dma_start3A_115 = tpu.memref_slice %arg9[%dma_start3A_111, %dma_start3A_113, %dma_start3A_114] : memref<8x125x64xbf16, #tpu.memory_space<vmem>> -> memref<1x125x64xbf16, #tpu.memory_space<vmem>>
    %dma_start3A_116 = tpu.memref_squeeze %dma_start3A_115 : memref<1x125x64xbf16, #tpu.memory_space<vmem>> -> memref<125x64xbf16, #tpu.memory_space<vmem>>
    %dma_start3A_117 = arith.constant 0 : i32
    %dma_start3A_118 = tpu.memref_slice %arg8[%dma_start3A_112, %dma_start3A_117] : memref<160x125xi32, #tpu.memory_space<vmem>> -> memref<1x125xi32, #tpu.memory_space<vmem>>
    %dma_start3A_119 = tpu.memref_squeeze %dma_start3A_118 : memref<1x125xi32, #tpu.memory_space<vmem>> -> memref<125xi32, #tpu.memory_space<vmem>>
    %dma_start3A_120 = arith.constant 0 : i32
    %dma_start3A_121 = arith.constant 0 : i32
    %dma_start3A_122 = tpu.memref_slice %arg10[%dma_start3A_120, %dma_start3A_121] : memref<10000x64xbf16, #tpu.memory_space<vmem_shared>> -> memref<10000x64xbf16, #tpu.memory_space<vmem_shared>>
    tpu.enqueue_indirect_dma source(%dma_start3A_116 : memref<125x64xbf16, #tpu.memory_space<vmem>>) target(%dma_start3A_122 : memref<10000x64xbf16, #tpu.memory_space<vmem_shared>>) offsets(%dma_start3A_119 : memref<125xi32, #tpu.memory_space<vmem>>) semaphore(%arg12 : memref<!tpu.dma_semaphore, #tpu.memory_space<semaphore_mem>>) {add = true}
    %dma_start3A_123 = arith.constant 6 : i32
    %dma_start3A_124 = arith.constant 6 : i32
    %dma_start3A_125 = arith.constant 0 : i32
    %dma_start3A_126 = arith.constant 0 : i32
    %dma_start3A_127 = tpu.memref_slice %arg9[%dma_start3A_124, %dma_start3A_125, %dma_start3A_126] : memref<8x125x64xbf16, #tpu.memory_space<vmem>> -> memref<1x125x64xbf16, #tpu.memory_space<vmem>>
    %dma_start3A_128 = tpu.memref_squeeze %dma_start3A_127 : memref<1x125x64xbf16, #tpu.memory_space<vmem>> -> memref<125x64xbf16, #tpu.memory_space<vmem>>
    %dma_start3A_129 = arith.constant 0 : i32
    %dma_start3A_130 = tpu.memref_slice %arg7[%dma_start3A_123, %dma_start3A_129] : memref<160x125xi32, #tpu.memory_space<vmem>> -> memref<1x125xi32, #tpu.memory_space<vmem>>
    %dma_start3A_131 = tpu.memref_squeeze %dma_start3A_130 : memref<1x125xi32, #tpu.memory_space<vmem>> -> memref<125xi32, #tpu.memory_space<vmem>>
    %dma_start3A_132 = arith.constant 0 : i32
    %dma_start3A_133 = arith.constant 0 : i32
    %dma_start3A_134 = tpu.memref_slice %arg2[%arg0, %dma_start3A_132, %dma_start3A_133] : memref<2x10000x64xbf16, #tpu.memory_space<hbm>> -> memref<1x10000x64xbf16, #tpu.memory_space<hbm>>
    %dma_start3A_135 = tpu.memref_squeeze %dma_start3A_134 : memref<1x10000x64xbf16, #tpu.memory_space<hbm>> -> memref<10000x64xbf16, #tpu.memory_space<hbm>>
    %dma_start3A_136 = arith.constant 0 : i32
    %dma_start3A_137 = arith.constant 0 : i32
    %dma_start3A_138 = tpu.memref_slice %dma_start3A_135[%dma_start3A_136, %dma_start3A_137] : memref<10000x64xbf16, #tpu.memory_space<hbm>> -> memref<10000x64xbf16, #tpu.memory_space<hbm>>
    tpu.enqueue_indirect_dma source(%dma_start3A_138 : memref<10000x64xbf16, #tpu.memory_space<hbm>>) target(%dma_start3A_128 : memref<125x64xbf16, #tpu.memory_space<vmem>>) offsets(%dma_start3A_131 : memref<125xi32, #tpu.memory_space<vmem>>) semaphore(%arg11 : memref<!tpu.dma_semaphore, #tpu.memory_space<semaphore_mem>>)
    %dma_wait3A_139 = arith.constant 0 : i32
    %dma_wait3A_140 = arith.constant 1 : i32
    %dma_wait3A_141 = arith.constant 0 : i32
    %dma_wait3A_142 = arith.constant 0 : i32
    %dma_wait3A_143 = tpu.memref_slice %arg9[%dma_wait3A_140, %dma_wait3A_141, %dma_wait3A_142] : memref<8x125x64xbf16, #tpu.memory_space<vmem>> -> memref<1x125x64xbf16, #tpu.memory_space<vmem>>
    %dma_wait3A_144 = tpu.memref_squeeze %dma_wait3A_143 : memref<1x125x64xbf16, #tpu.memory_space<vmem>> -> memref<125x64xbf16, #tpu.memory_space<vmem>>
    %dma_wait3A_145 = arith.constant 0 : i32
    %dma_wait3A_146 = tpu.memref_slice %arg7[%dma_wait3A_139, %dma_wait3A_145] : memref<160x125xi32, #tpu.memory_space<vmem>> -> memref<1x125xi32, #tpu.memory_space<vmem>>
    %dma_wait3A_147 = tpu.memref_squeeze %dma_wait3A_146 : memref<1x125xi32, #tpu.memory_space<vmem>> -> memref<125xi32, #tpu.memory_space<vmem>>
    %dma_wait3A_148 = arith.constant 0 : i32
    %dma_wait3A_149 = arith.constant 0 : i32
    %dma_wait3A_150 = tpu.memref_slice %arg2[%arg0, %dma_wait3A_148, %dma_wait3A_149] : memref<2x10000x64xbf16, #tpu.memory_space<hbm>> -> memref<1x10000x64xbf16, #tpu.memory_space<hbm>>
    %dma_wait3A_151 = tpu.memref_squeeze %dma_wait3A_150 : memref<1x10000x64xbf16, #tpu.memory_space<hbm>> -> memref<10000x64xbf16, #tpu.memory_space<hbm>>
    %dma_wait3A_152 = arith.constant 0 : i32
    %dma_wait3A_153 = arith.constant 0 : i32
    %dma_wait3A_154 = tpu.memref_slice %dma_wait3A_151[%dma_wait3A_152, %dma_wait3A_153] : memref<10000x64xbf16, #tpu.memory_space<hbm>> -> memref<10000x64xbf16, #tpu.memory_space<hbm>>
    tpu.wait_indirect_dma semaphore(%arg11 : memref<!tpu.dma_semaphore, #tpu.memory_space<semaphore_mem>>) src(%dma_wait3A_154 : memref<10000x64xbf16, #tpu.memory_space<hbm>>) dst(%dma_wait3A_144 : memref<125x64xbf16, #tpu.memory_space<vmem>>)
    %dma_start3A_155 = arith.constant 1 : i32
    %dma_start3A_156 = arith.constant 1 : i32
    %dma_start3A_157 = arith.constant 0 : i32
    %dma_start3A_158 = arith.constant 0 : i32
    %dma_start3A_159 = tpu.memref_slice %arg9[%dma_start3A_155, %dma_start3A_157, %dma_start3A_158] : memref<8x125x64xbf16, #tpu.memory_space<vmem>> -> memref<1x125x64xbf16, #tpu.memory_space<vmem>>
    %dma_start3A_160 = tpu.memref_squeeze %dma_start3A_159 : memref<1x125x64xbf16, #tpu.memory_space<vmem>> -> memref<125x64xbf16, #tpu.memory_space<vmem>>
    %dma_start3A_161 = arith.constant 0 : i32
    %dma_start3A_162 = tpu.memref_slice %arg8[%dma_start3A_156, %dma_start3A_161] : memref<160x125xi32, #tpu.memory_space<vmem>> -> memref<1x125xi32, #tpu.memory_space<vmem>>
    %dma_start3A_163 = tpu.memref_squeeze %dma_start3A_162 : memref<1x125xi32, #tpu.memory_space<vmem>> -> memref<125xi32, #tpu.memory_space<vmem>>
    %dma_start3A_164 = arith.constant 0 : i32
    %dma_start3A_165 = arith.constant 0 : i32
    %dma_start3A_166 = tpu.memref_slice %arg10[%dma_start3A_164, %dma_start3A_165] : memref<10000x64xbf16, #tpu.memory_space<vmem_shared>> -> memref<10000x64xbf16, #tpu.memory_space<vmem_shared>>
    tpu.enqueue_indirect_dma source(%dma_start3A_160 : memref<125x64xbf16, #tpu.memory_space<vmem>>) target(%dma_start3A_166 : memref<10000x64xbf16, #tpu.memory_space<vmem_shared>>) offsets(%dma_start3A_163 : memref<125xi32, #tpu.memory_space<vmem>>) semaphore(%arg12 : memref<!tpu.dma_semaphore, #tpu.memory_space<semaphore_mem>>) {add = true}
    %dma_start3A_167 = arith.constant 7 : i32
    %dma_start3A_168 = arith.constant 7 : i32
    %dma_start3A_169 = arith.constant 0 : i32
    %dma_start3A_170 = arith.constant 0 : i32
    %dma_start3A_171 = tpu.memref_slice %arg9[%dma_start3A_168, %dma_start3A_169, %dma_start3A_170] : memref<8x125x64xbf16, #tpu.memory_space<vmem>> -> memref<1x125x64xbf16, #tpu.memory_space<vmem>>
    %dma_start3A_172 = tpu.memref_squeeze %dma_start3A_171 : memref<1x125x64xbf16, #tpu.memory_space<vmem>> -> memref<125x64xbf16, #tpu.memory_space<vmem>>
    %dma_start3A_173 = arith.constant 0 : i32
    %dma_start3A_174 = tpu.memref_slice %arg7[%dma_start3A_167, %dma_start3A_173] : memref<160x125xi32, #tpu.memory_space<vmem>> -> memref<1x125xi32, #tpu.memory_space<vmem>>
    %dma_start3A_175 = tpu.memref_squeeze %dma_start3A_174 : memref<1x125xi32, #tpu.memory_space<vmem>> -> memref<125xi32, #tpu.memory_space<vmem>>
    %dma_start3A_176 = arith.constant 0 : i32
    %dma_start3A_177 = arith.constant 0 : i32
    %dma_start3A_178 = tpu.memref_slice %arg2[%arg0, %dma_start3A_176, %dma_start3A_177] : memref<2x10000x64xbf16, #tpu.memory_space<hbm>> -> memref<1x10000x64xbf16, #tpu.memory_space<hbm>>
    %dma_start3A_179 = tpu.memref_squeeze %dma_start3A_178 : memref<1x10000x64xbf16, #tpu.memory_space<hbm>> -> memref<10000x64xbf16, #tpu.memory_space<hbm>>
    %dma_start3A_180 = arith.constant 0 : i32
    %dma_start3A_181 = arith.constant 0 : i32
    %dma_start3A_182 = tpu.memref_slice %dma_start3A_179[%dma_start3A_180, %dma_start3A_181] : memref<10000x64xbf16, #tpu.memory_space<hbm>> -> memref<10000x64xbf16, #tpu.memory_space<hbm>>
    tpu.enqueue_indirect_dma source(%dma_start3A_182 : memref<10000x64xbf16, #tpu.memory_space<hbm>>) target(%dma_start3A_172 : memref<125x64xbf16, #tpu.memory_space<vmem>>) offsets(%dma_start3A_175 : memref<125xi32, #tpu.memory_space<vmem>>) semaphore(%arg11 : memref<!tpu.dma_semaphore, #tpu.memory_space<semaphore_mem>>)
    %dma_wait3A_183 = arith.constant 0 : i32
    %dma_wait3A_184 = arith.constant 2 : i32
    %dma_wait3A_185 = arith.constant 0 : i32
    %dma_wait3A_186 = arith.constant 0 : i32
    %dma_wait3A_187 = tpu.memref_slice %arg9[%dma_wait3A_184, %dma_wait3A_185, %dma_wait3A_186] : memref<8x125x64xbf16, #tpu.memory_space<vmem>> -> memref<1x125x64xbf16, #tpu.memory_space<vmem>>
    %dma_wait3A_188 = tpu.memref_squeeze %dma_wait3A_187 : memref<1x125x64xbf16, #tpu.memory_space<vmem>> -> memref<125x64xbf16, #tpu.memory_space<vmem>>
    %dma_wait3A_189 = arith.constant 0 : i32
    %dma_wait3A_190 = tpu.memref_slice %arg7[%dma_wait3A_183, %dma_wait3A_189] : memref<160x125xi32, #tpu.memory_space<vmem>> -> memref<1x125xi32, #tpu.memory_space<vmem>>
    %dma_wait3A_191 = tpu.memref_squeeze %dma_wait3A_190 : memref<1x125xi32, #tpu.memory_space<vmem>> -> memref<125xi32, #tpu.memory_space<vmem>>
    %dma_wait3A_192 = arith.constant 0 : i32
    %dma_wait3A_193 = arith.constant 0 : i32
    %dma_wait3A_194 = tpu.memref_slice %arg2[%arg0, %dma_wait3A_192, %dma_wait3A_193] : memref<2x10000x64xbf16, #tpu.memory_space<hbm>> -> memref<1x10000x64xbf16, #tpu.memory_space<hbm>>
    %dma_wait3A_195 = tpu.memref_squeeze %dma_wait3A_194 : memref<1x10000x64xbf16, #tpu.memory_space<hbm>> -> memref<10000x64xbf16, #tpu.memory_space<hbm>>
    %dma_wait3A_196 = arith.constant 0 : i32
    %dma_wait3A_197 = arith.constant 0 : i32
    %dma_wait3A_198 = tpu.memref_slice %dma_wait3A_195[%dma_wait3A_196, %dma_wait3A_197] : memref<10000x64xbf16, #tpu.memory_space<hbm>> -> memref<10000x64xbf16, #tpu.memory_space<hbm>>
    tpu.wait_indirect_dma semaphore(%arg11 : memref<!tpu.dma_semaphore, #tpu.memory_space<semaphore_mem>>) src(%dma_wait3A_198 : memref<10000x64xbf16, #tpu.memory_space<hbm>>) dst(%dma_wait3A_188 : memref<125x64xbf16, #tpu.memory_space<vmem>>)
    %dma_start3A_199 = arith.constant 2 : i32
    %dma_start3A_200 = arith.constant 2 : i32
    %dma_start3A_201 = arith.constant 0 : i32
    %dma_start3A_202 = arith.constant 0 : i32
    %dma_start3A_203 = tpu.memref_slice %arg9[%dma_start3A_199, %dma_start3A_201, %dma_start3A_202] : memref<8x125x64xbf16, #tpu.memory_space<vmem>> -> memref<1x125x64xbf16, #tpu.memory_space<vmem>>
    %dma_start3A_204 = tpu.memref_squeeze %dma_start3A_203 : memref<1x125x64xbf16, #tpu.memory_space<vmem>> -> memref<125x64xbf16, #tpu.memory_space<vmem>>
    %dma_start3A_205 = arith.constant 0 : i32
    %dma_start3A_206 = tpu.memref_slice %arg8[%dma_start3A_200, %dma_start3A_205] : memref<160x125xi32, #tpu.memory_space<vmem>> -> memref<1x125xi32, #tpu.memory_space<vmem>>
    %dma_start3A_207 = tpu.memref_squeeze %dma_start3A_206 : memref<1x125xi32, #tpu.memory_space<vmem>> -> memref<125xi32, #tpu.memory_space<vmem>>
    %dma_start3A_208 = arith.constant 0 : i32
    %dma_start3A_209 = arith.constant 0 : i32
    %dma_start3A_210 = tpu.memref_slice %arg10[%dma_start3A_208, %dma_start3A_209] : memref<10000x64xbf16, #tpu.memory_space<vmem_shared>> -> memref<10000x64xbf16, #tpu.memory_space<vmem_shared>>
    tpu.enqueue_indirect_dma source(%dma_start3A_204 : memref<125x64xbf16, #tpu.memory_space<vmem>>) target(%dma_start3A_210 : memref<10000x64xbf16, #tpu.memory_space<vmem_shared>>) offsets(%dma_start3A_207 : memref<125xi32, #tpu.memory_space<vmem>>) semaphore(%arg12 : memref<!tpu.dma_semaphore, #tpu.memory_space<semaphore_mem>>) {add = true}
    %dma_wait3A_211 = arith.constant 0 : i32
    %dma_wait3A_212 = arith.constant 0 : i32
    %dma_wait3A_213 = arith.constant 0 : i32
    %dma_wait3A_214 = arith.constant 0 : i32
    %dma_wait3A_215 = tpu.memref_slice %arg9[%dma_wait3A_211, %dma_wait3A_213, %dma_wait3A_214] : memref<8x125x64xbf16, #tpu.memory_space<vmem>> -> memref<1x125x64xbf16, #tpu.memory_space<vmem>>
    %dma_wait3A_216 = tpu.memref_squeeze %dma_wait3A_215 : memref<1x125x64xbf16, #tpu.memory_space<vmem>> -> memref<125x64xbf16, #tpu.memory_space<vmem>>
    %dma_wait3A_217 = arith.constant 0 : i32
    %dma_wait3A_218 = tpu.memref_slice %arg8[%dma_wait3A_212, %dma_wait3A_217] : memref<160x125xi32, #tpu.memory_space<vmem>> -> memref<1x125xi32, #tpu.memory_space<vmem>>
    %dma_wait3A_219 = tpu.memref_squeeze %dma_wait3A_218 : memref<1x125xi32, #tpu.memory_space<vmem>> -> memref<125xi32, #tpu.memory_space<vmem>>
    %dma_wait3A_220 = arith.constant 0 : i32
    %dma_wait3A_221 = arith.constant 0 : i32
    %dma_wait3A_222 = tpu.memref_slice %arg10[%dma_wait3A_220, %dma_wait3A_221] : memref<10000x64xbf16, #tpu.memory_space<vmem_shared>> -> memref<10000x64xbf16, #tpu.memory_space<vmem_shared>>
    tpu.wait_indirect_dma semaphore(%arg12 : memref<!tpu.dma_semaphore, #tpu.memory_space<semaphore_mem>>) src(%dma_wait3A_216 : memref<125x64xbf16, #tpu.memory_space<vmem>>) dst(%dma_wait3A_222 : memref<10000x64xbf16, #tpu.memory_space<vmem_shared>>)
    %dma_start3A_223 = arith.constant 8 : i32
    %dma_start3A_224 = arith.constant 0 : i32
    %dma_start3A_225 = arith.constant 0 : i32
    %dma_start3A_226 = arith.constant 0 : i32
    %dma_start3A_227 = tpu.memref_slice %arg9[%dma_start3A_224, %dma_start3A_225, %dma_start3A_226] : memref<8x125x64xbf16, #tpu.memory_space<vmem>> -> memref<1x125x64xbf16, #tpu.memory_space<vmem>>
    %dma_start3A_228 = tpu.memref_squeeze %dma_start3A_227 : memref<1x125x64xbf16, #tpu.memory_space<vmem>> -> memref<125x64xbf16, #tpu.memory_space<vmem>>
    %dma_start3A_229 = arith.constant 0 : i32
    %dma_start3A_230 = tpu.memref_slice %arg7[%dma_start3A_223, %dma_start3A_229] : memref<160x125xi32, #tpu.memory_space<vmem>> -> memref<1x125xi32, #tpu.memory_space<vmem>>
    %dma_start3A_231 = tpu.memref_squeeze %dma_start3A_230 : memref<1x125xi32, #tpu.memory_space<vmem>> -> memref<125xi32, #tpu.memory_space<vmem>>
    %dma_start3A_232 = arith.constant 0 : i32
    %dma_start3A_233 = arith.constant 0 : i32
    %dma_start3A_234 = tpu.memref_slice %arg2[%arg0, %dma_start3A_232, %dma_start3A_233] : memref<2x10000x64xbf16, #tpu.memory_space<hbm>> -> memref<1x10000x64xbf16, #tpu.memory_space<hbm>>
    %dma_start3A_235 = tpu.memref_squeeze %dma_start3A_234 : memref<1x10000x64xbf16, #tpu.memory_space<hbm>> -> memref<10000x64xbf16, #tpu.memory_space<hbm>>
    %dma_start3A_236 = arith.constant 0 : i32
    %dma_start3A_237 = arith.constant 0 : i32
    %dma_start3A_238 = tpu.memref_slice %dma_start3A_235[%dma_start3A_236, %dma_start3A_237] : memref<10000x64xbf16, #tpu.memory_space<hbm>> -> memref<10000x64xbf16, #tpu.memory_space<hbm>>
    tpu.enqueue_indirect_dma source(%dma_start3A_238 : memref<10000x64xbf16, #tpu.memory_space<hbm>>) target(%dma_start3A_228 : memref<125x64xbf16, #tpu.memory_space<vmem>>) offsets(%dma_start3A_231 : memref<125xi32, #tpu.memory_space<vmem>>) semaphore(%arg11 : memref<!tpu.dma_semaphore, #tpu.memory_space<semaphore_mem>>)
    %dma_wait3A_239 = arith.constant 0 : i32
    %dma_wait3A_240 = arith.constant 3 : i32
    %dma_wait3A_241 = arith.constant 0 : i32
    %dma_wait3A_242 = arith.constant 0 : i32
    %dma_wait3A_243 = tpu.memref_slice %arg9[%dma_wait3A_240, %dma_wait3A_241, %dma_wait3A_242] : memref<8x125x64xbf16, #tpu.memory_space<vmem>> -> memref<1x125x64xbf16, #tpu.memory_space<vmem>>
    %dma_wait3A_244 = tpu.memref_squeeze %dma_wait3A_243 : memref<1x125x64xbf16, #tpu.memory_space<vmem>> -> memref<125x64xbf16, #tpu.memory_space<vmem>>
    %dma_wait3A_245 = arith.constant 0 : i32
    %dma_wait3A_246 = tpu.memref_slice %arg7[%dma_wait3A_239, %dma_wait3A_245] : memref<160x125xi32, #tpu.memory_space<vmem>> -> memref<1x125xi32, #tpu.memory_space<vmem>>
    %dma_wait3A_247 = tpu.memref_squeeze %dma_wait3A_246 : memref<1x125xi32, #tpu.memory_space<vmem>> -> memref<125xi32, #tpu.memory_space<vmem>>
    %dma_wait3A_248 = arith.constant 0 : i32
    %dma_wait3A_249 = arith.constant 0 : i32
    %dma_wait3A_250 = tpu.memref_slice %arg2[%arg0, %dma_wait3A_248, %dma_wait3A_249] : memref<2x10000x64xbf16, #tpu.memory_space<hbm>> -> memref<1x10000x64xbf16, #tpu.memory_space<hbm>>
    %dma_wait3A_251 = tpu.memref_squeeze %dma_wait3A_250 : memref<1x10000x64xbf16, #tpu.memory_space<hbm>> -> memref<10000x64xbf16, #tpu.memory_space<hbm>>
    %dma_wait3A_252 = arith.constant 0 : i32
    %dma_wait3A_253 = arith.constant 0 : i32
    %dma_wait3A_254 = tpu.memref_slice %dma_wait3A_251[%dma_wait3A_252, %dma_wait3A_253] : memref<10000x64xbf16, #tpu.memory_space<hbm>> -> memref<10000x64xbf16, #tpu.memory_space<hbm>>
    tpu.wait_indirect_dma semaphore(%arg11 : memref<!tpu.dma_semaphore, #tpu.memory_space<semaphore_mem>>) src(%dma_wait3A_254 : memref<10000x64xbf16, #tpu.memory_space<hbm>>) dst(%dma_wait3A_244 : memref<125x64xbf16, #tpu.memory_space<vmem>>)
    %dma_start3A_255 = arith.constant 3 : i32
    %dma_start3A_256 = arith.constant 3 : i32
    %dma_start3A_257 = arith.constant 0 : i32
    %dma_start3A_258 = arith.constant 0 : i32
    %dma_start3A_259 = tpu.memref_slice %arg9[%dma_start3A_255, %dma_start3A_257, %dma_start3A_258] : memref<8x125x64xbf16, #tpu.memory_space<vmem>> -> memref<1x125x64xbf16, #tpu.memory_space<vmem>>
    %dma_start3A_260 = tpu.memref_squeeze %dma_start3A_259 : memref<1x125x64xbf16, #tpu.memory_space<vmem>> -> memref<125x64xbf16, #tpu.memory_space<vmem>>
    %dma_start3A_261 = arith.constant 0 : i32
    %dma_start3A_262 = tpu.memref_slice %arg8[%dma_start3A_256, %dma_start3A_261] : memref<160x125xi32, #tpu.memory_space<vmem>> -> memref<1x125xi32, #tpu.memory_space<vmem>>
    %dma_start3A_263 = tpu.memref_squeeze %dma_start3A_262 : memref<1x125xi32, #tpu.memory_space<vmem>> -> memref<125xi32, #tpu.memory_space<vmem>>
    %dma_start3A_264 = arith.constant 0 : i32
    %dma_start3A_265 = arith.constant 0 : i32
    %dma_start3A_266 = tpu.memref_slice %arg10[%dma_start3A_264, %dma_start3A_265] : memref<10000x64xbf16, #tpu.memory_space<vmem_shared>> -> memref<10000x64xbf16, #tpu.memory_space<vmem_shared>>
    tpu.enqueue_indirect_dma source(%dma_start3A_260 : memref<125x64xbf16, #tpu.memory_space<vmem>>) target(%dma_start3A_266 : memref<10000x64xbf16, #tpu.memory_space<vmem_shared>>) offsets(%dma_start3A_263 : memref<125xi32, #tpu.memory_space<vmem>>) semaphore(%arg12 : memref<!tpu.dma_semaphore, #tpu.memory_space<semaphore_mem>>) {add = true}
    %dma_wait3A_267 = arith.constant 0 : i32
    %dma_wait3A_268 = arith.constant 0 : i32
    %dma_wait3A_269 = arith.constant 0 : i32
    %dma_wait3A_270 = arith.constant 0 : i32
    %dma_wait3A_271 = tpu.memref_slice %arg9[%dma_wait3A_267, %dma_wait3A_269, %dma_wait3A_270] : memref<8x125x64xbf16, #tpu.memory_space<vmem>> -> memref<1x125x64xbf16, #tpu.memory_space<vmem>>
    %dma_wait3A_272 = tpu.memref_squeeze %dma_wait3A_271 : memref<1x125x64xbf16, #tpu.memory_space<vmem>> -> memref<125x64xbf16, #tpu.memory_space<vmem>>
    %dma_wait3A_273 = arith.constant 0 : i32
    %dma_wait3A_274 = tpu.memref_slice %arg8[%dma_wait3A_268, %dma_wait3A_273] : memref<160x125xi32, #tpu.memory_space<vmem>> -> memref<1x125xi32, #tpu.memory_space<vmem>>
    %dma_wait3A_275 = tpu.memref_squeeze %dma_wait3A_274 : memref<1x125xi32, #tpu.memory_space<vmem>> -> memref<125xi32, #tpu.memory_space<vmem>>
    %dma_wait3A_276 = arith.constant 0 : i32
    %dma_wait3A_277 = arith.constant 0 : i32
    %dma_wait3A_278 = tpu.memref_slice %arg10[%dma_wait3A_276, %dma_wait3A_277] : memref<10000x64xbf16, #tpu.memory_space<vmem_shared>> -> memref<10000x64xbf16, #tpu.memory_space<vmem_shared>>
    tpu.wait_indirect_dma semaphore(%arg12 : memref<!tpu.dma_semaphore, #tpu.memory_space<semaphore_mem>>) src(%dma_wait3A_272 : memref<125x64xbf16, #tpu.memory_space<vmem>>) dst(%dma_wait3A_278 : memref<10000x64xbf16, #tpu.memory_space<vmem_shared>>)
    %dma_start3A_279 = arith.constant 9 : i32
    %dma_start3A_280 = arith.constant 1 : i32
    %dma_start3A_281 = arith.constant 0 : i32
    %dma_start3A_282 = arith.constant 0 : i32
    %dma_start3A_283 = tpu.memref_slice %arg9[%dma_start3A_280, %dma_start3A_281, %dma_start3A_282] : memref<8x125x64xbf16, #tpu.memory_space<vmem>> -> memref<1x125x64xbf16, #tpu.memory_space<vmem>>
    %dma_start3A_284 = tpu.memref_squeeze %dma_start3A_283 : memref<1x125x64xbf16, #tpu.memory_space<vmem>> -> memref<125x64xbf16, #tpu.memory_space<vmem>>
    %dma_start3A_285 = arith.constant 0 : i32
    %dma_start3A_286 = tpu.memref_slice %arg7[%dma_start3A_279, %dma_start3A_285] : memref<160x125xi32, #tpu.memory_space<vmem>> -> memref<1x125xi32, #tpu.memory_space<vmem>>
    %dma_start3A_287 = tpu.memref_squeeze %dma_start3A_286 : memref<1x125xi32, #tpu.memory_space<vmem>> -> memref<125xi32, #tpu.memory_space<vmem>>
    %dma_start3A_288 = arith.constant 0 : i32
    %dma_start3A_289 = arith.constant 0 : i32
    %dma_start3A_290 = tpu.memref_slice %arg2[%arg0, %dma_start3A_288, %dma_start3A_289] : memref<2x10000x64xbf16, #tpu.memory_space<hbm>> -> memref<1x10000x64xbf16, #tpu.memory_space<hbm>>
    %dma_start3A_291 = tpu.memref_squeeze %dma_start3A_290 : memref<1x10000x64xbf16, #tpu.memory_space<hbm>> -> memref<10000x64xbf16, #tpu.memory_space<hbm>>
    %dma_start3A_292 = arith.constant 0 : i32
    %dma_start3A_293 = arith.constant 0 : i32
    %dma_start3A_294 = tpu.memref_slice %dma_start3A_291[%dma_start3A_292, %dma_start3A_293] : memref<10000x64xbf16, #tpu.memory_space<hbm>> -> memref<10000x64xbf16, #tpu.memory_space<hbm>>
    tpu.enqueue_indirect_dma source(%dma_start3A_294 : memref<10000x64xbf16, #tpu.memory_space<hbm>>) target(%dma_start3A_284 : memref<125x64xbf16, #tpu.memory_space<vmem>>) offsets(%dma_start3A_287 : memref<125xi32, #tpu.memory_space<vmem>>) semaphore(%arg11 : memref<!tpu.dma_semaphore, #tpu.memory_space<semaphore_mem>>)
    %dma_wait3A_295 = arith.constant 0 : i32
    %dma_wait3A_296 = arith.constant 4 : i32
    %dma_wait3A_297 = arith.constant 0 : i32
    %dma_wait3A_298 = arith.constant 0 : i32
    %dma_wait3A_299 = tpu.memref_slice %arg9[%dma_wait3A_296, %dma_wait3A_297, %dma_wait3A_298] : memref<8x125x64xbf16, #tpu.memory_space<vmem>> -> memref<1x125x64xbf16, #tpu.memory_space<vmem>>
    %dma_wait3A_300 = tpu.memref_squeeze %dma_wait3A_299 : memref<1x125x64xbf16, #tpu.memory_space<vmem>> -> memref<125x64xbf16, #tpu.memory_space<vmem>>
    %dma_wait3A_301 = arith.constant 0 : i32
    %dma_wait3A_302 = tpu.memref_slice %arg7[%dma_wait3A_295, %dma_wait3A_301] : memref<160x125xi32, #tpu.memory_space<vmem>> -> memref<1x125xi32, #tpu.memory_space<vmem>>
    %dma_wait3A_303 = tpu.memref_squeeze %dma_wait3A_302 : memref<1x125xi32, #tpu.memory_space<vmem>> -> memref<125xi32, #tpu.memory_space<vmem>>
    %dma_wait3A_304 = arith.constant 0 : i32
    %dma_wait3A_305 = arith.constant 0 : i32
    %dma_wait3A_306 = tpu.memref_slice %arg2[%arg0, %dma_wait3A_304, %dma_wait3A_305] : memref<2x10000x64xbf16, #tpu.memory_space<hbm>> -> memref<1x10000x64xbf16, #tpu.memory_space<hbm>>
    %dma_wait3A_307 = tpu.memref_squeeze %dma_wait3A_306 : memref<1x10000x64xbf16, #tpu.memory_space<hbm>> -> memref<10000x64xbf16, #tpu.memory_space<hbm>>
    %dma_wait3A_308 = arith.constant 0 : i32
    %dma_wait3A_309 = arith.constant 0 : i32
    %dma_wait3A_310 = tpu.memref_slice %dma_wait3A_307[%dma_wait3A_308, %dma_wait3A_309] : memref<10000x64xbf16, #tpu.memory_space<hbm>> -> memref<10000x64xbf16, #tpu.memory_space<hbm>>
    tpu.wait_indirect_dma semaphore(%arg11 : memref<!tpu.dma_semaphore, #tpu.memory_space<semaphore_mem>>) src(%dma_wait3A_310 : memref<10000x64xbf16, #tpu.memory_space<hbm>>) dst(%dma_wait3A_300 : memref<125x64xbf16, #tpu.memory_space<vmem>>)
    %dma_start3A_311 = arith.constant 4 : i32
    %dma_start3A_312 = arith.constant 4 : i32
    %dma_start3A_313 = arith.constant 0 : i32
    %dma_start3A_314 = arith.constant 0 : i32
    %dma_start3A_315 = tpu.memref_slice %arg9[%dma_start3A_311, %dma_start3A_313, %dma_start3A_314] : memref<8x125x64xbf16, #tpu.memory_space<vmem>> -> memref<1x125x64xbf16, #tpu.memory_space<vmem>>
    %dma_start3A_316 = tpu.memref_squeeze %dma_start3A_315 : memref<1x125x64xbf16, #tpu.memory_space<vmem>> -> memref<125x64xbf16, #tpu.memory_space<vmem>>
    %dma_start3A_317 = arith.constant 0 : i32
    %dma_start3A_318 = tpu.memref_slice %arg8[%dma_start3A_312, %dma_start3A_317] : memref<160x125xi32, #tpu.memory_space<vmem>> -> memref<1x125xi32, #tpu.memory_space<vmem>>
    %dma_start3A_319 = tpu.memref_squeeze %dma_start3A_318 : memref<1x125xi32, #tpu.memory_space<vmem>> -> memref<125xi32, #tpu.memory_space<vmem>>
    %dma_start3A_320 = arith.constant 0 : i32
    %dma_start3A_321 = arith.constant 0 : i32
    %dma_start3A_322 = tpu.memref_slice %arg10[%dma_start3A_320, %dma_start3A_321] : memref<10000x64xbf16, #tpu.memory_space<vmem_shared>> -> memref<10000x64xbf16, #tpu.memory_space<vmem_shared>>
    tpu.enqueue_indirect_dma source(%dma_start3A_316 : memref<125x64xbf16, #tpu.memory_space<vmem>>) target(%dma_start3A_322 : memref<10000x64xbf16, #tpu.memory_space<vmem_shared>>) offsets(%dma_start3A_319 : memref<125xi32, #tpu.memory_space<vmem>>) semaphore(%arg12 : memref<!tpu.dma_semaphore, #tpu.memory_space<semaphore_mem>>) {add = true}
    %dma_wait3A_323 = arith.constant 0 : i32
    %dma_wait3A_324 = arith.constant 0 : i32
    %dma_wait3A_325 = arith.constant 0 : i32
    %dma_wait3A_326 = arith.constant 0 : i32
    %dma_wait3A_327 = tpu.memref_slice %arg9[%dma_wait3A_323, %dma_wait3A_325, %dma_wait3A_326] : memref<8x125x64xbf16, #tpu.memory_space<vmem>> -> memref<1x125x64xbf16, #tpu.memory_space<vmem>>
    %dma_wait3A_328 = tpu.memref_squeeze %dma_wait3A_327 : memref<1x125x64xbf16, #tpu.memory_space<vmem>> -> memref<125x64xbf16, #tpu.memory_space<vmem>>
    %dma_wait3A_329 = arith.constant 0 : i32
    %dma_wait3A_330 = tpu.memref_slice %arg8[%dma_wait3A_324, %dma_wait3A_329] : memref<160x125xi32, #tpu.memory_space<vmem>> -> memref<1x125xi32, #tpu.memory_space<vmem>>
    %dma_wait3A_331 = tpu.memref_squeeze %dma_wait3A_330 : memref<1x125xi32, #tpu.memory_space<vmem>> -> memref<125xi32, #tpu.memory_space<vmem>>
    %dma_wait3A_332 = arith.constant 0 : i32
    %dma_wait3A_333 = arith.constant 0 : i32
    %dma_wait3A_334 = tpu.memref_slice %arg10[%dma_wait3A_332, %dma_wait3A_333] : memref<10000x64xbf16, #tpu.memory_space<vmem_shared>> -> memref<10000x64xbf16, #tpu.memory_space<vmem_shared>>
    tpu.wait_indirect_dma semaphore(%arg12 : memref<!tpu.dma_semaphore, #tpu.memory_space<semaphore_mem>>) src(%dma_wait3A_328 : memref<125x64xbf16, #tpu.memory_space<vmem>>) dst(%dma_wait3A_334 : memref<10000x64xbf16, #tpu.memory_space<vmem_shared>>)
    %dma_start3A_335 = arith.constant 10 : i32
    %dma_start3A_336 = arith.constant 2 : i32
    %dma_start3A_337 = arith.constant 0 : i32
    %dma_start3A_338 = arith.constant 0 : i32
    %dma_start3A_339 = tpu.memref_slice %arg9[%dma_start3A_336, %dma_start3A_337, %dma_start3A_338] : memref<8x125x64xbf16, #tpu.memory_space<vmem>> -> memref<1x125x64xbf16, #tpu.memory_space<vmem>>
    %dma_start3A_340 = tpu.memref_squeeze %dma_start3A_339 : memref<1x125x64xbf16, #tpu.memory_space<vmem>> -> memref<125x64xbf16, #tpu.memory_space<vmem>>
    %dma_start3A_341 = arith.constant 0 : i32
    %dma_start3A_342 = tpu.memref_slice %arg7[%dma_start3A_335, %dma_start3A_341] : memref<160x125xi32, #tpu.memory_space<vmem>> -> memref<1x125xi32, #tpu.memory_space<vmem>>
    %dma_start3A_343 = tpu.memref_squeeze %dma_start3A_342 : memref<1x125xi32, #tpu.memory_space<vmem>> -> memref<125xi32, #tpu.memory_space<vmem>>
    %dma_start3A_344 = arith.constant 0 : i32
    %dma_start3A_345 = arith.constant 0 : i32
    %dma_start3A_346 = tpu.memref_slice %arg2[%arg0, %dma_start3A_344, %dma_start3A_345] : memref<2x10000x64xbf16, #tpu.memory_space<hbm>> -> memref<1x10000x64xbf16, #tpu.memory_space<hbm>>
    %dma_start3A_347 = tpu.memref_squeeze %dma_start3A_346 : memref<1x10000x64xbf16, #tpu.memory_space<hbm>> -> memref<10000x64xbf16, #tpu.memory_space<hbm>>
    %dma_start3A_348 = arith.constant 0 : i32
    %dma_start3A_349 = arith.constant 0 : i32
    %dma_start3A_350 = tpu.memref_slice %dma_start3A_347[%dma_start3A_348, %dma_start3A_349] : memref<10000x64xbf16, #tpu.memory_space<hbm>> -> memref<10000x64xbf16, #tpu.memory_space<hbm>>
    tpu.enqueue_indirect_dma source(%dma_start3A_350 : memref<10000x64xbf16, #tpu.memory_space<hbm>>) target(%dma_start3A_340 : memref<125x64xbf16, #tpu.memory_space<vmem>>) offsets(%dma_start3A_343 : memref<125xi32, #tpu.memory_space<vmem>>) semaphore(%arg11 : memref<!tpu.dma_semaphore, #tpu.memory_space<semaphore_mem>>)
    %dma_wait3A_351 = arith.constant 0 : i32
    %dma_wait3A_352 = arith.constant 5 : i32
    %dma_wait3A_353 = arith.constant 0 : i32
    %dma_wait3A_354 = arith.constant 0 : i32
    %dma_wait3A_355 = tpu.memref_slice %arg9[%dma_wait3A_352, %dma_wait3A_353, %dma_wait3A_354] : memref<8x125x64xbf16, #tpu.memory_space<vmem>> -> memref<1x125x64xbf16, #tpu.memory_space<vmem>>
    %dma_wait3A_356 = tpu.memref_squeeze %dma_wait3A_355 : memref<1x125x64xbf16, #tpu.memory_space<vmem>> -> memref<125x64xbf16, #tpu.memory_space<vmem>>
    %dma_wait3A_357 = arith.constant 0 : i32
    %dma_wait3A_358 = tpu.memref_slice %arg7[%dma_wait3A_351, %dma_wait3A_357] : memref<160x125xi32, #tpu.memory_space<vmem>> -> memref<1x125xi32, #tpu.memory_space<vmem>>
    %dma_wait3A_359 = tpu.memref_squeeze %dma_wait3A_358 : memref<1x125xi32, #tpu.memory_space<vmem>> -> memref<125xi32, #tpu.memory_space<vmem>>
    %dma_wait3A_360 = arith.constant 0 : i32
    %dma_wait3A_361 = arith.constant 0 : i32
    %dma_wait3A_362 = tpu.memref_slice %arg2[%arg0, %dma_wait3A_360, %dma_wait3A_361] : memref<2x10000x64xbf16, #tpu.memory_space<hbm>> -> memref<1x10000x64xbf16, #tpu.memory_space<hbm>>
    %dma_wait3A_363 = tpu.memref_squeeze %dma_wait3A_362 : memref<1x10000x64xbf16, #tpu.memory_space<hbm>> -> memref<10000x64xbf16, #tpu.memory_space<hbm>>
    %dma_wait3A_364 = arith.constant 0 : i32
    %dma_wait3A_365 = arith.constant 0 : i32
    %dma_wait3A_366 = tpu.memref_slice %dma_wait3A_363[%dma_wait3A_364, %dma_wait3A_365] : memref<10000x64xbf16, #tpu.memory_space<hbm>> -> memref<10000x64xbf16, #tpu.memory_space<hbm>>
    tpu.wait_indirect_dma semaphore(%arg11 : memref<!tpu.dma_semaphore, #tpu.memory_space<semaphore_mem>>) src(%dma_wait3A_366 : memref<10000x64xbf16, #tpu.memory_space<hbm>>) dst(%dma_wait3A_356 : memref<125x64xbf16, #tpu.memory_space<vmem>>)
    %dma_start3A_367 = arith.constant 5 : i32
    %dma_start3A_368 = arith.constant 5 : i32
    %dma_start3A_369 = arith.constant 0 : i32
    %dma_start3A_370 = arith.constant 0 : i32
    %dma_start3A_371 = tpu.memref_slice %arg9[%dma_start3A_367, %dma_start3A_369, %dma_start3A_370] : memref<8x125x64xbf16, #tpu.memory_space<vmem>> -> memref<1x125x64xbf16, #tpu.memory_space<vmem>>
    %dma_start3A_372 = tpu.memref_squeeze %dma_start3A_371 : memref<1x125x64xbf16, #tpu.memory_space<vmem>> -> memref<125x64xbf16, #tpu.memory_space<vmem>>
    %dma_start3A_373 = arith.constant 0 : i32
    %dma_start3A_374 = tpu.memref_slice %arg8[%dma_start3A_368, %dma_start3A_373] : memref<160x125xi32, #tpu.memory_space<vmem>> -> memref<1x125xi32, #tpu.memory_space<vmem>>
    %dma_start3A_375 = tpu.memref_squeeze %dma_start3A_374 : memref<1x125xi32, #tpu.memory_space<vmem>> -> memref<125xi32, #tpu.memory_space<vmem>>
    %dma_start3A_376 = arith.constant 0 : i32
    %dma_start3A_377 = arith.constant 0 : i32
    %dma_start3A_378 = tpu.memref_slice %arg10[%dma_start3A_376, %dma_start3A_377] : memref<10000x64xbf16, #tpu.memory_space<vmem_shared>> -> memref<10000x64xbf16, #tpu.memory_space<vmem_shared>>
    tpu.enqueue_indirect_dma source(%dma_start3A_372 : memref<125x64xbf16, #tpu.memory_space<vmem>>) target(%dma_start3A_378 : memref<10000x64xbf16, #tpu.memory_space<vmem_shared>>) offsets(%dma_start3A_375 : memref<125xi32, #tpu.memory_space<vmem>>) semaphore(%arg12 : memref<!tpu.dma_semaphore, #tpu.memory_space<semaphore_mem>>) {add = true}
    %dma_wait3A_379 = arith.constant 0 : i32
    %dma_wait3A_380 = arith.constant 0 : i32
    %dma_wait3A_381 = arith.constant 0 : i32
    %dma_wait3A_382 = arith.constant 0 : i32
    %dma_wait3A_383 = tpu.memref_slice %arg9[%dma_wait3A_379, %dma_wait3A_381, %dma_wait3A_382] : memref<8x125x64xbf16, #tpu.memory_space<vmem>> -> memref<1x125x64xbf16, #tpu.memory_space<vmem>>
    %dma_wait3A_384 = tpu.memref_squeeze %dma_wait3A_383 : memref<1x125x64xbf16, #tpu.memory_space<vmem>> -> memref<125x64xbf16, #tpu.memory_space<vmem>>
    %dma_wait3A_385 = arith.constant 0 : i32
    %dma_wait3A_386 = tpu.memref_slice %arg8[%dma_wait3A_380, %dma_wait3A_385] : memref<160x125xi32, #tpu.memory_space<vmem>> -> memref<1x125xi32, #tpu.memory_space<vmem>>
    %dma_wait3A_387 = tpu.memref_squeeze %dma_wait3A_386 : memref<1x125xi32, #tpu.memory_space<vmem>> -> memref<125xi32, #tpu.memory_space<vmem>>
    %dma_wait3A_388 = arith.constant 0 : i32
    %dma_wait3A_389 = arith.constant 0 : i32
    %dma_wait3A_390 = tpu.memref_slice %arg10[%dma_wait3A_388, %dma_wait3A_389] : memref<10000x64xbf16, #tpu.memory_space<vmem_shared>> -> memref<10000x64xbf16, #tpu.memory_space<vmem_shared>>
    tpu.wait_indirect_dma semaphore(%arg12 : memref<!tpu.dma_semaphore, #tpu.memory_space<semaphore_mem>>) src(%dma_wait3A_384 : memref<125x64xbf16, #tpu.memory_space<vmem>>) dst(%dma_wait3A_390 : memref<10000x64xbf16, #tpu.memory_space<vmem_shared>>)
    %dma_start3A_391 = arith.constant 11 : i32
    %dma_start3A_392 = arith.constant 3 : i32
    %dma_start3A_393 = arith.constant 0 : i32
    %dma_start3A_394 = arith.constant 0 : i32
    %dma_start3A_395 = tpu.memref_slice %arg9[%dma_start3A_392, %dma_start3A_393, %dma_start3A_394] : memref<8x125x64xbf16, #tpu.memory_space<vmem>> -> memref<1x125x64xbf16, #tpu.memory_space<vmem>>
    %dma_start3A_396 = tpu.memref_squeeze %dma_start3A_395 : memref<1x125x64xbf16, #tpu.memory_space<vmem>> -> memref<125x64xbf16, #tpu.memory_space<vmem>>
    %dma_start3A_397 = arith.constant 0 : i32
    %dma_start3A_398 = tpu.memref_slice %arg7[%dma_start3A_391, %dma_start3A_397] : memref<160x125xi32, #tpu.memory_space<vmem>> -> memref<1x125xi32, #tpu.memory_space<vmem>>
    %dma_start3A_399 = tpu.memref_squeeze %dma_start3A_398 : memref<1x125xi32, #tpu.memory_space<vmem>> -> memref<125xi32, #tpu.memory_space<vmem>>
    %dma_start3A_400 = arith.constant 0 : i32
    %dma_start3A_401 = arith.constant 0 : i32
    %dma_start3A_402 = tpu.memref_slice %arg2[%arg0, %dma_start3A_400, %dma_start3A_401] : memref<2x10000x64xbf16, #tpu.memory_space<hbm>> -> memref<1x10000x64xbf16, #tpu.memory_space<hbm>>
    %dma_start3A_403 = tpu.memref_squeeze %dma_start3A_402 : memref<1x10000x64xbf16, #tpu.memory_space<hbm>> -> memref<10000x64xbf16, #tpu.memory_space<hbm>>
    %dma_start3A_404 = arith.constant 0 : i32
    %dma_start3A_405 = arith.constant 0 : i32
    %dma_start3A_406 = tpu.memref_slice %dma_start3A_403[%dma_start3A_404, %dma_start3A_405] : memref<10000x64xbf16, #tpu.memory_space<hbm>> -> memref<10000x64xbf16, #tpu.memory_space<hbm>>
    tpu.enqueue_indirect_dma source(%dma_start3A_406 : memref<10000x64xbf16, #tpu.memory_space<hbm>>) target(%dma_start3A_396 : memref<125x64xbf16, #tpu.memory_space<vmem>>) offsets(%dma_start3A_399 : memref<125xi32, #tpu.memory_space<vmem>>) semaphore(%arg11 : memref<!tpu.dma_semaphore, #tpu.memory_space<semaphore_mem>>)
    %dma_wait3A_407 = arith.constant 0 : i32
    %dma_wait3A_408 = arith.constant 6 : i32
    %dma_wait3A_409 = arith.constant 0 : i32
    %dma_wait3A_410 = arith.constant 0 : i32
    %dma_wait3A_411 = tpu.memref_slice %arg9[%dma_wait3A_408, %dma_wait3A_409, %dma_wait3A_410] : memref<8x125x64xbf16, #tpu.memory_space<vmem>> -> memref<1x125x64xbf16, #tpu.memory_space<vmem>>
    %dma_wait3A_412 = tpu.memref_squeeze %dma_wait3A_411 : memref<1x125x64xbf16, #tpu.memory_space<vmem>> -> memref<125x64xbf16, #tpu.memory_space<vmem>>
    %dma_wait3A_413 = arith.constant 0 : i32
    %dma_wait3A_414 = tpu.memref_slice %arg7[%dma_wait3A_407, %dma_wait3A_413] : memref<160x125xi32, #tpu.memory_space<vmem>> -> memref<1x125xi32, #tpu.memory_space<vmem>>
    %dma_wait3A_415 = tpu.memref_squeeze %dma_wait3A_414 : memref<1x125xi32, #tpu.memory_space<vmem>> -> memref<125xi32, #tpu.memory_space<vmem>>
    %dma_wait3A_416 = arith.constant 0 : i32
    %dma_wait3A_417 = arith.constant 0 : i32
    %dma_wait3A_418 = tpu.memref_slice %arg2[%arg0, %dma_wait3A_416, %dma_wait3A_417] : memref<2x10000x64xbf16, #tpu.memory_space<hbm>> -> memref<1x10000x64xbf16, #tpu.memory_space<hbm>>
    %dma_wait3A_419 = tpu.memref_squeeze %dma_wait3A_418 : memref<1x10000x64xbf16, #tpu.memory_space<hbm>> -> memref<10000x64xbf16, #tpu.memory_space<hbm>>
    %dma_wait3A_420 = arith.constant 0 : i32
    %dma_wait3A_421 = arith.constant 0 : i32
    %dma_wait3A_422 = tpu.memref_slice %dma_wait3A_419[%dma_wait3A_420, %dma_wait3A_421] : memref<10000x64xbf16, #tpu.memory_space<hbm>> -> memref<10000x64xbf16, #tpu.memory_space<hbm>>
    tpu.wait_indirect_dma semaphore(%arg11 : memref<!tpu.dma_semaphore, #tpu.memory_space<semaphore_mem>>) src(%dma_wait3A_422 : memref<10000x64xbf16, #tpu.memory_space<hbm>>) dst(%dma_wait3A_412 : memref<125x64xbf16, #tpu.memory_space<vmem>>)
    %dma_start3A_423 = arith.constant 6 : i32
    %dma_start3A_424 = arith.constant 6 : i32
    %dma_start3A_425 = arith.constant 0 : i32
    %dma_start3A_426 = arith.constant 0 : i32
    %dma_start3A_427 = tpu.memref_slice %arg9[%dma_start3A_423, %dma_start3A_425, %dma_start3A_426] : memref<8x125x64xbf16, #tpu.memory_space<vmem>> -> memref<1x125x64xbf16, #tpu.memory_space<vmem>>
    %dma_start3A_428 = tpu.memref_squeeze %dma_start3A_427 : memref<1x125x64xbf16, #tpu.memory_space<vmem>> -> memref<125x64xbf16, #tpu.memory_space<vmem>>
    %dma_start3A_429 = arith.constant 0 : i32
    %dma_start3A_430 = tpu.memref_slice %arg8[%dma_start3A_424, %dma_start3A_429] : memref<160x125xi32, #tpu.memory_space<vmem>> -> memref<1x125xi32, #tpu.memory_space<vmem>>
    %dma_start3A_431 = tpu.memref_squeeze %dma_start3A_430 : memref<1x125xi32, #tpu.memory_space<vmem>> -> memref<125xi32, #tpu.memory_space<vmem>>
    %dma_start3A_432 = arith.constant 0 : i32
    %dma_start3A_433 = arith.constant 0 : i32
    %dma_start3A_434 = tpu.memref_slice %arg10[%dma_start3A_432, %dma_start3A_433] : memref<10000x64xbf16, #tpu.memory_space<vmem_shared>> -> memref<10000x64xbf16, #tpu.memory_space<vmem_shared>>
    tpu.enqueue_indirect_dma source(%dma_start3A_428 : memref<125x64xbf16, #tpu.memory_space<vmem>>) target(%dma_start3A_434 : memref<10000x64xbf16, #tpu.memory_space<vmem_shared>>) offsets(%dma_start3A_431 : memref<125xi32, #tpu.memory_space<vmem>>) semaphore(%arg12 : memref<!tpu.dma_semaphore, #tpu.memory_space<semaphore_mem>>) {add = true}
    %dma_wait3A_435 = arith.constant 0 : i32
    %dma_wait3A_436 = arith.constant 0 : i32
    %dma_wait3A_437 = arith.constant 0 : i32
    %dma_wait3A_438 = arith.constant 0 : i32
    %dma_wait3A_439 = tpu.memref_slice %arg9[%dma_wait3A_435, %dma_wait3A_437, %dma_wait3A_438] : memref<8x125x64xbf16, #tpu.memory_space<vmem>> -> memref<1x125x64xbf16, #tpu.memory_space<vmem>>
    %dma_wait3A_440 = tpu.memref_squeeze %dma_wait3A_439 : memref<1x125x64xbf16, #tpu.memory_space<vmem>> -> memref<125x64xbf16, #tpu.memory_space<vmem>>
    %dma_wait3A_441 = arith.constant 0 : i32
    %dma_wait3A_442 = tpu.memref_slice %arg8[%dma_wait3A_436, %dma_wait3A_441] : memref<160x125xi32, #tpu.memory_space<vmem>> -> memref<1x125xi32, #tpu.memory_space<vmem>>
    %dma_wait3A_443 = tpu.memref_squeeze %dma_wait3A_442 : memref<1x125xi32, #tpu.memory_space<vmem>> -> memref<125xi32, #tpu.memory_space<vmem>>
    %dma_wait3A_444 = arith.constant 0 : i32
    %dma_wait3A_445 = arith.constant 0 : i32
    %dma_wait3A_446 = tpu.memref_slice %arg10[%dma_wait3A_444, %dma_wait3A_445] : memref<10000x64xbf16, #tpu.memory_space<vmem_shared>> -> memref<10000x64xbf16, #tpu.memory_space<vmem_shared>>
    tpu.wait_indirect_dma semaphore(%arg12 : memref<!tpu.dma_semaphore, #tpu.memory_space<semaphore_mem>>) src(%dma_wait3A_440 : memref<125x64xbf16, #tpu.memory_space<vmem>>) dst(%dma_wait3A_446 : memref<10000x64xbf16, #tpu.memory_space<vmem_shared>>)
    %dma_start3A_447 = arith.constant 12 : i32
    %dma_start3A_448 = arith.constant 4 : i32
    %dma_start3A_449 = arith.constant 0 : i32
    %dma_start3A_450 = arith.constant 0 : i32
    %dma_start3A_451 = tpu.memref_slice %arg9[%dma_start3A_448, %dma_start3A_449, %dma_start3A_450] : memref<8x125x64xbf16, #tpu.memory_space<vmem>> -> memref<1x125x64xbf16, #tpu.memory_space<vmem>>
    %dma_start3A_452 = tpu.memref_squeeze %dma_start3A_451 : memref<1x125x64xbf16, #tpu.memory_space<vmem>> -> memref<125x64xbf16, #tpu.memory_space<vmem>>
    %dma_start3A_453 = arith.constant 0 : i32
    %dma_start3A_454 = tpu.memref_slice %arg7[%dma_start3A_447, %dma_start3A_453] : memref<160x125xi32, #tpu.memory_space<vmem>> -> memref<1x125xi32, #tpu.memory_space<vmem>>
    %dma_start3A_455 = tpu.memref_squeeze %dma_start3A_454 : memref<1x125xi32, #tpu.memory_space<vmem>> -> memref<125xi32, #tpu.memory_space<vmem>>
    %dma_start3A_456 = arith.constant 0 : i32
    %dma_start3A_457 = arith.constant 0 : i32
    %dma_start3A_458 = tpu.memref_slice %arg2[%arg0, %dma_start3A_456, %dma_start3A_457] : memref<2x10000x64xbf16, #tpu.memory_space<hbm>> -> memref<1x10000x64xbf16, #tpu.memory_space<hbm>>
    %dma_start3A_459 = tpu.memref_squeeze %dma_start3A_458 : memref<1x10000x64xbf16, #tpu.memory_space<hbm>> -> memref<10000x64xbf16, #tpu.memory_space<hbm>>
    %dma_start3A_460 = arith.constant 0 : i32
    %dma_start3A_461 = arith.constant 0 : i32
    %dma_start3A_462 = tpu.memref_slice %dma_start3A_459[%dma_start3A_460, %dma_start3A_461] : memref<10000x64xbf16, #tpu.memory_space<hbm>> -> memref<10000x64xbf16, #tpu.memory_space<hbm>>
    tpu.enqueue_indirect_dma source(%dma_start3A_462 : memref<10000x64xbf16, #tpu.memory_space<hbm>>) target(%dma_start3A_452 : memref<125x64xbf16, #tpu.memory_space<vmem>>) offsets(%dma_start3A_455 : memref<125xi32, #tpu.memory_space<vmem>>) semaphore(%arg11 : memref<!tpu.dma_semaphore, #tpu.memory_space<semaphore_mem>>)
    %dma_wait3A_463 = arith.constant 0 : i32
    %dma_wait3A_464 = arith.constant 7 : i32
    %dma_wait3A_465 = arith.constant 0 : i32
    %dma_wait3A_466 = arith.constant 0 : i32
    %dma_wait3A_467 = tpu.memref_slice %arg9[%dma_wait3A_464, %dma_wait3A_465, %dma_wait3A_466] : memref<8x125x64xbf16, #tpu.memory_space<vmem>> -> memref<1x125x64xbf16, #tpu.memory_space<vmem>>
    %dma_wait3A_468 = tpu.memref_squeeze %dma_wait3A_467 : memref<1x125x64xbf16, #tpu.memory_space<vmem>> -> memref<125x64xbf16, #tpu.memory_space<vmem>>
    %dma_wait3A_469 = arith.constant 0 : i32
    %dma_wait3A_470 = tpu.memref_slice %arg7[%dma_wait3A_463, %dma_wait3A_469] : memref<160x125xi32, #tpu.memory_space<vmem>> -> memref<1x125xi32, #tpu.memory_space<vmem>>
    %dma_wait3A_471 = tpu.memref_squeeze %dma_wait3A_470 : memref<1x125xi32, #tpu.memory_space<vmem>> -> memref<125xi32, #tpu.memory_space<vmem>>
    %dma_wait3A_472 = arith.constant 0 : i32
    %dma_wait3A_473 = arith.constant 0 : i32
    %dma_wait3A_474 = tpu.memref_slice %arg2[%arg0, %dma_wait3A_472, %dma_wait3A_473] : memref<2x10000x64xbf16, #tpu.memory_space<hbm>> -> memref<1x10000x64xbf16, #tpu.memory_space<hbm>>
    %dma_wait3A_475 = tpu.memref_squeeze %dma_wait3A_474 : memref<1x10000x64xbf16, #tpu.memory_space<hbm>> -> memref<10000x64xbf16, #tpu.memory_space<hbm>>
    %dma_wait3A_476 = arith.constant 0 : i32
    %dma_wait3A_477 = arith.constant 0 : i32
    %dma_wait3A_478 = tpu.memref_slice %dma_wait3A_475[%dma_wait3A_476, %dma_wait3A_477] : memref<10000x64xbf16, #tpu.memory_space<hbm>> -> memref<10000x64xbf16, #tpu.memory_space<hbm>>
    tpu.wait_indirect_dma semaphore(%arg11 : memref<!tpu.dma_semaphore, #tpu.memory_space<semaphore_mem>>) src(%dma_wait3A_478 : memref<10000x64xbf16, #tpu.memory_space<hbm>>) dst(%dma_wait3A_468 : memref<125x64xbf16, #tpu.memory_space<vmem>>)
    %dma_start3A_479 = arith.constant 7 : i32
    %dma_start3A_480 = arith.constant 7 : i32
    %dma_start3A_481 = arith.constant 0 : i32
    %dma_start3A_482 = arith.constant 0 : i32
    %dma_start3A_483 = tpu.memref_slice %arg9[%dma_start3A_479, %dma_start3A_481, %dma_start3A_482] : memref<8x125x64xbf16, #tpu.memory_space<vmem>> -> memref<1x125x64xbf16, #tpu.memory_space<vmem>>
    %dma_start3A_484 = tpu.memref_squeeze %dma_start3A_483 : memref<1x125x64xbf16, #tpu.memory_space<vmem>> -> memref<125x64xbf16, #tpu.memory_space<vmem>>
    %dma_start3A_485 = arith.constant 0 : i32
    %dma_start3A_486 = tpu.memref_slice %arg8[%dma_start3A_480, %dma_start3A_485] : memref<160x125xi32, #tpu.memory_space<vmem>> -> memref<1x125xi32, #tpu.memory_space<vmem>>
    %dma_start3A_487 = tpu.memref_squeeze %dma_start3A_486 : memref<1x125xi32, #tpu.memory_space<vmem>> -> memref<125xi32, #tpu.memory_space<vmem>>
    %dma_start3A_488 = arith.constant 0 : i32
    %dma_start3A_489 = arith.constant 0 : i32
    %dma_start3A_490 = tpu.memref_slice %arg10[%dma_start3A_488, %dma_start3A_489] : memref<10000x64xbf16, #tpu.memory_space<vmem_shared>> -> memref<10000x64xbf16, #tpu.memory_space<vmem_shared>>
    tpu.enqueue_indirect_dma source(%dma_start3A_484 : memref<125x64xbf16, #tpu.memory_space<vmem>>) target(%dma_start3A_490 : memref<10000x64xbf16, #tpu.memory_space<vmem_shared>>) offsets(%dma_start3A_487 : memref<125xi32, #tpu.memory_space<vmem>>) semaphore(%arg12 : memref<!tpu.dma_semaphore, #tpu.memory_space<semaphore_mem>>) {add = true}
    %dma_wait3A_491 = arith.constant 0 : i32
    %dma_wait3A_492 = arith.constant 0 : i32
    %dma_wait3A_493 = arith.constant 0 : i32
    %dma_wait3A_494 = arith.constant 0 : i32
    %dma_wait3A_495 = tpu.memref_slice %arg9[%dma_wait3A_491, %dma_wait3A_493, %dma_wait3A_494] : memref<8x125x64xbf16, #tpu.memory_space<vmem>> -> memref<1x125x64xbf16, #tpu.memory_space<vmem>>
    %dma_wait3A_496 = tpu.memref_squeeze %dma_wait3A_495 : memref<1x125x64xbf16, #tpu.memory_space<vmem>> -> memref<125x64xbf16, #tpu.memory_space<vmem>>
    %dma_wait3A_497 = arith.constant 0 : i32
    %dma_wait3A_498 = tpu.memref_slice %arg8[%dma_wait3A_492, %dma_wait3A_497] : memref<160x125xi32, #tpu.memory_space<vmem>> -> memref<1x125xi32, #tpu.memory_space<vmem>>
    %dma_wait3A_499 = tpu.memref_squeeze %dma_wait3A_498 : memref<1x125xi32, #tpu.memory_space<vmem>> -> memref<125xi32, #tpu.memory_space<vmem>>
    %dma_wait3A_500 = arith.constant 0 : i32
    %dma_wait3A_501 = arith.constant 0 : i32
    %dma_wait3A_502 = tpu.memref_slice %arg10[%dma_wait3A_500, %dma_wait3A_501] : memref<10000x64xbf16, #tpu.memory_space<vmem_shared>> -> memref<10000x64xbf16, #tpu.memory_space<vmem_shared>>
    tpu.wait_indirect_dma semaphore(%arg12 : memref<!tpu.dma_semaphore, #tpu.memory_space<semaphore_mem>>) src(%dma_wait3A_496 : memref<125x64xbf16, #tpu.memory_space<vmem>>) dst(%dma_wait3A_502 : memref<10000x64xbf16, #tpu.memory_space<vmem_shared>>)
    %dma_start3A_503 = arith.constant 13 : i32
    %dma_start3A_504 = arith.constant 5 : i32
    %dma_start3A_505 = arith.constant 0 : i32
    %dma_start3A_506 = arith.constant 0 : i32
    %dma_start3A_507 = tpu.memref_slice %arg9[%dma_start3A_504, %dma_start3A_505, %dma_start3A_506] : memref<8x125x64xbf16, #tpu.memory_space<vmem>> -> memref<1x125x64xbf16, #tpu.memory_space<vmem>>
    %dma_start3A_508 = tpu.memref_squeeze %dma_start3A_507 : memref<1x125x64xbf16, #tpu.memory_space<vmem>> -> memref<125x64xbf16, #tpu.memory_space<vmem>>
    %dma_start3A_509 = arith.constant 0 : i32
    %dma_start3A_510 = tpu.memref_slice %arg7[%dma_start3A_503, %dma_start3A_509] : memref<160x125xi32, #tpu.memory_space<vmem>> -> memref<1x125xi32, #tpu.memory_space<vmem>>
    %dma_start3A_511 = tpu.memref_squeeze %dma_start3A_510 : memref<1x125xi32, #tpu.memory_space<vmem>> -> memref<125xi32, #tpu.memory_space<vmem>>
    %dma_start3A_512 = arith.constant 0 : i32
    %dma_start3A_513 = arith.constant 0 : i32
    %dma_start3A_514 = tpu.memref_slice %arg2[%arg0, %dma_start3A_512, %dma_start3A_513] : memref<2x10000x64xbf16, #tpu.memory_space<hbm>> -> memref<1x10000x64xbf16, #tpu.memory_space<hbm>>
    %dma_start3A_515 = tpu.memref_squeeze %dma_start3A_514 : memref<1x10000x64xbf16, #tpu.memory_space<hbm>> -> memref<10000x64xbf16, #tpu.memory_space<hbm>>
    %dma_start3A_516 = arith.constant 0 : i32
    %dma_start3A_517 = arith.constant 0 : i32
    %dma_start3A_518 = tpu.memref_slice %dma_start3A_515[%dma_start3A_516, %dma_start3A_517] : memref<10000x64xbf16, #tpu.memory_space<hbm>> -> memref<10000x64xbf16, #tpu.memory_space<hbm>>
    tpu.enqueue_indirect_dma source(%dma_start3A_518 : memref<10000x64xbf16, #tpu.memory_space<hbm>>) target(%dma_start3A_508 : memref<125x64xbf16, #tpu.memory_space<vmem>>) offsets(%dma_start3A_511 : memref<125xi32, #tpu.memory_space<vmem>>) semaphore(%arg11 : memref<!tpu.dma_semaphore, #tpu.memory_space<semaphore_mem>>)
    %scan3A = arith.constant 0 : i32
    %scan3A_519 = arith.constant 1 : i32
    %scan3A_520 = arith.constant 18 : i32
    %scan3A_521 = arith.addi %scan3A_519, %scan3A_520 : i32
    %scan3A_522 = arith.constant 1 : i32
    scf.for %scan3A_955 = %scan3A_519 to %scan3A_521 step %scan3A_522  : i32 {
      %mul3A_956 = arith.constant 8 : i32
      %mul3A_957 = arith.muli %scan3A_955, %mul3A_956 : i32
      %add3A_958 = arith.constant 0 : i32
      %add3A_959 = arith.addi %mul3A_957, %add3A_958 : i32
      %dma_wait3A_960 = arith.constant 0 : i32
      %dma_wait3A_961 = arith.constant 0 : i32
      %dma_wait3A_962 = arith.constant 0 : i32
      %dma_wait3A_963 = arith.constant 0 : i32
      %dma_wait3A_964 = tpu.memref_slice %arg9[%dma_wait3A_961, %dma_wait3A_962, %dma_wait3A_963] : memref<8x125x64xbf16, #tpu.memory_space<vmem>> -> memref<1x125x64xbf16, #tpu.memory_space<vmem>>
      %dma_wait3A_965 = tpu.memref_squeeze %dma_wait3A_964 : memref<1x125x64xbf16, #tpu.memory_space<vmem>> -> memref<125x64xbf16, #tpu.memory_space<vmem>>
      %dma_wait3A_966 = arith.constant 0 : i32
      %dma_wait3A_967 = tpu.memref_slice %arg7[%dma_wait3A_960, %dma_wait3A_966] : memref<160x125xi32, #tpu.memory_space<vmem>> -> memref<1x125xi32, #tpu.memory_space<vmem>>
      %dma_wait3A_968 = tpu.memref_squeeze %dma_wait3A_967 : memref<1x125xi32, #tpu.memory_space<vmem>> -> memref<125xi32, #tpu.memory_space<vmem>>
      %dma_wait3A_969 = arith.constant 0 : i32
      %dma_wait3A_970 = arith.constant 0 : i32
      %dma_wait3A_971 = tpu.memref_slice %arg2[%arg0, %dma_wait3A_969, %dma_wait3A_970] : memref<2x10000x64xbf16, #tpu.memory_space<hbm>> -> memref<1x10000x64xbf16, #tpu.memory_space<hbm>>
      %dma_wait3A_972 = tpu.memref_squeeze %dma_wait3A_971 : memref<1x10000x64xbf16, #tpu.memory_space<hbm>> -> memref<10000x64xbf16, #tpu.memory_space<hbm>>
      %dma_wait3A_973 = arith.constant 0 : i32
      %dma_wait3A_974 = arith.constant 0 : i32
      %dma_wait3A_975 = tpu.memref_slice %dma_wait3A_972[%dma_wait3A_973, %dma_wait3A_974] : memref<10000x64xbf16, #tpu.memory_space<hbm>> -> memref<10000x64xbf16, #tpu.memory_space<hbm>>
      tpu.wait_indirect_dma semaphore(%arg11 : memref<!tpu.dma_semaphore, #tpu.memory_space<semaphore_mem>>) src(%dma_wait3A_975 : memref<10000x64xbf16, #tpu.memory_space<hbm>>) dst(%dma_wait3A_965 : memref<125x64xbf16, #tpu.memory_space<vmem>>)
      %dma_start3A_976 = arith.constant 0 : i32
      %dma_start3A_977 = arith.constant 0 : i32
      %dma_start3A_978 = arith.constant 0 : i32
      %dma_start3A_979 = tpu.memref_slice %arg9[%dma_start3A_976, %dma_start3A_977, %dma_start3A_978] : memref<8x125x64xbf16, #tpu.memory_space<vmem>> -> memref<1x125x64xbf16, #tpu.memory_space<vmem>>
      %dma_start3A_980 = tpu.memref_squeeze %dma_start3A_979 : memref<1x125x64xbf16, #tpu.memory_space<vmem>> -> memref<125x64xbf16, #tpu.memory_space<vmem>>
      %dma_start3A_981 = arith.constant 0 : i32
      %dma_start3A_982 = tpu.memref_slice %arg8[%add3A_959, %dma_start3A_981] : memref<160x125xi32, #tpu.memory_space<vmem>> -> memref<1x125xi32, #tpu.memory_space<vmem>>
      %dma_start3A_983 = tpu.memref_squeeze %dma_start3A_982 : memref<1x125xi32, #tpu.memory_space<vmem>> -> memref<125xi32, #tpu.memory_space<vmem>>
      %dma_start3A_984 = arith.constant 0 : i32
      %dma_start3A_985 = arith.constant 0 : i32
      %dma_start3A_986 = tpu.memref_slice %arg10[%dma_start3A_984, %dma_start3A_985] : memref<10000x64xbf16, #tpu.memory_space<vmem_shared>> -> memref<10000x64xbf16, #tpu.memory_space<vmem_shared>>
      tpu.enqueue_indirect_dma source(%dma_start3A_980 : memref<125x64xbf16, #tpu.memory_space<vmem>>) target(%dma_start3A_986 : memref<10000x64xbf16, #tpu.memory_space<vmem_shared>>) offsets(%dma_start3A_983 : memref<125xi32, #tpu.memory_space<vmem>>) semaphore(%arg12 : memref<!tpu.dma_semaphore, #tpu.memory_space<semaphore_mem>>) {add = true}
      %dma_wait3A_987 = arith.constant 0 : i32
      %dma_wait3A_988 = arith.constant 0 : i32
      %dma_wait3A_989 = arith.constant 0 : i32
      %dma_wait3A_990 = arith.constant 0 : i32
      %dma_wait3A_991 = tpu.memref_slice %arg9[%dma_wait3A_987, %dma_wait3A_989, %dma_wait3A_990] : memref<8x125x64xbf16, #tpu.memory_space<vmem>> -> memref<1x125x64xbf16, #tpu.memory_space<vmem>>
      %dma_wait3A_992 = tpu.memref_squeeze %dma_wait3A_991 : memref<1x125x64xbf16, #tpu.memory_space<vmem>> -> memref<125x64xbf16, #tpu.memory_space<vmem>>
      %dma_wait3A_993 = arith.constant 0 : i32
      %dma_wait3A_994 = tpu.memref_slice %arg8[%dma_wait3A_988, %dma_wait3A_993] : memref<160x125xi32, #tpu.memory_space<vmem>> -> memref<1x125xi32, #tpu.memory_space<vmem>>
      %dma_wait3A_995 = tpu.memref_squeeze %dma_wait3A_994 : memref<1x125xi32, #tpu.memory_space<vmem>> -> memref<125xi32, #tpu.memory_space<vmem>>
      %dma_wait3A_996 = arith.constant 0 : i32
      %dma_wait3A_997 = arith.constant 0 : i32
      %dma_wait3A_998 = tpu.memref_slice %arg10[%dma_wait3A_996, %dma_wait3A_997] : memref<10000x64xbf16, #tpu.memory_space<vmem_shared>> -> memref<10000x64xbf16, #tpu.memory_space<vmem_shared>>
      tpu.wait_indirect_dma semaphore(%arg12 : memref<!tpu.dma_semaphore, #tpu.memory_space<semaphore_mem>>) src(%dma_wait3A_992 : memref<125x64xbf16, #tpu.memory_space<vmem>>) dst(%dma_wait3A_998 : memref<10000x64xbf16, #tpu.memory_space<vmem_shared>>)
      %add3A_999 = arith.constant 6 : i32
      %add3A_1000 = arith.addi %add3A_959, %add3A_999 : i32
      %dma_start3A_1001 = arith.constant 6 : i32
      %dma_start3A_1002 = arith.constant 0 : i32
      %dma_start3A_1003 = arith.constant 0 : i32
      %dma_start3A_1004 = tpu.memref_slice %arg9[%dma_start3A_1001, %dma_start3A_1002, %dma_start3A_1003] : memref<8x125x64xbf16, #tpu.memory_space<vmem>> -> memref<1x125x64xbf16, #tpu.memory_space<vmem>>
      %dma_start3A_1005 = tpu.memref_squeeze %dma_start3A_1004 : memref<1x125x64xbf16, #tpu.memory_space<vmem>> -> memref<125x64xbf16, #tpu.memory_space<vmem>>
      %dma_start3A_1006 = arith.constant 0 : i32
      %dma_start3A_1007 = tpu.memref_slice %arg7[%add3A_1000, %dma_start3A_1006] : memref<160x125xi32, #tpu.memory_space<vmem>> -> memref<1x125xi32, #tpu.memory_space<vmem>>
      %dma_start3A_1008 = tpu.memref_squeeze %dma_start3A_1007 : memref<1x125xi32, #tpu.memory_space<vmem>> -> memref<125xi32, #tpu.memory_space<vmem>>
      %dma_start3A_1009 = arith.constant 0 : i32
      %dma_start3A_1010 = arith.constant 0 : i32
      %dma_start3A_1011 = tpu.memref_slice %arg2[%arg0, %dma_start3A_1009, %dma_start3A_1010] : memref<2x10000x64xbf16, #tpu.memory_space<hbm>> -> memref<1x10000x64xbf16, #tpu.memory_space<hbm>>
      %dma_start3A_1012 = tpu.memref_squeeze %dma_start3A_1011 : memref<1x10000x64xbf16, #tpu.memory_space<hbm>> -> memref<10000x64xbf16, #tpu.memory_space<hbm>>
      %dma_start3A_1013 = arith.constant 0 : i32
      %dma_start3A_1014 = arith.constant 0 : i32
      %dma_start3A_1015 = tpu.memref_slice %dma_start3A_1012[%dma_start3A_1013, %dma_start3A_1014] : memref<10000x64xbf16, #tpu.memory_space<hbm>> -> memref<10000x64xbf16, #tpu.memory_space<hbm>>
      tpu.enqueue_indirect_dma source(%dma_start3A_1015 : memref<10000x64xbf16, #tpu.memory_space<hbm>>) target(%dma_start3A_1005 : memref<125x64xbf16, #tpu.memory_space<vmem>>) offsets(%dma_start3A_1008 : memref<125xi32, #tpu.memory_space<vmem>>) semaphore(%arg11 : memref<!tpu.dma_semaphore, #tpu.memory_space<semaphore_mem>>)
      %add3A_1016 = arith.constant 1 : i32
      %add3A_1017 = arith.addi %mul3A_957, %add3A_1016 : i32
      %dma_wait3A_1018 = arith.constant 0 : i32
      %dma_wait3A_1019 = arith.constant 1 : i32
      %dma_wait3A_1020 = arith.constant 0 : i32
      %dma_wait3A_1021 = arith.constant 0 : i32
      %dma_wait3A_1022 = tpu.memref_slice %arg9[%dma_wait3A_1019, %dma_wait3A_1020, %dma_wait3A_1021] : memref<8x125x64xbf16, #tpu.memory_space<vmem>> -> memref<1x125x64xbf16, #tpu.memory_space<vmem>>
      %dma_wait3A_1023 = tpu.memref_squeeze %dma_wait3A_1022 : memref<1x125x64xbf16, #tpu.memory_space<vmem>> -> memref<125x64xbf16, #tpu.memory_space<vmem>>
      %dma_wait3A_1024 = arith.constant 0 : i32
      %dma_wait3A_1025 = tpu.memref_slice %arg7[%dma_wait3A_1018, %dma_wait3A_1024] : memref<160x125xi32, #tpu.memory_space<vmem>> -> memref<1x125xi32, #tpu.memory_space<vmem>>
      %dma_wait3A_1026 = tpu.memref_squeeze %dma_wait3A_1025 : memref<1x125xi32, #tpu.memory_space<vmem>> -> memref<125xi32, #tpu.memory_space<vmem>>
      %dma_wait3A_1027 = arith.constant 0 : i32
      %dma_wait3A_1028 = arith.constant 0 : i32
      %dma_wait3A_1029 = tpu.memref_slice %arg2[%arg0, %dma_wait3A_1027, %dma_wait3A_1028] : memref<2x10000x64xbf16, #tpu.memory_space<hbm>> -> memref<1x10000x64xbf16, #tpu.memory_space<hbm>>
      %dma_wait3A_1030 = tpu.memref_squeeze %dma_wait3A_1029 : memref<1x10000x64xbf16, #tpu.memory_space<hbm>> -> memref<10000x64xbf16, #tpu.memory_space<hbm>>
      %dma_wait3A_1031 = arith.constant 0 : i32
      %dma_wait3A_1032 = arith.constant 0 : i32
      %dma_wait3A_1033 = tpu.memref_slice %dma_wait3A_1030[%dma_wait3A_1031, %dma_wait3A_1032] : memref<10000x64xbf16, #tpu.memory_space<hbm>> -> memref<10000x64xbf16, #tpu.memory_space<hbm>>
      tpu.wait_indirect_dma semaphore(%arg11 : memref<!tpu.dma_semaphore, #tpu.memory_space<semaphore_mem>>) src(%dma_wait3A_1033 : memref<10000x64xbf16, #tpu.memory_space<hbm>>) dst(%dma_wait3A_1023 : memref<125x64xbf16, #tpu.memory_space<vmem>>)
      %dma_start3A_1034 = arith.constant 1 : i32
      %dma_start3A_1035 = arith.constant 0 : i32
      %dma_start3A_1036 = arith.constant 0 : i32
      %dma_start3A_1037 = tpu.memref_slice %arg9[%dma_start3A_1034, %dma_start3A_1035, %dma_start3A_1036] : memref<8x125x64xbf16, #tpu.memory_space<vmem>> -> memref<1x125x64xbf16, #tpu.memory_space<vmem>>
      %dma_start3A_1038 = tpu.memref_squeeze %dma_start3A_1037 : memref<1x125x64xbf16, #tpu.memory_space<vmem>> -> memref<125x64xbf16, #tpu.memory_space<vmem>>
      %dma_start3A_1039 = arith.constant 0 : i32
      %dma_start3A_1040 = tpu.memref_slice %arg8[%add3A_1017, %dma_start3A_1039] : memref<160x125xi32, #tpu.memory_space<vmem>> -> memref<1x125xi32, #tpu.memory_space<vmem>>
      %dma_start3A_1041 = tpu.memref_squeeze %dma_start3A_1040 : memref<1x125xi32, #tpu.memory_space<vmem>> -> memref<125xi32, #tpu.memory_space<vmem>>
      %dma_start3A_1042 = arith.constant 0 : i32
      %dma_start3A_1043 = arith.constant 0 : i32
      %dma_start3A_1044 = tpu.memref_slice %arg10[%dma_start3A_1042, %dma_start3A_1043] : memref<10000x64xbf16, #tpu.memory_space<vmem_shared>> -> memref<10000x64xbf16, #tpu.memory_space<vmem_shared>>
      tpu.enqueue_indirect_dma source(%dma_start3A_1038 : memref<125x64xbf16, #tpu.memory_space<vmem>>) target(%dma_start3A_1044 : memref<10000x64xbf16, #tpu.memory_space<vmem_shared>>) offsets(%dma_start3A_1041 : memref<125xi32, #tpu.memory_space<vmem>>) semaphore(%arg12 : memref<!tpu.dma_semaphore, #tpu.memory_space<semaphore_mem>>) {add = true}
      %dma_wait3A_1045 = arith.constant 0 : i32
      %dma_wait3A_1046 = arith.constant 0 : i32
      %dma_wait3A_1047 = arith.constant 0 : i32
      %dma_wait3A_1048 = arith.constant 0 : i32
      %dma_wait3A_1049 = tpu.memref_slice %arg9[%dma_wait3A_1045, %dma_wait3A_1047, %dma_wait3A_1048] : memref<8x125x64xbf16, #tpu.memory_space<vmem>> -> memref<1x125x64xbf16, #tpu.memory_space<vmem>>
      %dma_wait3A_1050 = tpu.memref_squeeze %dma_wait3A_1049 : memref<1x125x64xbf16, #tpu.memory_space<vmem>> -> memref<125x64xbf16, #tpu.memory_space<vmem>>
      %dma_wait3A_1051 = arith.constant 0 : i32
      %dma_wait3A_1052 = tpu.memref_slice %arg8[%dma_wait3A_1046, %dma_wait3A_1051] : memref<160x125xi32, #tpu.memory_space<vmem>> -> memref<1x125xi32, #tpu.memory_space<vmem>>
      %dma_wait3A_1053 = tpu.memref_squeeze %dma_wait3A_1052 : memref<1x125xi32, #tpu.memory_space<vmem>> -> memref<125xi32, #tpu.memory_space<vmem>>
      %dma_wait3A_1054 = arith.constant 0 : i32
      %dma_wait3A_1055 = arith.constant 0 : i32
      %dma_wait3A_1056 = tpu.memref_slice %arg10[%dma_wait3A_1054, %dma_wait3A_1055] : memref<10000x64xbf16, #tpu.memory_space<vmem_shared>> -> memref<10000x64xbf16, #tpu.memory_space<vmem_shared>>
      tpu.wait_indirect_dma semaphore(%arg12 : memref<!tpu.dma_semaphore, #tpu.memory_space<semaphore_mem>>) src(%dma_wait3A_1050 : memref<125x64xbf16, #tpu.memory_space<vmem>>) dst(%dma_wait3A_1056 : memref<10000x64xbf16, #tpu.memory_space<vmem_shared>>)
      %add3A_1057 = arith.constant 6 : i32
      %add3A_1058 = arith.addi %add3A_1017, %add3A_1057 : i32
      %dma_start3A_1059 = arith.constant 7 : i32
      %dma_start3A_1060 = arith.constant 0 : i32
      %dma_start3A_1061 = arith.constant 0 : i32
      %dma_start3A_1062 = tpu.memref_slice %arg9[%dma_start3A_1059, %dma_start3A_1060, %dma_start3A_1061] : memref<8x125x64xbf16, #tpu.memory_space<vmem>> -> memref<1x125x64xbf16, #tpu.memory_space<vmem>>
      %dma_start3A_1063 = tpu.memref_squeeze %dma_start3A_1062 : memref<1x125x64xbf16, #tpu.memory_space<vmem>> -> memref<125x64xbf16, #tpu.memory_space<vmem>>
      %dma_start3A_1064 = arith.constant 0 : i32
      %dma_start3A_1065 = tpu.memref_slice %arg7[%add3A_1058, %dma_start3A_1064] : memref<160x125xi32, #tpu.memory_space<vmem>> -> memref<1x125xi32, #tpu.memory_space<vmem>>
      %dma_start3A_1066 = tpu.memref_squeeze %dma_start3A_1065 : memref<1x125xi32, #tpu.memory_space<vmem>> -> memref<125xi32, #tpu.memory_space<vmem>>
      %dma_start3A_1067 = arith.constant 0 : i32
      %dma_start3A_1068 = arith.constant 0 : i32
      %dma_start3A_1069 = tpu.memref_slice %arg2[%arg0, %dma_start3A_1067, %dma_start3A_1068] : memref<2x10000x64xbf16, #tpu.memory_space<hbm>> -> memref<1x10000x64xbf16, #tpu.memory_space<hbm>>
      %dma_start3A_1070 = tpu.memref_squeeze %dma_start3A_1069 : memref<1x10000x64xbf16, #tpu.memory_space<hbm>> -> memref<10000x64xbf16, #tpu.memory_space<hbm>>
      %dma_start3A_1071 = arith.constant 0 : i32
      %dma_start3A_1072 = arith.constant 0 : i32
      %dma_start3A_1073 = tpu.memref_slice %dma_start3A_1070[%dma_start3A_1071, %dma_start3A_1072] : memref<10000x64xbf16, #tpu.memory_space<hbm>> -> memref<10000x64xbf16, #tpu.memory_space<hbm>>
      tpu.enqueue_indirect_dma source(%dma_start3A_1073 : memref<10000x64xbf16, #tpu.memory_space<hbm>>) target(%dma_start3A_1063 : memref<125x64xbf16, #tpu.memory_space<vmem>>) offsets(%dma_start3A_1066 : memref<125xi32, #tpu.memory_space<vmem>>) semaphore(%arg11 : memref<!tpu.dma_semaphore, #tpu.memory_space<semaphore_mem>>)
      %add3A_1074 = arith.constant 2 : i32
      %add3A_1075 = arith.addi %mul3A_957, %add3A_1074 : i32
      %dma_wait3A_1076 = arith.constant 0 : i32
      %dma_wait3A_1077 = arith.constant 2 : i32
      %dma_wait3A_1078 = arith.constant 0 : i32
      %dma_wait3A_1079 = arith.constant 0 : i32
      %dma_wait3A_1080 = tpu.memref_slice %arg9[%dma_wait3A_1077, %dma_wait3A_1078, %dma_wait3A_1079] : memref<8x125x64xbf16, #tpu.memory_space<vmem>> -> memref<1x125x64xbf16, #tpu.memory_space<vmem>>
      %dma_wait3A_1081 = tpu.memref_squeeze %dma_wait3A_1080 : memref<1x125x64xbf16, #tpu.memory_space<vmem>> -> memref<125x64xbf16, #tpu.memory_space<vmem>>
      %dma_wait3A_1082 = arith.constant 0 : i32
      %dma_wait3A_1083 = tpu.memref_slice %arg7[%dma_wait3A_1076, %dma_wait3A_1082] : memref<160x125xi32, #tpu.memory_space<vmem>> -> memref<1x125xi32, #tpu.memory_space<vmem>>
      %dma_wait3A_1084 = tpu.memref_squeeze %dma_wait3A_1083 : memref<1x125xi32, #tpu.memory_space<vmem>> -> memref<125xi32, #tpu.memory_space<vmem>>
      %dma_wait3A_1085 = arith.constant 0 : i32
      %dma_wait3A_1086 = arith.constant 0 : i32
      %dma_wait3A_1087 = tpu.memref_slice %arg2[%arg0, %dma_wait3A_1085, %dma_wait3A_1086] : memref<2x10000x64xbf16, #tpu.memory_space<hbm>> -> memref<1x10000x64xbf16, #tpu.memory_space<hbm>>
      %dma_wait3A_1088 = tpu.memref_squeeze %dma_wait3A_1087 : memref<1x10000x64xbf16, #tpu.memory_space<hbm>> -> memref<10000x64xbf16, #tpu.memory_space<hbm>>
      %dma_wait3A_1089 = arith.constant 0 : i32
      %dma_wait3A_1090 = arith.constant 0 : i32
      %dma_wait3A_1091 = tpu.memref_slice %dma_wait3A_1088[%dma_wait3A_1089, %dma_wait3A_1090] : memref<10000x64xbf16, #tpu.memory_space<hbm>> -> memref<10000x64xbf16, #tpu.memory_space<hbm>>
      tpu.wait_indirect_dma semaphore(%arg11 : memref<!tpu.dma_semaphore, #tpu.memory_space<semaphore_mem>>) src(%dma_wait3A_1091 : memref<10000x64xbf16, #tpu.memory_space<hbm>>) dst(%dma_wait3A_1081 : memref<125x64xbf16, #tpu.memory_space<vmem>>)
      %dma_start3A_1092 = arith.constant 2 : i32
      %dma_start3A_1093 = arith.constant 0 : i32
      %dma_start3A_1094 = arith.constant 0 : i32
      %dma_start3A_1095 = tpu.memref_slice %arg9[%dma_start3A_1092, %dma_start3A_1093, %dma_start3A_1094] : memref<8x125x64xbf16, #tpu.memory_space<vmem>> -> memref<1x125x64xbf16, #tpu.memory_space<vmem>>
      %dma_start3A_1096 = tpu.memref_squeeze %dma_start3A_1095 : memref<1x125x64xbf16, #tpu.memory_space<vmem>> -> memref<125x64xbf16, #tpu.memory_space<vmem>>
      %dma_start3A_1097 = arith.constant 0 : i32
      %dma_start3A_1098 = tpu.memref_slice %arg8[%add3A_1075, %dma_start3A_1097] : memref<160x125xi32, #tpu.memory_space<vmem>> -> memref<1x125xi32, #tpu.memory_space<vmem>>
      %dma_start3A_1099 = tpu.memref_squeeze %dma_start3A_1098 : memref<1x125xi32, #tpu.memory_space<vmem>> -> memref<125xi32, #tpu.memory_space<vmem>>
      %dma_start3A_1100 = arith.constant 0 : i32
      %dma_start3A_1101 = arith.constant 0 : i32
      %dma_start3A_1102 = tpu.memref_slice %arg10[%dma_start3A_1100, %dma_start3A_1101] : memref<10000x64xbf16, #tpu.memory_space<vmem_shared>> -> memref<10000x64xbf16, #tpu.memory_space<vmem_shared>>
      tpu.enqueue_indirect_dma source(%dma_start3A_1096 : memref<125x64xbf16, #tpu.memory_space<vmem>>) target(%dma_start3A_1102 : memref<10000x64xbf16, #tpu.memory_space<vmem_shared>>) offsets(%dma_start3A_1099 : memref<125xi32, #tpu.memory_space<vmem>>) semaphore(%arg12 : memref<!tpu.dma_semaphore, #tpu.memory_space<semaphore_mem>>) {add = true}
      %dma_wait3A_1103 = arith.constant 0 : i32
      %dma_wait3A_1104 = arith.constant 0 : i32
      %dma_wait3A_1105 = arith.constant 0 : i32
      %dma_wait3A_1106 = arith.constant 0 : i32
      %dma_wait3A_1107 = tpu.memref_slice %arg9[%dma_wait3A_1103, %dma_wait3A_1105, %dma_wait3A_1106] : memref<8x125x64xbf16, #tpu.memory_space<vmem>> -> memref<1x125x64xbf16, #tpu.memory_space<vmem>>
      %dma_wait3A_1108 = tpu.memref_squeeze %dma_wait3A_1107 : memref<1x125x64xbf16, #tpu.memory_space<vmem>> -> memref<125x64xbf16, #tpu.memory_space<vmem>>
      %dma_wait3A_1109 = arith.constant 0 : i32
      %dma_wait3A_1110 = tpu.memref_slice %arg8[%dma_wait3A_1104, %dma_wait3A_1109] : memref<160x125xi32, #tpu.memory_space<vmem>> -> memref<1x125xi32, #tpu.memory_space<vmem>>
      %dma_wait3A_1111 = tpu.memref_squeeze %dma_wait3A_1110 : memref<1x125xi32, #tpu.memory_space<vmem>> -> memref<125xi32, #tpu.memory_space<vmem>>
      %dma_wait3A_1112 = arith.constant 0 : i32
      %dma_wait3A_1113 = arith.constant 0 : i32
      %dma_wait3A_1114 = tpu.memref_slice %arg10[%dma_wait3A_1112, %dma_wait3A_1113] : memref<10000x64xbf16, #tpu.memory_space<vmem_shared>> -> memref<10000x64xbf16, #tpu.memory_space<vmem_shared>>
      tpu.wait_indirect_dma semaphore(%arg12 : memref<!tpu.dma_semaphore, #tpu.memory_space<semaphore_mem>>) src(%dma_wait3A_1108 : memref<125x64xbf16, #tpu.memory_space<vmem>>) dst(%dma_wait3A_1114 : memref<10000x64xbf16, #tpu.memory_space<vmem_shared>>)
      %add3A_1115 = arith.constant 6 : i32
      %add3A_1116 = arith.addi %add3A_1075, %add3A_1115 : i32
      %dma_start3A_1117 = arith.constant 0 : i32
      %dma_start3A_1118 = arith.constant 0 : i32
      %dma_start3A_1119 = arith.constant 0 : i32
      %dma_start3A_1120 = tpu.memref_slice %arg9[%dma_start3A_1117, %dma_start3A_1118, %dma_start3A_1119] : memref<8x125x64xbf16, #tpu.memory_space<vmem>> -> memref<1x125x64xbf16, #tpu.memory_space<vmem>>
      %dma_start3A_1121 = tpu.memref_squeeze %dma_start3A_1120 : memref<1x125x64xbf16, #tpu.memory_space<vmem>> -> memref<125x64xbf16, #tpu.memory_space<vmem>>
      %dma_start3A_1122 = arith.constant 0 : i32
      %dma_start3A_1123 = tpu.memref_slice %arg7[%add3A_1116, %dma_start3A_1122] : memref<160x125xi32, #tpu.memory_space<vmem>> -> memref<1x125xi32, #tpu.memory_space<vmem>>
      %dma_start3A_1124 = tpu.memref_squeeze %dma_start3A_1123 : memref<1x125xi32, #tpu.memory_space<vmem>> -> memref<125xi32, #tpu.memory_space<vmem>>
      %dma_start3A_1125 = arith.constant 0 : i32
      %dma_start3A_1126 = arith.constant 0 : i32
      %dma_start3A_1127 = tpu.memref_slice %arg2[%arg0, %dma_start3A_1125, %dma_start3A_1126] : memref<2x10000x64xbf16, #tpu.memory_space<hbm>> -> memref<1x10000x64xbf16, #tpu.memory_space<hbm>>
      %dma_start3A_1128 = tpu.memref_squeeze %dma_start3A_1127 : memref<1x10000x64xbf16, #tpu.memory_space<hbm>> -> memref<10000x64xbf16, #tpu.memory_space<hbm>>
      %dma_start3A_1129 = arith.constant 0 : i32
      %dma_start3A_1130 = arith.constant 0 : i32
      %dma_start3A_1131 = tpu.memref_slice %dma_start3A_1128[%dma_start3A_1129, %dma_start3A_1130] : memref<10000x64xbf16, #tpu.memory_space<hbm>> -> memref<10000x64xbf16, #tpu.memory_space<hbm>>
      tpu.enqueue_indirect_dma source(%dma_start3A_1131 : memref<10000x64xbf16, #tpu.memory_space<hbm>>) target(%dma_start3A_1121 : memref<125x64xbf16, #tpu.memory_space<vmem>>) offsets(%dma_start3A_1124 : memref<125xi32, #tpu.memory_space<vmem>>) semaphore(%arg11 : memref<!tpu.dma_semaphore, #tpu.memory_space<semaphore_mem>>)
      %add3A_1132 = arith.constant 3 : i32
      %add3A_1133 = arith.addi %mul3A_957, %add3A_1132 : i32
      %dma_wait3A_1134 = arith.constant 0 : i32
      %dma_wait3A_1135 = arith.constant 3 : i32
      %dma_wait3A_1136 = arith.constant 0 : i32
      %dma_wait3A_1137 = arith.constant 0 : i32
      %dma_wait3A_1138 = tpu.memref_slice %arg9[%dma_wait3A_1135, %dma_wait3A_1136, %dma_wait3A_1137] : memref<8x125x64xbf16, #tpu.memory_space<vmem>> -> memref<1x125x64xbf16, #tpu.memory_space<vmem>>
      %dma_wait3A_1139 = tpu.memref_squeeze %dma_wait3A_1138 : memref<1x125x64xbf16, #tpu.memory_space<vmem>> -> memref<125x64xbf16, #tpu.memory_space<vmem>>
      %dma_wait3A_1140 = arith.constant 0 : i32
      %dma_wait3A_1141 = tpu.memref_slice %arg7[%dma_wait3A_1134, %dma_wait3A_1140] : memref<160x125xi32, #tpu.memory_space<vmem>> -> memref<1x125xi32, #tpu.memory_space<vmem>>
      %dma_wait3A_1142 = tpu.memref_squeeze %dma_wait3A_1141 : memref<1x125xi32, #tpu.memory_space<vmem>> -> memref<125xi32, #tpu.memory_space<vmem>>
      %dma_wait3A_1143 = arith.constant 0 : i32
      %dma_wait3A_1144 = arith.constant 0 : i32
      %dma_wait3A_1145 = tpu.memref_slice %arg2[%arg0, %dma_wait3A_1143, %dma_wait3A_1144] : memref<2x10000x64xbf16, #tpu.memory_space<hbm>> -> memref<1x10000x64xbf16, #tpu.memory_space<hbm>>
      %dma_wait3A_1146 = tpu.memref_squeeze %dma_wait3A_1145 : memref<1x10000x64xbf16, #tpu.memory_space<hbm>> -> memref<10000x64xbf16, #tpu.memory_space<hbm>>
      %dma_wait3A_1147 = arith.constant 0 : i32
      %dma_wait3A_1148 = arith.constant 0 : i32
      %dma_wait3A_1149 = tpu.memref_slice %dma_wait3A_1146[%dma_wait3A_1147, %dma_wait3A_1148] : memref<10000x64xbf16, #tpu.memory_space<hbm>> -> memref<10000x64xbf16, #tpu.memory_space<hbm>>
      tpu.wait_indirect_dma semaphore(%arg11 : memref<!tpu.dma_semaphore, #tpu.memory_space<semaphore_mem>>) src(%dma_wait3A_1149 : memref<10000x64xbf16, #tpu.memory_space<hbm>>) dst(%dma_wait3A_1139 : memref<125x64xbf16, #tpu.memory_space<vmem>>)
      %dma_start3A_1150 = arith.constant 3 : i32
      %dma_start3A_1151 = arith.constant 0 : i32
      %dma_start3A_1152 = arith.constant 0 : i32
      %dma_start3A_1153 = tpu.memref_slice %arg9[%dma_start3A_1150, %dma_start3A_1151, %dma_start3A_1152] : memref<8x125x64xbf16, #tpu.memory_space<vmem>> -> memref<1x125x64xbf16, #tpu.memory_space<vmem>>
      %dma_start3A_1154 = tpu.memref_squeeze %dma_start3A_1153 : memref<1x125x64xbf16, #tpu.memory_space<vmem>> -> memref<125x64xbf16, #tpu.memory_space<vmem>>
      %dma_start3A_1155 = arith.constant 0 : i32
      %dma_start3A_1156 = tpu.memref_slice %arg8[%add3A_1133, %dma_start3A_1155] : memref<160x125xi32, #tpu.memory_space<vmem>> -> memref<1x125xi32, #tpu.memory_space<vmem>>
      %dma_start3A_1157 = tpu.memref_squeeze %dma_start3A_1156 : memref<1x125xi32, #tpu.memory_space<vmem>> -> memref<125xi32, #tpu.memory_space<vmem>>
      %dma_start3A_1158 = arith.constant 0 : i32
      %dma_start3A_1159 = arith.constant 0 : i32
      %dma_start3A_1160 = tpu.memref_slice %arg10[%dma_start3A_1158, %dma_start3A_1159] : memref<10000x64xbf16, #tpu.memory_space<vmem_shared>> -> memref<10000x64xbf16, #tpu.memory_space<vmem_shared>>
      tpu.enqueue_indirect_dma source(%dma_start3A_1154 : memref<125x64xbf16, #tpu.memory_space<vmem>>) target(%dma_start3A_1160 : memref<10000x64xbf16, #tpu.memory_space<vmem_shared>>) offsets(%dma_start3A_1157 : memref<125xi32, #tpu.memory_space<vmem>>) semaphore(%arg12 : memref<!tpu.dma_semaphore, #tpu.memory_space<semaphore_mem>>) {add = true}
      %dma_wait3A_1161 = arith.constant 0 : i32
      %dma_wait3A_1162 = arith.constant 0 : i32
      %dma_wait3A_1163 = arith.constant 0 : i32
      %dma_wait3A_1164 = arith.constant 0 : i32
      %dma_wait3A_1165 = tpu.memref_slice %arg9[%dma_wait3A_1161, %dma_wait3A_1163, %dma_wait3A_1164] : memref<8x125x64xbf16, #tpu.memory_space<vmem>> -> memref<1x125x64xbf16, #tpu.memory_space<vmem>>
      %dma_wait3A_1166 = tpu.memref_squeeze %dma_wait3A_1165 : memref<1x125x64xbf16, #tpu.memory_space<vmem>> -> memref<125x64xbf16, #tpu.memory_space<vmem>>
      %dma_wait3A_1167 = arith.constant 0 : i32
      %dma_wait3A_1168 = tpu.memref_slice %arg8[%dma_wait3A_1162, %dma_wait3A_1167] : memref<160x125xi32, #tpu.memory_space<vmem>> -> memref<1x125xi32, #tpu.memory_space<vmem>>
      %dma_wait3A_1169 = tpu.memref_squeeze %dma_wait3A_1168 : memref<1x125xi32, #tpu.memory_space<vmem>> -> memref<125xi32, #tpu.memory_space<vmem>>
      %dma_wait3A_1170 = arith.constant 0 : i32
      %dma_wait3A_1171 = arith.constant 0 : i32
      %dma_wait3A_1172 = tpu.memref_slice %arg10[%dma_wait3A_1170, %dma_wait3A_1171] : memref<10000x64xbf16, #tpu.memory_space<vmem_shared>> -> memref<10000x64xbf16, #tpu.memory_space<vmem_shared>>
      tpu.wait_indirect_dma semaphore(%arg12 : memref<!tpu.dma_semaphore, #tpu.memory_space<semaphore_mem>>) src(%dma_wait3A_1166 : memref<125x64xbf16, #tpu.memory_space<vmem>>) dst(%dma_wait3A_1172 : memref<10000x64xbf16, #tpu.memory_space<vmem_shared>>)
      %add3A_1173 = arith.constant 6 : i32
      %add3A_1174 = arith.addi %add3A_1133, %add3A_1173 : i32
      %dma_start3A_1175 = arith.constant 1 : i32
      %dma_start3A_1176 = arith.constant 0 : i32
      %dma_start3A_1177 = arith.constant 0 : i32
      %dma_start3A_1178 = tpu.memref_slice %arg9[%dma_start3A_1175, %dma_start3A_1176, %dma_start3A_1177] : memref<8x125x64xbf16, #tpu.memory_space<vmem>> -> memref<1x125x64xbf16, #tpu.memory_space<vmem>>
      %dma_start3A_1179 = tpu.memref_squeeze %dma_start3A_1178 : memref<1x125x64xbf16, #tpu.memory_space<vmem>> -> memref<125x64xbf16, #tpu.memory_space<vmem>>
      %dma_start3A_1180 = arith.constant 0 : i32
      %dma_start3A_1181 = tpu.memref_slice %arg7[%add3A_1174, %dma_start3A_1180] : memref<160x125xi32, #tpu.memory_space<vmem>> -> memref<1x125xi32, #tpu.memory_space<vmem>>
      %dma_start3A_1182 = tpu.memref_squeeze %dma_start3A_1181 : memref<1x125xi32, #tpu.memory_space<vmem>> -> memref<125xi32, #tpu.memory_space<vmem>>
      %dma_start3A_1183 = arith.constant 0 : i32
      %dma_start3A_1184 = arith.constant 0 : i32
      %dma_start3A_1185 = tpu.memref_slice %arg2[%arg0, %dma_start3A_1183, %dma_start3A_1184] : memref<2x10000x64xbf16, #tpu.memory_space<hbm>> -> memref<1x10000x64xbf16, #tpu.memory_space<hbm>>
      %dma_start3A_1186 = tpu.memref_squeeze %dma_start3A_1185 : memref<1x10000x64xbf16, #tpu.memory_space<hbm>> -> memref<10000x64xbf16, #tpu.memory_space<hbm>>
      %dma_start3A_1187 = arith.constant 0 : i32
      %dma_start3A_1188 = arith.constant 0 : i32
      %dma_start3A_1189 = tpu.memref_slice %dma_start3A_1186[%dma_start3A_1187, %dma_start3A_1188] : memref<10000x64xbf16, #tpu.memory_space<hbm>> -> memref<10000x64xbf16, #tpu.memory_space<hbm>>
      tpu.enqueue_indirect_dma source(%dma_start3A_1189 : memref<10000x64xbf16, #tpu.memory_space<hbm>>) target(%dma_start3A_1179 : memref<125x64xbf16, #tpu.memory_space<vmem>>) offsets(%dma_start3A_1182 : memref<125xi32, #tpu.memory_space<vmem>>) semaphore(%arg11 : memref<!tpu.dma_semaphore, #tpu.memory_space<semaphore_mem>>)
      %add3A_1190 = arith.constant 4 : i32
      %add3A_1191 = arith.addi %mul3A_957, %add3A_1190 : i32
      %dma_wait3A_1192 = arith.constant 0 : i32
      %dma_wait3A_1193 = arith.constant 4 : i32
      %dma_wait3A_1194 = arith.constant 0 : i32
      %dma_wait3A_1195 = arith.constant 0 : i32
      %dma_wait3A_1196 = tpu.memref_slice %arg9[%dma_wait3A_1193, %dma_wait3A_1194, %dma_wait3A_1195] : memref<8x125x64xbf16, #tpu.memory_space<vmem>> -> memref<1x125x64xbf16, #tpu.memory_space<vmem>>
      %dma_wait3A_1197 = tpu.memref_squeeze %dma_wait3A_1196 : memref<1x125x64xbf16, #tpu.memory_space<vmem>> -> memref<125x64xbf16, #tpu.memory_space<vmem>>
      %dma_wait3A_1198 = arith.constant 0 : i32
      %dma_wait3A_1199 = tpu.memref_slice %arg7[%dma_wait3A_1192, %dma_wait3A_1198] : memref<160x125xi32, #tpu.memory_space<vmem>> -> memref<1x125xi32, #tpu.memory_space<vmem>>
      %dma_wait3A_1200 = tpu.memref_squeeze %dma_wait3A_1199 : memref<1x125xi32, #tpu.memory_space<vmem>> -> memref<125xi32, #tpu.memory_space<vmem>>
      %dma_wait3A_1201 = arith.constant 0 : i32
      %dma_wait3A_1202 = arith.constant 0 : i32
      %dma_wait3A_1203 = tpu.memref_slice %arg2[%arg0, %dma_wait3A_1201, %dma_wait3A_1202] : memref<2x10000x64xbf16, #tpu.memory_space<hbm>> -> memref<1x10000x64xbf16, #tpu.memory_space<hbm>>
      %dma_wait3A_1204 = tpu.memref_squeeze %dma_wait3A_1203 : memref<1x10000x64xbf16, #tpu.memory_space<hbm>> -> memref<10000x64xbf16, #tpu.memory_space<hbm>>
      %dma_wait3A_1205 = arith.constant 0 : i32
      %dma_wait3A_1206 = arith.constant 0 : i32
      %dma_wait3A_1207 = tpu.memref_slice %dma_wait3A_1204[%dma_wait3A_1205, %dma_wait3A_1206] : memref<10000x64xbf16, #tpu.memory_space<hbm>> -> memref<10000x64xbf16, #tpu.memory_space<hbm>>
      tpu.wait_indirect_dma semaphore(%arg11 : memref<!tpu.dma_semaphore, #tpu.memory_space<semaphore_mem>>) src(%dma_wait3A_1207 : memref<10000x64xbf16, #tpu.memory_space<hbm>>) dst(%dma_wait3A_1197 : memref<125x64xbf16, #tpu.memory_space<vmem>>)
      %dma_start3A_1208 = arith.constant 4 : i32
      %dma_start3A_1209 = arith.constant 0 : i32
      %dma_start3A_1210 = arith.constant 0 : i32
      %dma_start3A_1211 = tpu.memref_slice %arg9[%dma_start3A_1208, %dma_start3A_1209, %dma_start3A_1210] : memref<8x125x64xbf16, #tpu.memory_space<vmem>> -> memref<1x125x64xbf16, #tpu.memory_space<vmem>>
      %dma_start3A_1212 = tpu.memref_squeeze %dma_start3A_1211 : memref<1x125x64xbf16, #tpu.memory_space<vmem>> -> memref<125x64xbf16, #tpu.memory_space<vmem>>
      %dma_start3A_1213 = arith.constant 0 : i32
      %dma_start3A_1214 = tpu.memref_slice %arg8[%add3A_1191, %dma_start3A_1213] : memref<160x125xi32, #tpu.memory_space<vmem>> -> memref<1x125xi32, #tpu.memory_space<vmem>>
      %dma_start3A_1215 = tpu.memref_squeeze %dma_start3A_1214 : memref<1x125xi32, #tpu.memory_space<vmem>> -> memref<125xi32, #tpu.memory_space<vmem>>
      %dma_start3A_1216 = arith.constant 0 : i32
      %dma_start3A_1217 = arith.constant 0 : i32
      %dma_start3A_1218 = tpu.memref_slice %arg10[%dma_start3A_1216, %dma_start3A_1217] : memref<10000x64xbf16, #tpu.memory_space<vmem_shared>> -> memref<10000x64xbf16, #tpu.memory_space<vmem_shared>>
      tpu.enqueue_indirect_dma source(%dma_start3A_1212 : memref<125x64xbf16, #tpu.memory_space<vmem>>) target(%dma_start3A_1218 : memref<10000x64xbf16, #tpu.memory_space<vmem_shared>>) offsets(%dma_start3A_1215 : memref<125xi32, #tpu.memory_space<vmem>>) semaphore(%arg12 : memref<!tpu.dma_semaphore, #tpu.memory_space<semaphore_mem>>) {add = true}
      %dma_wait3A_1219 = arith.constant 0 : i32
      %dma_wait3A_1220 = arith.constant 0 : i32
      %dma_wait3A_1221 = arith.constant 0 : i32
      %dma_wait3A_1222 = arith.constant 0 : i32
      %dma_wait3A_1223 = tpu.memref_slice %arg9[%dma_wait3A_1219, %dma_wait3A_1221, %dma_wait3A_1222] : memref<8x125x64xbf16, #tpu.memory_space<vmem>> -> memref<1x125x64xbf16, #tpu.memory_space<vmem>>
      %dma_wait3A_1224 = tpu.memref_squeeze %dma_wait3A_1223 : memref<1x125x64xbf16, #tpu.memory_space<vmem>> -> memref<125x64xbf16, #tpu.memory_space<vmem>>
      %dma_wait3A_1225 = arith.constant 0 : i32
      %dma_wait3A_1226 = tpu.memref_slice %arg8[%dma_wait3A_1220, %dma_wait3A_1225] : memref<160x125xi32, #tpu.memory_space<vmem>> -> memref<1x125xi32, #tpu.memory_space<vmem>>
      %dma_wait3A_1227 = tpu.memref_squeeze %dma_wait3A_1226 : memref<1x125xi32, #tpu.memory_space<vmem>> -> memref<125xi32, #tpu.memory_space<vmem>>
      %dma_wait3A_1228 = arith.constant 0 : i32
      %dma_wait3A_1229 = arith.constant 0 : i32
      %dma_wait3A_1230 = tpu.memref_slice %arg10[%dma_wait3A_1228, %dma_wait3A_1229] : memref<10000x64xbf16, #tpu.memory_space<vmem_shared>> -> memref<10000x64xbf16, #tpu.memory_space<vmem_shared>>
      tpu.wait_indirect_dma semaphore(%arg12 : memref<!tpu.dma_semaphore, #tpu.memory_space<semaphore_mem>>) src(%dma_wait3A_1224 : memref<125x64xbf16, #tpu.memory_space<vmem>>) dst(%dma_wait3A_1230 : memref<10000x64xbf16, #tpu.memory_space<vmem_shared>>)
      %add3A_1231 = arith.constant 6 : i32
      %add3A_1232 = arith.addi %add3A_1191, %add3A_1231 : i32
      %dma_start3A_1233 = arith.constant 2 : i32
      %dma_start3A_1234 = arith.constant 0 : i32
      %dma_start3A_1235 = arith.constant 0 : i32
      %dma_start3A_1236 = tpu.memref_slice %arg9[%dma_start3A_1233, %dma_start3A_1234, %dma_start3A_1235] : memref<8x125x64xbf16, #tpu.memory_space<vmem>> -> memref<1x125x64xbf16, #tpu.memory_space<vmem>>
      %dma_start3A_1237 = tpu.memref_squeeze %dma_start3A_1236 : memref<1x125x64xbf16, #tpu.memory_space<vmem>> -> memref<125x64xbf16, #tpu.memory_space<vmem>>
      %dma_start3A_1238 = arith.constant 0 : i32
      %dma_start3A_1239 = tpu.memref_slice %arg7[%add3A_1232, %dma_start3A_1238] : memref<160x125xi32, #tpu.memory_space<vmem>> -> memref<1x125xi32, #tpu.memory_space<vmem>>
      %dma_start3A_1240 = tpu.memref_squeeze %dma_start3A_1239 : memref<1x125xi32, #tpu.memory_space<vmem>> -> memref<125xi32, #tpu.memory_space<vmem>>
      %dma_start3A_1241 = arith.constant 0 : i32
      %dma_start3A_1242 = arith.constant 0 : i32
      %dma_start3A_1243 = tpu.memref_slice %arg2[%arg0, %dma_start3A_1241, %dma_start3A_1242] : memref<2x10000x64xbf16, #tpu.memory_space<hbm>> -> memref<1x10000x64xbf16, #tpu.memory_space<hbm>>
      %dma_start3A_1244 = tpu.memref_squeeze %dma_start3A_1243 : memref<1x10000x64xbf16, #tpu.memory_space<hbm>> -> memref<10000x64xbf16, #tpu.memory_space<hbm>>
      %dma_start3A_1245 = arith.constant 0 : i32
      %dma_start3A_1246 = arith.constant 0 : i32
      %dma_start3A_1247 = tpu.memref_slice %dma_start3A_1244[%dma_start3A_1245, %dma_start3A_1246] : memref<10000x64xbf16, #tpu.memory_space<hbm>> -> memref<10000x64xbf16, #tpu.memory_space<hbm>>
      tpu.enqueue_indirect_dma source(%dma_start3A_1247 : memref<10000x64xbf16, #tpu.memory_space<hbm>>) target(%dma_start3A_1237 : memref<125x64xbf16, #tpu.memory_space<vmem>>) offsets(%dma_start3A_1240 : memref<125xi32, #tpu.memory_space<vmem>>) semaphore(%arg11 : memref<!tpu.dma_semaphore, #tpu.memory_space<semaphore_mem>>)
      %add3A_1248 = arith.constant 5 : i32
      %add3A_1249 = arith.addi %mul3A_957, %add3A_1248 : i32
      %dma_wait3A_1250 = arith.constant 0 : i32
      %dma_wait3A_1251 = arith.constant 5 : i32
      %dma_wait3A_1252 = arith.constant 0 : i32
      %dma_wait3A_1253 = arith.constant 0 : i32
      %dma_wait3A_1254 = tpu.memref_slice %arg9[%dma_wait3A_1251, %dma_wait3A_1252, %dma_wait3A_1253] : memref<8x125x64xbf16, #tpu.memory_space<vmem>> -> memref<1x125x64xbf16, #tpu.memory_space<vmem>>
      %dma_wait3A_1255 = tpu.memref_squeeze %dma_wait3A_1254 : memref<1x125x64xbf16, #tpu.memory_space<vmem>> -> memref<125x64xbf16, #tpu.memory_space<vmem>>
      %dma_wait3A_1256 = arith.constant 0 : i32
      %dma_wait3A_1257 = tpu.memref_slice %arg7[%dma_wait3A_1250, %dma_wait3A_1256] : memref<160x125xi32, #tpu.memory_space<vmem>> -> memref<1x125xi32, #tpu.memory_space<vmem>>
      %dma_wait3A_1258 = tpu.memref_squeeze %dma_wait3A_1257 : memref<1x125xi32, #tpu.memory_space<vmem>> -> memref<125xi32, #tpu.memory_space<vmem>>
      %dma_wait3A_1259 = arith.constant 0 : i32
      %dma_wait3A_1260 = arith.constant 0 : i32
      %dma_wait3A_1261 = tpu.memref_slice %arg2[%arg0, %dma_wait3A_1259, %dma_wait3A_1260] : memref<2x10000x64xbf16, #tpu.memory_space<hbm>> -> memref<1x10000x64xbf16, #tpu.memory_space<hbm>>
      %dma_wait3A_1262 = tpu.memref_squeeze %dma_wait3A_1261 : memref<1x10000x64xbf16, #tpu.memory_space<hbm>> -> memref<10000x64xbf16, #tpu.memory_space<hbm>>
      %dma_wait3A_1263 = arith.constant 0 : i32
      %dma_wait3A_1264 = arith.constant 0 : i32
      %dma_wait3A_1265 = tpu.memref_slice %dma_wait3A_1262[%dma_wait3A_1263, %dma_wait3A_1264] : memref<10000x64xbf16, #tpu.memory_space<hbm>> -> memref<10000x64xbf16, #tpu.memory_space<hbm>>
      tpu.wait_indirect_dma semaphore(%arg11 : memref<!tpu.dma_semaphore, #tpu.memory_space<semaphore_mem>>) src(%dma_wait3A_1265 : memref<10000x64xbf16, #tpu.memory_space<hbm>>) dst(%dma_wait3A_1255 : memref<125x64xbf16, #tpu.memory_space<vmem>>)
      %dma_start3A_1266 = arith.constant 5 : i32
      %dma_start3A_1267 = arith.constant 0 : i32
      %dma_start3A_1268 = arith.constant 0 : i32
      %dma_start3A_1269 = tpu.memref_slice %arg9[%dma_start3A_1266, %dma_start3A_1267, %dma_start3A_1268] : memref<8x125x64xbf16, #tpu.memory_space<vmem>> -> memref<1x125x64xbf16, #tpu.memory_space<vmem>>
      %dma_start3A_1270 = tpu.memref_squeeze %dma_start3A_1269 : memref<1x125x64xbf16, #tpu.memory_space<vmem>> -> memref<125x64xbf16, #tpu.memory_space<vmem>>
      %dma_start3A_1271 = arith.constant 0 : i32
      %dma_start3A_1272 = tpu.memref_slice %arg8[%add3A_1249, %dma_start3A_1271] : memref<160x125xi32, #tpu.memory_space<vmem>> -> memref<1x125xi32, #tpu.memory_space<vmem>>
      %dma_start3A_1273 = tpu.memref_squeeze %dma_start3A_1272 : memref<1x125xi32, #tpu.memory_space<vmem>> -> memref<125xi32, #tpu.memory_space<vmem>>
      %dma_start3A_1274 = arith.constant 0 : i32
      %dma_start3A_1275 = arith.constant 0 : i32
      %dma_start3A_1276 = tpu.memref_slice %arg10[%dma_start3A_1274, %dma_start3A_1275] : memref<10000x64xbf16, #tpu.memory_space<vmem_shared>> -> memref<10000x64xbf16, #tpu.memory_space<vmem_shared>>
      tpu.enqueue_indirect_dma source(%dma_start3A_1270 : memref<125x64xbf16, #tpu.memory_space<vmem>>) target(%dma_start3A_1276 : memref<10000x64xbf16, #tpu.memory_space<vmem_shared>>) offsets(%dma_start3A_1273 : memref<125xi32, #tpu.memory_space<vmem>>) semaphore(%arg12 : memref<!tpu.dma_semaphore, #tpu.memory_space<semaphore_mem>>) {add = true}
      %dma_wait3A_1277 = arith.constant 0 : i32
      %dma_wait3A_1278 = arith.constant 0 : i32
      %dma_wait3A_1279 = arith.constant 0 : i32
      %dma_wait3A_1280 = arith.constant 0 : i32
      %dma_wait3A_1281 = tpu.memref_slice %arg9[%dma_wait3A_1277, %dma_wait3A_1279, %dma_wait3A_1280] : memref<8x125x64xbf16, #tpu.memory_space<vmem>> -> memref<1x125x64xbf16, #tpu.memory_space<vmem>>
      %dma_wait3A_1282 = tpu.memref_squeeze %dma_wait3A_1281 : memref<1x125x64xbf16, #tpu.memory_space<vmem>> -> memref<125x64xbf16, #tpu.memory_space<vmem>>
      %dma_wait3A_1283 = arith.constant 0 : i32
      %dma_wait3A_1284 = tpu.memref_slice %arg8[%dma_wait3A_1278, %dma_wait3A_1283] : memref<160x125xi32, #tpu.memory_space<vmem>> -> memref<1x125xi32, #tpu.memory_space<vmem>>
      %dma_wait3A_1285 = tpu.memref_squeeze %dma_wait3A_1284 : memref<1x125xi32, #tpu.memory_space<vmem>> -> memref<125xi32, #tpu.memory_space<vmem>>
      %dma_wait3A_1286 = arith.constant 0 : i32
      %dma_wait3A_1287 = arith.constant 0 : i32
      %dma_wait3A_1288 = tpu.memref_slice %arg10[%dma_wait3A_1286, %dma_wait3A_1287] : memref<10000x64xbf16, #tpu.memory_space<vmem_shared>> -> memref<10000x64xbf16, #tpu.memory_space<vmem_shared>>
      tpu.wait_indirect_dma semaphore(%arg12 : memref<!tpu.dma_semaphore, #tpu.memory_space<semaphore_mem>>) src(%dma_wait3A_1282 : memref<125x64xbf16, #tpu.memory_space<vmem>>) dst(%dma_wait3A_1288 : memref<10000x64xbf16, #tpu.memory_space<vmem_shared>>)
      %add3A_1289 = arith.constant 6 : i32
      %add3A_1290 = arith.addi %add3A_1249, %add3A_1289 : i32
      %dma_start3A_1291 = arith.constant 3 : i32
      %dma_start3A_1292 = arith.constant 0 : i32
      %dma_start3A_1293 = arith.constant 0 : i32
      %dma_start3A_1294 = tpu.memref_slice %arg9[%dma_start3A_1291, %dma_start3A_1292, %dma_start3A_1293] : memref<8x125x64xbf16, #tpu.memory_space<vmem>> -> memref<1x125x64xbf16, #tpu.memory_space<vmem>>
      %dma_start3A_1295 = tpu.memref_squeeze %dma_start3A_1294 : memref<1x125x64xbf16, #tpu.memory_space<vmem>> -> memref<125x64xbf16, #tpu.memory_space<vmem>>
      %dma_start3A_1296 = arith.constant 0 : i32
      %dma_start3A_1297 = tpu.memref_slice %arg7[%add3A_1290, %dma_start3A_1296] : memref<160x125xi32, #tpu.memory_space<vmem>> -> memref<1x125xi32, #tpu.memory_space<vmem>>
      %dma_start3A_1298 = tpu.memref_squeeze %dma_start3A_1297 : memref<1x125xi32, #tpu.memory_space<vmem>> -> memref<125xi32, #tpu.memory_space<vmem>>
      %dma_start3A_1299 = arith.constant 0 : i32
      %dma_start3A_1300 = arith.constant 0 : i32
      %dma_start3A_1301 = tpu.memref_slice %arg2[%arg0, %dma_start3A_1299, %dma_start3A_1300] : memref<2x10000x64xbf16, #tpu.memory_space<hbm>> -> memref<1x10000x64xbf16, #tpu.memory_space<hbm>>
      %dma_start3A_1302 = tpu.memref_squeeze %dma_start3A_1301 : memref<1x10000x64xbf16, #tpu.memory_space<hbm>> -> memref<10000x64xbf16, #tpu.memory_space<hbm>>
      %dma_start3A_1303 = arith.constant 0 : i32
      %dma_start3A_1304 = arith.constant 0 : i32
      %dma_start3A_1305 = tpu.memref_slice %dma_start3A_1302[%dma_start3A_1303, %dma_start3A_1304] : memref<10000x64xbf16, #tpu.memory_space<hbm>> -> memref<10000x64xbf16, #tpu.memory_space<hbm>>
      tpu.enqueue_indirect_dma source(%dma_start3A_1305 : memref<10000x64xbf16, #tpu.memory_space<hbm>>) target(%dma_start3A_1295 : memref<125x64xbf16, #tpu.memory_space<vmem>>) offsets(%dma_start3A_1298 : memref<125xi32, #tpu.memory_space<vmem>>) semaphore(%arg11 : memref<!tpu.dma_semaphore, #tpu.memory_space<semaphore_mem>>)
      %add3A_1306 = arith.constant 6 : i32
      %add3A_1307 = arith.addi %mul3A_957, %add3A_1306 : i32
      %dma_wait3A_1308 = arith.constant 0 : i32
      %dma_wait3A_1309 = arith.constant 6 : i32
      %dma_wait3A_1310 = arith.constant 0 : i32
      %dma_wait3A_1311 = arith.constant 0 : i32
      %dma_wait3A_1312 = tpu.memref_slice %arg9[%dma_wait3A_1309, %dma_wait3A_1310, %dma_wait3A_1311] : memref<8x125x64xbf16, #tpu.memory_space<vmem>> -> memref<1x125x64xbf16, #tpu.memory_space<vmem>>
      %dma_wait3A_1313 = tpu.memref_squeeze %dma_wait3A_1312 : memref<1x125x64xbf16, #tpu.memory_space<vmem>> -> memref<125x64xbf16, #tpu.memory_space<vmem>>
      %dma_wait3A_1314 = arith.constant 0 : i32
      %dma_wait3A_1315 = tpu.memref_slice %arg7[%dma_wait3A_1308, %dma_wait3A_1314] : memref<160x125xi32, #tpu.memory_space<vmem>> -> memref<1x125xi32, #tpu.memory_space<vmem>>
      %dma_wait3A_1316 = tpu.memref_squeeze %dma_wait3A_1315 : memref<1x125xi32, #tpu.memory_space<vmem>> -> memref<125xi32, #tpu.memory_space<vmem>>
      %dma_wait3A_1317 = arith.constant 0 : i32
      %dma_wait3A_1318 = arith.constant 0 : i32
      %dma_wait3A_1319 = tpu.memref_slice %arg2[%arg0, %dma_wait3A_1317, %dma_wait3A_1318] : memref<2x10000x64xbf16, #tpu.memory_space<hbm>> -> memref<1x10000x64xbf16, #tpu.memory_space<hbm>>
      %dma_wait3A_1320 = tpu.memref_squeeze %dma_wait3A_1319 : memref<1x10000x64xbf16, #tpu.memory_space<hbm>> -> memref<10000x64xbf16, #tpu.memory_space<hbm>>
      %dma_wait3A_1321 = arith.constant 0 : i32
      %dma_wait3A_1322 = arith.constant 0 : i32
      %dma_wait3A_1323 = tpu.memref_slice %dma_wait3A_1320[%dma_wait3A_1321, %dma_wait3A_1322] : memref<10000x64xbf16, #tpu.memory_space<hbm>> -> memref<10000x64xbf16, #tpu.memory_space<hbm>>
      tpu.wait_indirect_dma semaphore(%arg11 : memref<!tpu.dma_semaphore, #tpu.memory_space<semaphore_mem>>) src(%dma_wait3A_1323 : memref<10000x64xbf16, #tpu.memory_space<hbm>>) dst(%dma_wait3A_1313 : memref<125x64xbf16, #tpu.memory_space<vmem>>)
      %dma_start3A_1324 = arith.constant 6 : i32
      %dma_start3A_1325 = arith.constant 0 : i32
      %dma_start3A_1326 = arith.constant 0 : i32
      %dma_start3A_1327 = tpu.memref_slice %arg9[%dma_start3A_1324, %dma_start3A_1325, %dma_start3A_1326] : memref<8x125x64xbf16, #tpu.memory_space<vmem>> -> memref<1x125x64xbf16, #tpu.memory_space<vmem>>
      %dma_start3A_1328 = tpu.memref_squeeze %dma_start3A_1327 : memref<1x125x64xbf16, #tpu.memory_space<vmem>> -> memref<125x64xbf16, #tpu.memory_space<vmem>>
      %dma_start3A_1329 = arith.constant 0 : i32
      %dma_start3A_1330 = tpu.memref_slice %arg8[%add3A_1307, %dma_start3A_1329] : memref<160x125xi32, #tpu.memory_space<vmem>> -> memref<1x125xi32, #tpu.memory_space<vmem>>
      %dma_start3A_1331 = tpu.memref_squeeze %dma_start3A_1330 : memref<1x125xi32, #tpu.memory_space<vmem>> -> memref<125xi32, #tpu.memory_space<vmem>>
      %dma_start3A_1332 = arith.constant 0 : i32
      %dma_start3A_1333 = arith.constant 0 : i32
      %dma_start3A_1334 = tpu.memref_slice %arg10[%dma_start3A_1332, %dma_start3A_1333] : memref<10000x64xbf16, #tpu.memory_space<vmem_shared>> -> memref<10000x64xbf16, #tpu.memory_space<vmem_shared>>
      tpu.enqueue_indirect_dma source(%dma_start3A_1328 : memref<125x64xbf16, #tpu.memory_space<vmem>>) target(%dma_start3A_1334 : memref<10000x64xbf16, #tpu.memory_space<vmem_shared>>) offsets(%dma_start3A_1331 : memref<125xi32, #tpu.memory_space<vmem>>) semaphore(%arg12 : memref<!tpu.dma_semaphore, #tpu.memory_space<semaphore_mem>>) {add = true}
      %dma_wait3A_1335 = arith.constant 0 : i32
      %dma_wait3A_1336 = arith.constant 0 : i32
      %dma_wait3A_1337 = arith.constant 0 : i32
      %dma_wait3A_1338 = arith.constant 0 : i32
      %dma_wait3A_1339 = tpu.memref_slice %arg9[%dma_wait3A_1335, %dma_wait3A_1337, %dma_wait3A_1338] : memref<8x125x64xbf16, #tpu.memory_space<vmem>> -> memref<1x125x64xbf16, #tpu.memory_space<vmem>>
      %dma_wait3A_1340 = tpu.memref_squeeze %dma_wait3A_1339 : memref<1x125x64xbf16, #tpu.memory_space<vmem>> -> memref<125x64xbf16, #tpu.memory_space<vmem>>
      %dma_wait3A_1341 = arith.constant 0 : i32
      %dma_wait3A_1342 = tpu.memref_slice %arg8[%dma_wait3A_1336, %dma_wait3A_1341] : memref<160x125xi32, #tpu.memory_space<vmem>> -> memref<1x125xi32, #tpu.memory_space<vmem>>
      %dma_wait3A_1343 = tpu.memref_squeeze %dma_wait3A_1342 : memref<1x125xi32, #tpu.memory_space<vmem>> -> memref<125xi32, #tpu.memory_space<vmem>>
      %dma_wait3A_1344 = arith.constant 0 : i32
      %dma_wait3A_1345 = arith.constant 0 : i32
      %dma_wait3A_1346 = tpu.memref_slice %arg10[%dma_wait3A_1344, %dma_wait3A_1345] : memref<10000x64xbf16, #tpu.memory_space<vmem_shared>> -> memref<10000x64xbf16, #tpu.memory_space<vmem_shared>>
      tpu.wait_indirect_dma semaphore(%arg12 : memref<!tpu.dma_semaphore, #tpu.memory_space<semaphore_mem>>) src(%dma_wait3A_1340 : memref<125x64xbf16, #tpu.memory_space<vmem>>) dst(%dma_wait3A_1346 : memref<10000x64xbf16, #tpu.memory_space<vmem_shared>>)
      %add3A_1347 = arith.constant 6 : i32
      %add3A_1348 = arith.addi %add3A_1307, %add3A_1347 : i32
      %dma_start3A_1349 = arith.constant 4 : i32
      %dma_start3A_1350 = arith.constant 0 : i32
      %dma_start3A_1351 = arith.constant 0 : i32
      %dma_start3A_1352 = tpu.memref_slice %arg9[%dma_start3A_1349, %dma_start3A_1350, %dma_start3A_1351] : memref<8x125x64xbf16, #tpu.memory_space<vmem>> -> memref<1x125x64xbf16, #tpu.memory_space<vmem>>
      %dma_start3A_1353 = tpu.memref_squeeze %dma_start3A_1352 : memref<1x125x64xbf16, #tpu.memory_space<vmem>> -> memref<125x64xbf16, #tpu.memory_space<vmem>>
      %dma_start3A_1354 = arith.constant 0 : i32
      %dma_start3A_1355 = tpu.memref_slice %arg7[%add3A_1348, %dma_start3A_1354] : memref<160x125xi32, #tpu.memory_space<vmem>> -> memref<1x125xi32, #tpu.memory_space<vmem>>
      %dma_start3A_1356 = tpu.memref_squeeze %dma_start3A_1355 : memref<1x125xi32, #tpu.memory_space<vmem>> -> memref<125xi32, #tpu.memory_space<vmem>>
      %dma_start3A_1357 = arith.constant 0 : i32
      %dma_start3A_1358 = arith.constant 0 : i32
      %dma_start3A_1359 = tpu.memref_slice %arg2[%arg0, %dma_start3A_1357, %dma_start3A_1358] : memref<2x10000x64xbf16, #tpu.memory_space<hbm>> -> memref<1x10000x64xbf16, #tpu.memory_space<hbm>>
      %dma_start3A_1360 = tpu.memref_squeeze %dma_start3A_1359 : memref<1x10000x64xbf16, #tpu.memory_space<hbm>> -> memref<10000x64xbf16, #tpu.memory_space<hbm>>
      %dma_start3A_1361 = arith.constant 0 : i32
      %dma_start3A_1362 = arith.constant 0 : i32
      %dma_start3A_1363 = tpu.memref_slice %dma_start3A_1360[%dma_start3A_1361, %dma_start3A_1362] : memref<10000x64xbf16, #tpu.memory_space<hbm>> -> memref<10000x64xbf16, #tpu.memory_space<hbm>>
      tpu.enqueue_indirect_dma source(%dma_start3A_1363 : memref<10000x64xbf16, #tpu.memory_space<hbm>>) target(%dma_start3A_1353 : memref<125x64xbf16, #tpu.memory_space<vmem>>) offsets(%dma_start3A_1356 : memref<125xi32, #tpu.memory_space<vmem>>) semaphore(%arg11 : memref<!tpu.dma_semaphore, #tpu.memory_space<semaphore_mem>>)
      %add3A_1364 = arith.constant 7 : i32
      %add3A_1365 = arith.addi %mul3A_957, %add3A_1364 : i32
      %dma_wait3A_1366 = arith.constant 0 : i32
      %dma_wait3A_1367 = arith.constant 7 : i32
      %dma_wait3A_1368 = arith.constant 0 : i32
      %dma_wait3A_1369 = arith.constant 0 : i32
      %dma_wait3A_1370 = tpu.memref_slice %arg9[%dma_wait3A_1367, %dma_wait3A_1368, %dma_wait3A_1369] : memref<8x125x64xbf16, #tpu.memory_space<vmem>> -> memref<1x125x64xbf16, #tpu.memory_space<vmem>>
      %dma_wait3A_1371 = tpu.memref_squeeze %dma_wait3A_1370 : memref<1x125x64xbf16, #tpu.memory_space<vmem>> -> memref<125x64xbf16, #tpu.memory_space<vmem>>
      %dma_wait3A_1372 = arith.constant 0 : i32
      %dma_wait3A_1373 = tpu.memref_slice %arg7[%dma_wait3A_1366, %dma_wait3A_1372] : memref<160x125xi32, #tpu.memory_space<vmem>> -> memref<1x125xi32, #tpu.memory_space<vmem>>
      %dma_wait3A_1374 = tpu.memref_squeeze %dma_wait3A_1373 : memref<1x125xi32, #tpu.memory_space<vmem>> -> memref<125xi32, #tpu.memory_space<vmem>>
      %dma_wait3A_1375 = arith.constant 0 : i32
      %dma_wait3A_1376 = arith.constant 0 : i32
      %dma_wait3A_1377 = tpu.memref_slice %arg2[%arg0, %dma_wait3A_1375, %dma_wait3A_1376] : memref<2x10000x64xbf16, #tpu.memory_space<hbm>> -> memref<1x10000x64xbf16, #tpu.memory_space<hbm>>
      %dma_wait3A_1378 = tpu.memref_squeeze %dma_wait3A_1377 : memref<1x10000x64xbf16, #tpu.memory_space<hbm>> -> memref<10000x64xbf16, #tpu.memory_space<hbm>>
      %dma_wait3A_1379 = arith.constant 0 : i32
      %dma_wait3A_1380 = arith.constant 0 : i32
      %dma_wait3A_1381 = tpu.memref_slice %dma_wait3A_1378[%dma_wait3A_1379, %dma_wait3A_1380] : memref<10000x64xbf16, #tpu.memory_space<hbm>> -> memref<10000x64xbf16, #tpu.memory_space<hbm>>
      tpu.wait_indirect_dma semaphore(%arg11 : memref<!tpu.dma_semaphore, #tpu.memory_space<semaphore_mem>>) src(%dma_wait3A_1381 : memref<10000x64xbf16, #tpu.memory_space<hbm>>) dst(%dma_wait3A_1371 : memref<125x64xbf16, #tpu.memory_space<vmem>>)
      %dma_start3A_1382 = arith.constant 7 : i32
      %dma_start3A_1383 = arith.constant 0 : i32
      %dma_start3A_1384 = arith.constant 0 : i32
      %dma_start3A_1385 = tpu.memref_slice %arg9[%dma_start3A_1382, %dma_start3A_1383, %dma_start3A_1384] : memref<8x125x64xbf16, #tpu.memory_space<vmem>> -> memref<1x125x64xbf16, #tpu.memory_space<vmem>>
      %dma_start3A_1386 = tpu.memref_squeeze %dma_start3A_1385 : memref<1x125x64xbf16, #tpu.memory_space<vmem>> -> memref<125x64xbf16, #tpu.memory_space<vmem>>
      %dma_start3A_1387 = arith.constant 0 : i32
      %dma_start3A_1388 = tpu.memref_slice %arg8[%add3A_1365, %dma_start3A_1387] : memref<160x125xi32, #tpu.memory_space<vmem>> -> memref<1x125xi32, #tpu.memory_space<vmem>>
      %dma_start3A_1389 = tpu.memref_squeeze %dma_start3A_1388 : memref<1x125xi32, #tpu.memory_space<vmem>> -> memref<125xi32, #tpu.memory_space<vmem>>
      %dma_start3A_1390 = arith.constant 0 : i32
      %dma_start3A_1391 = arith.constant 0 : i32
      %dma_start3A_1392 = tpu.memref_slice %arg10[%dma_start3A_1390, %dma_start3A_1391] : memref<10000x64xbf16, #tpu.memory_space<vmem_shared>> -> memref<10000x64xbf16, #tpu.memory_space<vmem_shared>>
      tpu.enqueue_indirect_dma source(%dma_start3A_1386 : memref<125x64xbf16, #tpu.memory_space<vmem>>) target(%dma_start3A_1392 : memref<10000x64xbf16, #tpu.memory_space<vmem_shared>>) offsets(%dma_start3A_1389 : memref<125xi32, #tpu.memory_space<vmem>>) semaphore(%arg12 : memref<!tpu.dma_semaphore, #tpu.memory_space<semaphore_mem>>) {add = true}
      %dma_wait3A_1393 = arith.constant 0 : i32
      %dma_wait3A_1394 = arith.constant 0 : i32
      %dma_wait3A_1395 = arith.constant 0 : i32
      %dma_wait3A_1396 = arith.constant 0 : i32
      %dma_wait3A_1397 = tpu.memref_slice %arg9[%dma_wait3A_1393, %dma_wait3A_1395, %dma_wait3A_1396] : memref<8x125x64xbf16, #tpu.memory_space<vmem>> -> memref<1x125x64xbf16, #tpu.memory_space<vmem>>
      %dma_wait3A_1398 = tpu.memref_squeeze %dma_wait3A_1397 : memref<1x125x64xbf16, #tpu.memory_space<vmem>> -> memref<125x64xbf16, #tpu.memory_space<vmem>>
      %dma_wait3A_1399 = arith.constant 0 : i32
      %dma_wait3A_1400 = tpu.memref_slice %arg8[%dma_wait3A_1394, %dma_wait3A_1399] : memref<160x125xi32, #tpu.memory_space<vmem>> -> memref<1x125xi32, #tpu.memory_space<vmem>>
      %dma_wait3A_1401 = tpu.memref_squeeze %dma_wait3A_1400 : memref<1x125xi32, #tpu.memory_space<vmem>> -> memref<125xi32, #tpu.memory_space<vmem>>
      %dma_wait3A_1402 = arith.constant 0 : i32
      %dma_wait3A_1403 = arith.constant 0 : i32
      %dma_wait3A_1404 = tpu.memref_slice %arg10[%dma_wait3A_1402, %dma_wait3A_1403] : memref<10000x64xbf16, #tpu.memory_space<vmem_shared>> -> memref<10000x64xbf16, #tpu.memory_space<vmem_shared>>
      tpu.wait_indirect_dma semaphore(%arg12 : memref<!tpu.dma_semaphore, #tpu.memory_space<semaphore_mem>>) src(%dma_wait3A_1398 : memref<125x64xbf16, #tpu.memory_space<vmem>>) dst(%dma_wait3A_1404 : memref<10000x64xbf16, #tpu.memory_space<vmem_shared>>)
      %add3A_1405 = arith.constant 6 : i32
      %add3A_1406 = arith.addi %add3A_1365, %add3A_1405 : i32
      %dma_start3A_1407 = arith.constant 5 : i32
      %dma_start3A_1408 = arith.constant 0 : i32
      %dma_start3A_1409 = arith.constant 0 : i32
      %dma_start3A_1410 = tpu.memref_slice %arg9[%dma_start3A_1407, %dma_start3A_1408, %dma_start3A_1409] : memref<8x125x64xbf16, #tpu.memory_space<vmem>> -> memref<1x125x64xbf16, #tpu.memory_space<vmem>>
      %dma_start3A_1411 = tpu.memref_squeeze %dma_start3A_1410 : memref<1x125x64xbf16, #tpu.memory_space<vmem>> -> memref<125x64xbf16, #tpu.memory_space<vmem>>
      %dma_start3A_1412 = arith.constant 0 : i32
      %dma_start3A_1413 = tpu.memref_slice %arg7[%add3A_1406, %dma_start3A_1412] : memref<160x125xi32, #tpu.memory_space<vmem>> -> memref<1x125xi32, #tpu.memory_space<vmem>>
      %dma_start3A_1414 = tpu.memref_squeeze %dma_start3A_1413 : memref<1x125xi32, #tpu.memory_space<vmem>> -> memref<125xi32, #tpu.memory_space<vmem>>
      %dma_start3A_1415 = arith.constant 0 : i32
      %dma_start3A_1416 = arith.constant 0 : i32
      %dma_start3A_1417 = tpu.memref_slice %arg2[%arg0, %dma_start3A_1415, %dma_start3A_1416] : memref<2x10000x64xbf16, #tpu.memory_space<hbm>> -> memref<1x10000x64xbf16, #tpu.memory_space<hbm>>
      %dma_start3A_1418 = tpu.memref_squeeze %dma_start3A_1417 : memref<1x10000x64xbf16, #tpu.memory_space<hbm>> -> memref<10000x64xbf16, #tpu.memory_space<hbm>>
      %dma_start3A_1419 = arith.constant 0 : i32
      %dma_start3A_1420 = arith.constant 0 : i32
      %dma_start3A_1421 = tpu.memref_slice %dma_start3A_1418[%dma_start3A_1419, %dma_start3A_1420] : memref<10000x64xbf16, #tpu.memory_space<hbm>> -> memref<10000x64xbf16, #tpu.memory_space<hbm>>
      tpu.enqueue_indirect_dma source(%dma_start3A_1421 : memref<10000x64xbf16, #tpu.memory_space<hbm>>) target(%dma_start3A_1411 : memref<125x64xbf16, #tpu.memory_space<vmem>>) offsets(%dma_start3A_1414 : memref<125xi32, #tpu.memory_space<vmem>>) semaphore(%arg11 : memref<!tpu.dma_semaphore, #tpu.memory_space<semaphore_mem>>)
    }
    %scan3A_523 = arith.constant 18 : i32
    %dma_wait3A_524 = arith.constant 0 : i32
    %dma_wait3A_525 = arith.constant 0 : i32
    %dma_wait3A_526 = arith.constant 0 : i32
    %dma_wait3A_527 = arith.constant 0 : i32
    %dma_wait3A_528 = tpu.memref_slice %arg9[%dma_wait3A_525, %dma_wait3A_526, %dma_wait3A_527] : memref<8x125x64xbf16, #tpu.memory_space<vmem>> -> memref<1x125x64xbf16, #tpu.memory_space<vmem>>
    %dma_wait3A_529 = tpu.memref_squeeze %dma_wait3A_528 : memref<1x125x64xbf16, #tpu.memory_space<vmem>> -> memref<125x64xbf16, #tpu.memory_space<vmem>>
    %dma_wait3A_530 = arith.constant 0 : i32
    %dma_wait3A_531 = tpu.memref_slice %arg7[%dma_wait3A_524, %dma_wait3A_530] : memref<160x125xi32, #tpu.memory_space<vmem>> -> memref<1x125xi32, #tpu.memory_space<vmem>>
    %dma_wait3A_532 = tpu.memref_squeeze %dma_wait3A_531 : memref<1x125xi32, #tpu.memory_space<vmem>> -> memref<125xi32, #tpu.memory_space<vmem>>
    %dma_wait3A_533 = arith.constant 0 : i32
    %dma_wait3A_534 = arith.constant 0 : i32
    %dma_wait3A_535 = tpu.memref_slice %arg2[%arg0, %dma_wait3A_533, %dma_wait3A_534] : memref<2x10000x64xbf16, #tpu.memory_space<hbm>> -> memref<1x10000x64xbf16, #tpu.memory_space<hbm>>
    %dma_wait3A_536 = tpu.memref_squeeze %dma_wait3A_535 : memref<1x10000x64xbf16, #tpu.memory_space<hbm>> -> memref<10000x64xbf16, #tpu.memory_space<hbm>>
    %dma_wait3A_537 = arith.constant 0 : i32
    %dma_wait3A_538 = arith.constant 0 : i32
    %dma_wait3A_539 = tpu.memref_slice %dma_wait3A_536[%dma_wait3A_537, %dma_wait3A_538] : memref<10000x64xbf16, #tpu.memory_space<hbm>> -> memref<10000x64xbf16, #tpu.memory_space<hbm>>
    tpu.wait_indirect_dma semaphore(%arg11 : memref<!tpu.dma_semaphore, #tpu.memory_space<semaphore_mem>>) src(%dma_wait3A_539 : memref<10000x64xbf16, #tpu.memory_space<hbm>>) dst(%dma_wait3A_529 : memref<125x64xbf16, #tpu.memory_space<vmem>>)
    %dma_start3A_540 = arith.constant 0 : i32
    %dma_start3A_541 = arith.constant 152 : i32
    %dma_start3A_542 = arith.constant 0 : i32
    %dma_start3A_543 = arith.constant 0 : i32
    %dma_start3A_544 = tpu.memref_slice %arg9[%dma_start3A_540, %dma_start3A_542, %dma_start3A_543] : memref<8x125x64xbf16, #tpu.memory_space<vmem>> -> memref<1x125x64xbf16, #tpu.memory_space<vmem>>
    %dma_start3A_545 = tpu.memref_squeeze %dma_start3A_544 : memref<1x125x64xbf16, #tpu.memory_space<vmem>> -> memref<125x64xbf16, #tpu.memory_space<vmem>>
    %dma_start3A_546 = arith.constant 0 : i32
    %dma_start3A_547 = tpu.memref_slice %arg8[%dma_start3A_541, %dma_start3A_546] : memref<160x125xi32, #tpu.memory_space<vmem>> -> memref<1x125xi32, #tpu.memory_space<vmem>>
    %dma_start3A_548 = tpu.memref_squeeze %dma_start3A_547 : memref<1x125xi32, #tpu.memory_space<vmem>> -> memref<125xi32, #tpu.memory_space<vmem>>
    %dma_start3A_549 = arith.constant 0 : i32
    %dma_start3A_550 = arith.constant 0 : i32
    %dma_start3A_551 = tpu.memref_slice %arg10[%dma_start3A_549, %dma_start3A_550] : memref<10000x64xbf16, #tpu.memory_space<vmem_shared>> -> memref<10000x64xbf16, #tpu.memory_space<vmem_shared>>
    tpu.enqueue_indirect_dma source(%dma_start3A_545 : memref<125x64xbf16, #tpu.memory_space<vmem>>) target(%dma_start3A_551 : memref<10000x64xbf16, #tpu.memory_space<vmem_shared>>) offsets(%dma_start3A_548 : memref<125xi32, #tpu.memory_space<vmem>>) semaphore(%arg12 : memref<!tpu.dma_semaphore, #tpu.memory_space<semaphore_mem>>) {add = true}
    %dma_wait3A_552 = arith.constant 0 : i32
    %dma_wait3A_553 = arith.constant 0 : i32
    %dma_wait3A_554 = arith.constant 0 : i32
    %dma_wait3A_555 = arith.constant 0 : i32
    %dma_wait3A_556 = tpu.memref_slice %arg9[%dma_wait3A_552, %dma_wait3A_554, %dma_wait3A_555] : memref<8x125x64xbf16, #tpu.memory_space<vmem>> -> memref<1x125x64xbf16, #tpu.memory_space<vmem>>
    %dma_wait3A_557 = tpu.memref_squeeze %dma_wait3A_556 : memref<1x125x64xbf16, #tpu.memory_space<vmem>> -> memref<125x64xbf16, #tpu.memory_space<vmem>>
    %dma_wait3A_558 = arith.constant 0 : i32
    %dma_wait3A_559 = tpu.memref_slice %arg8[%dma_wait3A_553, %dma_wait3A_558] : memref<160x125xi32, #tpu.memory_space<vmem>> -> memref<1x125xi32, #tpu.memory_space<vmem>>
    %dma_wait3A_560 = tpu.memref_squeeze %dma_wait3A_559 : memref<1x125xi32, #tpu.memory_space<vmem>> -> memref<125xi32, #tpu.memory_space<vmem>>
    %dma_wait3A_561 = arith.constant 0 : i32
    %dma_wait3A_562 = arith.constant 0 : i32
    %dma_wait3A_563 = tpu.memref_slice %arg10[%dma_wait3A_561, %dma_wait3A_562] : memref<10000x64xbf16, #tpu.memory_space<vmem_shared>> -> memref<10000x64xbf16, #tpu.memory_space<vmem_shared>>
    tpu.wait_indirect_dma semaphore(%arg12 : memref<!tpu.dma_semaphore, #tpu.memory_space<semaphore_mem>>) src(%dma_wait3A_557 : memref<125x64xbf16, #tpu.memory_space<vmem>>) dst(%dma_wait3A_563 : memref<10000x64xbf16, #tpu.memory_space<vmem_shared>>)
    %dma_start3A_564 = arith.constant 158 : i32
    %dma_start3A_565 = arith.constant 6 : i32
    %dma_start3A_566 = arith.constant 0 : i32
    %dma_start3A_567 = arith.constant 0 : i32
    %dma_start3A_568 = tpu.memref_slice %arg9[%dma_start3A_565, %dma_start3A_566, %dma_start3A_567] : memref<8x125x64xbf16, #tpu.memory_space<vmem>> -> memref<1x125x64xbf16, #tpu.memory_space<vmem>>
    %dma_start3A_569 = tpu.memref_squeeze %dma_start3A_568 : memref<1x125x64xbf16, #tpu.memory_space<vmem>> -> memref<125x64xbf16, #tpu.memory_space<vmem>>
    %dma_start3A_570 = arith.constant 0 : i32
    %dma_start3A_571 = tpu.memref_slice %arg7[%dma_start3A_564, %dma_start3A_570] : memref<160x125xi32, #tpu.memory_space<vmem>> -> memref<1x125xi32, #tpu.memory_space<vmem>>
    %dma_start3A_572 = tpu.memref_squeeze %dma_start3A_571 : memref<1x125xi32, #tpu.memory_space<vmem>> -> memref<125xi32, #tpu.memory_space<vmem>>
    %dma_start3A_573 = arith.constant 0 : i32
    %dma_start3A_574 = arith.constant 0 : i32
    %dma_start3A_575 = tpu.memref_slice %arg2[%arg0, %dma_start3A_573, %dma_start3A_574] : memref<2x10000x64xbf16, #tpu.memory_space<hbm>> -> memref<1x10000x64xbf16, #tpu.memory_space<hbm>>
    %dma_start3A_576 = tpu.memref_squeeze %dma_start3A_575 : memref<1x10000x64xbf16, #tpu.memory_space<hbm>> -> memref<10000x64xbf16, #tpu.memory_space<hbm>>
    %dma_start3A_577 = arith.constant 0 : i32
    %dma_start3A_578 = arith.constant 0 : i32
    %dma_start3A_579 = tpu.memref_slice %dma_start3A_576[%dma_start3A_577, %dma_start3A_578] : memref<10000x64xbf16, #tpu.memory_space<hbm>> -> memref<10000x64xbf16, #tpu.memory_space<hbm>>
    tpu.enqueue_indirect_dma source(%dma_start3A_579 : memref<10000x64xbf16, #tpu.memory_space<hbm>>) target(%dma_start3A_569 : memref<125x64xbf16, #tpu.memory_space<vmem>>) offsets(%dma_start3A_572 : memref<125xi32, #tpu.memory_space<vmem>>) semaphore(%arg11 : memref<!tpu.dma_semaphore, #tpu.memory_space<semaphore_mem>>)
    %dma_wait3A_580 = arith.constant 0 : i32
    %dma_wait3A_581 = arith.constant 1 : i32
    %dma_wait3A_582 = arith.constant 0 : i32
    %dma_wait3A_583 = arith.constant 0 : i32
    %dma_wait3A_584 = tpu.memref_slice %arg9[%dma_wait3A_581, %dma_wait3A_582, %dma_wait3A_583] : memref<8x125x64xbf16, #tpu.memory_space<vmem>> -> memref<1x125x64xbf16, #tpu.memory_space<vmem>>
    %dma_wait3A_585 = tpu.memref_squeeze %dma_wait3A_584 : memref<1x125x64xbf16, #tpu.memory_space<vmem>> -> memref<125x64xbf16, #tpu.memory_space<vmem>>
    %dma_wait3A_586 = arith.constant 0 : i32
    %dma_wait3A_587 = tpu.memref_slice %arg7[%dma_wait3A_580, %dma_wait3A_586] : memref<160x125xi32, #tpu.memory_space<vmem>> -> memref<1x125xi32, #tpu.memory_space<vmem>>
    %dma_wait3A_588 = tpu.memref_squeeze %dma_wait3A_587 : memref<1x125xi32, #tpu.memory_space<vmem>> -> memref<125xi32, #tpu.memory_space<vmem>>
    %dma_wait3A_589 = arith.constant 0 : i32
    %dma_wait3A_590 = arith.constant 0 : i32
    %dma_wait3A_591 = tpu.memref_slice %arg2[%arg0, %dma_wait3A_589, %dma_wait3A_590] : memref<2x10000x64xbf16, #tpu.memory_space<hbm>> -> memref<1x10000x64xbf16, #tpu.memory_space<hbm>>
    %dma_wait3A_592 = tpu.memref_squeeze %dma_wait3A_591 : memref<1x10000x64xbf16, #tpu.memory_space<hbm>> -> memref<10000x64xbf16, #tpu.memory_space<hbm>>
    %dma_wait3A_593 = arith.constant 0 : i32
    %dma_wait3A_594 = arith.constant 0 : i32
    %dma_wait3A_595 = tpu.memref_slice %dma_wait3A_592[%dma_wait3A_593, %dma_wait3A_594] : memref<10000x64xbf16, #tpu.memory_space<hbm>> -> memref<10000x64xbf16, #tpu.memory_space<hbm>>
    tpu.wait_indirect_dma semaphore(%arg11 : memref<!tpu.dma_semaphore, #tpu.memory_space<semaphore_mem>>) src(%dma_wait3A_595 : memref<10000x64xbf16, #tpu.memory_space<hbm>>) dst(%dma_wait3A_585 : memref<125x64xbf16, #tpu.memory_space<vmem>>)
    %dma_start3A_596 = arith.constant 1 : i32
    %dma_start3A_597 = arith.constant 153 : i32
    %dma_start3A_598 = arith.constant 0 : i32
    %dma_start3A_599 = arith.constant 0 : i32
    %dma_start3A_600 = tpu.memref_slice %arg9[%dma_start3A_596, %dma_start3A_598, %dma_start3A_599] : memref<8x125x64xbf16, #tpu.memory_space<vmem>> -> memref<1x125x64xbf16, #tpu.memory_space<vmem>>
    %dma_start3A_601 = tpu.memref_squeeze %dma_start3A_600 : memref<1x125x64xbf16, #tpu.memory_space<vmem>> -> memref<125x64xbf16, #tpu.memory_space<vmem>>
    %dma_start3A_602 = arith.constant 0 : i32
    %dma_start3A_603 = tpu.memref_slice %arg8[%dma_start3A_597, %dma_start3A_602] : memref<160x125xi32, #tpu.memory_space<vmem>> -> memref<1x125xi32, #tpu.memory_space<vmem>>
    %dma_start3A_604 = tpu.memref_squeeze %dma_start3A_603 : memref<1x125xi32, #tpu.memory_space<vmem>> -> memref<125xi32, #tpu.memory_space<vmem>>
    %dma_start3A_605 = arith.constant 0 : i32
    %dma_start3A_606 = arith.constant 0 : i32
    %dma_start3A_607 = tpu.memref_slice %arg10[%dma_start3A_605, %dma_start3A_606] : memref<10000x64xbf16, #tpu.memory_space<vmem_shared>> -> memref<10000x64xbf16, #tpu.memory_space<vmem_shared>>
    tpu.enqueue_indirect_dma source(%dma_start3A_601 : memref<125x64xbf16, #tpu.memory_space<vmem>>) target(%dma_start3A_607 : memref<10000x64xbf16, #tpu.memory_space<vmem_shared>>) offsets(%dma_start3A_604 : memref<125xi32, #tpu.memory_space<vmem>>) semaphore(%arg12 : memref<!tpu.dma_semaphore, #tpu.memory_space<semaphore_mem>>) {add = true}
    %dma_wait3A_608 = arith.constant 0 : i32
    %dma_wait3A_609 = arith.constant 0 : i32
    %dma_wait3A_610 = arith.constant 0 : i32
    %dma_wait3A_611 = arith.constant 0 : i32
    %dma_wait3A_612 = tpu.memref_slice %arg9[%dma_wait3A_608, %dma_wait3A_610, %dma_wait3A_611] : memref<8x125x64xbf16, #tpu.memory_space<vmem>> -> memref<1x125x64xbf16, #tpu.memory_space<vmem>>
    %dma_wait3A_613 = tpu.memref_squeeze %dma_wait3A_612 : memref<1x125x64xbf16, #tpu.memory_space<vmem>> -> memref<125x64xbf16, #tpu.memory_space<vmem>>
    %dma_wait3A_614 = arith.constant 0 : i32
    %dma_wait3A_615 = tpu.memref_slice %arg8[%dma_wait3A_609, %dma_wait3A_614] : memref<160x125xi32, #tpu.memory_space<vmem>> -> memref<1x125xi32, #tpu.memory_space<vmem>>
    %dma_wait3A_616 = tpu.memref_squeeze %dma_wait3A_615 : memref<1x125xi32, #tpu.memory_space<vmem>> -> memref<125xi32, #tpu.memory_space<vmem>>
    %dma_wait3A_617 = arith.constant 0 : i32
    %dma_wait3A_618 = arith.constant 0 : i32
    %dma_wait3A_619 = tpu.memref_slice %arg10[%dma_wait3A_617, %dma_wait3A_618] : memref<10000x64xbf16, #tpu.memory_space<vmem_shared>> -> memref<10000x64xbf16, #tpu.memory_space<vmem_shared>>
    tpu.wait_indirect_dma semaphore(%arg12 : memref<!tpu.dma_semaphore, #tpu.memory_space<semaphore_mem>>) src(%dma_wait3A_613 : memref<125x64xbf16, #tpu.memory_space<vmem>>) dst(%dma_wait3A_619 : memref<10000x64xbf16, #tpu.memory_space<vmem_shared>>)
    %dma_start3A_620 = arith.constant 159 : i32
    %dma_start3A_621 = arith.constant 7 : i32
    %dma_start3A_622 = arith.constant 0 : i32
    %dma_start3A_623 = arith.constant 0 : i32
    %dma_start3A_624 = tpu.memref_slice %arg9[%dma_start3A_621, %dma_start3A_622, %dma_start3A_623] : memref<8x125x64xbf16, #tpu.memory_space<vmem>> -> memref<1x125x64xbf16, #tpu.memory_space<vmem>>
    %dma_start3A_625 = tpu.memref_squeeze %dma_start3A_624 : memref<1x125x64xbf16, #tpu.memory_space<vmem>> -> memref<125x64xbf16, #tpu.memory_space<vmem>>
    %dma_start3A_626 = arith.constant 0 : i32
    %dma_start3A_627 = tpu.memref_slice %arg7[%dma_start3A_620, %dma_start3A_626] : memref<160x125xi32, #tpu.memory_space<vmem>> -> memref<1x125xi32, #tpu.memory_space<vmem>>
    %dma_start3A_628 = tpu.memref_squeeze %dma_start3A_627 : memref<1x125xi32, #tpu.memory_space<vmem>> -> memref<125xi32, #tpu.memory_space<vmem>>
    %dma_start3A_629 = arith.constant 0 : i32
    %dma_start3A_630 = arith.constant 0 : i32
    %dma_start3A_631 = tpu.memref_slice %arg2[%arg0, %dma_start3A_629, %dma_start3A_630] : memref<2x10000x64xbf16, #tpu.memory_space<hbm>> -> memref<1x10000x64xbf16, #tpu.memory_space<hbm>>
    %dma_start3A_632 = tpu.memref_squeeze %dma_start3A_631 : memref<1x10000x64xbf16, #tpu.memory_space<hbm>> -> memref<10000x64xbf16, #tpu.memory_space<hbm>>
    %dma_start3A_633 = arith.constant 0 : i32
    %dma_start3A_634 = arith.constant 0 : i32
    %dma_start3A_635 = tpu.memref_slice %dma_start3A_632[%dma_start3A_633, %dma_start3A_634] : memref<10000x64xbf16, #tpu.memory_space<hbm>> -> memref<10000x64xbf16, #tpu.memory_space<hbm>>
    tpu.enqueue_indirect_dma source(%dma_start3A_635 : memref<10000x64xbf16, #tpu.memory_space<hbm>>) target(%dma_start3A_625 : memref<125x64xbf16, #tpu.memory_space<vmem>>) offsets(%dma_start3A_628 : memref<125xi32, #tpu.memory_space<vmem>>) semaphore(%arg11 : memref<!tpu.dma_semaphore, #tpu.memory_space<semaphore_mem>>)
    %dma_wait3A_636 = arith.constant 0 : i32
    %dma_wait3A_637 = arith.constant 2 : i32
    %dma_wait3A_638 = arith.constant 0 : i32
    %dma_wait3A_639 = arith.constant 0 : i32
    %dma_wait3A_640 = tpu.memref_slice %arg9[%dma_wait3A_637, %dma_wait3A_638, %dma_wait3A_639] : memref<8x125x64xbf16, #tpu.memory_space<vmem>> -> memref<1x125x64xbf16, #tpu.memory_space<vmem>>
    %dma_wait3A_641 = tpu.memref_squeeze %dma_wait3A_640 : memref<1x125x64xbf16, #tpu.memory_space<vmem>> -> memref<125x64xbf16, #tpu.memory_space<vmem>>
    %dma_wait3A_642 = arith.constant 0 : i32
    %dma_wait3A_643 = tpu.memref_slice %arg7[%dma_wait3A_636, %dma_wait3A_642] : memref<160x125xi32, #tpu.memory_space<vmem>> -> memref<1x125xi32, #tpu.memory_space<vmem>>
    %dma_wait3A_644 = tpu.memref_squeeze %dma_wait3A_643 : memref<1x125xi32, #tpu.memory_space<vmem>> -> memref<125xi32, #tpu.memory_space<vmem>>
    %dma_wait3A_645 = arith.constant 0 : i32
    %dma_wait3A_646 = arith.constant 0 : i32
    %dma_wait3A_647 = tpu.memref_slice %arg2[%arg0, %dma_wait3A_645, %dma_wait3A_646] : memref<2x10000x64xbf16, #tpu.memory_space<hbm>> -> memref<1x10000x64xbf16, #tpu.memory_space<hbm>>
    %dma_wait3A_648 = tpu.memref_squeeze %dma_wait3A_647 : memref<1x10000x64xbf16, #tpu.memory_space<hbm>> -> memref<10000x64xbf16, #tpu.memory_space<hbm>>
    %dma_wait3A_649 = arith.constant 0 : i32
    %dma_wait3A_650 = arith.constant 0 : i32
    %dma_wait3A_651 = tpu.memref_slice %dma_wait3A_648[%dma_wait3A_649, %dma_wait3A_650] : memref<10000x64xbf16, #tpu.memory_space<hbm>> -> memref<10000x64xbf16, #tpu.memory_space<hbm>>
    tpu.wait_indirect_dma semaphore(%arg11 : memref<!tpu.dma_semaphore, #tpu.memory_space<semaphore_mem>>) src(%dma_wait3A_651 : memref<10000x64xbf16, #tpu.memory_space<hbm>>) dst(%dma_wait3A_641 : memref<125x64xbf16, #tpu.memory_space<vmem>>)
    %dma_start3A_652 = arith.constant 2 : i32
    %dma_start3A_653 = arith.constant 154 : i32
    %dma_start3A_654 = arith.constant 0 : i32
    %dma_start3A_655 = arith.constant 0 : i32
    %dma_start3A_656 = tpu.memref_slice %arg9[%dma_start3A_652, %dma_start3A_654, %dma_start3A_655] : memref<8x125x64xbf16, #tpu.memory_space<vmem>> -> memref<1x125x64xbf16, #tpu.memory_space<vmem>>
    %dma_start3A_657 = tpu.memref_squeeze %dma_start3A_656 : memref<1x125x64xbf16, #tpu.memory_space<vmem>> -> memref<125x64xbf16, #tpu.memory_space<vmem>>
    %dma_start3A_658 = arith.constant 0 : i32
    %dma_start3A_659 = tpu.memref_slice %arg8[%dma_start3A_653, %dma_start3A_658] : memref<160x125xi32, #tpu.memory_space<vmem>> -> memref<1x125xi32, #tpu.memory_space<vmem>>
    %dma_start3A_660 = tpu.memref_squeeze %dma_start3A_659 : memref<1x125xi32, #tpu.memory_space<vmem>> -> memref<125xi32, #tpu.memory_space<vmem>>
    %dma_start3A_661 = arith.constant 0 : i32
    %dma_start3A_662 = arith.constant 0 : i32
    %dma_start3A_663 = tpu.memref_slice %arg10[%dma_start3A_661, %dma_start3A_662] : memref<10000x64xbf16, #tpu.memory_space<vmem_shared>> -> memref<10000x64xbf16, #tpu.memory_space<vmem_shared>>
    tpu.enqueue_indirect_dma source(%dma_start3A_657 : memref<125x64xbf16, #tpu.memory_space<vmem>>) target(%dma_start3A_663 : memref<10000x64xbf16, #tpu.memory_space<vmem_shared>>) offsets(%dma_start3A_660 : memref<125xi32, #tpu.memory_space<vmem>>) semaphore(%arg12 : memref<!tpu.dma_semaphore, #tpu.memory_space<semaphore_mem>>) {add = true}
    %dma_wait3A_664 = arith.constant 0 : i32
    %dma_wait3A_665 = arith.constant 0 : i32
    %dma_wait3A_666 = arith.constant 0 : i32
    %dma_wait3A_667 = arith.constant 0 : i32
    %dma_wait3A_668 = tpu.memref_slice %arg9[%dma_wait3A_664, %dma_wait3A_666, %dma_wait3A_667] : memref<8x125x64xbf16, #tpu.memory_space<vmem>> -> memref<1x125x64xbf16, #tpu.memory_space<vmem>>
    %dma_wait3A_669 = tpu.memref_squeeze %dma_wait3A_668 : memref<1x125x64xbf16, #tpu.memory_space<vmem>> -> memref<125x64xbf16, #tpu.memory_space<vmem>>
    %dma_wait3A_670 = arith.constant 0 : i32
    %dma_wait3A_671 = tpu.memref_slice %arg8[%dma_wait3A_665, %dma_wait3A_670] : memref<160x125xi32, #tpu.memory_space<vmem>> -> memref<1x125xi32, #tpu.memory_space<vmem>>
    %dma_wait3A_672 = tpu.memref_squeeze %dma_wait3A_671 : memref<1x125xi32, #tpu.memory_space<vmem>> -> memref<125xi32, #tpu.memory_space<vmem>>
    %dma_wait3A_673 = arith.constant 0 : i32
    %dma_wait3A_674 = arith.constant 0 : i32
    %dma_wait3A_675 = tpu.memref_slice %arg10[%dma_wait3A_673, %dma_wait3A_674] : memref<10000x64xbf16, #tpu.memory_space<vmem_shared>> -> memref<10000x64xbf16, #tpu.memory_space<vmem_shared>>
    tpu.wait_indirect_dma semaphore(%arg12 : memref<!tpu.dma_semaphore, #tpu.memory_space<semaphore_mem>>) src(%dma_wait3A_669 : memref<125x64xbf16, #tpu.memory_space<vmem>>) dst(%dma_wait3A_675 : memref<10000x64xbf16, #tpu.memory_space<vmem_shared>>)
    %dma_wait3A_676 = arith.constant 0 : i32
    %dma_wait3A_677 = arith.constant 3 : i32
    %dma_wait3A_678 = arith.constant 0 : i32
    %dma_wait3A_679 = arith.constant 0 : i32
    %dma_wait3A_680 = tpu.memref_slice %arg9[%dma_wait3A_677, %dma_wait3A_678, %dma_wait3A_679] : memref<8x125x64xbf16, #tpu.memory_space<vmem>> -> memref<1x125x64xbf16, #tpu.memory_space<vmem>>
    %dma_wait3A_681 = tpu.memref_squeeze %dma_wait3A_680 : memref<1x125x64xbf16, #tpu.memory_space<vmem>> -> memref<125x64xbf16, #tpu.memory_space<vmem>>
    %dma_wait3A_682 = arith.constant 0 : i32
    %dma_wait3A_683 = tpu.memref_slice %arg7[%dma_wait3A_676, %dma_wait3A_682] : memref<160x125xi32, #tpu.memory_space<vmem>> -> memref<1x125xi32, #tpu.memory_space<vmem>>
    %dma_wait3A_684 = tpu.memref_squeeze %dma_wait3A_683 : memref<1x125xi32, #tpu.memory_space<vmem>> -> memref<125xi32, #tpu.memory_space<vmem>>
    %dma_wait3A_685 = arith.constant 0 : i32
    %dma_wait3A_686 = arith.constant 0 : i32
    %dma_wait3A_687 = tpu.memref_slice %arg2[%arg0, %dma_wait3A_685, %dma_wait3A_686] : memref<2x10000x64xbf16, #tpu.memory_space<hbm>> -> memref<1x10000x64xbf16, #tpu.memory_space<hbm>>
    %dma_wait3A_688 = tpu.memref_squeeze %dma_wait3A_687 : memref<1x10000x64xbf16, #tpu.memory_space<hbm>> -> memref<10000x64xbf16, #tpu.memory_space<hbm>>
    %dma_wait3A_689 = arith.constant 0 : i32
    %dma_wait3A_690 = arith.constant 0 : i32
    %dma_wait3A_691 = tpu.memref_slice %dma_wait3A_688[%dma_wait3A_689, %dma_wait3A_690] : memref<10000x64xbf16, #tpu.memory_space<hbm>> -> memref<10000x64xbf16, #tpu.memory_space<hbm>>
    tpu.wait_indirect_dma semaphore(%arg11 : memref<!tpu.dma_semaphore, #tpu.memory_space<semaphore_mem>>) src(%dma_wait3A_691 : memref<10000x64xbf16, #tpu.memory_space<hbm>>) dst(%dma_wait3A_681 : memref<125x64xbf16, #tpu.memory_space<vmem>>)
    %dma_start3A_692 = arith.constant 3 : i32
    %dma_start3A_693 = arith.constant 155 : i32
    %dma_start3A_694 = arith.constant 0 : i32
    %dma_start3A_695 = arith.constant 0 : i32
    %dma_start3A_696 = tpu.memref_slice %arg9[%dma_start3A_692, %dma_start3A_694, %dma_start3A_695] : memref<8x125x64xbf16, #tpu.memory_space<vmem>> -> memref<1x125x64xbf16, #tpu.memory_space<vmem>>
    %dma_start3A_697 = tpu.memref_squeeze %dma_start3A_696 : memref<1x125x64xbf16, #tpu.memory_space<vmem>> -> memref<125x64xbf16, #tpu.memory_space<vmem>>
    %dma_start3A_698 = arith.constant 0 : i32
    %dma_start3A_699 = tpu.memref_slice %arg8[%dma_start3A_693, %dma_start3A_698] : memref<160x125xi32, #tpu.memory_space<vmem>> -> memref<1x125xi32, #tpu.memory_space<vmem>>
    %dma_start3A_700 = tpu.memref_squeeze %dma_start3A_699 : memref<1x125xi32, #tpu.memory_space<vmem>> -> memref<125xi32, #tpu.memory_space<vmem>>
    %dma_start3A_701 = arith.constant 0 : i32
    %dma_start3A_702 = arith.constant 0 : i32
    %dma_start3A_703 = tpu.memref_slice %arg10[%dma_start3A_701, %dma_start3A_702] : memref<10000x64xbf16, #tpu.memory_space<vmem_shared>> -> memref<10000x64xbf16, #tpu.memory_space<vmem_shared>>
    tpu.enqueue_indirect_dma source(%dma_start3A_697 : memref<125x64xbf16, #tpu.memory_space<vmem>>) target(%dma_start3A_703 : memref<10000x64xbf16, #tpu.memory_space<vmem_shared>>) offsets(%dma_start3A_700 : memref<125xi32, #tpu.memory_space<vmem>>) semaphore(%arg12 : memref<!tpu.dma_semaphore, #tpu.memory_space<semaphore_mem>>) {add = true}
    %dma_wait3A_704 = arith.constant 0 : i32
    %dma_wait3A_705 = arith.constant 0 : i32
    %dma_wait3A_706 = arith.constant 0 : i32
    %dma_wait3A_707 = arith.constant 0 : i32
    %dma_wait3A_708 = tpu.memref_slice %arg9[%dma_wait3A_704, %dma_wait3A_706, %dma_wait3A_707] : memref<8x125x64xbf16, #tpu.memory_space<vmem>> -> memref<1x125x64xbf16, #tpu.memory_space<vmem>>
    %dma_wait3A_709 = tpu.memref_squeeze %dma_wait3A_708 : memref<1x125x64xbf16, #tpu.memory_space<vmem>> -> memref<125x64xbf16, #tpu.memory_space<vmem>>
    %dma_wait3A_710 = arith.constant 0 : i32
    %dma_wait3A_711 = tpu.memref_slice %arg8[%dma_wait3A_705, %dma_wait3A_710] : memref<160x125xi32, #tpu.memory_space<vmem>> -> memref<1x125xi32, #tpu.memory_space<vmem>>
    %dma_wait3A_712 = tpu.memref_squeeze %dma_wait3A_711 : memref<1x125xi32, #tpu.memory_space<vmem>> -> memref<125xi32, #tpu.memory_space<vmem>>
    %dma_wait3A_713 = arith.constant 0 : i32
    %dma_wait3A_714 = arith.constant 0 : i32
    %dma_wait3A_715 = tpu.memref_slice %arg10[%dma_wait3A_713, %dma_wait3A_714] : memref<10000x64xbf16, #tpu.memory_space<vmem_shared>> -> memref<10000x64xbf16, #tpu.memory_space<vmem_shared>>
    tpu.wait_indirect_dma semaphore(%arg12 : memref<!tpu.dma_semaphore, #tpu.memory_space<semaphore_mem>>) src(%dma_wait3A_709 : memref<125x64xbf16, #tpu.memory_space<vmem>>) dst(%dma_wait3A_715 : memref<10000x64xbf16, #tpu.memory_space<vmem_shared>>)
    %dma_wait3A_716 = arith.constant 0 : i32
    %dma_wait3A_717 = arith.constant 4 : i32
    %dma_wait3A_718 = arith.constant 0 : i32
    %dma_wait3A_719 = arith.constant 0 : i32
    %dma_wait3A_720 = tpu.memref_slice %arg9[%dma_wait3A_717, %dma_wait3A_718, %dma_wait3A_719] : memref<8x125x64xbf16, #tpu.memory_space<vmem>> -> memref<1x125x64xbf16, #tpu.memory_space<vmem>>
    %dma_wait3A_721 = tpu.memref_squeeze %dma_wait3A_720 : memref<1x125x64xbf16, #tpu.memory_space<vmem>> -> memref<125x64xbf16, #tpu.memory_space<vmem>>
    %dma_wait3A_722 = arith.constant 0 : i32
    %dma_wait3A_723 = tpu.memref_slice %arg7[%dma_wait3A_716, %dma_wait3A_722] : memref<160x125xi32, #tpu.memory_space<vmem>> -> memref<1x125xi32, #tpu.memory_space<vmem>>
    %dma_wait3A_724 = tpu.memref_squeeze %dma_wait3A_723 : memref<1x125xi32, #tpu.memory_space<vmem>> -> memref<125xi32, #tpu.memory_space<vmem>>
    %dma_wait3A_725 = arith.constant 0 : i32
    %dma_wait3A_726 = arith.constant 0 : i32
    %dma_wait3A_727 = tpu.memref_slice %arg2[%arg0, %dma_wait3A_725, %dma_wait3A_726] : memref<2x10000x64xbf16, #tpu.memory_space<hbm>> -> memref<1x10000x64xbf16, #tpu.memory_space<hbm>>
    %dma_wait3A_728 = tpu.memref_squeeze %dma_wait3A_727 : memref<1x10000x64xbf16, #tpu.memory_space<hbm>> -> memref<10000x64xbf16, #tpu.memory_space<hbm>>
    %dma_wait3A_729 = arith.constant 0 : i32
    %dma_wait3A_730 = arith.constant 0 : i32
    %dma_wait3A_731 = tpu.memref_slice %dma_wait3A_728[%dma_wait3A_729, %dma_wait3A_730] : memref<10000x64xbf16, #tpu.memory_space<hbm>> -> memref<10000x64xbf16, #tpu.memory_space<hbm>>
    tpu.wait_indirect_dma semaphore(%arg11 : memref<!tpu.dma_semaphore, #tpu.memory_space<semaphore_mem>>) src(%dma_wait3A_731 : memref<10000x64xbf16, #tpu.memory_space<hbm>>) dst(%dma_wait3A_721 : memref<125x64xbf16, #tpu.memory_space<vmem>>)
    %dma_start3A_732 = arith.constant 4 : i32
    %dma_start3A_733 = arith.constant 156 : i32
    %dma_start3A_734 = arith.constant 0 : i32
    %dma_start3A_735 = arith.constant 0 : i32
    %dma_start3A_736 = tpu.memref_slice %arg9[%dma_start3A_732, %dma_start3A_734, %dma_start3A_735] : memref<8x125x64xbf16, #tpu.memory_space<vmem>> -> memref<1x125x64xbf16, #tpu.memory_space<vmem>>
    %dma_start3A_737 = tpu.memref_squeeze %dma_start3A_736 : memref<1x125x64xbf16, #tpu.memory_space<vmem>> -> memref<125x64xbf16, #tpu.memory_space<vmem>>
    %dma_start3A_738 = arith.constant 0 : i32
    %dma_start3A_739 = tpu.memref_slice %arg8[%dma_start3A_733, %dma_start3A_738] : memref<160x125xi32, #tpu.memory_space<vmem>> -> memref<1x125xi32, #tpu.memory_space<vmem>>
    %dma_start3A_740 = tpu.memref_squeeze %dma_start3A_739 : memref<1x125xi32, #tpu.memory_space<vmem>> -> memref<125xi32, #tpu.memory_space<vmem>>
    %dma_start3A_741 = arith.constant 0 : i32
    %dma_start3A_742 = arith.constant 0 : i32
    %dma_start3A_743 = tpu.memref_slice %arg10[%dma_start3A_741, %dma_start3A_742] : memref<10000x64xbf16, #tpu.memory_space<vmem_shared>> -> memref<10000x64xbf16, #tpu.memory_space<vmem_shared>>
    tpu.enqueue_indirect_dma source(%dma_start3A_737 : memref<125x64xbf16, #tpu.memory_space<vmem>>) target(%dma_start3A_743 : memref<10000x64xbf16, #tpu.memory_space<vmem_shared>>) offsets(%dma_start3A_740 : memref<125xi32, #tpu.memory_space<vmem>>) semaphore(%arg12 : memref<!tpu.dma_semaphore, #tpu.memory_space<semaphore_mem>>) {add = true}
    %dma_wait3A_744 = arith.constant 0 : i32
    %dma_wait3A_745 = arith.constant 5 : i32
    %dma_wait3A_746 = arith.constant 0 : i32
    %dma_wait3A_747 = arith.constant 0 : i32
    %dma_wait3A_748 = tpu.memref_slice %arg9[%dma_wait3A_745, %dma_wait3A_746, %dma_wait3A_747] : memref<8x125x64xbf16, #tpu.memory_space<vmem>> -> memref<1x125x64xbf16, #tpu.memory_space<vmem>>
    %dma_wait3A_749 = tpu.memref_squeeze %dma_wait3A_748 : memref<1x125x64xbf16, #tpu.memory_space<vmem>> -> memref<125x64xbf16, #tpu.memory_space<vmem>>
    %dma_wait3A_750 = arith.constant 0 : i32
    %dma_wait3A_751 = tpu.memref_slice %arg7[%dma_wait3A_744, %dma_wait3A_750] : memref<160x125xi32, #tpu.memory_space<vmem>> -> memref<1x125xi32, #tpu.memory_space<vmem>>
    %dma_wait3A_752 = tpu.memref_squeeze %dma_wait3A_751 : memref<1x125xi32, #tpu.memory_space<vmem>> -> memref<125xi32, #tpu.memory_space<vmem>>
    %dma_wait3A_753 = arith.constant 0 : i32
    %dma_wait3A_754 = arith.constant 0 : i32
    %dma_wait3A_755 = tpu.memref_slice %arg2[%arg0, %dma_wait3A_753, %dma_wait3A_754] : memref<2x10000x64xbf16, #tpu.memory_space<hbm>> -> memref<1x10000x64xbf16, #tpu.memory_space<hbm>>
    %dma_wait3A_756 = tpu.memref_squeeze %dma_wait3A_755 : memref<1x10000x64xbf16, #tpu.memory_space<hbm>> -> memref<10000x64xbf16, #tpu.memory_space<hbm>>
    %dma_wait3A_757 = arith.constant 0 : i32
    %dma_wait3A_758 = arith.constant 0 : i32
    %dma_wait3A_759 = tpu.memref_slice %dma_wait3A_756[%dma_wait3A_757, %dma_wait3A_758] : memref<10000x64xbf16, #tpu.memory_space<hbm>> -> memref<10000x64xbf16, #tpu.memory_space<hbm>>
    tpu.wait_indirect_dma semaphore(%arg11 : memref<!tpu.dma_semaphore, #tpu.memory_space<semaphore_mem>>) src(%dma_wait3A_759 : memref<10000x64xbf16, #tpu.memory_space<hbm>>) dst(%dma_wait3A_749 : memref<125x64xbf16, #tpu.memory_space<vmem>>)
    %dma_start3A_760 = arith.constant 5 : i32
    %dma_start3A_761 = arith.constant 157 : i32
    %dma_start3A_762 = arith.constant 0 : i32
    %dma_start3A_763 = arith.constant 0 : i32
    %dma_start3A_764 = tpu.memref_slice %arg9[%dma_start3A_760, %dma_start3A_762, %dma_start3A_763] : memref<8x125x64xbf16, #tpu.memory_space<vmem>> -> memref<1x125x64xbf16, #tpu.memory_space<vmem>>
    %dma_start3A_765 = tpu.memref_squeeze %dma_start3A_764 : memref<1x125x64xbf16, #tpu.memory_space<vmem>> -> memref<125x64xbf16, #tpu.memory_space<vmem>>
    %dma_start3A_766 = arith.constant 0 : i32
    %dma_start3A_767 = tpu.memref_slice %arg8[%dma_start3A_761, %dma_start3A_766] : memref<160x125xi32, #tpu.memory_space<vmem>> -> memref<1x125xi32, #tpu.memory_space<vmem>>
    %dma_start3A_768 = tpu.memref_squeeze %dma_start3A_767 : memref<1x125xi32, #tpu.memory_space<vmem>> -> memref<125xi32, #tpu.memory_space<vmem>>
    %dma_start3A_769 = arith.constant 0 : i32
    %dma_start3A_770 = arith.constant 0 : i32
    %dma_start3A_771 = tpu.memref_slice %arg10[%dma_start3A_769, %dma_start3A_770] : memref<10000x64xbf16, #tpu.memory_space<vmem_shared>> -> memref<10000x64xbf16, #tpu.memory_space<vmem_shared>>
    tpu.enqueue_indirect_dma source(%dma_start3A_765 : memref<125x64xbf16, #tpu.memory_space<vmem>>) target(%dma_start3A_771 : memref<10000x64xbf16, #tpu.memory_space<vmem_shared>>) offsets(%dma_start3A_768 : memref<125xi32, #tpu.memory_space<vmem>>) semaphore(%arg12 : memref<!tpu.dma_semaphore, #tpu.memory_space<semaphore_mem>>) {add = true}
    %dma_wait3A_772 = arith.constant 0 : i32
    %dma_wait3A_773 = arith.constant 6 : i32
    %dma_wait3A_774 = arith.constant 0 : i32
    %dma_wait3A_775 = arith.constant 0 : i32
    %dma_wait3A_776 = tpu.memref_slice %arg9[%dma_wait3A_773, %dma_wait3A_774, %dma_wait3A_775] : memref<8x125x64xbf16, #tpu.memory_space<vmem>> -> memref<1x125x64xbf16, #tpu.memory_space<vmem>>
    %dma_wait3A_777 = tpu.memref_squeeze %dma_wait3A_776 : memref<1x125x64xbf16, #tpu.memory_space<vmem>> -> memref<125x64xbf16, #tpu.memory_space<vmem>>
    %dma_wait3A_778 = arith.constant 0 : i32
    %dma_wait3A_779 = tpu.memref_slice %arg7[%dma_wait3A_772, %dma_wait3A_778] : memref<160x125xi32, #tpu.memory_space<vmem>> -> memref<1x125xi32, #tpu.memory_space<vmem>>
    %dma_wait3A_780 = tpu.memref_squeeze %dma_wait3A_779 : memref<1x125xi32, #tpu.memory_space<vmem>> -> memref<125xi32, #tpu.memory_space<vmem>>
    %dma_wait3A_781 = arith.constant 0 : i32
    %dma_wait3A_782 = arith.constant 0 : i32
    %dma_wait3A_783 = tpu.memref_slice %arg2[%arg0, %dma_wait3A_781, %dma_wait3A_782] : memref<2x10000x64xbf16, #tpu.memory_space<hbm>> -> memref<1x10000x64xbf16, #tpu.memory_space<hbm>>
    %dma_wait3A_784 = tpu.memref_squeeze %dma_wait3A_783 : memref<1x10000x64xbf16, #tpu.memory_space<hbm>> -> memref<10000x64xbf16, #tpu.memory_space<hbm>>
    %dma_wait3A_785 = arith.constant 0 : i32
    %dma_wait3A_786 = arith.constant 0 : i32
    %dma_wait3A_787 = tpu.memref_slice %dma_wait3A_784[%dma_wait3A_785, %dma_wait3A_786] : memref<10000x64xbf16, #tpu.memory_space<hbm>> -> memref<10000x64xbf16, #tpu.memory_space<hbm>>
    tpu.wait_indirect_dma semaphore(%arg11 : memref<!tpu.dma_semaphore, #tpu.memory_space<semaphore_mem>>) src(%dma_wait3A_787 : memref<10000x64xbf16, #tpu.memory_space<hbm>>) dst(%dma_wait3A_777 : memref<125x64xbf16, #tpu.memory_space<vmem>>)
    %dma_start3A_788 = arith.constant 6 : i32
    %dma_start3A_789 = arith.constant 158 : i32
    %dma_start3A_790 = arith.constant 0 : i32
    %dma_start3A_791 = arith.constant 0 : i32
    %dma_start3A_792 = tpu.memref_slice %arg9[%dma_start3A_788, %dma_start3A_790, %dma_start3A_791] : memref<8x125x64xbf16, #tpu.memory_space<vmem>> -> memref<1x125x64xbf16, #tpu.memory_space<vmem>>
    %dma_start3A_793 = tpu.memref_squeeze %dma_start3A_792 : memref<1x125x64xbf16, #tpu.memory_space<vmem>> -> memref<125x64xbf16, #tpu.memory_space<vmem>>
    %dma_start3A_794 = arith.constant 0 : i32
    %dma_start3A_795 = tpu.memref_slice %arg8[%dma_start3A_789, %dma_start3A_794] : memref<160x125xi32, #tpu.memory_space<vmem>> -> memref<1x125xi32, #tpu.memory_space<vmem>>
    %dma_start3A_796 = tpu.memref_squeeze %dma_start3A_795 : memref<1x125xi32, #tpu.memory_space<vmem>> -> memref<125xi32, #tpu.memory_space<vmem>>
    %dma_start3A_797 = arith.constant 0 : i32
    %dma_start3A_798 = arith.constant 0 : i32
    %dma_start3A_799 = tpu.memref_slice %arg10[%dma_start3A_797, %dma_start3A_798] : memref<10000x64xbf16, #tpu.memory_space<vmem_shared>> -> memref<10000x64xbf16, #tpu.memory_space<vmem_shared>>
    tpu.enqueue_indirect_dma source(%dma_start3A_793 : memref<125x64xbf16, #tpu.memory_space<vmem>>) target(%dma_start3A_799 : memref<10000x64xbf16, #tpu.memory_space<vmem_shared>>) offsets(%dma_start3A_796 : memref<125xi32, #tpu.memory_space<vmem>>) semaphore(%arg12 : memref<!tpu.dma_semaphore, #tpu.memory_space<semaphore_mem>>) {add = true}
    %dma_wait3A_800 = arith.constant 0 : i32
    %dma_wait3A_801 = arith.constant 7 : i32
    %dma_wait3A_802 = arith.constant 0 : i32
    %dma_wait3A_803 = arith.constant 0 : i32
    %dma_wait3A_804 = tpu.memref_slice %arg9[%dma_wait3A_801, %dma_wait3A_802, %dma_wait3A_803] : memref<8x125x64xbf16, #tpu.memory_space<vmem>> -> memref<1x125x64xbf16, #tpu.memory_space<vmem>>
    %dma_wait3A_805 = tpu.memref_squeeze %dma_wait3A_804 : memref<1x125x64xbf16, #tpu.memory_space<vmem>> -> memref<125x64xbf16, #tpu.memory_space<vmem>>
    %dma_wait3A_806 = arith.constant 0 : i32
    %dma_wait3A_807 = tpu.memref_slice %arg7[%dma_wait3A_800, %dma_wait3A_806] : memref<160x125xi32, #tpu.memory_space<vmem>> -> memref<1x125xi32, #tpu.memory_space<vmem>>
    %dma_wait3A_808 = tpu.memref_squeeze %dma_wait3A_807 : memref<1x125xi32, #tpu.memory_space<vmem>> -> memref<125xi32, #tpu.memory_space<vmem>>
    %dma_wait3A_809 = arith.constant 0 : i32
    %dma_wait3A_810 = arith.constant 0 : i32
    %dma_wait3A_811 = tpu.memref_slice %arg2[%arg0, %dma_wait3A_809, %dma_wait3A_810] : memref<2x10000x64xbf16, #tpu.memory_space<hbm>> -> memref<1x10000x64xbf16, #tpu.memory_space<hbm>>
    %dma_wait3A_812 = tpu.memref_squeeze %dma_wait3A_811 : memref<1x10000x64xbf16, #tpu.memory_space<hbm>> -> memref<10000x64xbf16, #tpu.memory_space<hbm>>
    %dma_wait3A_813 = arith.constant 0 : i32
    %dma_wait3A_814 = arith.constant 0 : i32
    %dma_wait3A_815 = tpu.memref_slice %dma_wait3A_812[%dma_wait3A_813, %dma_wait3A_814] : memref<10000x64xbf16, #tpu.memory_space<hbm>> -> memref<10000x64xbf16, #tpu.memory_space<hbm>>
    tpu.wait_indirect_dma semaphore(%arg11 : memref<!tpu.dma_semaphore, #tpu.memory_space<semaphore_mem>>) src(%dma_wait3A_815 : memref<10000x64xbf16, #tpu.memory_space<hbm>>) dst(%dma_wait3A_805 : memref<125x64xbf16, #tpu.memory_space<vmem>>)
    %dma_start3A_816 = arith.constant 7 : i32
    %dma_start3A_817 = arith.constant 159 : i32
    %dma_start3A_818 = arith.constant 0 : i32
    %dma_start3A_819 = arith.constant 0 : i32
    %dma_start3A_820 = tpu.memref_slice %arg9[%dma_start3A_816, %dma_start3A_818, %dma_start3A_819] : memref<8x125x64xbf16, #tpu.memory_space<vmem>> -> memref<1x125x64xbf16, #tpu.memory_space<vmem>>
    %dma_start3A_821 = tpu.memref_squeeze %dma_start3A_820 : memref<1x125x64xbf16, #tpu.memory_space<vmem>> -> memref<125x64xbf16, #tpu.memory_space<vmem>>
    %dma_start3A_822 = arith.constant 0 : i32
    %dma_start3A_823 = tpu.memref_slice %arg8[%dma_start3A_817, %dma_start3A_822] : memref<160x125xi32, #tpu.memory_space<vmem>> -> memref<1x125xi32, #tpu.memory_space<vmem>>
    %dma_start3A_824 = tpu.memref_squeeze %dma_start3A_823 : memref<1x125xi32, #tpu.memory_space<vmem>> -> memref<125xi32, #tpu.memory_space<vmem>>
    %dma_start3A_825 = arith.constant 0 : i32
    %dma_start3A_826 = arith.constant 0 : i32
    %dma_start3A_827 = tpu.memref_slice %arg10[%dma_start3A_825, %dma_start3A_826] : memref<10000x64xbf16, #tpu.memory_space<vmem_shared>> -> memref<10000x64xbf16, #tpu.memory_space<vmem_shared>>
    tpu.enqueue_indirect_dma source(%dma_start3A_821 : memref<125x64xbf16, #tpu.memory_space<vmem>>) target(%dma_start3A_827 : memref<10000x64xbf16, #tpu.memory_space<vmem_shared>>) offsets(%dma_start3A_824 : memref<125xi32, #tpu.memory_space<vmem>>) semaphore(%arg12 : memref<!tpu.dma_semaphore, #tpu.memory_space<semaphore_mem>>) {add = true}
    %dma_wait3A_828 = arith.constant 0 : i32
    %dma_wait3A_829 = arith.constant 0 : i32
    %dma_wait3A_830 = arith.constant 0 : i32
    %dma_wait3A_831 = arith.constant 0 : i32
    %dma_wait3A_832 = tpu.memref_slice %arg9[%dma_wait3A_828, %dma_wait3A_830, %dma_wait3A_831] : memref<8x125x64xbf16, #tpu.memory_space<vmem>> -> memref<1x125x64xbf16, #tpu.memory_space<vmem>>
    %dma_wait3A_833 = tpu.memref_squeeze %dma_wait3A_832 : memref<1x125x64xbf16, #tpu.memory_space<vmem>> -> memref<125x64xbf16, #tpu.memory_space<vmem>>
    %dma_wait3A_834 = arith.constant 0 : i32
    %dma_wait3A_835 = tpu.memref_slice %arg8[%dma_wait3A_829, %dma_wait3A_834] : memref<160x125xi32, #tpu.memory_space<vmem>> -> memref<1x125xi32, #tpu.memory_space<vmem>>
    %dma_wait3A_836 = tpu.memref_squeeze %dma_wait3A_835 : memref<1x125xi32, #tpu.memory_space<vmem>> -> memref<125xi32, #tpu.memory_space<vmem>>
    %dma_wait3A_837 = arith.constant 0 : i32
    %dma_wait3A_838 = arith.constant 0 : i32
    %dma_wait3A_839 = tpu.memref_slice %arg10[%dma_wait3A_837, %dma_wait3A_838] : memref<10000x64xbf16, #tpu.memory_space<vmem_shared>> -> memref<10000x64xbf16, #tpu.memory_space<vmem_shared>>
    tpu.wait_indirect_dma semaphore(%arg12 : memref<!tpu.dma_semaphore, #tpu.memory_space<semaphore_mem>>) src(%dma_wait3A_833 : memref<125x64xbf16, #tpu.memory_space<vmem>>) dst(%dma_wait3A_839 : memref<10000x64xbf16, #tpu.memory_space<vmem_shared>>)
    %dma_wait3A_840 = arith.constant 0 : i32
    %dma_wait3A_841 = arith.constant 0 : i32
    %dma_wait3A_842 = arith.constant 0 : i32
    %dma_wait3A_843 = arith.constant 0 : i32
    %dma_wait3A_844 = tpu.memref_slice %arg9[%dma_wait3A_840, %dma_wait3A_842, %dma_wait3A_843] : memref<8x125x64xbf16, #tpu.memory_space<vmem>> -> memref<1x125x64xbf16, #tpu.memory_space<vmem>>
    %dma_wait3A_845 = tpu.memref_squeeze %dma_wait3A_844 : memref<1x125x64xbf16, #tpu.memory_space<vmem>> -> memref<125x64xbf16, #tpu.memory_space<vmem>>
    %dma_wait3A_846 = arith.constant 0 : i32
    %dma_wait3A_847 = tpu.memref_slice %arg8[%dma_wait3A_841, %dma_wait3A_846] : memref<160x125xi32, #tpu.memory_space<vmem>> -> memref<1x125xi32, #tpu.memory_space<vmem>>
    %dma_wait3A_848 = tpu.memref_squeeze %dma_wait3A_847 : memref<1x125xi32, #tpu.memory_space<vmem>> -> memref<125xi32, #tpu.memory_space<vmem>>
    %dma_wait3A_849 = arith.constant 0 : i32
    %dma_wait3A_850 = arith.constant 0 : i32
    %dma_wait3A_851 = tpu.memref_slice %arg10[%dma_wait3A_849, %dma_wait3A_850] : memref<10000x64xbf16, #tpu.memory_space<vmem_shared>> -> memref<10000x64xbf16, #tpu.memory_space<vmem_shared>>
    tpu.wait_indirect_dma semaphore(%arg12 : memref<!tpu.dma_semaphore, #tpu.memory_space<semaphore_mem>>) src(%dma_wait3A_845 : memref<125x64xbf16, #tpu.memory_space<vmem>>) dst(%dma_wait3A_851 : memref<10000x64xbf16, #tpu.memory_space<vmem_shared>>)
    %dma_wait3A_852 = arith.constant 0 : i32
    %dma_wait3A_853 = arith.constant 0 : i32
    %dma_wait3A_854 = arith.constant 0 : i32
    %dma_wait3A_855 = arith.constant 0 : i32
    %dma_wait3A_856 = tpu.memref_slice %arg9[%dma_wait3A_852, %dma_wait3A_854, %dma_wait3A_855] : memref<8x125x64xbf16, #tpu.memory_space<vmem>> -> memref<1x125x64xbf16, #tpu.memory_space<vmem>>
    %dma_wait3A_857 = tpu.memref_squeeze %dma_wait3A_856 : memref<1x125x64xbf16, #tpu.memory_space<vmem>> -> memref<125x64xbf16, #tpu.memory_space<vmem>>
    %dma_wait3A_858 = arith.constant 0 : i32
    %dma_wait3A_859 = tpu.memref_slice %arg8[%dma_wait3A_853, %dma_wait3A_858] : memref<160x125xi32, #tpu.memory_space<vmem>> -> memref<1x125xi32, #tpu.memory_space<vmem>>
    %dma_wait3A_860 = tpu.memref_squeeze %dma_wait3A_859 : memref<1x125xi32, #tpu.memory_space<vmem>> -> memref<125xi32, #tpu.memory_space<vmem>>
    %dma_wait3A_861 = arith.constant 0 : i32
    %dma_wait3A_862 = arith.constant 0 : i32
    %dma_wait3A_863 = tpu.memref_slice %arg10[%dma_wait3A_861, %dma_wait3A_862] : memref<10000x64xbf16, #tpu.memory_space<vmem_shared>> -> memref<10000x64xbf16, #tpu.memory_space<vmem_shared>>
    tpu.wait_indirect_dma semaphore(%arg12 : memref<!tpu.dma_semaphore, #tpu.memory_space<semaphore_mem>>) src(%dma_wait3A_857 : memref<125x64xbf16, #tpu.memory_space<vmem>>) dst(%dma_wait3A_863 : memref<10000x64xbf16, #tpu.memory_space<vmem_shared>>)
    %dma_wait3A_864 = arith.constant 0 : i32
    %dma_wait3A_865 = arith.constant 0 : i32
    %dma_wait3A_866 = arith.constant 0 : i32
    %dma_wait3A_867 = arith.constant 0 : i32
    %dma_wait3A_868 = tpu.memref_slice %arg9[%dma_wait3A_864, %dma_wait3A_866, %dma_wait3A_867] : memref<8x125x64xbf16, #tpu.memory_space<vmem>> -> memref<1x125x64xbf16, #tpu.memory_space<vmem>>
    %dma_wait3A_869 = tpu.memref_squeeze %dma_wait3A_868 : memref<1x125x64xbf16, #tpu.memory_space<vmem>> -> memref<125x64xbf16, #tpu.memory_space<vmem>>
    %dma_wait3A_870 = arith.constant 0 : i32
    %dma_wait3A_871 = tpu.memref_slice %arg8[%dma_wait3A_865, %dma_wait3A_870] : memref<160x125xi32, #tpu.memory_space<vmem>> -> memref<1x125xi32, #tpu.memory_space<vmem>>
    %dma_wait3A_872 = tpu.memref_squeeze %dma_wait3A_871 : memref<1x125xi32, #tpu.memory_space<vmem>> -> memref<125xi32, #tpu.memory_space<vmem>>
    %dma_wait3A_873 = arith.constant 0 : i32
    %dma_wait3A_874 = arith.constant 0 : i32
    %dma_wait3A_875 = tpu.memref_slice %arg10[%dma_wait3A_873, %dma_wait3A_874] : memref<10000x64xbf16, #tpu.memory_space<vmem_shared>> -> memref<10000x64xbf16, #tpu.memory_space<vmem_shared>>
    tpu.wait_indirect_dma semaphore(%arg12 : memref<!tpu.dma_semaphore, #tpu.memory_space<semaphore_mem>>) src(%dma_wait3A_869 : memref<125x64xbf16, #tpu.memory_space<vmem>>) dst(%dma_wait3A_875 : memref<10000x64xbf16, #tpu.memory_space<vmem_shared>>)
    %dma_wait3A_876 = arith.constant 0 : i32
    %dma_wait3A_877 = arith.constant 0 : i32
    %dma_wait3A_878 = arith.constant 0 : i32
    %dma_wait3A_879 = arith.constant 0 : i32
    %dma_wait3A_880 = tpu.memref_slice %arg9[%dma_wait3A_876, %dma_wait3A_878, %dma_wait3A_879] : memref<8x125x64xbf16, #tpu.memory_space<vmem>> -> memref<1x125x64xbf16, #tpu.memory_space<vmem>>
    %dma_wait3A_881 = tpu.memref_squeeze %dma_wait3A_880 : memref<1x125x64xbf16, #tpu.memory_space<vmem>> -> memref<125x64xbf16, #tpu.memory_space<vmem>>
    %dma_wait3A_882 = arith.constant 0 : i32
    %dma_wait3A_883 = tpu.memref_slice %arg8[%dma_wait3A_877, %dma_wait3A_882] : memref<160x125xi32, #tpu.memory_space<vmem>> -> memref<1x125xi32, #tpu.memory_space<vmem>>
    %dma_wait3A_884 = tpu.memref_squeeze %dma_wait3A_883 : memref<1x125xi32, #tpu.memory_space<vmem>> -> memref<125xi32, #tpu.memory_space<vmem>>
    %dma_wait3A_885 = arith.constant 0 : i32
    %dma_wait3A_886 = arith.constant 0 : i32
    %dma_wait3A_887 = tpu.memref_slice %arg10[%dma_wait3A_885, %dma_wait3A_886] : memref<10000x64xbf16, #tpu.memory_space<vmem_shared>> -> memref<10000x64xbf16, #tpu.memory_space<vmem_shared>>
    tpu.wait_indirect_dma semaphore(%arg12 : memref<!tpu.dma_semaphore, #tpu.memory_space<semaphore_mem>>) src(%dma_wait3A_881 : memref<125x64xbf16, #tpu.memory_space<vmem>>) dst(%dma_wait3A_887 : memref<10000x64xbf16, #tpu.memory_space<vmem_shared>>)
    %dma_wait3A_888 = arith.constant 0 : i32
    %dma_wait3A_889 = arith.constant 0 : i32
    %dma_wait3A_890 = arith.constant 0 : i32
    %dma_wait3A_891 = arith.constant 0 : i32
    %dma_wait3A_892 = tpu.memref_slice %arg9[%dma_wait3A_888, %dma_wait3A_890, %dma_wait3A_891] : memref<8x125x64xbf16, #tpu.memory_space<vmem>> -> memref<1x125x64xbf16, #tpu.memory_space<vmem>>
    %dma_wait3A_893 = tpu.memref_squeeze %dma_wait3A_892 : memref<1x125x64xbf16, #tpu.memory_space<vmem>> -> memref<125x64xbf16, #tpu.memory_space<vmem>>
    %dma_wait3A_894 = arith.constant 0 : i32
    %dma_wait3A_895 = tpu.memref_slice %arg8[%dma_wait3A_889, %dma_wait3A_894] : memref<160x125xi32, #tpu.memory_space<vmem>> -> memref<1x125xi32, #tpu.memory_space<vmem>>
    %dma_wait3A_896 = tpu.memref_squeeze %dma_wait3A_895 : memref<1x125xi32, #tpu.memory_space<vmem>> -> memref<125xi32, #tpu.memory_space<vmem>>
    %dma_wait3A_897 = arith.constant 0 : i32
    %dma_wait3A_898 = arith.constant 0 : i32
    %dma_wait3A_899 = tpu.memref_slice %arg10[%dma_wait3A_897, %dma_wait3A_898] : memref<10000x64xbf16, #tpu.memory_space<vmem_shared>> -> memref<10000x64xbf16, #tpu.memory_space<vmem_shared>>
    tpu.wait_indirect_dma semaphore(%arg12 : memref<!tpu.dma_semaphore, #tpu.memory_space<semaphore_mem>>) src(%dma_wait3A_893 : memref<125x64xbf16, #tpu.memory_space<vmem>>) dst(%dma_wait3A_899 : memref<10000x64xbf16, #tpu.memory_space<vmem_shared>>)
    %barrier3A_900 = arith.constant 0 : index
    tpu.barrier barrier_id(%barrier3A_900)
    %mul3A_901 = arith.constant 625 : i32
    %mul3A_902 = arith.muli %arg1, %mul3A_901 : i32
    %add3A = arith.constant 0 : i32
    %add3A_903 = arith.addi %mul3A_902, %add3A : i32
    %mul3A_904 = arith.constant 16 : i32
    %mul3A_905 = arith.muli %arg0, %mul3A_904 : i32
    %add3A_906 = arith.addi %mul3A_905, %arg1 : i32
    %mul3A_907 = arith.constant 5 : i32
    %mul3A_908 = arith.muli %add3A_906, %mul3A_907 : i32
    %add3A_909 = arith.constant 0 : i32
    %add3A_910 = arith.addi %mul3A_908, %add3A_909 : i32
    "tpu.region"() ({
      %run_scoped3A = tpu.sem_alloc : memref<!tpu.dma_semaphore, #tpu.memory_space<semaphore_mem>>
      %dma_start3A_955 = arith.constant 0 : i32
      %dma_start3A_956 = arith.constant 0 : i32
      %dma_start3A_957 = tpu.memref_slice %arg6[%add3A_910, %dma_start3A_955, %dma_start3A_956] : memref<160x125x64xbf16, #tpu.memory_space<hbm>> -> memref<1x125x64xbf16, #tpu.memory_space<hbm>>
      %dma_start3A_958 = tpu.memref_squeeze %dma_start3A_957 : memref<1x125x64xbf16, #tpu.memory_space<hbm>> -> memref<125x64xbf16, #tpu.memory_space<hbm>>
      %dma_start3A_959 = arith.constant 0 : i32
      %dma_start3A_960 = tpu.memref_slice %arg10[%add3A_903, %dma_start3A_959] : memref<10000x64xbf16, #tpu.memory_space<vmem_shared>> -> memref<125x64xbf16, #tpu.memory_space<vmem_shared>>
      tpu.enqueue_dma source(%dma_start3A_960 : memref<125x64xbf16, #tpu.memory_space<vmem_shared>>) target(%dma_start3A_958 : memref<125x64xbf16, #tpu.memory_space<hbm>>) target_semaphore(%run_scoped3A : memref<!tpu.dma_semaphore, #tpu.memory_space<semaphore_mem>>)
      %dma_wait3A_961 = arith.constant 0 : i32
      %dma_wait3A_962 = arith.constant 0 : i32
      %dma_wait3A_963 = tpu.memref_slice %arg6[%add3A_910, %dma_wait3A_961, %dma_wait3A_962] : memref<160x125x64xbf16, #tpu.memory_space<hbm>> -> memref<1x125x64xbf16, #tpu.memory_space<hbm>>
      %dma_wait3A_964 = tpu.memref_squeeze %dma_wait3A_963 : memref<1x125x64xbf16, #tpu.memory_space<hbm>> -> memref<125x64xbf16, #tpu.memory_space<hbm>>
      %dma_wait3A_965 = arith.constant 0 : i32
      %dma_wait3A_966 = tpu.memref_slice %arg10[%add3A_903, %dma_wait3A_965] : memref<10000x64xbf16, #tpu.memory_space<vmem_shared>> -> memref<125x64xbf16, #tpu.memory_space<vmem_shared>>
      tpu.wait_dma2 semaphore(%run_scoped3A : memref<!tpu.dma_semaphore, #tpu.memory_space<semaphore_mem>>) src(%dma_wait3A_966 : memref<125x64xbf16, #tpu.memory_space<vmem_shared>>) dst(%dma_wait3A_964 : memref<125x64xbf16, #tpu.memory_space<hbm>>)
      tpu.yield
    }) : () -> ()
    %mul3A_911 = arith.constant 625 : i32
    %mul3A_912 = arith.muli %arg1, %mul3A_911 : i32
    %add3A_913 = arith.constant 125 : i32
    %add3A_914 = arith.addi %mul3A_912, %add3A_913 : i32
    %mul3A_915 = arith.constant 16 : i32
    %mul3A_916 = arith.muli %arg0, %mul3A_915 : i32
    %add3A_917 = arith.addi %mul3A_916, %arg1 : i32
    %mul3A_918 = arith.constant 5 : i32
    %mul3A_919 = arith.muli %add3A_917, %mul3A_918 : i32
    %add3A_920 = arith.constant 1 : i32
    %add3A_921 = arith.addi %mul3A_919, %add3A_920 : i32
    "tpu.region"() ({
      %run_scoped3A = tpu.sem_alloc : memref<!tpu.dma_semaphore, #tpu.memory_space<semaphore_mem>>
      %dma_start3A_955 = arith.constant 0 : i32
      %dma_start3A_956 = arith.constant 0 : i32
      %dma_start3A_957 = tpu.memref_slice %arg6[%add3A_921, %dma_start3A_955, %dma_start3A_956] : memref<160x125x64xbf16, #tpu.memory_space<hbm>> -> memref<1x125x64xbf16, #tpu.memory_space<hbm>>
      %dma_start3A_958 = tpu.memref_squeeze %dma_start3A_957 : memref<1x125x64xbf16, #tpu.memory_space<hbm>> -> memref<125x64xbf16, #tpu.memory_space<hbm>>
      %dma_start3A_959 = arith.constant 0 : i32
      %dma_start3A_960 = tpu.memref_slice %arg10[%add3A_914, %dma_start3A_959] : memref<10000x64xbf16, #tpu.memory_space<vmem_shared>> -> memref<125x64xbf16, #tpu.memory_space<vmem_shared>>
      tpu.enqueue_dma source(%dma_start3A_960 : memref<125x64xbf16, #tpu.memory_space<vmem_shared>>) target(%dma_start3A_958 : memref<125x64xbf16, #tpu.memory_space<hbm>>) target_semaphore(%run_scoped3A : memref<!tpu.dma_semaphore, #tpu.memory_space<semaphore_mem>>)
      %dma_wait3A_961 = arith.constant 0 : i32
      %dma_wait3A_962 = arith.constant 0 : i32
      %dma_wait3A_963 = tpu.memref_slice %arg6[%add3A_921, %dma_wait3A_961, %dma_wait3A_962] : memref<160x125x64xbf16, #tpu.memory_space<hbm>> -> memref<1x125x64xbf16, #tpu.memory_space<hbm>>
      %dma_wait3A_964 = tpu.memref_squeeze %dma_wait3A_963 : memref<1x125x64xbf16, #tpu.memory_space<hbm>> -> memref<125x64xbf16, #tpu.memory_space<hbm>>
      %dma_wait3A_965 = arith.constant 0 : i32
      %dma_wait3A_966 = tpu.memref_slice %arg10[%add3A_914, %dma_wait3A_965] : memref<10000x64xbf16, #tpu.memory_space<vmem_shared>> -> memref<125x64xbf16, #tpu.memory_space<vmem_shared>>
      tpu.wait_dma2 semaphore(%run_scoped3A : memref<!tpu.dma_semaphore, #tpu.memory_space<semaphore_mem>>) src(%dma_wait3A_966 : memref<125x64xbf16, #tpu.memory_space<vmem_shared>>) dst(%dma_wait3A_964 : memref<125x64xbf16, #tpu.memory_space<hbm>>)
      tpu.yield
    }) : () -> ()
    %mul3A_922 = arith.constant 625 : i32
    %mul3A_923 = arith.muli %arg1, %mul3A_922 : i32
    %add3A_924 = arith.constant 250 : i32
    %add3A_925 = arith.addi %mul3A_923, %add3A_924 : i32
    %mul3A_926 = arith.constant 16 : i32
    %mul3A_927 = arith.muli %arg0, %mul3A_926 : i32
    %add3A_928 = arith.addi %mul3A_927, %arg1 : i32
    %mul3A_929 = arith.constant 5 : i32
    %mul3A_930 = arith.muli %add3A_928, %mul3A_929 : i32
    %add3A_931 = arith.constant 2 : i32
    %add3A_932 = arith.addi %mul3A_930, %add3A_931 : i32
    "tpu.region"() ({
      %run_scoped3A = tpu.sem_alloc : memref<!tpu.dma_semaphore, #tpu.memory_space<semaphore_mem>>
      %dma_start3A_955 = arith.constant 0 : i32
      %dma_start3A_956 = arith.constant 0 : i32
      %dma_start3A_957 = tpu.memref_slice %arg6[%add3A_932, %dma_start3A_955, %dma_start3A_956] : memref<160x125x64xbf16, #tpu.memory_space<hbm>> -> memref<1x125x64xbf16, #tpu.memory_space<hbm>>
      %dma_start3A_958 = tpu.memref_squeeze %dma_start3A_957 : memref<1x125x64xbf16, #tpu.memory_space<hbm>> -> memref<125x64xbf16, #tpu.memory_space<hbm>>
      %dma_start3A_959 = arith.constant 0 : i32
      %dma_start3A_960 = tpu.memref_slice %arg10[%add3A_925, %dma_start3A_959] : memref<10000x64xbf16, #tpu.memory_space<vmem_shared>> -> memref<125x64xbf16, #tpu.memory_space<vmem_shared>>
      tpu.enqueue_dma source(%dma_start3A_960 : memref<125x64xbf16, #tpu.memory_space<vmem_shared>>) target(%dma_start3A_958 : memref<125x64xbf16, #tpu.memory_space<hbm>>) target_semaphore(%run_scoped3A : memref<!tpu.dma_semaphore, #tpu.memory_space<semaphore_mem>>)
      %dma_wait3A_961 = arith.constant 0 : i32
      %dma_wait3A_962 = arith.constant 0 : i32
      %dma_wait3A_963 = tpu.memref_slice %arg6[%add3A_932, %dma_wait3A_961, %dma_wait3A_962] : memref<160x125x64xbf16, #tpu.memory_space<hbm>> -> memref<1x125x64xbf16, #tpu.memory_space<hbm>>
      %dma_wait3A_964 = tpu.memref_squeeze %dma_wait3A_963 : memref<1x125x64xbf16, #tpu.memory_space<hbm>> -> memref<125x64xbf16, #tpu.memory_space<hbm>>
      %dma_wait3A_965 = arith.constant 0 : i32
      %dma_wait3A_966 = tpu.memref_slice %arg10[%add3A_925, %dma_wait3A_965] : memref<10000x64xbf16, #tpu.memory_space<vmem_shared>> -> memref<125x64xbf16, #tpu.memory_space<vmem_shared>>
      tpu.wait_dma2 semaphore(%run_scoped3A : memref<!tpu.dma_semaphore, #tpu.memory_space<semaphore_mem>>) src(%dma_wait3A_966 : memref<125x64xbf16, #tpu.memory_space<vmem_shared>>) dst(%dma_wait3A_964 : memref<125x64xbf16, #tpu.memory_space<hbm>>)
      tpu.yield
    }) : () -> ()
    %mul3A_933 = arith.constant 625 : i32
    %mul3A_934 = arith.muli %arg1, %mul3A_933 : i32
    %add3A_935 = arith.constant 375 : i32
    %add3A_936 = arith.addi %mul3A_934, %add3A_935 : i32
    %mul3A_937 = arith.constant 16 : i32
    %mul3A_938 = arith.muli %arg0, %mul3A_937 : i32
    %add3A_939 = arith.addi %mul3A_938, %arg1 : i32
    %mul3A_940 = arith.constant 5 : i32
    %mul3A_941 = arith.muli %add3A_939, %mul3A_940 : i32
    %add3A_942 = arith.constant 3 : i32
    %add3A_943 = arith.addi %mul3A_941, %add3A_942 : i32
    "tpu.region"() ({
      %run_scoped3A = tpu.sem_alloc : memref<!tpu.dma_semaphore, #tpu.memory_space<semaphore_mem>>
      %dma_start3A_955 = arith.constant 0 : i32
      %dma_start3A_956 = arith.constant 0 : i32
      %dma_start3A_957 = tpu.memref_slice %arg6[%add3A_943, %dma_start3A_955, %dma_start3A_956] : memref<160x125x64xbf16, #tpu.memory_space<hbm>> -> memref<1x125x64xbf16, #tpu.memory_space<hbm>>
      %dma_start3A_958 = tpu.memref_squeeze %dma_start3A_957 : memref<1x125x64xbf16, #tpu.memory_space<hbm>> -> memref<125x64xbf16, #tpu.memory_space<hbm>>
      %dma_start3A_959 = arith.constant 0 : i32
      %dma_start3A_960 = tpu.memref_slice %arg10[%add3A_936, %dma_start3A_959] : memref<10000x64xbf16, #tpu.memory_space<vmem_shared>> -> memref<125x64xbf16, #tpu.memory_space<vmem_shared>>
      tpu.enqueue_dma source(%dma_start3A_960 : memref<125x64xbf16, #tpu.memory_space<vmem_shared>>) target(%dma_start3A_958 : memref<125x64xbf16, #tpu.memory_space<hbm>>) target_semaphore(%run_scoped3A : memref<!tpu.dma_semaphore, #tpu.memory_space<semaphore_mem>>)
      %dma_wait3A_961 = arith.constant 0 : i32
      %dma_wait3A_962 = arith.constant 0 : i32
      %dma_wait3A_963 = tpu.memref_slice %arg6[%add3A_943, %dma_wait3A_961, %dma_wait3A_962] : memref<160x125x64xbf16, #tpu.memory_space<hbm>> -> memref<1x125x64xbf16, #tpu.memory_space<hbm>>
      %dma_wait3A_964 = tpu.memref_squeeze %dma_wait3A_963 : memref<1x125x64xbf16, #tpu.memory_space<hbm>> -> memref<125x64xbf16, #tpu.memory_space<hbm>>
      %dma_wait3A_965 = arith.constant 0 : i32
      %dma_wait3A_966 = tpu.memref_slice %arg10[%add3A_936, %dma_wait3A_965] : memref<10000x64xbf16, #tpu.memory_space<vmem_shared>> -> memref<125x64xbf16, #tpu.memory_space<vmem_shared>>
      tpu.wait_dma2 semaphore(%run_scoped3A : memref<!tpu.dma_semaphore, #tpu.memory_space<semaphore_mem>>) src(%dma_wait3A_966 : memref<125x64xbf16, #tpu.memory_space<vmem_shared>>) dst(%dma_wait3A_964 : memref<125x64xbf16, #tpu.memory_space<hbm>>)
      tpu.yield
    }) : () -> ()
    %mul3A_944 = arith.constant 625 : i32
    %mul3A_945 = arith.muli %arg1, %mul3A_944 : i32
    %add3A_946 = arith.constant 500 : i32
    %add3A_947 = arith.addi %mul3A_945, %add3A_946 : i32
    %mul3A_948 = arith.constant 16 : i32
    %mul3A_949 = arith.muli %arg0, %mul3A_948 : i32
    %add3A_950 = arith.addi %mul3A_949, %arg1 : i32
    %mul3A_951 = arith.constant 5 : i32
    %mul3A_952 = arith.muli %add3A_950, %mul3A_951 : i32
    %add3A_953 = arith.constant 4 : i32
    %add3A_954 = arith.addi %mul3A_952, %add3A_953 : i32
    "tpu.region"() ({
      %run_scoped3A = tpu.sem_alloc : memref<!tpu.dma_semaphore, #tpu.memory_space<semaphore_mem>>
      %dma_start3A_955 = arith.constant 0 : i32
      %dma_start3A_956 = arith.constant 0 : i32
      %dma_start3A_957 = tpu.memref_slice %arg6[%add3A_954, %dma_start3A_955, %dma_start3A_956] : memref<160x125x64xbf16, #tpu.memory_space<hbm>> -> memref<1x125x64xbf16, #tpu.memory_space<hbm>>
      %dma_start3A_958 = tpu.memref_squeeze %dma_start3A_957 : memref<1x125x64xbf16, #tpu.memory_space<hbm>> -> memref<125x64xbf16, #tpu.memory_space<hbm>>
      %dma_start3A_959 = arith.constant 0 : i32
      %dma_start3A_960 = tpu.memref_slice %arg10[%add3A_947, %dma_start3A_959] : memref<10000x64xbf16, #tpu.memory_space<vmem_shared>> -> memref<125x64xbf16, #tpu.memory_space<vmem_shared>>
      tpu.enqueue_dma source(%dma_start3A_960 : memref<125x64xbf16, #tpu.memory_space<vmem_shared>>) target(%dma_start3A_958 : memref<125x64xbf16, #tpu.memory_space<hbm>>) target_semaphore(%run_scoped3A : memref<!tpu.dma_semaphore, #tpu.memory_space<semaphore_mem>>)
      %dma_wait3A_961 = arith.constant 0 : i32
      %dma_wait3A_962 = arith.constant 0 : i32
      %dma_wait3A_963 = tpu.memref_slice %arg6[%add3A_954, %dma_wait3A_961, %dma_wait3A_962] : memref<160x125x64xbf16, #tpu.memory_space<hbm>> -> memref<1x125x64xbf16, #tpu.memory_space<hbm>>
      %dma_wait3A_964 = tpu.memref_squeeze %dma_wait3A_963 : memref<1x125x64xbf16, #tpu.memory_space<hbm>> -> memref<125x64xbf16, #tpu.memory_space<hbm>>
      %dma_wait3A_965 = arith.constant 0 : i32
      %dma_wait3A_966 = tpu.memref_slice %arg10[%add3A_947, %dma_wait3A_965] : memref<10000x64xbf16, #tpu.memory_space<vmem_shared>> -> memref<125x64xbf16, #tpu.memory_space<vmem_shared>>
      tpu.wait_dma2 semaphore(%run_scoped3A : memref<!tpu.dma_semaphore, #tpu.memory_space<semaphore_mem>>) src(%dma_wait3A_966 : memref<125x64xbf16, #tpu.memory_space<vmem_shared>>) dst(%dma_wait3A_964 : memref<125x64xbf16, #tpu.memory_space<hbm>>)
      tpu.yield
    }) : () -> ()
    return
  }
}

module attributes {stable_mosaic.version = 14 : i64} {
  func.func @body(%arg0: memref<20480x1xf32, #tpu.memory_space<vmem>>, %arg1: memref<10000x128xf32, #tpu.memory_space<vmem>>, %arg2: memref<128x128xf32, #tpu.memory_space<vmem>>, %arg3: memref<10000x1xf32, #tpu.memory_space<vmem>>, %arg4: memref<2x10000x64xbf16, #tpu.memory_space<vmem>>, %arg5: memref<10000x128xf32, #tpu.memory_space<vmem>>) attributes {dimension_semantics = [], scalar_prefetch = 0 : i64, scratch_operands = 0 : i64, tpu.core_type = #tpu.core_type<tc>} {
    %get3A = arith.constant 0 : index
    %get3A_0 = arith.constant 0 : index
    %get3A_1 = vector.load %arg0[%get3A, %get3A_0] : memref<20480x1xf32, #tpu.memory_space<vmem>>, vector<10000x1xf32>
    %get3A_2 = arith.constant 10240 : index
    %get3A_3 = arith.constant 0 : index
    %get3A_4 = vector.load %arg0[%get3A_2, %get3A_3] : memref<20480x1xf32, #tpu.memory_space<vmem>>, vector<10000x1xf32>
    %add3A = arith.addf %get3A_1, %get3A_4 : vector<10000x1xf32>
    %add3A_5 = arith.constant 1.000000e+00 : f32
    %add3A_6 = vector.broadcast %add3A_5 : f32 to vector<10000x1xf32>
    %add3A_7 = arith.addf %add3A, %add3A_6 : vector<10000x1xf32>
    %rsqrt3A = math.rsqrt %add3A_7 : vector<10000x1xf32>
    %swap3A = arith.constant 0 : index
    %swap3A_8 = arith.constant 0 : index
    %swap3A_9 = vector.load %arg3[%swap3A, %swap3A_8] : memref<10000x1xf32, #tpu.memory_space<vmem>>, vector<10000x1xf32>
    tpu.vector_store %arg3[%swap3A, %swap3A_8], %rsqrt3A {strides = array<i32>} : memref<10000x1xf32, #tpu.memory_space<vmem>>, vector<10000x1xf32>,
    %get3A_10 = arith.constant 0 : index
    %get3A_11 = arith.constant 0 : index
    %get3A_12 = vector.load %arg1[%get3A_10, %get3A_11] : memref<10000x128xf32, #tpu.memory_space<vmem>>, vector<10000x128xf32>
    %mul3A = vector.broadcast %rsqrt3A : vector<10000x1xf32> to vector<10000x128xf32>
    %mul3A_13 = arith.mulf %get3A_12, %mul3A : vector<10000x128xf32>
    %get3A_14 = arith.constant 0 : index
    %get3A_15 = arith.constant 0 : index
    %get3A_16 = vector.load %arg2[%get3A_14, %get3A_15] : memref<128x128xf32, #tpu.memory_space<vmem>>, vector<128x128xf32>
    %dot_general3A = arith.constant dense<0.000000e+00> : vector<10000x128xf32>
    %dot_general3A_17 = tpu.matmul %mul3A_13, %get3A_16, %dot_general3A {dimension_numbers = #tpu.dot_dimension_numbers<[1], [0], [0], [1], [0, 0, 1, 1], [], []>, transpose_lhs_hint = false} : vector<10000x128xf32>, vector<128x128xf32>, vector<10000x128xf32> -> vector<10000x128xf32>
    %convert_element_type3A = arith.truncf %dot_general3A_17 : vector<10000x128xf32> to vector<10000x128xbf16>
    %slice3A = vector.extract_strided_slice %convert_element_type3A {offsets = [0, 0], sizes = [10000, 64], strides = [1, 1]} : vector<10000x128xbf16> to vector<10000x64xbf16>
    %swap3A_18 = arith.constant 0 : index
    %swap3A_19 = arith.constant 0 : index
    %swap3A_20 = arith.constant 0 : index
    %swap3A_21 = vector.load %arg4[%swap3A_18, %swap3A_19, %swap3A_20] : memref<2x10000x64xbf16, #tpu.memory_space<vmem>>, vector<1x10000x64xbf16>
    %swap3A_22 = vector.shape_cast %swap3A_21 : vector<1x10000x64xbf16> to vector<10000x64xbf16>
    %swap3A_23 = vector.shape_cast %slice3A : vector<10000x64xbf16> to vector<1x10000x64xbf16>
    tpu.vector_store %arg4[%swap3A_18, %swap3A_19, %swap3A_20], %swap3A_23 {strides = array<i32>} : memref<2x10000x64xbf16, #tpu.memory_space<vmem>>, vector<1x10000x64xbf16>,
    %slice3A_24 = vector.extract_strided_slice %convert_element_type3A {offsets = [0, 64], sizes = [10000, 64], strides = [1, 1]} : vector<10000x128xbf16> to vector<10000x64xbf16>
    %swap3A_25 = arith.constant 1 : index
    %swap3A_26 = arith.constant 0 : index
    %swap3A_27 = arith.constant 0 : index
    %swap3A_28 = vector.load %arg4[%swap3A_25, %swap3A_26, %swap3A_27] : memref<2x10000x64xbf16, #tpu.memory_space<vmem>>, vector<1x10000x64xbf16>
    %swap3A_29 = vector.shape_cast %swap3A_28 : vector<1x10000x64xbf16> to vector<10000x64xbf16>
    %swap3A_30 = vector.shape_cast %slice3A_24 : vector<10000x64xbf16> to vector<1x10000x64xbf16>
    tpu.vector_store %arg4[%swap3A_25, %swap3A_26, %swap3A_27], %swap3A_30 {strides = array<i32>} : memref<2x10000x64xbf16, #tpu.memory_space<vmem>>, vector<1x10000x64xbf16>,
    %swap3A_31 = arith.constant 0 : index
    %swap3A_32 = arith.constant 0 : index
    %swap3A_33 = vector.load %arg5[%swap3A_31, %swap3A_32] : memref<10000x128xf32, #tpu.memory_space<vmem>>, vector<10000x128xf32>
    tpu.vector_store %arg5[%swap3A_31, %swap3A_32], %dot_general3A_17 {strides = array<i32>} : memref<10000x128xf32, #tpu.memory_space<vmem>>, vector<10000x128xf32>,
    return
  }
}

module attributes {stable_mosaic.version = 14 : i64} {
  func.func @body(%arg0: memref<2x10000x64xbf16, #tpu.memory_space<vmem>>, %arg1: memref<10000x128xf32, #tpu.memory_space<vmem>>, %arg2: memref<10000x1xf32, #tpu.memory_space<vmem>>, %arg3: memref<1x128xf32, #tpu.memory_space<vmem>>, %arg4: memref<128x128xf32, #tpu.memory_space<vmem>>, %arg5: memref<2x10000x64xbf16, #tpu.memory_space<vmem>>, %arg6: memref<10000x128xf32, #tpu.memory_space<vmem>>) attributes {dimension_semantics = [], scalar_prefetch = 0 : i64, scratch_operands = 0 : i64, tpu.core_type = #tpu.core_type<tc>} {
    %get3A = arith.constant 0 : index
    %get3A_0 = arith.constant 0 : index
    %get3A_1 = vector.load %arg2[%get3A, %get3A_0] : memref<10000x1xf32, #tpu.memory_space<vmem>>, vector<10000x1xf32>
    %get3A_2 = arith.constant 0 : index
    %get3A_3 = arith.constant 0 : index
    %get3A_4 = arith.constant 0 : index
    %get3A_5 = vector.load %arg0[%get3A_2, %get3A_3, %get3A_4] : memref<2x10000x64xbf16, #tpu.memory_space<vmem>>, vector<1x10000x64xbf16>
    %get3A_6 = vector.shape_cast %get3A_5 : vector<1x10000x64xbf16> to vector<10000x64xbf16>
    %convert_element_type3A = arith.extf %get3A_6 : vector<10000x64xbf16> to vector<10000x64xf32>
    %get3A_7 = arith.constant 1 : index
    %get3A_8 = arith.constant 0 : index
    %get3A_9 = arith.constant 0 : index
    %get3A_10 = vector.load %arg0[%get3A_7, %get3A_8, %get3A_9] : memref<2x10000x64xbf16, #tpu.memory_space<vmem>>, vector<1x10000x64xbf16>
    %get3A_11 = vector.shape_cast %get3A_10 : vector<1x10000x64xbf16> to vector<10000x64xbf16>
    %convert_element_type3A_12 = arith.extf %get3A_11 : vector<10000x64xbf16> to vector<10000x64xf32>
    %concatenate3A = tpu.concatenate %convert_element_type3A, %convert_element_type3A_12 in 1 : vector<10000x64xf32>, vector<10000x64xf32> -> vector<10000x128xf32>
    %get3A_13 = arith.constant 0 : index
    %get3A_14 = arith.constant 0 : index
    %get3A_15 = vector.load %arg1[%get3A_13, %get3A_14] : memref<10000x128xf32, #tpu.memory_space<vmem>>, vector<10000x128xf32>
    %add3A = arith.addf %concatenate3A, %get3A_15 : vector<10000x128xf32>
    %mul3A = vector.broadcast %get3A_1 : vector<10000x1xf32> to vector<10000x128xf32>
    %mul3A_16 = arith.mulf %mul3A, %add3A : vector<10000x128xf32>
    %get3A_17 = arith.constant 0 : index
    %get3A_18 = arith.constant 0 : index
    %get3A_19 = vector.load %arg3[%get3A_17, %get3A_18] : memref<1x128xf32, #tpu.memory_space<vmem>>, vector<1x128xf32>
    %add3A_20 = vector.broadcast %get3A_19 : vector<1x128xf32> to vector<10000x128xf32>
    %add3A_21 = arith.addf %mul3A_16, %add3A_20 : vector<10000x128xf32>
    %max3A = arith.constant 0.000000e+00 : f32
    %max3A_22 = vector.broadcast %max3A : f32 to vector<10000x128xf32>
    %max3A_23 = arith.maximumf %add3A_21, %max3A_22 : vector<10000x128xf32>
    %mul3A_24 = vector.broadcast %get3A_1 : vector<10000x1xf32> to vector<10000x128xf32>
    %mul3A_25 = arith.mulf %max3A_23, %mul3A_24 : vector<10000x128xf32>
    %get3A_26 = arith.constant 0 : index
    %get3A_27 = arith.constant 0 : index
    %get3A_28 = vector.load %arg4[%get3A_26, %get3A_27] : memref<128x128xf32, #tpu.memory_space<vmem>>, vector<128x128xf32>
    %dot_general3A = arith.constant dense<0.000000e+00> : vector<10000x128xf32>
    %dot_general3A_29 = tpu.matmul %mul3A_25, %get3A_28, %dot_general3A {dimension_numbers = #tpu.dot_dimension_numbers<[1], [0], [0], [1], [0, 0, 1, 1], [], []>, transpose_lhs_hint = false} : vector<10000x128xf32>, vector<128x128xf32>, vector<10000x128xf32> -> vector<10000x128xf32>
    %convert_element_type3A_30 = arith.truncf %dot_general3A_29 : vector<10000x128xf32> to vector<10000x128xbf16>
    %slice3A = vector.extract_strided_slice %convert_element_type3A_30 {offsets = [0, 0], sizes = [10000, 64], strides = [1, 1]} : vector<10000x128xbf16> to vector<10000x64xbf16>
    %swap3A = arith.constant 0 : index
    %swap3A_31 = arith.constant 0 : index
    %swap3A_32 = arith.constant 0 : index
    %swap3A_33 = vector.load %arg5[%swap3A, %swap3A_31, %swap3A_32] : memref<2x10000x64xbf16, #tpu.memory_space<vmem>>, vector<1x10000x64xbf16>
    %swap3A_34 = vector.shape_cast %swap3A_33 : vector<1x10000x64xbf16> to vector<10000x64xbf16>
    %swap3A_35 = vector.shape_cast %slice3A : vector<10000x64xbf16> to vector<1x10000x64xbf16>
    tpu.vector_store %arg5[%swap3A, %swap3A_31, %swap3A_32], %swap3A_35 {strides = array<i32>} : memref<2x10000x64xbf16, #tpu.memory_space<vmem>>, vector<1x10000x64xbf16>,
    %slice3A_36 = vector.extract_strided_slice %convert_element_type3A_30 {offsets = [0, 64], sizes = [10000, 64], strides = [1, 1]} : vector<10000x128xbf16> to vector<10000x64xbf16>
    %swap3A_37 = arith.constant 1 : index
    %swap3A_38 = arith.constant 0 : index
    %swap3A_39 = arith.constant 0 : index
    %swap3A_40 = vector.load %arg5[%swap3A_37, %swap3A_38, %swap3A_39] : memref<2x10000x64xbf16, #tpu.memory_space<vmem>>, vector<1x10000x64xbf16>
    %swap3A_41 = vector.shape_cast %swap3A_40 : vector<1x10000x64xbf16> to vector<10000x64xbf16>
    %swap3A_42 = vector.shape_cast %slice3A_36 : vector<10000x64xbf16> to vector<1x10000x64xbf16>
    tpu.vector_store %arg5[%swap3A_37, %swap3A_38, %swap3A_39], %swap3A_42 {strides = array<i32>} : memref<2x10000x64xbf16, #tpu.memory_space<vmem>>, vector<1x10000x64xbf16>,
    %swap3A_43 = arith.constant 0 : index
    %swap3A_44 = arith.constant 0 : index
    %swap3A_45 = vector.load %arg6[%swap3A_43, %swap3A_44] : memref<10000x128xf32, #tpu.memory_space<vmem>>, vector<10000x128xf32>
    tpu.vector_store %arg6[%swap3A_43, %swap3A_44], %dot_general3A_29 {strides = array<i32>} : memref<10000x128xf32, #tpu.memory_space<vmem>>, vector<10000x128xf32>,
    return
  }
}

module attributes {stable_mosaic.version = 14 : i64} {
  func.func @body(%arg0: memref<2x10000x64xbf16, #tpu.memory_space<vmem>>, %arg1: memref<10000x128xf32, #tpu.memory_space<vmem>>, %arg2: memref<10000x1xf32, #tpu.memory_space<vmem>>, %arg3: memref<1x128xf32, #tpu.memory_space<vmem>>, %arg4: memref<10000x128xf32, #tpu.memory_space<vmem>>) attributes {dimension_semantics = [], scalar_prefetch = 0 : i64, scratch_operands = 0 : i64, tpu.core_type = #tpu.core_type<tc>} {
    %get3A = arith.constant 0 : index
    %get3A_0 = arith.constant 0 : index
    %get3A_1 = arith.constant 0 : index
    %get3A_2 = vector.load %arg0[%get3A, %get3A_0, %get3A_1] : memref<2x10000x64xbf16, #tpu.memory_space<vmem>>, vector<1x10000x64xbf16>
    %get3A_3 = vector.shape_cast %get3A_2 : vector<1x10000x64xbf16> to vector<10000x64xbf16>
    %convert_element_type3A = arith.extf %get3A_3 : vector<10000x64xbf16> to vector<10000x64xf32>
    %get3A_4 = arith.constant 1 : index
    %get3A_5 = arith.constant 0 : index
    %get3A_6 = arith.constant 0 : index
    %get3A_7 = vector.load %arg0[%get3A_4, %get3A_5, %get3A_6] : memref<2x10000x64xbf16, #tpu.memory_space<vmem>>, vector<1x10000x64xbf16>
    %get3A_8 = vector.shape_cast %get3A_7 : vector<1x10000x64xbf16> to vector<10000x64xbf16>
    %convert_element_type3A_9 = arith.extf %get3A_8 : vector<10000x64xbf16> to vector<10000x64xf32>
    %concatenate3A = tpu.concatenate %convert_element_type3A, %convert_element_type3A_9 in 1 : vector<10000x64xf32>, vector<10000x64xf32> -> vector<10000x128xf32>
    %get3A_10 = arith.constant 0 : index
    %get3A_11 = arith.constant 0 : index
    %get3A_12 = vector.load %arg2[%get3A_10, %get3A_11] : memref<10000x1xf32, #tpu.memory_space<vmem>>, vector<10000x1xf32>
    %get3A_13 = arith.constant 0 : index
    %get3A_14 = arith.constant 0 : index
    %get3A_15 = vector.load %arg1[%get3A_13, %get3A_14] : memref<10000x128xf32, #tpu.memory_space<vmem>>, vector<10000x128xf32>
    %add3A = arith.addf %concatenate3A, %get3A_15 : vector<10000x128xf32>
    %mul3A = vector.broadcast %get3A_12 : vector<10000x1xf32> to vector<10000x128xf32>
    %mul3A_16 = arith.mulf %mul3A, %add3A : vector<10000x128xf32>
    %get3A_17 = arith.constant 0 : index
    %get3A_18 = arith.constant 0 : index
    %get3A_19 = vector.load %arg3[%get3A_17, %get3A_18] : memref<1x128xf32, #tpu.memory_space<vmem>>, vector<1x128xf32>
    %add3A_20 = vector.broadcast %get3A_19 : vector<1x128xf32> to vector<10000x128xf32>
    %add3A_21 = arith.addf %mul3A_16, %add3A_20 : vector<10000x128xf32>
    %max3A = arith.constant 0.000000e+00 : f32
    %max3A_22 = vector.broadcast %max3A : f32 to vector<10000x128xf32>
    %max3A_23 = arith.maximumf %add3A_21, %max3A_22 : vector<10000x128xf32>
    %swap3A = arith.constant 0 : index
    %swap3A_24 = arith.constant 0 : index
    %swap3A_25 = vector.load %arg4[%swap3A, %swap3A_24] : memref<10000x128xf32, #tpu.memory_space<vmem>>, vector<10000x128xf32>
    tpu.vector_store %arg4[%swap3A, %swap3A_24], %max3A_23 {strides = array<i32>} : memref<10000x128xf32, #tpu.memory_space<vmem>>, vector<10000x128xf32>,
    return
  }
}

</mosaic_0001>

<sc_bundles>
// kernel: kernel.11.cloned.1.call-start
scs
__scs_entry_jumppad:
0x0: {  	(pc) =	sbr.rel $0x88, $3  }
0x1: {  	(tag) =	ssettag $0x0;
	lr =	simm.s32 $0x1  }
0x2: {  	[smem:$0x3F9B] =	sst lr;
	_ =	strace $0xD0000000  }
0x3: {  	_ = 	snop  }
0x4: {  	_ = 	snop  }
0x5: {  	_ = 	snop  }
0x6: {  	_ = 	snop  }
0x7: {  	_ = 	snop  }
__scs_overlays_trampoline_lowered:
0x8: {  	[smem:$0x3FAA] =	sst s0  }
0x9: {  	[smem:$0x3FAB] =	sst s1  }
0xa: {  	[smem:$0x3FAC] =	sst s2  }
0xb: {  	[smem:$0x3FAD] =	sst s3  }
0xc: {  	[smem:$0x3FAE] =	sst s4  }
0xd: {  	[smem:$0x3FAF] =	sst s5  }
0xe: {  	[smem:$0x3FB0] =	sst s6  }
0xf: {  	[smem:$0x3FB1] =	sst s7  }
0x10: {  	[smem:$0x3FB2] =	sst s8  }
0x11: {  	[smem:$0x3FB3] =	sst s9;
	s0 =	simm.s32 @!p0 $0x0  }
0x12: {  	s1 =	sld [smem:$0x3F99];
	s0 =	simm.s32 @p0 $0x1  }
0x13: {  	[smem:$0x3FB4] =	sst s0;
	s0 =	simm.s32 @!p1 $0x0  }
0x14: {  	s2 =	sld [smem:$0x3F98];
	s0 =	simm.s32 @p1 $0x1  }
0x15: {  	[smem:$0x3FB5] =	sst s0;
	s0 =	simm.s32 @!p2 $0x0  }
0x16: {  	s3 =	sld [smem:$0x3FDB];
	s0 =	simm.s32 @p2 $0x1  }
0x17: {  	s4 =	simm.s32 $0x1BF5;
	[smem:$0x3FB7] =	sst s0  }
0x18: {  	s0 =	sld [smem:$0x3F9A];
	_ =	swait.ge [sflag:s4], $0x0  }
0x19: {  	s7 =	sld [smem:$0x3F9B]  }
0x1a: {  	s8 =	sadd.s32 $0xFFFFE003, lr  }
0x1b: {  	s9 =	sadd.s32 $0xFFFFFEF7, lr;
	s5 =	simm.s32 $0xFFFFFFFF;
	p2 =	slt.u32 s8, $0xFFFFF086  }
0x1c: {  	p1 =	slt.u32 s9, $0xF7A;
	s5 =	simm.s32 @!p2 $0x0  }
0x1d: {  	s5 =	simm.s32 @p1 $0x1;
	p0 =	seq.s32 s7, s2  }
0x1e: {  	s7 =	smul.u32 @!p0 $0xF7A, s2;
	p2 =	seq.s32 @!p0 s5, $0x0  }
0x1f: {  	s9 =	smul.u32 $0xF7A, s1;
	s8 =	simm.s32 @!p0 $0x1BF5;
	p2 =	por !p2, p0  }
0x20: {  	[sflag:s8] =	ssyncset.s32 @!p0 $0xFFFFF086;
	s6 =	sadd.s32 @!p0 s3, s7;
	s7 =	simm.s32 @!p0 $0x108  }
0x21: {  	s3 =	sadd.s32 s3, s9;
	s6 =	sadd.s32 @!p0 $0x88, s6;
	s7 =	simm.s32 @p2 $0x1082  }
0x22: {  	[simem:s7], [sflag:s8] =	dma.local @!p0 [hbm:s6], $0xF7A  }
0x23: {  	s9 =	sor.u32 $0xD0000000, s2;
	s6 =	simm.s32 $0x108;
	_ =	swait.ge @!p0 [sflag:s8], $0x0  }
0x24: {  	s3 =	sadd.s32 $0x88, s3;
	s6 =	simm.s32 @!p1 $0x1082;
	[sflag:s4] =	ssyncset.s32 $0xFFFFF086  }
0x25: {  	[simem:s6], [sflag:s4] =	dma.local [hbm:s3], $0xF7A  }
0x26: {  	[smem:$0x3F9B] =	sst s1;
	(tag) =	ssettag s2;
	_ =	strace s9  }
0x27: {  	s1 =	sld [smem:$0x3FAB]  }
0x28: {  	s2 =	sld [smem:$0x3FAC]  }
0x29: {  	s4 =	sld [smem:$0x3FAE]  }
0x2a: {  	p0 =	seq.s32 s5, $0x0;
	s5 =	sld [smem:$0x3FAF]  }
0x2b: {  	s6 =	sld [smem:$0x3FB0]  }
0x2c: {  	s7 =	sld [smem:$0x3FB1]  }
0x2d: {  	s3 =	simm.s32 $0x108;
	s8 =	sld [smem:$0x3FB2]  }
0x2e: {  	s3 =	simm.s32 @!p0 $0x1082;
	s9 =	sld [smem:$0x3FB3]  }
0x2f: {  	lr =	sadd.s32 s0, s3;
	s0 =	sld [smem:$0x3FAA]  }
0x30: {  	s3 =	sld [smem:$0x3FAD]  }
0x31: {  	[smem:$0x3FB6] =	sst s10  }
0x32: {  	s10 =	sld [smem:$0x3FB4];
	_ =	sdelay $0x3  }
0x33: {  	p0 =	seq.s32 s10, $0x1;
	s10 =	sld [smem:$0x3FB6];
	_ =	sdelay $0x3  }
0x34: {  	[smem:$0x3FB6] =	sst s10  }
0x35: {  	s10 =	sld [smem:$0x3FB5];
	_ =	sdelay $0x3  }
0x36: {  	p1 =	seq.s32 s10, $0x1;
	s10 =	sld [smem:$0x3FB6];
	_ =	sdelay $0x3  }
0x37: {  	[smem:$0x3FB6] =	sst s10  }
0x38: {  	s10 =	sld [smem:$0x3FB7]  }
0x39: {  	_ = 	snop;
	(pc) =	sbr.ind lr, $3  }
0x3a: {  	_ = 	snop  }
0x3b: {  	_ = 	snop  }
0x3c: {  	p2 =	seq.s32 s10, $0x1;
	s10 =	sld [smem:$0x3FB6]  }
0x3d: {  	_ =	shalt  }
0x3e: {  	_ =	shalt  }
0x3f: {  	_ =	shalt  }
0x40: {  	_ =	shalt  }
0x41: {  	_ =	shalt  }
0x42: {  	_ =	shalt  }
0x43: {  	_ =	shalt  }
0x44: {  	_ =	shalt  }
0x45: {  	_ =	shalt  }
0x46: {  	_ =	shalt  }
0x47: {  	_ =	shalt  }
0x48: {  	_ =	shalt  }
0x49: {  	_ =	shalt  }
0x4a: {  	_ =	shalt  }
0x4b: {  	_ =	shalt  }
0x4c: {  	_ =	shalt  }
0x4d: {  	_ =	shalt  }
0x4e: {  	_ =	shalt  }
0x4f: {  	_ =	shalt  }
0x50: {  	_ =	shalt  }
0x51: {  	_ =	shalt  }
0x52: {  	_ =	shalt  }
0x53: {  	_ =	shalt  }
0x54: {  	_ =	shalt  }
0x55: {  	_ =	shalt  }
0x56: {  	_ =	shalt  }
0x57: {  	_ =	shalt  }
0x58: {  	_ =	shalt  }
0x59: {  	_ =	shalt  }
0x5a: {  	_ =	shalt  }
0x5b: {  	_ =	shalt  }
0x5c: {  	_ =	shalt  }
0x5d: {  	_ =	shalt  }
0x5e: {  	_ =	shalt  }
0x5f: {  	_ =	shalt  }
0x60: {  	_ =	shalt  }
0x61: {  	_ =	shalt  }
0x62: {  	_ =	shalt  }
0x63: {  	_ =	shalt  }
0x64: {  	_ =	shalt  }
0x65: {  	_ =	shalt  }
0x66: {  	_ =	shalt  }
0x67: {  	_ =	shalt  }
0x68: {  	_ =	shalt  }
0x69: {  	_ =	shalt  }
0x6a: {  	_ =	shalt  }
0x6b: {  	_ =	shalt  }
0x6c: {  	_ =	shalt  }
0x6d: {  	_ =	shalt  }
0x6e: {  	_ =	shalt  }
0x6f: {  	_ =	shalt  }
0x70: {  	_ =	shalt  }
0x71: {  	_ =	shalt  }
0x72: {  	_ =	shalt  }
0x73: {  	_ =	shalt  }
0x74: {  	_ =	shalt  }
0x75: {  	_ =	shalt  }
0x76: {  	_ =	shalt  }
0x77: {  	_ =	shalt  }
0x78: {  	_ =	shalt  }
0x79: {  	_ =	shalt  }
0x7a: {  	_ =	shalt  }
0x7b: {  	_ =	shalt  }
0x7c: {  	_ =	shalt  }
0x7d: {  	_ =	shalt  }
0x7e: {  	_ =	shalt  }
0x7f: {  	_ =	shalt  }
0x80: {  	_ =	shalt  }
0x81: {  	_ =	shalt  }
0x82: {  	_ =	shalt  }
0x83: {  	_ =	shalt  }
0x84: {  	_ =	shalt  }
0x85: {  	_ =	shalt  }
0x86: {  	_ =	shalt  }
0x87: {  	_ =	shalt  }
.Lfunc_end0:
.L_simem_size_0:
called_computation.1_lowered:
.L_overlay_start_0:
0x88: {  	s2 =	sld [smem:$0x3FD9]  }
0x89: {  	s3 =	sld [smem:$0x3FFE];
	_ =	sdelay $0x1  }
0x8a: {  	s1 =	srdreg.scid  }
0x8b: {  	s0 =	sand.u32 $0x1, s1  }
0x8c: {  	s16 =	sshll.u32 s0, $0xA;
	s2 =	sadd.s32 s3, s2  }
0x8d: {  	s2 =	sadd.s32 s2, s16  }
0x8e: {  	[smem:$0x3FC2] =	sst s2  }
0x8f: {  	_ = 	snop  }
0x90: {  	(tm) =	ssettm $0x1  }
0x91: {  	s17 =	sld [smem:$0x3FFB];
	_ =	sdelay $0x3  }
0x92: {  	_ =	strace s17  }
0x93: {  	s2 =	sld [smem:$0x3FFC];
	_ =	sdelay $0x3  }
0x94: {  	_ =	strace s2  }
0x95: {  	s2 =	sld [smem:$0x3FFD];
	_ =	sdelay $0x3  }
0x96: {  	_ =	strace s2  }
0x97: {  	_ =	strace $0x8FFFFFFF  }
0x98: {  	s18 =	sld [smem:$0x3FDB];
	_ =	sdelay $0x1  }
0x99: {  	s19 =	simm.s32 $_scs_section_size  }
0x9a: {  	s4 =	simm.s32 $_size__tile_overlayer_lowered;
	s5 =	simm.s32 $_tile_overlayer_lowered  }
0x9b: {  	s22 =	simm.s32 $0x1BFF;
	s21 =	sshll.u32 s5, $0x1;
	s2 =	sadd.s32 s19, s18  }
0x9c: {  	s6 =	simm.s32 $0x0;
	s20 =	sshll.u32 s4, $0x1;
	s4 =	sadd.s32 s21, s2  }
0x9d: {  	[timem:s6], [sflag:s22] =	dma.local [hbm:s4], s20  }
0x9e: {  	_ =	swait.ge [sflag:s22], s20  }
0x9f: {  	s3 =	ssub.s32 $0x0, s20;
	[sflag:s22] =	ssyncset.done $0x0  }
0xa0: {  	[sflag:s22] =	ssyncadd.s32 s3;
	_ =	sdelay $0x1  }
0xa1: {  	s23 =	simm.s32 $0x1B8B  }
0xa2: {  	_ =	swait.ge [sflag:s23], $0x1  }
0xa3: {  	[sflag:s23] =	ssyncset.done $0x0  }
0xa4: {  	s25 =	simm.s32 $0x1B8E;
	s24 =	sld [smem:$0x3FFE];
	[sflag:s23] =	ssyncadd.s32 $0xFFFFFFFF  }
0xa5: {  	s26 =	simm.s32 $execute0_lowered;
	[smem:$0x3FD2] =	sst s25  }
0xa6: {  	s4 =	sshll.u32 s26, $0x1;
	_ =	strace $0x80000049;
	[dreg:$0x1] =	wrdreg $0xFFFFFFFF  }
0xa7: {  	s28 =	simm.s32 $_size_execute0_lowered;
	s2 =	sadd.s32 s2, s4;
	[dreg:$0x0] =	wrdreg $0x0  }
0xa8: {  	s4 =	sshll.u32 s28, $0x1;
	[dreg:$0x2] =	wrdreg s2  }
0xa9: {  	[dreg:$0x3] =	wrdreg s4  }
0xaa: {  	[dreg:$0x4] =	wrdreg $0xC0  }
0xab: {  	_ =	task [dreg:s6], $0x5FFFF  }
0xac: {  	[dreg:$0x1] =	wrdreg $0xFFFFFFFF  }
0xad: {  	[dreg:$0x0] =	wrdreg $0x60  }
0xae: {  	[dreg:$0x2] =	wrdreg s24  }
0xaf: {  	[dreg:$0x3] =	wrdreg $0x11D000  }
0xb0: {  	[dreg:$0x4] =	wrdreg $0x9  }
0xb1: {  	_ =	task.clear_ibuf [dreg:s6], $0x5FFFF;
	_ =	strace $0x90000049  }
0xb2: {  	s29 =	simm.s32 $0x9;
	_ =	strace $0x8000004B  }
0xb3: {  	_ =	swait.ge [sflag:s29], $0x1  }
0xb4: {  	[sflag:s29] =	ssyncadd.s32 $0xFFFFFFFF  }
0xb5: {  	_ =	strace $0x9000004B  }
0xb6: {  	_ =	sfence  }
0xb7: {  	s30 =	sld [smem:$0x0];
	_ =	sdelay $0x2  }
0xb8: {  	s31 =	sshll.u32 s1, $0xD;
	s1 =	sshrl.u32 s1, $0x2  }
0xb9: {  	s3 =	sand.u32 $0x4000, s31;
	s1 =	sadd.s32 s1, s30  }
0xba: {  	s0 =	sor.u32 s3, s0;
	s1 =	sshll.u32 s1, $0x11  }
0xbb: {  	s0 =	sor.u32 s1, s0  }
0xbc: {  	s0 =	sadd.s32 $0x8F2B, s0  }
0xbd: {  	[sflag:s0] =	ssyncadd.remote.s32 $0x1  }
0xbe: {  	_ =	sfence.sel $0xFFFF  }
0xbf: {  	[dreg:$0x0] =	wrdreg $0xFFFFFFFF;
	(pc) =	sbr.abs _section_cstart, $3  }
0xc0: {  	[dreg:$0x1] =	wrdreg $0xFFFFFFFF  }
0xc1: {  	_ =	task.clear_ibuf [dreg:s6], $0x2FFFF;
	_ =	strace $0x9FFFFFFF  }
0xc2: {  	(tm) =	ssettm $0x7FFFFFFF  }
0xc3: {  	_ =	shalt  }
tec
execute0_lowered:
.L_overlay_start_1:
0x0: {  	(tag) =	ssettag $0x1  }
0x1: {  	s0 =	rddreg [dreg:$0x0];
	s1 =	srdreg.scid  }
0x2: {  	s2 =	rddreg [dreg:$0x1];
	s10 =	stileid.u32  }
0x3: {  	s3 =	simm.s32 $0x0;
	s16 =	simm.s32 $0x3;
	s28 =	simm.s32 $0xBF40  }
0x4: {  	s30 =	simm.s32 $0xCEE0;
	s31 =	simm.s32 $0xFDC0;
	s29 =	simm.s32 $0x2  }
0x5: {  	s1 =	sand.u32 $0x1, s1;
	s5 =	smul.u32 $0xA00, s10;
	[smem:$0x7FF] =	sst s3  }
0x6: {  	s17 =	sadd.s32 $0x16C00, s0;
	s18 =	smul.u32 $0x13880, s10;
	s19 =	sshll.u32 s10, $0x6  }
0x7: {  	s4 =	smul.u32 $0x9C40, s1;
	_ =	strace $0x8000004A;
	[dreg:$0x3] =	wrdreg s17  }
0x8: {  	s7 =	sshll.u32 s1, $0x4;
	s1 =	ssub.s32 $0x2, s1;
	s17 =	simm.s32 $0x5000  }
0x9: {  	s6 =	sadd.s32 s5, s0;
	s7 =	sor.u32 s10, s7;
	s8 =	sshrl.u32 s1, $0x1  }
0xa: {  	s5 =	sshrl.u32 s18, $0x2;
	s18 =	simm.s32 $0x7D;
	s4 =	sadd.s32 s4, s0  }
0xb: {  	s0 =	sadd.s32 $0x2B000, s0;
	s9 =	smul.u32 $0x9C40, s7;
	s1 =	ssub.s32 s1, s8  }
0xc: {  	s15 =	sadd.s32 s5, s2;
	s5 =	sor.u32 $0x1C03, s19;
	s21 =	sadd.s32 $0xCC00, s6  }
0xd: {  	s7 =	smul.u32 $0x9C4, s7;
	s6 =	sadd.s32 $0x2C00, s6;
	[dreg:$0x4] =	wrdreg s21  }
0xe: {  	s19 =	simm.s32 $0xA000;
	[dreg:$0x5] =	wrdreg s6;
	s8 =	sadd.s32 $0x17600, s4  }
0xf: {  	s23 =	sadd.s32 $0xFA0, s15;
	s24 =	sadd.s32 $0x1F40, s15;
	s25 =	sadd.s32 $0x2EE0, s15  }
0x10: {  	s26 =	sadd.s32 $0x3E80, s15;
	s14 =	smax.u32 s1, $0x1;
	s15 =	sshrl.u32 s15, $0x3  }
0x11: {  	s21 =	simm.s32 $0xAFA0;
	s1 =	simm.s32 $0x10D60;
	s20 =	sshrl.u32 s9, $0x4  }
0x12: {  	s4 =	simm.s32 $0x0;
	s22 =	sadd.s32 s0, s20;
	s0 =	sadd.s32 s0, s7  }
0x13: {  	s20 =	simm.s32 $0xEE20;
	[dreg:$0x6] =	wrdreg s0;
	s10 =	sadd.s32 $0x1F4, s22  }
0x14: {  	s11 =	sadd.s32 $0x3E8, s22;
	s12 =	sadd.s32 $0x5DC, s22;
	s13 =	sadd.s32 $0x7D0, s22  }
0x15: {  	s22 =	sshrl.u32 s23, $0x3;
	s23 =	sshrl.u32 s24, $0x3;
	s24 =	sshrl.u32 s25, $0x3  }
0x16: {  	s25 =	sshrl.u32 s26, $0x3;
	s0 =	simm.s32 $0xDE80;
	s26 =	simm.s32 $0x1  }
.LBB2_1:
0x17: {  	s6 =	rddreg [dreg:$0x3]  }
0x18: {  	[spmem:s15], [sflag:s5] =	dma.local [hbm:s6], $0x9C4  }
0x19: {  	_ =	swait.ge [sflag:s16], $0x9C4  }
0x1a: {  	[sflag:s16] =	ssyncset.done $0x0  }
0x1b: {  	[sflag:s16] =	ssyncadd.s32 $0xFFFFF63C  }
0x1c: {  	[bflag:$0x0] =	sbarrier.arrive $0xFFFF  }
0x1d: {  	s9 =	rddreg [dreg:$0x4]  }
0x1e: {  	[tilespmem:s3], [sflag:$0x3] =	stream.linear.gather [hbm4b:s9+s3], $0x5000, $0x38;
	[tilespmem:$0x16B20] =	vst v63  }
0x1f: {  	_ =	swait.ge [sflag:s16], $0x5000  }
0x20: {  	[sflag:s16] =	ssyncset.done $0x0  }
0x21: {  	s7 =	rddreg [dreg:$0x5];
	[sflag:s16] =	ssyncadd.s32 $0xFFFFB000  }
0x22: {  	[tilespmem:s17], [sflag:$0x3] =	stream.linear.gather [hbm4b:s7+s3], $0x5000, $0x38;
	[tilespmem:$0x16B20] =	vst v63  }
0x23: {  	_ =	swait.ge [sflag:s16], $0x5000  }
0x24: {  	[sflag:s16] =	ssyncset.done $0x0  }
0x25: {  	[sflag:s16] =	ssyncadd.s32 $0xFFFFB000  }
0x26: {  	[tilespmem:s19], [sflag:$0x1] =	stream.indirect.gather [hbm4b:s8+s18], $0x20, s3, s18, $0xb8;
	[tilespmem:$0x16B20] =	vst v63  }
0x27: {  	s9 =	simm.s32 $0x80  }
0x28: {  	[tilespmem:s21], [sflag:$0x1] =	stream.indirect.gather [hbm4b:s8+s18], $0x20, s9, s18, $0xb8;
	[tilespmem:$0x16B20] =	vst v63  }
0x29: {  	s7 =	simm.s32 $0x100  }
0x2a: {  	[tilespmem:s28], [sflag:$0x1] =	stream.indirect.gather [hbm4b:s8+s18], $0x20, s7, s18, $0xb8;
	[tilespmem:$0x16B20] =	vst v63  }
0x2b: {  	s9 =	simm.s32 $0x180  }
0x2c: {  	[tilespmem:s30], [sflag:$0x1] =	stream.indirect.gather [hbm4b:s8+s18], $0x20, s9, s18, $0xb8;
	[tilespmem:$0x16B20] =	vst v63  }
0x2d: {  	s7 =	simm.s32 $0x200  }
0x2e: {  	[tilespmem:s0], [sflag:$0x1] =	stream.indirect.gather [hbm4b:s8+s18], $0x20, s7, s18, $0xb8;
	[tilespmem:$0x16B20] =	vst v63  }
0x2f: {  	s9 =	simm.s32 $0x280  }
0x30: {  	[tilespmem:s20], [sflag:$0x1] =	stream.indirect.gather [hbm4b:s8+s18], $0x20, s9, s18, $0xb8;
	[tilespmem:$0x16B20] =	vst v63  }
0x31: {  	_ =	swait.ge [sflag:s26], $0xFA0  }
0x32: {  	[sflag:s26] =	ssyncset.done $0x0  }
0x33: {  	[sflag:s26] =	ssyncadd.s32 $0xFFFFF060  }
0x34: {  	[spmem:s2] =	stream.indirect.scatter.add.bf16 [tilespmem:s19], [sflag:$0x2], $0x20, s17, s18, $0xb8;
	[tilespmem:$0x16B20] =	vst v63  }
0x35: {  	s7 =	simm.s32 $0x300  }
0x36: {  	[tilespmem:s31], [sflag:$0x1] =	stream.indirect.gather [hbm4b:s8+s18], $0x20, s7, s18, $0xb8;
	[tilespmem:$0x16B20] =	vst v63  }
0x37: {  	_ =	swait.ge [sflag:s26], $0xFA0  }
0x38: {  	[sflag:s26] =	ssyncset.done $0x0  }
0x39: {  	s9 =	simm.s32 $0x5080;
	[sflag:s26] =	ssyncadd.s32 $0xFFFFF060  }
0x3a: {  	[spmem:s2] =	stream.indirect.scatter.add.bf16 [tilespmem:s21], [sflag:$0x2], $0x20, s9, s18, $0xb8;
	[tilespmem:$0x16B20] =	vst v63  }
0x3b: {  	s7 =	simm.s32 $0x380  }
0x3c: {  	[tilespmem:s1], [sflag:$0x1] =	stream.indirect.gather [hbm4b:s8+s18], $0x20, s7, s18, $0xb8;
	[tilespmem:$0x16B20] =	vst v63  }
0x3d: {  	_ =	swait.ge [sflag:s26], $0xFA0  }
0x3e: {  	[sflag:s26] =	ssyncset.done $0x0  }
0x3f: {  	s9 =	simm.s32 $0x5100;
	[sflag:s26] =	ssyncadd.s32 $0xFFFFF060  }
0x40: {  	[spmem:s2] =	stream.indirect.scatter.add.bf16 [tilespmem:s28], [sflag:$0x2], $0x20, s9, s18, $0xb8;
	[tilespmem:$0x16B20] =	vst v63  }
0x41: {  	_ =	swait.ge [sflag:s29], $0xFA0  }
0x42: {  	[sflag:s29] =	ssyncset.done $0x0  }
0x43: {  	s7 =	simm.s32 $0x400;
	[sflag:s29] =	ssyncadd.s32 $0xFFFFF060  }
0x44: {  	[tilespmem:s19], [sflag:$0x1] =	stream.indirect.gather [hbm4b:s8+s18], $0x20, s7, s18, $0xb8;
	[tilespmem:$0x16B20] =	vst v63  }
0x45: {  	_ =	swait.ge [sflag:s26], $0xFA0  }
0x46: {  	[sflag:s26] =	ssyncset.done $0x0  }
0x47: {  	s9 =	simm.s32 $0x5180;
	[sflag:s26] =	ssyncadd.s32 $0xFFFFF060  }
0x48: {  	[spmem:s2] =	stream.indirect.scatter.add.bf16 [tilespmem:s30], [sflag:$0x2], $0x20, s9, s18, $0xb8;
	[tilespmem:$0x16B20] =	vst v63  }
0x49: {  	_ =	swait.ge [sflag:s29], $0xFA0  }
0x4a: {  	[sflag:s29] =	ssyncset.done $0x0  }
0x4b: {  	s7 =	simm.s32 $0x480;
	[sflag:s29] =	ssyncadd.s32 $0xFFFFF060  }
0x4c: {  	[tilespmem:s21], [sflag:$0x1] =	stream.indirect.gather [hbm4b:s8+s18], $0x20, s7, s18, $0xb8;
	[tilespmem:$0x16B20] =	vst v63  }
0x4d: {  	_ =	swait.ge [sflag:s26], $0xFA0  }
0x4e: {  	[sflag:s26] =	ssyncset.done $0x0  }
0x4f: {  	s9 =	simm.s32 $0x5200;
	[sflag:s26] =	ssyncadd.s32 $0xFFFFF060  }
0x50: {  	[spmem:s2] =	stream.indirect.scatter.add.bf16 [tilespmem:s0], [sflag:$0x2], $0x20, s9, s18, $0xb8;
	[tilespmem:$0x16B20] =	vst v63  }
0x51: {  	_ =	swait.ge [sflag:s29], $0xFA0  }
0x52: {  	[sflag:s29] =	ssyncset.done $0x0  }
0x53: {  	s7 =	simm.s32 $0x500;
	[sflag:s29] =	ssyncadd.s32 $0xFFFFF060  }
0x54: {  	[tilespmem:s28], [sflag:$0x1] =	stream.indirect.gather [hbm4b:s8+s18], $0x20, s7, s18, $0xb8;
	[tilespmem:$0x16B20] =	vst v63  }
0x55: {  	_ =	swait.ge [sflag:s26], $0xFA0  }
0x56: {  	[sflag:s26] =	ssyncset.done $0x0  }
0x57: {  	s9 =	simm.s32 $0x5280;
	[sflag:s26] =	ssyncadd.s32 $0xFFFFF060  }
0x58: {  	[spmem:s2] =	stream.indirect.scatter.add.bf16 [tilespmem:s20], [sflag:$0x2], $0x20, s9, s18, $0xb8;
	[tilespmem:$0x16B20] =	vst v63  }
0x59: {  	_ =	swait.ge [sflag:s29], $0xFA0  }
0x5a: {  	[sflag:s29] =	ssyncset.done $0x0  }
0x5b: {  	s7 =	simm.s32 $0x580;
	[sflag:s29] =	ssyncadd.s32 $0xFFFFF060  }
0x5c: {  	[tilespmem:s30], [sflag:$0x1] =	stream.indirect.gather [hbm4b:s8+s18], $0x20, s7, s18, $0xb8;
	[tilespmem:$0x16B20] =	vst v63  }
0x5d: {  	_ =	swait.ge [sflag:s26], $0xFA0  }
0x5e: {  	[sflag:s26] =	ssyncset.done $0x0  }
0x5f: {  	s9 =	simm.s32 $0x5300;
	[sflag:s26] =	ssyncadd.s32 $0xFFFFF060  }
0x60: {  	[spmem:s2] =	stream.indirect.scatter.add.bf16 [tilespmem:s31], [sflag:$0x2], $0x20, s9, s18, $0xb8;
	[tilespmem:$0x16B20] =	vst v63  }
0x61: {  	_ =	swait.ge [sflag:s29], $0xFA0  }
0x62: {  	[sflag:s29] =	ssyncset.done $0x0  }
0x63: {  	s7 =	simm.s32 $0x600;
	[sflag:s29] =	ssyncadd.s32 $0xFFFFF060  }
0x64: {  	[tilespmem:s0], [sflag:$0x1] =	stream.indirect.gather [hbm4b:s8+s18], $0x20, s7, s18, $0xb8;
	[tilespmem:$0x16B20] =	vst v63  }
0x65: {  	_ =	swait.ge [sflag:s26], $0xFA0  }
0x66: {  	[sflag:s26] =	ssyncset.done $0x0  }
0x67: {  	s9 =	simm.s32 $0x5380;
	[sflag:s26] =	ssyncadd.s32 $0xFFFFF060  }
0x68: {  	[spmem:s2] =	stream.indirect.scatter.add.bf16 [tilespmem:s1], [sflag:$0x2], $0x20, s9, s18, $0xb8;
	[tilespmem:$0x16B20] =	vst v63  }
0x69: {  	_ =	swait.ge [sflag:s29], $0xFA0  }
0x6a: {  	[sflag:s29] =	ssyncset.done $0x0  }
0x6b: {  	s7 =	simm.s32 $0x680;
	[sflag:s29] =	ssyncadd.s32 $0xFFFFF060  }
0x6c: {  	[tilespmem:s20], [sflag:$0x1] =	stream.indirect.gather [hbm4b:s8+s18], $0x20, s7, s18, $0xb8;
	[tilespmem:$0x16B20] =	vst v63  }
0x6d: {  	_ =	swait.ge [sflag:s26], $0xFA0  }
0x6e: {  	[sflag:s26] =	ssyncset.done $0x0  }
0x6f: {  	s9 =	simm.s32 $0x5400;
	[sflag:s26] =	ssyncadd.s32 $0xFFFFF060  }
0x70: {  	[spmem:s2] =	stream.indirect.scatter.add.bf16 [tilespmem:s19], [sflag:$0x2], $0x20, s9, s18, $0xb8;
	[tilespmem:$0x16B20] =	vst v63  }
0x71: {  	_ =	swait.ge [sflag:s29], $0xFA0  }
0x72: {  	[sflag:s29] =	ssyncset.done $0x0  }
0x73: {  	s7 =	simm.s32 $0x700;
	[sflag:s29] =	ssyncadd.s32 $0xFFFFF060  }
0x74: {  	[tilespmem:s31], [sflag:$0x1] =	stream.indirect.gather [hbm4b:s8+s18], $0x20, s7, s18, $0xb8;
	[tilespmem:$0x16B20] =	vst v63  }
0x75: {  	_ =	swait.ge [sflag:s26], $0xFA0  }
0x76: {  	[sflag:s26] =	ssyncset.done $0x0  }
0x77: {  	s9 =	simm.s32 $0x5480;
	[sflag:s26] =	ssyncadd.s32 $0xFFFFF060  }
0x78: {  	[spmem:s2] =	stream.indirect.scatter.add.bf16 [tilespmem:s21], [sflag:$0x2], $0x20, s9, s18, $0xb8;
	[tilespmem:$0x16B20] =	vst v63  }
0x79: {  	_ =	swait.ge [sflag:s29], $0xFA0  }
0x7a: {  	[sflag:s29] =	ssyncset.done $0x0  }
0x7b: {  	s7 =	simm.s32 $0x780;
	[sflag:s29] =	ssyncadd.s32 $0xFFFFF060  }
0x7c: {  	[tilespmem:s1], [sflag:$0x1] =	stream.indirect.gather [hbm4b:s8+s18], $0x20, s7, s18, $0xb8;
	[tilespmem:$0x16B20] =	vst v63  }
0x7d: {  	_ =	swait.ge [sflag:s26], $0xFA0  }
0x7e: {  	[sflag:s26] =	ssyncset.done $0x0  }
0x7f: {  	s9 =	simm.s32 $0x5500;
	[sflag:s26] =	ssyncadd.s32 $0xFFFFF060  }
0x80: {  	[spmem:s2] =	stream.indirect.scatter.add.bf16 [tilespmem:s28], [sflag:$0x2], $0x20, s9, s18, $0xb8;
	[tilespmem:$0x16B20] =	vst v63  }
0x81: {  	_ =	swait.ge [sflag:s29], $0xFA0  }
0x82: {  	[sflag:s29] =	ssyncset.done $0x0  }
0x83: {  	s7 =	simm.s32 $0x800;
	[sflag:s29] =	ssyncadd.s32 $0xFFFFF060  }
0x84: {  	[tilespmem:s19], [sflag:$0x1] =	stream.indirect.gather [hbm4b:s8+s18], $0x20, s7, s18, $0xb8;
	[tilespmem:$0x16B20] =	vst v63  }
0x85: {  	_ =	swait.ge [sflag:s26], $0xFA0  }
0x86: {  	[sflag:s26] =	ssyncset.done $0x0  }
0x87: {  	s9 =	simm.s32 $0x5580;
	[sflag:s26] =	ssyncadd.s32 $0xFFFFF060  }
0x88: {  	[spmem:s2] =	stream.indirect.scatter.add.bf16 [tilespmem:s30], [sflag:$0x2], $0x20, s9, s18, $0xb8;
	[tilespmem:$0x16B20] =	vst v63  }
0x89: {  	_ =	swait.ge [sflag:s29], $0xFA0  }
0x8a: {  	[sflag:s29] =	ssyncset.done $0x0  }
0x8b: {  	s7 =	simm.s32 $0x880;
	[sflag:s29] =	ssyncadd.s32 $0xFFFFF060  }
0x8c: {  	[tilespmem:s21], [sflag:$0x1] =	stream.indirect.gather [hbm4b:s8+s18], $0x20, s7, s18, $0xb8;
	[tilespmem:$0x16B20] =	vst v63  }
0x8d: {  	_ =	swait.ge [sflag:s26], $0xFA0  }
0x8e: {  	[sflag:s26] =	ssyncset.done $0x0  }
0x8f: {  	s9 =	simm.s32 $0x5600;
	[sflag:s26] =	ssyncadd.s32 $0xFFFFF060  }
0x90: {  	[spmem:s2] =	stream.indirect.scatter.add.bf16 [tilespmem:s0], [sflag:$0x2], $0x20, s9, s18, $0xb8;
	[tilespmem:$0x16B20] =	vst v63  }
0x91: {  	_ =	swait.ge [sflag:s29], $0xFA0  }
0x92: {  	[sflag:s29] =	ssyncset.done $0x0  }
0x93: {  	s7 =	simm.s32 $0x900;
	[sflag:s29] =	ssyncadd.s32 $0xFFFFF060  }
0x94: {  	[tilespmem:s28], [sflag:$0x1] =	stream.indirect.gather [hbm4b:s8+s18], $0x20, s7, s18, $0xb8;
	[tilespmem:$0x16B20] =	vst v63  }
0x95: {  	_ =	swait.ge [sflag:s26], $0xFA0  }
0x96: {  	[sflag:s26] =	ssyncset.done $0x0  }
0x97: {  	s9 =	simm.s32 $0x5680;
	[sflag:s26] =	ssyncadd.s32 $0xFFFFF060  }
0x98: {  	[spmem:s2] =	stream.indirect.scatter.add.bf16 [tilespmem:s20], [sflag:$0x2], $0x20, s9, s18, $0xb8;
	[tilespmem:$0x16B20] =	vst v63  }
0x99: {  	_ =	swait.ge [sflag:s29], $0xFA0  }
0x9a: {  	[sflag:s29] =	ssyncset.done $0x0  }
0x9b: {  	s7 =	simm.s32 $0x980;
	[sflag:s29] =	ssyncadd.s32 $0xFFFFF060  }
0x9c: {  	[tilespmem:s30], [sflag:$0x1] =	stream.indirect.gather [hbm4b:s8+s18], $0x20, s7, s18, $0xb8;
	[tilespmem:$0x16B20] =	vst v63  }
0x9d: {  	_ =	swait.ge [sflag:s26], $0xFA0  }
0x9e: {  	[sflag:s26] =	ssyncset.done $0x0  }
0x9f: {  	s9 =	simm.s32 $0x5700;
	[sflag:s26] =	ssyncadd.s32 $0xFFFFF060  }
0xa0: {  	[spmem:s2] =	stream.indirect.scatter.add.bf16 [tilespmem:s31], [sflag:$0x2], $0x20, s9, s18, $0xb8;
	[tilespmem:$0x16B20] =	vst v63  }
0xa1: {  	_ =	swait.ge [sflag:s29], $0xFA0  }
0xa2: {  	[sflag:s29] =	ssyncset.done $0x0  }
0xa3: {  	s7 =	simm.s32 $0xA00;
	[sflag:s29] =	ssyncadd.s32 $0xFFFFF060  }
0xa4: {  	[tilespmem:s0], [sflag:$0x1] =	stream.indirect.gather [hbm4b:s8+s18], $0x20, s7, s18, $0xb8;
	[tilespmem:$0x16B20] =	vst v63  }
0xa5: {  	_ =	swait.ge [sflag:s26], $0xFA0  }
0xa6: {  	[sflag:s26] =	ssyncset.done $0x0  }
0xa7: {  	s9 =	simm.s32 $0x5780;
	[sflag:s26] =	ssyncadd.s32 $0xFFFFF060  }
0xa8: {  	[spmem:s2] =	stream.indirect.scatter.add.bf16 [tilespmem:s1], [sflag:$0x2], $0x20, s9, s18, $0xb8;
	[tilespmem:$0x16B20] =	vst v63  }
0xa9: {  	_ =	swait.ge [sflag:s29], $0xFA0  }
0xaa: {  	[sflag:s29] =	ssyncset.done $0x0  }
0xab: {  	s6 =	simm.s32 $0x1000;
	s7 =	simm.s32 $0xA80;
	[sflag:s29] =	ssyncadd.s32 $0xFFFFF060  }
.LBB2_2:
0xac: {  	[tilespmem:s20], [sflag:$0x1] =	stream.indirect.gather [hbm4b:s8+s18], $0x20, s7, s18, $0xb8;
	[tilespmem:$0x16B20] =	vst v63  }
0xad: {  	s7 =	smov.u32 s6  }
0xae: {  	p0 =	sne.s32 s6, $0x11000;
	s6 =	sadd.s32 $0x1000, s6;
	_ =	swait.ge [sflag:s26], $0xFA0  }
0xaf: {  	s7 =	sshra.s32 s7, $0x2;
	[sflag:s26] =	ssyncset.done $0x0  }
0xb0: {  	s9 =	sadd.s32 $0x5400, s7;
	[sflag:s26] =	ssyncadd.s32 $0xFFFFF060  }
0xb1: {  	[spmem:s2] =	stream.indirect.scatter.add.bf16 [tilespmem:s19], [sflag:$0x2], $0x20, s9, s18, $0xb8;
	[tilespmem:$0x16B20] =	vst v63  }
0xb2: {  	_ =	swait.ge [sflag:s29], $0xFA0  }
0xb3: {  	[sflag:s29] =	ssyncset.done $0x0  }
0xb4: {  	s9 =	sadd.s32 $0x700, s7;
	[sflag:s29] =	ssyncadd.s32 $0xFFFFF060  }
0xb5: {  	[tilespmem:s31], [sflag:$0x1] =	stream.indirect.gather [hbm4b:s8+s18], $0x20, s9, s18, $0xb8;
	[tilespmem:$0x16B20] =	vst v63  }
0xb6: {  	_ =	swait.ge [sflag:s26], $0xFA0  }
0xb7: {  	[sflag:s26] =	ssyncset.done $0x0  }
0xb8: {  	s9 =	sadd.s32 $0x5480, s7;
	[sflag:s26] =	ssyncadd.s32 $0xFFFFF060  }
0xb9: {  	[spmem:s2] =	stream.indirect.scatter.add.bf16 [tilespmem:s21], [sflag:$0x2], $0x20, s9, s18, $0xb8;
	[tilespmem:$0x16B20] =	vst v63  }
0xba: {  	_ =	swait.ge [sflag:s29], $0xFA0  }
0xbb: {  	[sflag:s29] =	ssyncset.done $0x0  }
0xbc: {  	s9 =	sadd.s32 $0x780, s7;
	[sflag:s29] =	ssyncadd.s32 $0xFFFFF060  }
0xbd: {  	[tilespmem:s1], [sflag:$0x1] =	stream.indirect.gather [hbm4b:s8+s18], $0x20, s9, s18, $0xb8;
	[tilespmem:$0x16B20] =	vst v63  }
0xbe: {  	_ =	swait.ge [sflag:s26], $0xFA0  }
0xbf: {  	[sflag:s26] =	ssyncset.done $0x0  }
0xc0: {  	s9 =	sadd.s32 $0x5500, s7;
	[sflag:s26] =	ssyncadd.s32 $0xFFFFF060  }
0xc1: {  	[spmem:s2] =	stream.indirect.scatter.add.bf16 [tilespmem:s28], [sflag:$0x2], $0x20, s9, s18, $0xb8;
	[tilespmem:$0x16B20] =	vst v63  }
0xc2: {  	_ =	swait.ge [sflag:s29], $0xFA0  }
0xc3: {  	[sflag:s29] =	ssyncset.done $0x0  }
0xc4: {  	s9 =	sadd.s32 $0x800, s7;
	[sflag:s29] =	ssyncadd.s32 $0xFFFFF060  }
0xc5: {  	[tilespmem:s19], [sflag:$0x1] =	stream.indirect.gather [hbm4b:s8+s18], $0x20, s9, s18, $0xb8;
	[tilespmem:$0x16B20] =	vst v63  }
0xc6: {  	_ =	swait.ge [sflag:s26], $0xFA0  }
0xc7: {  	[sflag:s26] =	ssyncset.done $0x0  }
0xc8: {  	s9 =	sadd.s32 $0x5580, s7;
	[sflag:s26] =	ssyncadd.s32 $0xFFFFF060  }
0xc9: {  	[spmem:s2] =	stream.indirect.scatter.add.bf16 [tilespmem:s30], [sflag:$0x2], $0x20, s9, s18, $0xb8;
	[tilespmem:$0x16B20] =	vst v63  }
0xca: {  	_ =	swait.ge [sflag:s29], $0xFA0  }
0xcb: {  	[sflag:s29] =	ssyncset.done $0x0  }
0xcc: {  	s9 =	sadd.s32 $0x880, s7;
	[sflag:s29] =	ssyncadd.s32 $0xFFFFF060  }
0xcd: {  	[tilespmem:s21], [sflag:$0x1] =	stream.indirect.gather [hbm4b:s8+s18], $0x20, s9, s18, $0xb8;
	[tilespmem:$0x16B20] =	vst v63  }
0xce: {  	_ =	swait.ge [sflag:s26], $0xFA0  }
0xcf: {  	[sflag:s26] =	ssyncset.done $0x0  }
0xd0: {  	s9 =	sadd.s32 $0x5600, s7;
	[sflag:s26] =	ssyncadd.s32 $0xFFFFF060  }
0xd1: {  	[spmem:s2] =	stream.indirect.scatter.add.bf16 [tilespmem:s0], [sflag:$0x2], $0x20, s9, s18, $0xb8;
	[tilespmem:$0x16B20] =	vst v63  }
0xd2: {  	_ =	swait.ge [sflag:s29], $0xFA0  }
0xd3: {  	[sflag:s29] =	ssyncset.done $0x0  }
0xd4: {  	s9 =	sadd.s32 $0x900, s7;
	[sflag:s29] =	ssyncadd.s32 $0xFFFFF060  }
0xd5: {  	[tilespmem:s28], [sflag:$0x1] =	stream.indirect.gather [hbm4b:s8+s18], $0x20, s9, s18, $0xb8;
	[tilespmem:$0x16B20] =	vst v63  }
0xd6: {  	_ =	swait.ge [sflag:s26], $0xFA0  }
0xd7: {  	[sflag:s26] =	ssyncset.done $0x0  }
0xd8: {  	s9 =	sadd.s32 $0x5680, s7;
	[sflag:s26] =	ssyncadd.s32 $0xFFFFF060  }
0xd9: {  	[spmem:s2] =	stream.indirect.scatter.add.bf16 [tilespmem:s20], [sflag:$0x2], $0x20, s9, s18, $0xb8;
	[tilespmem:$0x16B20] =	vst v63  }
0xda: {  	_ =	swait.ge [sflag:s29], $0xFA0  }
0xdb: {  	[sflag:s29] =	ssyncset.done $0x0  }
0xdc: {  	s9 =	sadd.s32 $0x980, s7;
	[sflag:s29] =	ssyncadd.s32 $0xFFFFF060  }
0xdd: {  	[tilespmem:s30], [sflag:$0x1] =	stream.indirect.gather [hbm4b:s8+s18], $0x20, s9, s18, $0xb8;
	[tilespmem:$0x16B20] =	vst v63  }
0xde: {  	_ =	swait.ge [sflag:s26], $0xFA0  }
0xdf: {  	[sflag:s26] =	ssyncset.done $0x0  }
0xe0: {  	s9 =	sadd.s32 $0x5700, s7;
	[sflag:s26] =	ssyncadd.s32 $0xFFFFF060  }
0xe1: {  	[spmem:s2] =	stream.indirect.scatter.add.bf16 [tilespmem:s31], [sflag:$0x2], $0x20, s9, s18, $0xb8;
	[tilespmem:$0x16B20] =	vst v63  }
0xe2: {  	_ =	swait.ge [sflag:s29], $0xFA0  }
0xe3: {  	[sflag:s29] =	ssyncset.done $0x0  }
0xe4: {  	s9 =	sadd.s32 $0xA00, s7;
	[sflag:s29] =	ssyncadd.s32 $0xFFFFF060  }
0xe5: {  	[tilespmem:s0], [sflag:$0x1] =	stream.indirect.gather [hbm4b:s8+s18], $0x20, s9, s18, $0xb8;
	[tilespmem:$0x16B20] =	vst v63  }
0xe6: {  	_ =	swait.ge [sflag:s26], $0xFA0  }
0xe7: {  	[sflag:s26] =	ssyncset.done $0x0  }
.Ltmp0:
0xe8: {  	s9 =	sadd.s32 $0x5780, s7;
	[sflag:s26] =	ssyncadd.s32 $0xFFFFF060;
	(pc) =	sbr.rel @p0 .LBB2_2-.Ltmp0, $4  }
0xe9: {  	[spmem:s2] =	stream.indirect.scatter.add.bf16 [tilespmem:s1], [sflag:$0x2], $0x20, s9, s18, $0xb8;
	[tilespmem:$0x16B20] =	vst v63  }
0xea: {  	_ =	swait.ge [sflag:s29], $0xFA0  }
0xeb: {  	[sflag:s29] =	ssyncset.done $0x0  }
0xec: {  	s7 =	sadd.s32 $0xA80, s7;
	[sflag:s29] =	ssyncadd.s32 $0xFFFFF060  }
0xed: {  	[tilespmem:s20], [sflag:$0x1] =	stream.indirect.gather [hbm4b:s8+s18], $0x20, s7, s18, $0xb8;
	[tilespmem:$0x16B20] =	vst v63  }
0xee: {  	_ =	swait.ge [sflag:s26], $0xFA0  }
0xef: {  	[sflag:s26] =	ssyncset.done $0x0  }
0xf0: {  	s6 =	simm.s32 $0x9C00;
	[sflag:s26] =	ssyncadd.s32 $0xFFFFF060  }
0xf1: {  	[spmem:s2] =	stream.indirect.scatter.add.bf16 [tilespmem:s19], [sflag:$0x2], $0x20, s6, s18, $0xb8;
	[tilespmem:$0x16B20] =	vst v63  }
0xf2: {  	_ =	swait.ge [sflag:s29], $0xFA0  }
0xf3: {  	[sflag:s29] =	ssyncset.done $0x0  }
0xf4: {  	s7 =	simm.s32 $0x4F00;
	[sflag:s29] =	ssyncadd.s32 $0xFFFFF060  }
0xf5: {  	[tilespmem:s31], [sflag:$0x1] =	stream.indirect.gather [hbm4b:s8+s18], $0x20, s7, s18, $0xb8;
	[tilespmem:$0x16B20] =	vst v63  }
0xf6: {  	_ =	swait.ge [sflag:s26], $0xFA0  }
0xf7: {  	[sflag:s26] =	ssyncset.done $0x0  }
0xf8: {  	s9 =	simm.s32 $0x9C80;
	[sflag:s26] =	ssyncadd.s32 $0xFFFFF060  }
0xf9: {  	[spmem:s2] =	stream.indirect.scatter.add.bf16 [tilespmem:s21], [sflag:$0x2], $0x20, s9, s18, $0xb8;
	[tilespmem:$0x16B20] =	vst v63  }
0xfa: {  	_ =	swait.ge [sflag:s29], $0xFA0  }
0xfb: {  	[sflag:s29] =	ssyncset.done $0x0  }
0xfc: {  	s7 =	simm.s32 $0x4F80;
	[sflag:s29] =	ssyncadd.s32 $0xFFFFF060  }
0xfd: {  	[tilespmem:s1], [sflag:$0x1] =	stream.indirect.gather [hbm4b:s8+s18], $0x20, s7, s18, $0xb8;
	[tilespmem:$0x16B20] =	vst v63  }
0xfe: {  	_ =	swait.ge [sflag:s26], $0xFA0  }
0xff: {  	[sflag:s26] =	ssyncset.done $0x0  }
0x100: {  	s9 =	simm.s32 $0x9D00;
	[sflag:s26] =	ssyncadd.s32 $0xFFFFF060  }
0x101: {  	[spmem:s2] =	stream.indirect.scatter.add.bf16 [tilespmem:s28], [sflag:$0x2], $0x20, s9, s18, $0xb8;
	[tilespmem:$0x16B20] =	vst v63  }
0x102: {  	_ =	swait.ge [sflag:s29], $0xFA0  }
0x103: {  	[sflag:s29] =	ssyncset.done $0x0  }
0x104: {  	[sflag:s29] =	ssyncadd.s32 $0xFFFFF060  }
0x105: {  	_ =	swait.ge [sflag:s26], $0xFA0  }
0x106: {  	[sflag:s26] =	ssyncset.done $0x0  }
0x107: {  	s7 =	simm.s32 $0x9D80;
	[sflag:s26] =	ssyncadd.s32 $0xFFFFF060  }
0x108: {  	[spmem:s2] =	stream.indirect.scatter.add.bf16 [tilespmem:s30], [sflag:$0x2], $0x20, s7, s18, $0xb8;
	[tilespmem:$0x16B20] =	vst v63  }
0x109: {  	_ =	swait.ge [sflag:s29], $0xFA0  }
0x10a: {  	[sflag:s29] =	ssyncset.done $0x0  }
0x10b: {  	[sflag:s29] =	ssyncadd.s32 $0xFFFFF060  }
0x10c: {  	_ =	swait.ge [sflag:s26], $0xFA0  }
0x10d: {  	[sflag:s26] =	ssyncset.done $0x0  }
0x10e: {  	s9 =	simm.s32 $0x9E00;
	[sflag:s26] =	ssyncadd.s32 $0xFFFFF060  }
0x10f: {  	[spmem:s2] =	stream.indirect.scatter.add.bf16 [tilespmem:s0], [sflag:$0x2], $0x20, s9, s18, $0xb8;
	[tilespmem:$0x16B20] =	vst v63  }
0x110: {  	_ =	swait.ge [sflag:s26], $0xFA0  }
0x111: {  	[sflag:s26] =	ssyncset.done $0x0  }
0x112: {  	s7 =	simm.s32 $0x9E80;
	[sflag:s26] =	ssyncadd.s32 $0xFFFFF060  }
0x113: {  	[spmem:s2] =	stream.indirect.scatter.add.bf16 [tilespmem:s20], [sflag:$0x2], $0x20, s7, s18, $0xb8;
	[tilespmem:$0x16B20] =	vst v63  }
0x114: {  	_ =	swait.ge [sflag:s26], $0xFA0  }
0x115: {  	[sflag:s26] =	ssyncset.done $0x0  }
0x116: {  	s9 =	simm.s32 $0x9F00;
	[sflag:s26] =	ssyncadd.s32 $0xFFFFF060  }
0x117: {  	[spmem:s2] =	stream.indirect.scatter.add.bf16 [tilespmem:s31], [sflag:$0x2], $0x20, s9, s18, $0xb8;
	[tilespmem:$0x16B20] =	vst v63  }
0x118: {  	_ =	swait.ge [sflag:s26], $0xFA0  }
0x119: {  	[sflag:s26] =	ssyncset.done $0x0  }
0x11a: {  	s7 =	simm.s32 $0x9F80;
	[sflag:s26] =	ssyncadd.s32 $0xFFFFF060  }
0x11b: {  	[spmem:s2] =	stream.indirect.scatter.add.bf16 [tilespmem:s1], [sflag:$0x2], $0x20, s7, s18, $0xb8;
	[tilespmem:$0x16B20] =	vst v63  }
0x11c: {  	_ =	swait.ge [sflag:s29], $0xFA0  }
0x11d: {  	[sflag:s29] =	ssyncset.done $0x0  }
0x11e: {  	[sflag:s29] =	ssyncadd.s32 $0xFFFFF060  }
0x11f: {  	_ =	swait.ge [sflag:s29], $0xFA0  }
0x120: {  	[sflag:s29] =	ssyncset.done $0x0  }
0x121: {  	[sflag:s29] =	ssyncadd.s32 $0xFFFFF060  }
0x122: {  	_ =	swait.ge [sflag:s29], $0xFA0  }
0x123: {  	[sflag:s29] =	ssyncset.done $0x0  }
0x124: {  	[sflag:s29] =	ssyncadd.s32 $0xFFFFF060  }
0x125: {  	_ =	swait.ge [sflag:s29], $0xFA0  }
0x126: {  	[sflag:s29] =	ssyncset.done $0x0  }
0x127: {  	[sflag:s29] =	ssyncadd.s32 $0xFFFFF060  }
0x128: {  	_ =	swait.ge [sflag:s29], $0xFA0  }
0x129: {  	[sflag:s29] =	ssyncset.done $0x0  }
0x12a: {  	[sflag:s29] =	ssyncadd.s32 $0xFFFFF060  }
0x12b: {  	_ =	swait.ge [sflag:s29], $0xFA0  }
0x12c: {  	[sflag:s29] =	ssyncset.done $0x0  }
0x12d: {  	[sflag:s29] =	ssyncadd.s32 $0xFFFFF060  }
0x12e: {  	[bflag:$0x0] =	sbarrier.arrive $0xFFFF  }
0x12f: {  	s9 =	rddreg [dreg:$0x6]  }
0x130: {  	[hbm:s9], [sflag:s5] =	dma.local [spmem:s15], $0x1F4  }
0x131: {  	_ =	swait.ge [sflag:s16], $0x1F4  }
0x132: {  	[sflag:s16] =	ssyncset.done $0x0  }
0x133: {  	[sflag:s16] =	ssyncadd.s32 $0xFFFFFE0C  }
0x134: {  	[hbm:s10], [sflag:s5] =	dma.local [spmem:s22], $0x1F4  }
0x135: {  	_ =	swait.ge [sflag:s16], $0x1F4  }
0x136: {  	[sflag:s16] =	ssyncset.done $0x0  }
0x137: {  	[sflag:s16] =	ssyncadd.s32 $0xFFFFFE0C  }
0x138: {  	[hbm:s11], [sflag:s5] =	dma.local [spmem:s23], $0x1F4  }
0x139: {  	_ =	swait.ge [sflag:s16], $0x1F4  }
0x13a: {  	[sflag:s16] =	ssyncset.done $0x0  }
0x13b: {  	[sflag:s16] =	ssyncadd.s32 $0xFFFFFE0C  }
0x13c: {  	[hbm:s12], [sflag:s5] =	dma.local [spmem:s24], $0x1F4  }
0x13d: {  	s4 =	sadd.s32 $0x1, s4;
	_ =	swait.ge [sflag:s16], $0x1F4  }
0x13e: {  	p0 =	sne.s32 s4, s14;
	[sflag:s16] =	ssyncset.done $0x0  }
.Ltmp1:
0x13f: {  	[sflag:s16] =	ssyncadd.s32 $0xFFFFFE0C;
	(pc) =	sbr.rel @p0 .LBB2_1-.Ltmp1, $4  }
0x140: {  	[hbm:s13], [sflag:s5] =	dma.local [spmem:s25], $0x1F4  }
0x141: {  	_ =	swait.ge [sflag:s16], $0x1F4  }
0x142: {  	[sflag:s16] =	ssyncset.done $0x0  }
0x143: {  	[sflag:s16] =	ssyncadd.s32 $0xFFFFFE0C  }
0x144: {  	_ =	sfence.sel $0x180000  }
0x145: {  	[bflag:$0x0] =	sbarrier.arrive $0xFFFF  }
0x146: {  	_ =	strace $0x9000004A  }
0x147: {  	s0 =	stileid.u32;
	[bflag:$0x2] =	sbarrier.arrive $0xFFFF  }
0x148: {  	p0 =	sne.s32 s0, $0x0;
	s0 =	rddreg [dreg:$0x2]  }
0x149: {  	s0 =	sadd.s32 @!p0 $0x100000, s0  }
0x14a: {  	[sflag:s0] =	ssyncadd.tile.s32 @!p0 $0x1;
	_ =	shalt  }
.Lfunc_end2:
_tile_overlayer_lowered:
.L_overlay_start_2:
0x14b: {  	(tag) =	ssettag $0x2  }
0x14c: {  	s0 =	rddreg [dreg:$0x0];
	s2 =	stileid.u32  }
0x14d: {  	s1 =	rddreg [dreg:$0x1];
	p0 =	sne.s32 s2, $0x0  }
0x14e: {  	s3 =	rddreg [dreg:$0x2];
	[bflag:$0x3] =	sbarrier.arrive $0xFFFF;
	s2 =	simm.s32 @!p0 $0x1C03  }
0x14f: {  	[timem:s3], [sflag:s2] =	dma.local @!p0 [hbm:s0], s1  }
0x150: {  	s0 =	simm.s32 @!p0 $0x3  }
0x151: {  	_ =	swait.ge @!p0 [sflag:s0], s1  }
0x152: {  	s1 =	ssub.s32 @!p0 $0x0, s1;
	[sflag:s0] =	ssyncset.done @!p0 $0x0  }
0x153: {  	[sflag:s0] =	ssyncadd.s32 @!p0 s1  }
0x154: {  	[bflag:$0x3] =	sbarrier.arrive $0xFFFF  }
0x155: {  	_ =	shalt  }

// kernel: kernel.14.cloned.1.call-start
scs
__scs_entry_jumppad:
0x0: {  	(pc) =	sbr.rel $0x88, $3  }
0x1: {  	(tag) =	ssettag $0x0;
	lr =	simm.s32 $0x1  }
0x2: {  	[smem:$0x3F9B] =	sst lr;
	_ =	strace $0xD0000000  }
0x3: {  	_ = 	snop  }
0x4: {  	_ = 	snop  }
0x5: {  	_ = 	snop  }
0x6: {  	_ = 	snop  }
0x7: {  	_ = 	snop  }
__scs_overlays_trampoline_lowered:
0x8: {  	[smem:$0x3FAA] =	sst s0  }
0x9: {  	[smem:$0x3FAB] =	sst s1  }
0xa: {  	[smem:$0x3FAC] =	sst s2  }
0xb: {  	[smem:$0x3FAD] =	sst s3  }
0xc: {  	[smem:$0x3FAE] =	sst s4  }
0xd: {  	[smem:$0x3FAF] =	sst s5  }
0xe: {  	[smem:$0x3FB0] =	sst s6  }
0xf: {  	[smem:$0x3FB1] =	sst s7  }
0x10: {  	[smem:$0x3FB2] =	sst s8  }
0x11: {  	[smem:$0x3FB3] =	sst s9;
	s0 =	simm.s32 @!p0 $0x0  }
0x12: {  	s1 =	sld [smem:$0x3F99];
	s0 =	simm.s32 @p0 $0x1  }
0x13: {  	[smem:$0x3FB4] =	sst s0;
	s0 =	simm.s32 @!p1 $0x0  }
0x14: {  	s2 =	sld [smem:$0x3F98];
	s0 =	simm.s32 @p1 $0x1  }
0x15: {  	[smem:$0x3FB5] =	sst s0;
	s0 =	simm.s32 @!p2 $0x0  }
0x16: {  	s3 =	sld [smem:$0x3FDB];
	s0 =	simm.s32 @p2 $0x1  }
0x17: {  	s4 =	simm.s32 $0x1BF5;
	[smem:$0x3FB7] =	sst s0  }
0x18: {  	s0 =	sld [smem:$0x3F9A];
	_ =	swait.ge [sflag:s4], $0x0  }
0x19: {  	s7 =	sld [smem:$0x3F9B]  }
0x1a: {  	s8 =	sadd.s32 $0xFFFFE003, lr  }
0x1b: {  	s9 =	sadd.s32 $0xFFFFFEF7, lr;
	s5 =	simm.s32 $0xFFFFFFFF;
	p2 =	slt.u32 s8, $0xFFFFF086  }
0x1c: {  	p1 =	slt.u32 s9, $0xF7A;
	s5 =	simm.s32 @!p2 $0x0  }
0x1d: {  	s5 =	simm.s32 @p1 $0x1;
	p0 =	seq.s32 s7, s2  }
0x1e: {  	s7 =	smul.u32 @!p0 $0xF7A, s2;
	p2 =	seq.s32 @!p0 s5, $0x0  }
0x1f: {  	s9 =	smul.u32 $0xF7A, s1;
	s8 =	simm.s32 @!p0 $0x1BF5;
	p2 =	por !p2, p0  }
0x20: {  	[sflag:s8] =	ssyncset.s32 @!p0 $0xFFFFF086;
	s6 =	sadd.s32 @!p0 s3, s7;
	s7 =	simm.s32 @!p0 $0x108  }
0x21: {  	s3 =	sadd.s32 s3, s9;
	s6 =	sadd.s32 @!p0 $0x88, s6;
	s7 =	simm.s32 @p2 $0x1082  }
0x22: {  	[simem:s7], [sflag:s8] =	dma.local @!p0 [hbm:s6], $0xF7A  }
0x23: {  	s9 =	sor.u32 $0xD0000000, s2;
	s6 =	simm.s32 $0x108;
	_ =	swait.ge @!p0 [sflag:s8], $0x0  }
0x24: {  	s3 =	sadd.s32 $0x88, s3;
	s6 =	simm.s32 @!p1 $0x1082;
	[sflag:s4] =	ssyncset.s32 $0xFFFFF086  }
0x25: {  	[simem:s6], [sflag:s4] =	dma.local [hbm:s3], $0xF7A  }
0x26: {  	[smem:$0x3F9B] =	sst s1;
	(tag) =	ssettag s2;
	_ =	strace s9  }
0x27: {  	s1 =	sld [smem:$0x3FAB]  }
0x28: {  	s2 =	sld [smem:$0x3FAC]  }
0x29: {  	s4 =	sld [smem:$0x3FAE]  }
0x2a: {  	p0 =	seq.s32 s5, $0x0;
	s5 =	sld [smem:$0x3FAF]  }
0x2b: {  	s6 =	sld [smem:$0x3FB0]  }
0x2c: {  	s7 =	sld [smem:$0x3FB1]  }
0x2d: {  	s3 =	simm.s32 $0x108;
	s8 =	sld [smem:$0x3FB2]  }
0x2e: {  	s3 =	simm.s32 @!p0 $0x1082;
	s9 =	sld [smem:$0x3FB3]  }
0x2f: {  	lr =	sadd.s32 s0, s3;
	s0 =	sld [smem:$0x3FAA]  }
0x30: {  	s3 =	sld [smem:$0x3FAD]  }
0x31: {  	[smem:$0x3FB6] =	sst s10  }
0x32: {  	s10 =	sld [smem:$0x3FB4];
	_ =	sdelay $0x3  }
0x33: {  	p0 =	seq.s32 s10, $0x1;
	s10 =	sld [smem:$0x3FB6];
	_ =	sdelay $0x3  }
0x34: {  	[smem:$0x3FB6] =	sst s10  }
0x35: {  	s10 =	sld [smem:$0x3FB5];
	_ =	sdelay $0x3  }
0x36: {  	p1 =	seq.s32 s10, $0x1;
	s10 =	sld [smem:$0x3FB6];
	_ =	sdelay $0x3  }
0x37: {  	[smem:$0x3FB6] =	sst s10  }
0x38: {  	s10 =	sld [smem:$0x3FB7]  }
0x39: {  	_ = 	snop;
	(pc) =	sbr.ind lr, $3  }
0x3a: {  	_ = 	snop  }
0x3b: {  	_ = 	snop  }
0x3c: {  	p2 =	seq.s32 s10, $0x1;
	s10 =	sld [smem:$0x3FB6]  }
0x3d: {  	_ =	shalt  }
0x3e: {  	_ =	shalt  }
0x3f: {  	_ =	shalt  }
0x40: {  	_ =	shalt  }
0x41: {  	_ =	shalt  }
0x42: {  	_ =	shalt  }
0x43: {  	_ =	shalt  }
0x44: {  	_ =	shalt  }
0x45: {  	_ =	shalt  }
0x46: {  	_ =	shalt  }
0x47: {  	_ =	shalt  }
0x48: {  	_ =	shalt  }
0x49: {  	_ =	shalt  }
0x4a: {  	_ =	shalt  }
0x4b: {  	_ =	shalt  }
0x4c: {  	_ =	shalt  }
0x4d: {  	_ =	shalt  }
0x4e: {  	_ =	shalt  }
0x4f: {  	_ =	shalt  }
0x50: {  	_ =	shalt  }
0x51: {  	_ =	shalt  }
0x52: {  	_ =	shalt  }
0x53: {  	_ =	shalt  }
0x54: {  	_ =	shalt  }
0x55: {  	_ =	shalt  }
0x56: {  	_ =	shalt  }
0x57: {  	_ =	shalt  }
0x58: {  	_ =	shalt  }
0x59: {  	_ =	shalt  }
0x5a: {  	_ =	shalt  }
0x5b: {  	_ =	shalt  }
0x5c: {  	_ =	shalt  }
0x5d: {  	_ =	shalt  }
0x5e: {  	_ =	shalt  }
0x5f: {  	_ =	shalt  }
0x60: {  	_ =	shalt  }
0x61: {  	_ =	shalt  }
0x62: {  	_ =	shalt  }
0x63: {  	_ =	shalt  }
0x64: {  	_ =	shalt  }
0x65: {  	_ =	shalt  }
0x66: {  	_ =	shalt  }
0x67: {  	_ =	shalt  }
0x68: {  	_ =	shalt  }
0x69: {  	_ =	shalt  }
0x6a: {  	_ =	shalt  }
0x6b: {  	_ =	shalt  }
0x6c: {  	_ =	shalt  }
0x6d: {  	_ =	shalt  }
0x6e: {  	_ =	shalt  }
0x6f: {  	_ =	shalt  }
0x70: {  	_ =	shalt  }
0x71: {  	_ =	shalt  }
0x72: {  	_ =	shalt  }
0x73: {  	_ =	shalt  }
0x74: {  	_ =	shalt  }
0x75: {  	_ =	shalt  }
0x76: {  	_ =	shalt  }
0x77: {  	_ =	shalt  }
0x78: {  	_ =	shalt  }
0x79: {  	_ =	shalt  }
0x7a: {  	_ =	shalt  }
0x7b: {  	_ =	shalt  }
0x7c: {  	_ =	shalt  }
0x7d: {  	_ =	shalt  }
0x7e: {  	_ =	shalt  }
0x7f: {  	_ =	shalt  }
0x80: {  	_ =	shalt  }
0x81: {  	_ =	shalt  }
0x82: {  	_ =	shalt  }
0x83: {  	_ =	shalt  }
0x84: {  	_ =	shalt  }
0x85: {  	_ =	shalt  }
0x86: {  	_ =	shalt  }
0x87: {  	_ =	shalt  }
.Lfunc_end0:
.L_simem_size_0:
called_computation.2_lowered:
.L_overlay_start_0:
0x88: {  	s2 =	sld [smem:$0x3FD9]  }
0x89: {  	s3 =	sld [smem:$0x3FFE];
	_ =	sdelay $0x1  }
0x8a: {  	s1 =	srdreg.scid  }
0x8b: {  	s0 =	sand.u32 $0x1, s1  }
0x8c: {  	s16 =	sshll.u32 s0, $0xA;
	s2 =	sadd.s32 s3, s2  }
0x8d: {  	s2 =	sadd.s32 s2, s16  }
0x8e: {  	[smem:$0x3FC2] =	sst s2  }
0x8f: {  	_ = 	snop  }
0x90: {  	(tm) =	ssettm $0x1  }
0x91: {  	s17 =	sld [smem:$0x3FFB];
	_ =	sdelay $0x3  }
0x92: {  	_ =	strace s17  }
0x93: {  	s2 =	sld [smem:$0x3FFC];
	_ =	sdelay $0x3  }
0x94: {  	_ =	strace s2  }
0x95: {  	s2 =	sld [smem:$0x3FFD];
	_ =	sdelay $0x3  }
0x96: {  	_ =	strace s2  }
0x97: {  	_ =	strace $0x8FFFFFFF  }
0x98: {  	s18 =	sld [smem:$0x3FDB];
	_ =	sdelay $0x1  }
0x99: {  	s19 =	simm.s32 $_scs_section_size  }
0x9a: {  	s4 =	simm.s32 $_size__tile_overlayer_lowered;
	s5 =	simm.s32 $_tile_overlayer_lowered  }
0x9b: {  	s22 =	simm.s32 $0x1BFF;
	s21 =	sshll.u32 s5, $0x1;
	s2 =	sadd.s32 s19, s18  }
0x9c: {  	s6 =	simm.s32 $0x0;
	s20 =	sshll.u32 s4, $0x1;
	s4 =	sadd.s32 s21, s2  }
0x9d: {  	[timem:s6], [sflag:s22] =	dma.local [hbm:s4], s20  }
0x9e: {  	_ =	swait.ge [sflag:s22], s20  }
0x9f: {  	s3 =	ssub.s32 $0x0, s20;
	[sflag:s22] =	ssyncset.done $0x0  }
0xa0: {  	[sflag:s22] =	ssyncadd.s32 s3;
	_ =	sdelay $0x1  }
0xa1: {  	s23 =	simm.s32 $0x1B8B  }
0xa2: {  	_ =	swait.ge [sflag:s23], $0x1  }
0xa3: {  	[sflag:s23] =	ssyncset.done $0x0  }
0xa4: {  	s25 =	simm.s32 $0x1B8E;
	s24 =	sld [smem:$0x3FFE];
	[sflag:s23] =	ssyncadd.s32 $0xFFFFFFFF  }
0xa5: {  	s26 =	simm.s32 $execute0_lowered;
	[smem:$0x3FD2] =	sst s25  }
0xa6: {  	s4 =	sshll.u32 s26, $0x1;
	_ =	strace $0x8000004C;
	[dreg:$0x1] =	wrdreg $0xFFFFFFFF  }
0xa7: {  	s28 =	simm.s32 $_size_execute0_lowered;
	s2 =	sadd.s32 s2, s4;
	[dreg:$0x0] =	wrdreg $0x0  }
0xa8: {  	s4 =	sshll.u32 s28, $0x1;
	[dreg:$0x2] =	wrdreg s2  }
0xa9: {  	[dreg:$0x3] =	wrdreg s4  }
0xaa: {  	[dreg:$0x4] =	wrdreg $0xC0  }
0xab: {  	_ =	task [dreg:s6], $0x5FFFF  }
0xac: {  	[dreg:$0x1] =	wrdreg $0xFFFFFFFF  }
0xad: {  	[dreg:$0x0] =	wrdreg $0x60  }
0xae: {  	[dreg:$0x2] =	wrdreg s24  }
0xaf: {  	[dreg:$0x3] =	wrdreg $0x11D000  }
0xb0: {  	[dreg:$0x4] =	wrdreg $0x9  }
0xb1: {  	_ =	task.clear_ibuf [dreg:s6], $0x5FFFF;
	_ =	strace $0x9000004C  }
0xb2: {  	s29 =	simm.s32 $0x9;
	_ =	strace $0x8000004E  }
0xb3: {  	_ =	swait.ge [sflag:s29], $0x1  }
0xb4: {  	[sflag:s29] =	ssyncadd.s32 $0xFFFFFFFF  }
0xb5: {  	_ =	strace $0x9000004E  }
0xb6: {  	_ =	sfence  }
0xb7: {  	s30 =	sld [smem:$0x0];
	_ =	sdelay $0x2  }
0xb8: {  	s31 =	sshll.u32 s1, $0xD;
	s1 =	sshrl.u32 s1, $0x2  }
0xb9: {  	s3 =	sand.u32 $0x4000, s31;
	s1 =	sadd.s32 s1, s30  }
0xba: {  	s0 =	sor.u32 s3, s0;
	s1 =	sshll.u32 s1, $0x11  }
0xbb: {  	s0 =	sor.u32 s1, s0  }
0xbc: {  	s0 =	sadd.s32 $0x8F2B, s0  }
0xbd: {  	[sflag:s0] =	ssyncadd.remote.s32 $0x1  }
0xbe: {  	_ =	sfence.sel $0xFFFF  }
0xbf: {  	[dreg:$0x0] =	wrdreg $0xFFFFFFFF;
	(pc) =	sbr.abs _section_cstart, $3  }
0xc0: {  	[dreg:$0x1] =	wrdreg $0xFFFFFFFF  }
0xc1: {  	_ =	task.clear_ibuf [dreg:s6], $0x2FFFF;
	_ =	strace $0x9FFFFFFF  }
0xc2: {  	(tm) =	ssettm $0x7FFFFFFF  }
0xc3: {  	_ =	shalt  }
tec
execute0_lowered:
.L_overlay_start_1:
0x0: {  	(tag) =	ssettag $0x1  }
0x1: {  	s0 =	rddreg [dreg:$0x0];
	s1 =	srdreg.scid  }
0x2: {  	s2 =	rddreg [dreg:$0x1];
	s10 =	stileid.u32  }
0x3: {  	s3 =	simm.s32 $0x0;
	s16 =	simm.s32 $0x3;
	s28 =	simm.s32 $0xBF40  }
0x4: {  	s30 =	simm.s32 $0xCEE0;
	s31 =	simm.s32 $0xFDC0;
	s29 =	simm.s32 $0x2  }
0x5: {  	s1 =	sand.u32 $0x1, s1;
	s5 =	smul.u32 $0xA00, s10;
	[smem:$0x7FF] =	sst s3  }
0x6: {  	s17 =	sadd.s32 $0x16C00, s0;
	s18 =	smul.u32 $0x13880, s10;
	s19 =	sshll.u32 s10, $0x6  }
0x7: {  	s4 =	smul.u32 $0x9C40, s1;
	_ =	strace $0x8000004D;
	[dreg:$0x3] =	wrdreg s17  }
0x8: {  	s7 =	sshll.u32 s1, $0x4;
	s1 =	ssub.s32 $0x2, s1;
	s17 =	simm.s32 $0x5000  }
0x9: {  	s6 =	sadd.s32 s5, s0;
	s7 =	sor.u32 s10, s7;
	s8 =	sshrl.u32 s1, $0x1  }
0xa: {  	s5 =	sshrl.u32 s18, $0x2;
	s18 =	simm.s32 $0x7D;
	s4 =	sadd.s32 s4, s0  }
0xb: {  	s0 =	sadd.s32 $0x2B000, s0;
	s9 =	smul.u32 $0x9C40, s7;
	s1 =	ssub.s32 s1, s8  }
0xc: {  	s15 =	sadd.s32 s5, s2;
	s5 =	sor.u32 $0x1C03, s19;
	s21 =	sadd.s32 $0xCC00, s6  }
0xd: {  	s7 =	smul.u32 $0x9C4, s7;
	s6 =	sadd.s32 $0x2C00, s6;
	[dreg:$0x4] =	wrdreg s21  }
0xe: {  	s19 =	simm.s32 $0xA000;
	[dreg:$0x5] =	wrdreg s6;
	s8 =	sadd.s32 $0x17600, s4  }
0xf: {  	s23 =	sadd.s32 $0xFA0, s15;
	s24 =	sadd.s32 $0x1F40, s15;
	s25 =	sadd.s32 $0x2EE0, s15  }
0x10: {  	s26 =	sadd.s32 $0x3E80, s15;
	s14 =	smax.u32 s1, $0x1;
	s15 =	sshrl.u32 s15, $0x3  }
0x11: {  	s21 =	simm.s32 $0xAFA0;
	s1 =	simm.s32 $0x10D60;
	s20 =	sshrl.u32 s9, $0x4  }
0x12: {  	s4 =	simm.s32 $0x0;
	s22 =	sadd.s32 s0, s20;
	s0 =	sadd.s32 s0, s7  }
0x13: {  	s20 =	simm.s32 $0xEE20;
	[dreg:$0x6] =	wrdreg s0;
	s10 =	sadd.s32 $0x1F4, s22  }
0x14: {  	s11 =	sadd.s32 $0x3E8, s22;
	s12 =	sadd.s32 $0x5DC, s22;
	s13 =	sadd.s32 $0x7D0, s22  }
0x15: {  	s22 =	sshrl.u32 s23, $0x3;
	s23 =	sshrl.u32 s24, $0x3;
	s24 =	sshrl.u32 s25, $0x3  }
0x16: {  	s25 =	sshrl.u32 s26, $0x3;
	s0 =	simm.s32 $0xDE80;
	s26 =	simm.s32 $0x1  }
.LBB2_1:
0x17: {  	s6 =	rddreg [dreg:$0x3]  }
0x18: {  	[spmem:s15], [sflag:s5] =	dma.local [hbm:s6], $0x9C4  }
0x19: {  	_ =	swait.ge [sflag:s16], $0x9C4  }
0x1a: {  	[sflag:s16] =	ssyncset.done $0x0  }
0x1b: {  	[sflag:s16] =	ssyncadd.s32 $0xFFFFF63C  }
0x1c: {  	[bflag:$0x0] =	sbarrier.arrive $0xFFFF  }
0x1d: {  	s9 =	rddreg [dreg:$0x4]  }
0x1e: {  	[tilespmem:s3], [sflag:$0x3] =	stream.linear.gather [hbm4b:s9+s3], $0x5000, $0x38;
	[tilespmem:$0x16B20] =	vst v63  }
0x1f: {  	_ =	swait.ge [sflag:s16], $0x5000  }
0x20: {  	[sflag:s16] =	ssyncset.done $0x0  }
0x21: {  	s7 =	rddreg [dreg:$0x5];
	[sflag:s16] =	ssyncadd.s32 $0xFFFFB000  }
0x22: {  	[tilespmem:s17], [sflag:$0x3] =	stream.linear.gather [hbm4b:s7+s3], $0x5000, $0x38;
	[tilespmem:$0x16B20] =	vst v63  }
0x23: {  	_ =	swait.ge [sflag:s16], $0x5000  }
0x24: {  	[sflag:s16] =	ssyncset.done $0x0  }
0x25: {  	[sflag:s16] =	ssyncadd.s32 $0xFFFFB000  }
0x26: {  	[tilespmem:s19], [sflag:$0x1] =	stream.indirect.gather [hbm4b:s8+s18], $0x20, s3, s18, $0xb8;
	[tilespmem:$0x16B20] =	vst v63  }
0x27: {  	s9 =	simm.s32 $0x80  }
0x28: {  	[tilespmem:s21], [sflag:$0x1] =	stream.indirect.gather [hbm4b:s8+s18], $0x20, s9, s18, $0xb8;
	[tilespmem:$0x16B20] =	vst v63  }
0x29: {  	s7 =	simm.s32 $0x100  }
0x2a: {  	[tilespmem:s28], [sflag:$0x1] =	stream.indirect.gather [hbm4b:s8+s18], $0x20, s7, s18, $0xb8;
	[tilespmem:$0x16B20] =	vst v63  }
0x2b: {  	s9 =	simm.s32 $0x180  }
0x2c: {  	[tilespmem:s30], [sflag:$0x1] =	stream.indirect.gather [hbm4b:s8+s18], $0x20, s9, s18, $0xb8;
	[tilespmem:$0x16B20] =	vst v63  }
0x2d: {  	s7 =	simm.s32 $0x200  }
0x2e: {  	[tilespmem:s0], [sflag:$0x1] =	stream.indirect.gather [hbm4b:s8+s18], $0x20, s7, s18, $0xb8;
	[tilespmem:$0x16B20] =	vst v63  }
0x2f: {  	s9 =	simm.s32 $0x280  }
0x30: {  	[tilespmem:s20], [sflag:$0x1] =	stream.indirect.gather [hbm4b:s8+s18], $0x20, s9, s18, $0xb8;
	[tilespmem:$0x16B20] =	vst v63  }
0x31: {  	_ =	swait.ge [sflag:s26], $0xFA0  }
0x32: {  	[sflag:s26] =	ssyncset.done $0x0  }
0x33: {  	[sflag:s26] =	ssyncadd.s32 $0xFFFFF060  }
0x34: {  	[spmem:s2] =	stream.indirect.scatter.add.bf16 [tilespmem:s19], [sflag:$0x2], $0x20, s17, s18, $0xb8;
	[tilespmem:$0x16B20] =	vst v63  }
0x35: {  	s7 =	simm.s32 $0x300  }
0x36: {  	[tilespmem:s31], [sflag:$0x1] =	stream.indirect.gather [hbm4b:s8+s18], $0x20, s7, s18, $0xb8;
	[tilespmem:$0x16B20] =	vst v63  }
0x37: {  	_ =	swait.ge [sflag:s26], $0xFA0  }
0x38: {  	[sflag:s26] =	ssyncset.done $0x0  }
0x39: {  	s9 =	simm.s32 $0x5080;
	[sflag:s26] =	ssyncadd.s32 $0xFFFFF060  }
0x3a: {  	[spmem:s2] =	stream.indirect.scatter.add.bf16 [tilespmem:s21], [sflag:$0x2], $0x20, s9, s18, $0xb8;
	[tilespmem:$0x16B20] =	vst v63  }
0x3b: {  	s7 =	simm.s32 $0x380  }
0x3c: {  	[tilespmem:s1], [sflag:$0x1] =	stream.indirect.gather [hbm4b:s8+s18], $0x20, s7, s18, $0xb8;
	[tilespmem:$0x16B20] =	vst v63  }
0x3d: {  	_ =	swait.ge [sflag:s26], $0xFA0  }
0x3e: {  	[sflag:s26] =	ssyncset.done $0x0  }
0x3f: {  	s9 =	simm.s32 $0x5100;
	[sflag:s26] =	ssyncadd.s32 $0xFFFFF060  }
0x40: {  	[spmem:s2] =	stream.indirect.scatter.add.bf16 [tilespmem:s28], [sflag:$0x2], $0x20, s9, s18, $0xb8;
	[tilespmem:$0x16B20] =	vst v63  }
0x41: {  	_ =	swait.ge [sflag:s29], $0xFA0  }
0x42: {  	[sflag:s29] =	ssyncset.done $0x0  }
0x43: {  	s7 =	simm.s32 $0x400;
	[sflag:s29] =	ssyncadd.s32 $0xFFFFF060  }
0x44: {  	[tilespmem:s19], [sflag:$0x1] =	stream.indirect.gather [hbm4b:s8+s18], $0x20, s7, s18, $0xb8;
	[tilespmem:$0x16B20] =	vst v63  }
0x45: {  	_ =	swait.ge [sflag:s26], $0xFA0  }
0x46: {  	[sflag:s26] =	ssyncset.done $0x0  }
0x47: {  	s9 =	simm.s32 $0x5180;
	[sflag:s26] =	ssyncadd.s32 $0xFFFFF060  }
0x48: {  	[spmem:s2] =	stream.indirect.scatter.add.bf16 [tilespmem:s30], [sflag:$0x2], $0x20, s9, s18, $0xb8;
	[tilespmem:$0x16B20] =	vst v63  }
0x49: {  	_ =	swait.ge [sflag:s29], $0xFA0  }
0x4a: {  	[sflag:s29] =	ssyncset.done $0x0  }
0x4b: {  	s7 =	simm.s32 $0x480;
	[sflag:s29] =	ssyncadd.s32 $0xFFFFF060  }
0x4c: {  	[tilespmem:s21], [sflag:$0x1] =	stream.indirect.gather [hbm4b:s8+s18], $0x20, s7, s18, $0xb8;
	[tilespmem:$0x16B20] =	vst v63  }
0x4d: {  	_ =	swait.ge [sflag:s26], $0xFA0  }
0x4e: {  	[sflag:s26] =	ssyncset.done $0x0  }
0x4f: {  	s9 =	simm.s32 $0x5200;
	[sflag:s26] =	ssyncadd.s32 $0xFFFFF060  }
0x50: {  	[spmem:s2] =	stream.indirect.scatter.add.bf16 [tilespmem:s0], [sflag:$0x2], $0x20, s9, s18, $0xb8;
	[tilespmem:$0x16B20] =	vst v63  }
0x51: {  	_ =	swait.ge [sflag:s29], $0xFA0  }
0x52: {  	[sflag:s29] =	ssyncset.done $0x0  }
0x53: {  	s7 =	simm.s32 $0x500;
	[sflag:s29] =	ssyncadd.s32 $0xFFFFF060  }
0x54: {  	[tilespmem:s28], [sflag:$0x1] =	stream.indirect.gather [hbm4b:s8+s18], $0x20, s7, s18, $0xb8;
	[tilespmem:$0x16B20] =	vst v63  }
0x55: {  	_ =	swait.ge [sflag:s26], $0xFA0  }
0x56: {  	[sflag:s26] =	ssyncset.done $0x0  }
0x57: {  	s9 =	simm.s32 $0x5280;
	[sflag:s26] =	ssyncadd.s32 $0xFFFFF060  }
0x58: {  	[spmem:s2] =	stream.indirect.scatter.add.bf16 [tilespmem:s20], [sflag:$0x2], $0x20, s9, s18, $0xb8;
	[tilespmem:$0x16B20] =	vst v63  }
0x59: {  	_ =	swait.ge [sflag:s29], $0xFA0  }
0x5a: {  	[sflag:s29] =	ssyncset.done $0x0  }
0x5b: {  	s7 =	simm.s32 $0x580;
	[sflag:s29] =	ssyncadd.s32 $0xFFFFF060  }
0x5c: {  	[tilespmem:s30], [sflag:$0x1] =	stream.indirect.gather [hbm4b:s8+s18], $0x20, s7, s18, $0xb8;
	[tilespmem:$0x16B20] =	vst v63  }
0x5d: {  	_ =	swait.ge [sflag:s26], $0xFA0  }
0x5e: {  	[sflag:s26] =	ssyncset.done $0x0  }
0x5f: {  	s9 =	simm.s32 $0x5300;
	[sflag:s26] =	ssyncadd.s32 $0xFFFFF060  }
0x60: {  	[spmem:s2] =	stream.indirect.scatter.add.bf16 [tilespmem:s31], [sflag:$0x2], $0x20, s9, s18, $0xb8;
	[tilespmem:$0x16B20] =	vst v63  }
0x61: {  	_ =	swait.ge [sflag:s29], $0xFA0  }
0x62: {  	[sflag:s29] =	ssyncset.done $0x0  }
0x63: {  	s7 =	simm.s32 $0x600;
	[sflag:s29] =	ssyncadd.s32 $0xFFFFF060  }
0x64: {  	[tilespmem:s0], [sflag:$0x1] =	stream.indirect.gather [hbm4b:s8+s18], $0x20, s7, s18, $0xb8;
	[tilespmem:$0x16B20] =	vst v63  }
0x65: {  	_ =	swait.ge [sflag:s26], $0xFA0  }
0x66: {  	[sflag:s26] =	ssyncset.done $0x0  }
0x67: {  	s9 =	simm.s32 $0x5380;
	[sflag:s26] =	ssyncadd.s32 $0xFFFFF060  }
0x68: {  	[spmem:s2] =	stream.indirect.scatter.add.bf16 [tilespmem:s1], [sflag:$0x2], $0x20, s9, s18, $0xb8;
	[tilespmem:$0x16B20] =	vst v63  }
0x69: {  	_ =	swait.ge [sflag:s29], $0xFA0  }
0x6a: {  	[sflag:s29] =	ssyncset.done $0x0  }
0x6b: {  	s7 =	simm.s32 $0x680;
	[sflag:s29] =	ssyncadd.s32 $0xFFFFF060  }
0x6c: {  	[tilespmem:s20], [sflag:$0x1] =	stream.indirect.gather [hbm4b:s8+s18], $0x20, s7, s18, $0xb8;
	[tilespmem:$0x16B20] =	vst v63  }
0x6d: {  	_ =	swait.ge [sflag:s26], $0xFA0  }
0x6e: {  	[sflag:s26] =	ssyncset.done $0x0  }
0x6f: {  	s9 =	simm.s32 $0x5400;
	[sflag:s26] =	ssyncadd.s32 $0xFFFFF060  }
0x70: {  	[spmem:s2] =	stream.indirect.scatter.add.bf16 [tilespmem:s19], [sflag:$0x2], $0x20, s9, s18, $0xb8;
	[tilespmem:$0x16B20] =	vst v63  }
0x71: {  	_ =	swait.ge [sflag:s29], $0xFA0  }
0x72: {  	[sflag:s29] =	ssyncset.done $0x0  }
0x73: {  	s7 =	simm.s32 $0x700;
	[sflag:s29] =	ssyncadd.s32 $0xFFFFF060  }
0x74: {  	[tilespmem:s31], [sflag:$0x1] =	stream.indirect.gather [hbm4b:s8+s18], $0x20, s7, s18, $0xb8;
	[tilespmem:$0x16B20] =	vst v63  }
0x75: {  	_ =	swait.ge [sflag:s26], $0xFA0  }
0x76: {  	[sflag:s26] =	ssyncset.done $0x0  }
0x77: {  	s9 =	simm.s32 $0x5480;
	[sflag:s26] =	ssyncadd.s32 $0xFFFFF060  }
0x78: {  	[spmem:s2] =	stream.indirect.scatter.add.bf16 [tilespmem:s21], [sflag:$0x2], $0x20, s9, s18, $0xb8;
	[tilespmem:$0x16B20] =	vst v63  }
0x79: {  	_ =	swait.ge [sflag:s29], $0xFA0  }
0x7a: {  	[sflag:s29] =	ssyncset.done $0x0  }
0x7b: {  	s7 =	simm.s32 $0x780;
	[sflag:s29] =	ssyncadd.s32 $0xFFFFF060  }
0x7c: {  	[tilespmem:s1], [sflag:$0x1] =	stream.indirect.gather [hbm4b:s8+s18], $0x20, s7, s18, $0xb8;
	[tilespmem:$0x16B20] =	vst v63  }
0x7d: {  	_ =	swait.ge [sflag:s26], $0xFA0  }
0x7e: {  	[sflag:s26] =	ssyncset.done $0x0  }
0x7f: {  	s9 =	simm.s32 $0x5500;
	[sflag:s26] =	ssyncadd.s32 $0xFFFFF060  }
0x80: {  	[spmem:s2] =	stream.indirect.scatter.add.bf16 [tilespmem:s28], [sflag:$0x2], $0x20, s9, s18, $0xb8;
	[tilespmem:$0x16B20] =	vst v63  }
0x81: {  	_ =	swait.ge [sflag:s29], $0xFA0  }
0x82: {  	[sflag:s29] =	ssyncset.done $0x0  }
0x83: {  	s7 =	simm.s32 $0x800;
	[sflag:s29] =	ssyncadd.s32 $0xFFFFF060  }
0x84: {  	[tilespmem:s19], [sflag:$0x1] =	stream.indirect.gather [hbm4b:s8+s18], $0x20, s7, s18, $0xb8;
	[tilespmem:$0x16B20] =	vst v63  }
0x85: {  	_ =	swait.ge [sflag:s26], $0xFA0  }
0x86: {  	[sflag:s26] =	ssyncset.done $0x0  }
0x87: {  	s9 =	simm.s32 $0x5580;
	[sflag:s26] =	ssyncadd.s32 $0xFFFFF060  }
0x88: {  	[spmem:s2] =	stream.indirect.scatter.add.bf16 [tilespmem:s30], [sflag:$0x2], $0x20, s9, s18, $0xb8;
	[tilespmem:$0x16B20] =	vst v63  }
0x89: {  	_ =	swait.ge [sflag:s29], $0xFA0  }
0x8a: {  	[sflag:s29] =	ssyncset.done $0x0  }
0x8b: {  	s7 =	simm.s32 $0x880;
	[sflag:s29] =	ssyncadd.s32 $0xFFFFF060  }
0x8c: {  	[tilespmem:s21], [sflag:$0x1] =	stream.indirect.gather [hbm4b:s8+s18], $0x20, s7, s18, $0xb8;
	[tilespmem:$0x16B20] =	vst v63  }
0x8d: {  	_ =	swait.ge [sflag:s26], $0xFA0  }
0x8e: {  	[sflag:s26] =	ssyncset.done $0x0  }
0x8f: {  	s9 =	simm.s32 $0x5600;
	[sflag:s26] =	ssyncadd.s32 $0xFFFFF060  }
0x90: {  	[spmem:s2] =	stream.indirect.scatter.add.bf16 [tilespmem:s0], [sflag:$0x2], $0x20, s9, s18, $0xb8;
	[tilespmem:$0x16B20] =	vst v63  }
0x91: {  	_ =	swait.ge [sflag:s29], $0xFA0  }
0x92: {  	[sflag:s29] =	ssyncset.done $0x0  }
0x93: {  	s7 =	simm.s32 $0x900;
	[sflag:s29] =	ssyncadd.s32 $0xFFFFF060  }
0x94: {  	[tilespmem:s28], [sflag:$0x1] =	stream.indirect.gather [hbm4b:s8+s18], $0x20, s7, s18, $0xb8;
	[tilespmem:$0x16B20] =	vst v63  }
0x95: {  	_ =	swait.ge [sflag:s26], $0xFA0  }
0x96: {  	[sflag:s26] =	ssyncset.done $0x0  }
0x97: {  	s9 =	simm.s32 $0x5680;
	[sflag:s26] =	ssyncadd.s32 $0xFFFFF060  }
0x98: {  	[spmem:s2] =	stream.indirect.scatter.add.bf16 [tilespmem:s20], [sflag:$0x2], $0x20, s9, s18, $0xb8;
	[tilespmem:$0x16B20] =	vst v63  }
0x99: {  	_ =	swait.ge [sflag:s29], $0xFA0  }
0x9a: {  	[sflag:s29] =	ssyncset.done $0x0  }
0x9b: {  	s7 =	simm.s32 $0x980;
	[sflag:s29] =	ssyncadd.s32 $0xFFFFF060  }
0x9c: {  	[tilespmem:s30], [sflag:$0x1] =	stream.indirect.gather [hbm4b:s8+s18], $0x20, s7, s18, $0xb8;
	[tilespmem:$0x16B20] =	vst v63  }
0x9d: {  	_ =	swait.ge [sflag:s26], $0xFA0  }
0x9e: {  	[sflag:s26] =	ssyncset.done $0x0  }
0x9f: {  	s9 =	simm.s32 $0x5700;
	[sflag:s26] =	ssyncadd.s32 $0xFFFFF060  }
0xa0: {  	[spmem:s2] =	stream.indirect.scatter.add.bf16 [tilespmem:s31], [sflag:$0x2], $0x20, s9, s18, $0xb8;
	[tilespmem:$0x16B20] =	vst v63  }
0xa1: {  	_ =	swait.ge [sflag:s29], $0xFA0  }
0xa2: {  	[sflag:s29] =	ssyncset.done $0x0  }
0xa3: {  	s7 =	simm.s32 $0xA00;
	[sflag:s29] =	ssyncadd.s32 $0xFFFFF060  }
0xa4: {  	[tilespmem:s0], [sflag:$0x1] =	stream.indirect.gather [hbm4b:s8+s18], $0x20, s7, s18, $0xb8;
	[tilespmem:$0x16B20] =	vst v63  }
0xa5: {  	_ =	swait.ge [sflag:s26], $0xFA0  }
0xa6: {  	[sflag:s26] =	ssyncset.done $0x0  }
0xa7: {  	s9 =	simm.s32 $0x5780;
	[sflag:s26] =	ssyncadd.s32 $0xFFFFF060  }
0xa8: {  	[spmem:s2] =	stream.indirect.scatter.add.bf16 [tilespmem:s1], [sflag:$0x2], $0x20, s9, s18, $0xb8;
	[tilespmem:$0x16B20] =	vst v63  }
0xa9: {  	_ =	swait.ge [sflag:s29], $0xFA0  }
0xaa: {  	[sflag:s29] =	ssyncset.done $0x0  }
0xab: {  	s6 =	simm.s32 $0x1000;
	s7 =	simm.s32 $0xA80;
	[sflag:s29] =	ssyncadd.s32 $0xFFFFF060  }
.LBB2_2:
0xac: {  	[tilespmem:s20], [sflag:$0x1] =	stream.indirect.gather [hbm4b:s8+s18], $0x20, s7, s18, $0xb8;
	[tilespmem:$0x16B20] =	vst v63  }
0xad: {  	s7 =	smov.u32 s6  }
0xae: {  	p0 =	sne.s32 s6, $0x11000;
	s6 =	sadd.s32 $0x1000, s6;
	_ =	swait.ge [sflag:s26], $0xFA0  }
0xaf: {  	s7 =	sshra.s32 s7, $0x2;
	[sflag:s26] =	ssyncset.done $0x0  }
0xb0: {  	s9 =	sadd.s32 $0x5400, s7;
	[sflag:s26] =	ssyncadd.s32 $0xFFFFF060  }
0xb1: {  	[spmem:s2] =	stream.indirect.scatter.add.bf16 [tilespmem:s19], [sflag:$0x2], $0x20, s9, s18, $0xb8;
	[tilespmem:$0x16B20] =	vst v63  }
0xb2: {  	_ =	swait.ge [sflag:s29], $0xFA0  }
0xb3: {  	[sflag:s29] =	ssyncset.done $0x0  }
0xb4: {  	s9 =	sadd.s32 $0x700, s7;
	[sflag:s29] =	ssyncadd.s32 $0xFFFFF060  }
0xb5: {  	[tilespmem:s31], [sflag:$0x1] =	stream.indirect.gather [hbm4b:s8+s18], $0x20, s9, s18, $0xb8;
	[tilespmem:$0x16B20] =	vst v63  }
0xb6: {  	_ =	swait.ge [sflag:s26], $0xFA0  }
0xb7: {  	[sflag:s26] =	ssyncset.done $0x0  }
0xb8: {  	s9 =	sadd.s32 $0x5480, s7;
	[sflag:s26] =	ssyncadd.s32 $0xFFFFF060  }
0xb9: {  	[spmem:s2] =	stream.indirect.scatter.add.bf16 [tilespmem:s21], [sflag:$0x2], $0x20, s9, s18, $0xb8;
	[tilespmem:$0x16B20] =	vst v63  }
0xba: {  	_ =	swait.ge [sflag:s29], $0xFA0  }
0xbb: {  	[sflag:s29] =	ssyncset.done $0x0  }
0xbc: {  	s9 =	sadd.s32 $0x780, s7;
	[sflag:s29] =	ssyncadd.s32 $0xFFFFF060  }
0xbd: {  	[tilespmem:s1], [sflag:$0x1] =	stream.indirect.gather [hbm4b:s8+s18], $0x20, s9, s18, $0xb8;
	[tilespmem:$0x16B20] =	vst v63  }
0xbe: {  	_ =	swait.ge [sflag:s26], $0xFA0  }
0xbf: {  	[sflag:s26] =	ssyncset.done $0x0  }
0xc0: {  	s9 =	sadd.s32 $0x5500, s7;
	[sflag:s26] =	ssyncadd.s32 $0xFFFFF060  }
0xc1: {  	[spmem:s2] =	stream.indirect.scatter.add.bf16 [tilespmem:s28], [sflag:$0x2], $0x20, s9, s18, $0xb8;
	[tilespmem:$0x16B20] =	vst v63  }
0xc2: {  	_ =	swait.ge [sflag:s29], $0xFA0  }
0xc3: {  	[sflag:s29] =	ssyncset.done $0x0  }
0xc4: {  	s9 =	sadd.s32 $0x800, s7;
	[sflag:s29] =	ssyncadd.s32 $0xFFFFF060  }
0xc5: {  	[tilespmem:s19], [sflag:$0x1] =	stream.indirect.gather [hbm4b:s8+s18], $0x20, s9, s18, $0xb8;
	[tilespmem:$0x16B20] =	vst v63  }
0xc6: {  	_ =	swait.ge [sflag:s26], $0xFA0  }
0xc7: {  	[sflag:s26] =	ssyncset.done $0x0  }
0xc8: {  	s9 =	sadd.s32 $0x5580, s7;
	[sflag:s26] =	ssyncadd.s32 $0xFFFFF060  }
0xc9: {  	[spmem:s2] =	stream.indirect.scatter.add.bf16 [tilespmem:s30], [sflag:$0x2], $0x20, s9, s18, $0xb8;
	[tilespmem:$0x16B20] =	vst v63  }
0xca: {  	_ =	swait.ge [sflag:s29], $0xFA0  }
0xcb: {  	[sflag:s29] =	ssyncset.done $0x0  }
0xcc: {  	s9 =	sadd.s32 $0x880, s7;
	[sflag:s29] =	ssyncadd.s32 $0xFFFFF060  }
0xcd: {  	[tilespmem:s21], [sflag:$0x1] =	stream.indirect.gather [hbm4b:s8+s18], $0x20, s9, s18, $0xb8;
	[tilespmem:$0x16B20] =	vst v63  }
0xce: {  	_ =	swait.ge [sflag:s26], $0xFA0  }
0xcf: {  	[sflag:s26] =	ssyncset.done $0x0  }
0xd0: {  	s9 =	sadd.s32 $0x5600, s7;
	[sflag:s26] =	ssyncadd.s32 $0xFFFFF060  }
0xd1: {  	[spmem:s2] =	stream.indirect.scatter.add.bf16 [tilespmem:s0], [sflag:$0x2], $0x20, s9, s18, $0xb8;
	[tilespmem:$0x16B20] =	vst v63  }
0xd2: {  	_ =	swait.ge [sflag:s29], $0xFA0  }
0xd3: {  	[sflag:s29] =	ssyncset.done $0x0  }
0xd4: {  	s9 =	sadd.s32 $0x900, s7;
	[sflag:s29] =	ssyncadd.s32 $0xFFFFF060  }
0xd5: {  	[tilespmem:s28], [sflag:$0x1] =	stream.indirect.gather [hbm4b:s8+s18], $0x20, s9, s18, $0xb8;
	[tilespmem:$0x16B20] =	vst v63  }
0xd6: {  	_ =	swait.ge [sflag:s26], $0xFA0  }
0xd7: {  	[sflag:s26] =	ssyncset.done $0x0  }
0xd8: {  	s9 =	sadd.s32 $0x5680, s7;
	[sflag:s26] =	ssyncadd.s32 $0xFFFFF060  }
0xd9: {  	[spmem:s2] =	stream.indirect.scatter.add.bf16 [tilespmem:s20], [sflag:$0x2], $0x20, s9, s18, $0xb8;
	[tilespmem:$0x16B20] =	vst v63  }
0xda: {  	_ =	swait.ge [sflag:s29], $0xFA0  }
0xdb: {  	[sflag:s29] =	ssyncset.done $0x0  }
0xdc: {  	s9 =	sadd.s32 $0x980, s7;
	[sflag:s29] =	ssyncadd.s32 $0xFFFFF060  }
0xdd: {  	[tilespmem:s30], [sflag:$0x1] =	stream.indirect.gather [hbm4b:s8+s18], $0x20, s9, s18, $0xb8;
	[tilespmem:$0x16B20] =	vst v63  }
0xde: {  	_ =	swait.ge [sflag:s26], $0xFA0  }
0xdf: {  	[sflag:s26] =	ssyncset.done $0x0  }
0xe0: {  	s9 =	sadd.s32 $0x5700, s7;
	[sflag:s26] =	ssyncadd.s32 $0xFFFFF060  }
0xe1: {  	[spmem:s2] =	stream.indirect.scatter.add.bf16 [tilespmem:s31], [sflag:$0x2], $0x20, s9, s18, $0xb8;
	[tilespmem:$0x16B20] =	vst v63  }
0xe2: {  	_ =	swait.ge [sflag:s29], $0xFA0  }
0xe3: {  	[sflag:s29] =	ssyncset.done $0x0  }
0xe4: {  	s9 =	sadd.s32 $0xA00, s7;
	[sflag:s29] =	ssyncadd.s32 $0xFFFFF060  }
0xe5: {  	[tilespmem:s0], [sflag:$0x1] =	stream.indirect.gather [hbm4b:s8+s18], $0x20, s9, s18, $0xb8;
	[tilespmem:$0x16B20] =	vst v63  }
0xe6: {  	_ =	swait.ge [sflag:s26], $0xFA0  }
0xe7: {  	[sflag:s26] =	ssyncset.done $0x0  }
.Ltmp0:
0xe8: {  	s9 =	sadd.s32 $0x5780, s7;
	[sflag:s26] =	ssyncadd.s32 $0xFFFFF060;
	(pc) =	sbr.rel @p0 .LBB2_2-.Ltmp0, $4  }
0xe9: {  	[spmem:s2] =	stream.indirect.scatter.add.bf16 [tilespmem:s1], [sflag:$0x2], $0x20, s9, s18, $0xb8;
	[tilespmem:$0x16B20] =	vst v63  }
0xea: {  	_ =	swait.ge [sflag:s29], $0xFA0  }
0xeb: {  	[sflag:s29] =	ssyncset.done $0x0  }
0xec: {  	s7 =	sadd.s32 $0xA80, s7;
	[sflag:s29] =	ssyncadd.s32 $0xFFFFF060  }
0xed: {  	[tilespmem:s20], [sflag:$0x1] =	stream.indirect.gather [hbm4b:s8+s18], $0x20, s7, s18, $0xb8;
	[tilespmem:$0x16B20] =	vst v63  }
0xee: {  	_ =	swait.ge [sflag:s26], $0xFA0  }
0xef: {  	[sflag:s26] =	ssyncset.done $0x0  }
0xf0: {  	s6 =	simm.s32 $0x9C00;
	[sflag:s26] =	ssyncadd.s32 $0xFFFFF060  }
0xf1: {  	[spmem:s2] =	stream.indirect.scatter.add.bf16 [tilespmem:s19], [sflag:$0x2], $0x20, s6, s18, $0xb8;
	[tilespmem:$0x16B20] =	vst v63  }
0xf2: {  	_ =	swait.ge [sflag:s29], $0xFA0  }
0xf3: {  	[sflag:s29] =	ssyncset.done $0x0  }
0xf4: {  	s7 =	simm.s32 $0x4F00;
	[sflag:s29] =	ssyncadd.s32 $0xFFFFF060  }
0xf5: {  	[tilespmem:s31], [sflag:$0x1] =	stream.indirect.gather [hbm4b:s8+s18], $0x20, s7, s18, $0xb8;
	[tilespmem:$0x16B20] =	vst v63  }
0xf6: {  	_ =	swait.ge [sflag:s26], $0xFA0  }
0xf7: {  	[sflag:s26] =	ssyncset.done $0x0  }
0xf8: {  	s9 =	simm.s32 $0x9C80;
	[sflag:s26] =	ssyncadd.s32 $0xFFFFF060  }
0xf9: {  	[spmem:s2] =	stream.indirect.scatter.add.bf16 [tilespmem:s21], [sflag:$0x2], $0x20, s9, s18, $0xb8;
	[tilespmem:$0x16B20] =	vst v63  }
0xfa: {  	_ =	swait.ge [sflag:s29], $0xFA0  }
0xfb: {  	[sflag:s29] =	ssyncset.done $0x0  }
0xfc: {  	s7 =	simm.s32 $0x4F80;
	[sflag:s29] =	ssyncadd.s32 $0xFFFFF060  }
0xfd: {  	[tilespmem:s1], [sflag:$0x1] =	stream.indirect.gather [hbm4b:s8+s18], $0x20, s7, s18, $0xb8;
	[tilespmem:$0x16B20] =	vst v63  }
0xfe: {  	_ =	swait.ge [sflag:s26], $0xFA0  }
0xff: {  	[sflag:s26] =	ssyncset.done $0x0  }
0x100: {  	s9 =	simm.s32 $0x9D00;
	[sflag:s26] =	ssyncadd.s32 $0xFFFFF060  }
0x101: {  	[spmem:s2] =	stream.indirect.scatter.add.bf16 [tilespmem:s28], [sflag:$0x2], $0x20, s9, s18, $0xb8;
	[tilespmem:$0x16B20] =	vst v63  }
0x102: {  	_ =	swait.ge [sflag:s29], $0xFA0  }
0x103: {  	[sflag:s29] =	ssyncset.done $0x0  }
0x104: {  	[sflag:s29] =	ssyncadd.s32 $0xFFFFF060  }
0x105: {  	_ =	swait.ge [sflag:s26], $0xFA0  }
0x106: {  	[sflag:s26] =	ssyncset.done $0x0  }
0x107: {  	s7 =	simm.s32 $0x9D80;
	[sflag:s26] =	ssyncadd.s32 $0xFFFFF060  }
0x108: {  	[spmem:s2] =	stream.indirect.scatter.add.bf16 [tilespmem:s30], [sflag:$0x2], $0x20, s7, s18, $0xb8;
	[tilespmem:$0x16B20] =	vst v63  }
0x109: {  	_ =	swait.ge [sflag:s29], $0xFA0  }
0x10a: {  	[sflag:s29] =	ssyncset.done $0x0  }
0x10b: {  	[sflag:s29] =	ssyncadd.s32 $0xFFFFF060  }
0x10c: {  	_ =	swait.ge [sflag:s26], $0xFA0  }
0x10d: {  	[sflag:s26] =	ssyncset.done $0x0  }
0x10e: {  	s9 =	simm.s32 $0x9E00;
	[sflag:s26] =	ssyncadd.s32 $0xFFFFF060  }
0x10f: {  	[spmem:s2] =	stream.indirect.scatter.add.bf16 [tilespmem:s0], [sflag:$0x2], $0x20, s9, s18, $0xb8;
	[tilespmem:$0x16B20] =	vst v63  }
0x110: {  	_ =	swait.ge [sflag:s26], $0xFA0  }
0x111: {  	[sflag:s26] =	ssyncset.done $0x0  }
0x112: {  	s7 =	simm.s32 $0x9E80;
	[sflag:s26] =	ssyncadd.s32 $0xFFFFF060  }
0x113: {  	[spmem:s2] =	stream.indirect.scatter.add.bf16 [tilespmem:s20], [sflag:$0x2], $0x20, s7, s18, $0xb8;
	[tilespmem:$0x16B20] =	vst v63  }
0x114: {  	_ =	swait.ge [sflag:s26], $0xFA0  }
0x115: {  	[sflag:s26] =	ssyncset.done $0x0  }
0x116: {  	s9 =	simm.s32 $0x9F00;
	[sflag:s26] =	ssyncadd.s32 $0xFFFFF060  }
0x117: {  	[spmem:s2] =	stream.indirect.scatter.add.bf16 [tilespmem:s31], [sflag:$0x2], $0x20, s9, s18, $0xb8;
	[tilespmem:$0x16B20] =	vst v63  }
0x118: {  	_ =	swait.ge [sflag:s26], $0xFA0  }
0x119: {  	[sflag:s26] =	ssyncset.done $0x0  }
0x11a: {  	s7 =	simm.s32 $0x9F80;
	[sflag:s26] =	ssyncadd.s32 $0xFFFFF060  }
0x11b: {  	[spmem:s2] =	stream.indirect.scatter.add.bf16 [tilespmem:s1], [sflag:$0x2], $0x20, s7, s18, $0xb8;
	[tilespmem:$0x16B20] =	vst v63  }
0x11c: {  	_ =	swait.ge [sflag:s29], $0xFA0  }
0x11d: {  	[sflag:s29] =	ssyncset.done $0x0  }
0x11e: {  	[sflag:s29] =	ssyncadd.s32 $0xFFFFF060  }
0x11f: {  	_ =	swait.ge [sflag:s29], $0xFA0  }
0x120: {  	[sflag:s29] =	ssyncset.done $0x0  }
0x121: {  	[sflag:s29] =	ssyncadd.s32 $0xFFFFF060  }
0x122: {  	_ =	swait.ge [sflag:s29], $0xFA0  }
0x123: {  	[sflag:s29] =	ssyncset.done $0x0  }
0x124: {  	[sflag:s29] =	ssyncadd.s32 $0xFFFFF060  }
0x125: {  	_ =	swait.ge [sflag:s29], $0xFA0  }
0x126: {  	[sflag:s29] =	ssyncset.done $0x0  }
0x127: {  	[sflag:s29] =	ssyncadd.s32 $0xFFFFF060  }
0x128: {  	_ =	swait.ge [sflag:s29], $0xFA0  }
0x129: {  	[sflag:s29] =	ssyncset.done $0x0  }
0x12a: {  	[sflag:s29] =	ssyncadd.s32 $0xFFFFF060  }
0x12b: {  	_ =	swait.ge [sflag:s29], $0xFA0  }
0x12c: {  	[sflag:s29] =	ssyncset.done $0x0  }
0x12d: {  	[sflag:s29] =	ssyncadd.s32 $0xFFFFF060  }
0x12e: {  	[bflag:$0x0] =	sbarrier.arrive $0xFFFF  }
0x12f: {  	s9 =	rddreg [dreg:$0x6]  }
0x130: {  	[hbm:s9], [sflag:s5] =	dma.local [spmem:s15], $0x1F4  }
0x131: {  	_ =	swait.ge [sflag:s16], $0x1F4  }
0x132: {  	[sflag:s16] =	ssyncset.done $0x0  }
0x133: {  	[sflag:s16] =	ssyncadd.s32 $0xFFFFFE0C  }
0x134: {  	[hbm:s10], [sflag:s5] =	dma.local [spmem:s22], $0x1F4  }
0x135: {  	_ =	swait.ge [sflag:s16], $0x1F4  }
0x136: {  	[sflag:s16] =	ssyncset.done $0x0  }
0x137: {  	[sflag:s16] =	ssyncadd.s32 $0xFFFFFE0C  }
0x138: {  	[hbm:s11], [sflag:s5] =	dma.local [spmem:s23], $0x1F4  }
0x139: {  	_ =	swait.ge [sflag:s16], $0x1F4  }
0x13a: {  	[sflag:s16] =	ssyncset.done $0x0  }
0x13b: {  	[sflag:s16] =	ssyncadd.s32 $0xFFFFFE0C  }
0x13c: {  	[hbm:s12], [sflag:s5] =	dma.local [spmem:s24], $0x1F4  }
0x13d: {  	s4 =	sadd.s32 $0x1, s4;
	_ =	swait.ge [sflag:s16], $0x1F4  }
0x13e: {  	p0 =	sne.s32 s4, s14;
	[sflag:s16] =	ssyncset.done $0x0  }
.Ltmp1:
0x13f: {  	[sflag:s16] =	ssyncadd.s32 $0xFFFFFE0C;
	(pc) =	sbr.rel @p0 .LBB2_1-.Ltmp1, $4  }
0x140: {  	[hbm:s13], [sflag:s5] =	dma.local [spmem:s25], $0x1F4  }
0x141: {  	_ =	swait.ge [sflag:s16], $0x1F4  }
0x142: {  	[sflag:s16] =	ssyncset.done $0x0  }
0x143: {  	[sflag:s16] =	ssyncadd.s32 $0xFFFFFE0C  }
0x144: {  	_ =	sfence.sel $0x180000  }
0x145: {  	[bflag:$0x0] =	sbarrier.arrive $0xFFFF  }
0x146: {  	_ =	strace $0x9000004D  }
0x147: {  	s0 =	stileid.u32;
	[bflag:$0x2] =	sbarrier.arrive $0xFFFF  }
0x148: {  	p0 =	sne.s32 s0, $0x0;
	s0 =	rddreg [dreg:$0x2]  }
0x149: {  	s0 =	sadd.s32 @!p0 $0x100000, s0  }
0x14a: {  	[sflag:s0] =	ssyncadd.tile.s32 @!p0 $0x1;
	_ =	shalt  }
.Lfunc_end2:
_tile_overlayer_lowered:
.L_overlay_start_2:
0x14b: {  	(tag) =	ssettag $0x2  }
0x14c: {  	s0 =	rddreg [dreg:$0x0];
	s2 =	stileid.u32  }
0x14d: {  	s1 =	rddreg [dreg:$0x1];
	p0 =	sne.s32 s2, $0x0  }
0x14e: {  	s3 =	rddreg [dreg:$0x2];
	[bflag:$0x3] =	sbarrier.arrive $0xFFFF;
	s2 =	simm.s32 @!p0 $0x1C03  }
0x14f: {  	[timem:s3], [sflag:s2] =	dma.local @!p0 [hbm:s0], s1  }
0x150: {  	s0 =	simm.s32 @!p0 $0x3  }
0x151: {  	_ =	swait.ge @!p0 [sflag:s0], s1  }
0x152: {  	s1 =	ssub.s32 @!p0 $0x0, s1;
	[sflag:s0] =	ssyncset.done @!p0 $0x0  }
0x153: {  	[sflag:s0] =	ssyncadd.s32 @!p0 s1  }
0x154: {  	[bflag:$0x3] =	sbarrier.arrive $0xFFFF  }
0x155: {  	_ =	shalt  }

// kernel: kernel.8.cloned.1.call-start
scs
__scs_entry_jumppad:
0x0: {  	(pc) =	sbr.rel $0x88, $3  }
0x1: {  	(tag) =	ssettag $0x0;
	lr =	simm.s32 $0x1  }
0x2: {  	[smem:$0x3F9B] =	sst lr;
	_ =	strace $0xD0000000  }
0x3: {  	_ = 	snop  }
0x4: {  	_ = 	snop  }
0x5: {  	_ = 	snop  }
0x6: {  	_ = 	snop  }
0x7: {  	_ = 	snop  }
__scs_overlays_trampoline_lowered:
0x8: {  	[smem:$0x3FAA] =	sst s0  }
0x9: {  	[smem:$0x3FAB] =	sst s1  }
0xa: {  	[smem:$0x3FAC] =	sst s2  }
0xb: {  	[smem:$0x3FAD] =	sst s3  }
0xc: {  	[smem:$0x3FAE] =	sst s4  }
0xd: {  	[smem:$0x3FAF] =	sst s5  }
0xe: {  	[smem:$0x3FB0] =	sst s6  }
0xf: {  	[smem:$0x3FB1] =	sst s7  }
0x10: {  	[smem:$0x3FB2] =	sst s8  }
0x11: {  	[smem:$0x3FB3] =	sst s9;
	s0 =	simm.s32 @!p0 $0x0  }
0x12: {  	s1 =	sld [smem:$0x3F99];
	s0 =	simm.s32 @p0 $0x1  }
0x13: {  	[smem:$0x3FB4] =	sst s0;
	s0 =	simm.s32 @!p1 $0x0  }
0x14: {  	s2 =	sld [smem:$0x3F98];
	s0 =	simm.s32 @p1 $0x1  }
0x15: {  	[smem:$0x3FB5] =	sst s0;
	s0 =	simm.s32 @!p2 $0x0  }
0x16: {  	s3 =	sld [smem:$0x3FDB];
	s0 =	simm.s32 @p2 $0x1  }
0x17: {  	s4 =	simm.s32 $0x1BF5;
	[smem:$0x3FB7] =	sst s0  }
0x18: {  	s0 =	sld [smem:$0x3F9A];
	_ =	swait.ge [sflag:s4], $0x0  }
0x19: {  	s7 =	sld [smem:$0x3F9B]  }
0x1a: {  	s8 =	sadd.s32 $0xFFFFE003, lr  }
0x1b: {  	s9 =	sadd.s32 $0xFFFFFEF7, lr;
	s5 =	simm.s32 $0xFFFFFFFF;
	p2 =	slt.u32 s8, $0xFFFFF086  }
0x1c: {  	p1 =	slt.u32 s9, $0xF7A;
	s5 =	simm.s32 @!p2 $0x0  }
0x1d: {  	s5 =	simm.s32 @p1 $0x1;
	p0 =	seq.s32 s7, s2  }
0x1e: {  	s7 =	smul.u32 @!p0 $0xF7A, s2;
	p2 =	seq.s32 @!p0 s5, $0x0  }
0x1f: {  	s9 =	smul.u32 $0xF7A, s1;
	s8 =	simm.s32 @!p0 $0x1BF5;
	p2 =	por !p2, p0  }
0x20: {  	[sflag:s8] =	ssyncset.s32 @!p0 $0xFFFFF086;
	s6 =	sadd.s32 @!p0 s3, s7;
	s7 =	simm.s32 @!p0 $0x108  }
0x21: {  	s3 =	sadd.s32 s3, s9;
	s6 =	sadd.s32 @!p0 $0x88, s6;
	s7 =	simm.s32 @p2 $0x1082  }
0x22: {  	[simem:s7], [sflag:s8] =	dma.local @!p0 [hbm:s6], $0xF7A  }
0x23: {  	s9 =	sor.u32 $0xD0000000, s2;
	s6 =	simm.s32 $0x108;
	_ =	swait.ge @!p0 [sflag:s8], $0x0  }
0x24: {  	s3 =	sadd.s32 $0x88, s3;
	s6 =	simm.s32 @!p1 $0x1082;
	[sflag:s4] =	ssyncset.s32 $0xFFFFF086  }
0x25: {  	[simem:s6], [sflag:s4] =	dma.local [hbm:s3], $0xF7A  }
0x26: {  	[smem:$0x3F9B] =	sst s1;
	(tag) =	ssettag s2;
	_ =	strace s9  }
0x27: {  	s1 =	sld [smem:$0x3FAB]  }
0x28: {  	s2 =	sld [smem:$0x3FAC]  }
0x29: {  	s4 =	sld [smem:$0x3FAE]  }
0x2a: {  	p0 =	seq.s32 s5, $0x0;
	s5 =	sld [smem:$0x3FAF]  }
0x2b: {  	s6 =	sld [smem:$0x3FB0]  }
0x2c: {  	s7 =	sld [smem:$0x3FB1]  }
0x2d: {  	s3 =	simm.s32 $0x108;
	s8 =	sld [smem:$0x3FB2]  }
0x2e: {  	s3 =	simm.s32 @!p0 $0x1082;
	s9 =	sld [smem:$0x3FB3]  }
0x2f: {  	lr =	sadd.s32 s0, s3;
	s0 =	sld [smem:$0x3FAA]  }
0x30: {  	s3 =	sld [smem:$0x3FAD]  }
0x31: {  	[smem:$0x3FB6] =	sst s10  }
0x32: {  	s10 =	sld [smem:$0x3FB4];
	_ =	sdelay $0x3  }
0x33: {  	p0 =	seq.s32 s10, $0x1;
	s10 =	sld [smem:$0x3FB6];
	_ =	sdelay $0x3  }
0x34: {  	[smem:$0x3FB6] =	sst s10  }
0x35: {  	s10 =	sld [smem:$0x3FB5];
	_ =	sdelay $0x3  }
0x36: {  	p1 =	seq.s32 s10, $0x1;
	s10 =	sld [smem:$0x3FB6];
	_ =	sdelay $0x3  }
0x37: {  	[smem:$0x3FB6] =	sst s10  }
0x38: {  	s10 =	sld [smem:$0x3FB7]  }
0x39: {  	_ = 	snop;
	(pc) =	sbr.ind lr, $3  }
0x3a: {  	_ = 	snop  }
0x3b: {  	_ = 	snop  }
0x3c: {  	p2 =	seq.s32 s10, $0x1;
	s10 =	sld [smem:$0x3FB6]  }
0x3d: {  	_ =	shalt  }
0x3e: {  	_ =	shalt  }
0x3f: {  	_ =	shalt  }
0x40: {  	_ =	shalt  }
0x41: {  	_ =	shalt  }
0x42: {  	_ =	shalt  }
0x43: {  	_ =	shalt  }
0x44: {  	_ =	shalt  }
0x45: {  	_ =	shalt  }
0x46: {  	_ =	shalt  }
0x47: {  	_ =	shalt  }
0x48: {  	_ =	shalt  }
0x49: {  	_ =	shalt  }
0x4a: {  	_ =	shalt  }
0x4b: {  	_ =	shalt  }
0x4c: {  	_ =	shalt  }
0x4d: {  	_ =	shalt  }
0x4e: {  	_ =	shalt  }
0x4f: {  	_ =	shalt  }
0x50: {  	_ =	shalt  }
0x51: {  	_ =	shalt  }
0x52: {  	_ =	shalt  }
0x53: {  	_ =	shalt  }
0x54: {  	_ =	shalt  }
0x55: {  	_ =	shalt  }
0x56: {  	_ =	shalt  }
0x57: {  	_ =	shalt  }
0x58: {  	_ =	shalt  }
0x59: {  	_ =	shalt  }
0x5a: {  	_ =	shalt  }
0x5b: {  	_ =	shalt  }
0x5c: {  	_ =	shalt  }
0x5d: {  	_ =	shalt  }
0x5e: {  	_ =	shalt  }
0x5f: {  	_ =	shalt  }
0x60: {  	_ =	shalt  }
0x61: {  	_ =	shalt  }
0x62: {  	_ =	shalt  }
0x63: {  	_ =	shalt  }
0x64: {  	_ =	shalt  }
0x65: {  	_ =	shalt  }
0x66: {  	_ =	shalt  }
0x67: {  	_ =	shalt  }
0x68: {  	_ =	shalt  }
0x69: {  	_ =	shalt  }
0x6a: {  	_ =	shalt  }
0x6b: {  	_ =	shalt  }
0x6c: {  	_ =	shalt  }
0x6d: {  	_ =	shalt  }
0x6e: {  	_ =	shalt  }
0x6f: {  	_ =	shalt  }
0x70: {  	_ =	shalt  }
0x71: {  	_ =	shalt  }
0x72: {  	_ =	shalt  }
0x73: {  	_ =	shalt  }
0x74: {  	_ =	shalt  }
0x75: {  	_ =	shalt  }
0x76: {  	_ =	shalt  }
0x77: {  	_ =	shalt  }
0x78: {  	_ =	shalt  }
0x79: {  	_ =	shalt  }
0x7a: {  	_ =	shalt  }
0x7b: {  	_ =	shalt  }
0x7c: {  	_ =	shalt  }
0x7d: {  	_ =	shalt  }
0x7e: {  	_ =	shalt  }
0x7f: {  	_ =	shalt  }
0x80: {  	_ =	shalt  }
0x81: {  	_ =	shalt  }
0x82: {  	_ =	shalt  }
0x83: {  	_ =	shalt  }
0x84: {  	_ =	shalt  }
0x85: {  	_ =	shalt  }
0x86: {  	_ =	shalt  }
0x87: {  	_ =	shalt  }
.Lfunc_end0:
.L_simem_size_0:
called_computation_lowered:
.L_overlay_start_0:
0x88: {  	s2 =	sld [smem:$0x3FD9]  }
0x89: {  	s3 =	sld [smem:$0x3FFE];
	_ =	sdelay $0x1  }
0x8a: {  	s1 =	srdreg.scid  }
0x8b: {  	s0 =	sand.u32 $0x1, s1  }
0x8c: {  	s17 =	sshll.u32 s0, $0xA;
	s2 =	sadd.s32 s3, s2  }
0x8d: {  	s2 =	sadd.s32 s2, s17  }
0x8e: {  	[smem:$0x3FC2] =	sst s2  }
0x8f: {  	_ = 	snop  }
0x90: {  	s2 =	sld [smem:$0x3FD0];
	(tm) =	ssettm $0x1  }
0x91: {  	s18 =	sld [smem:$0x3FFB];
	_ =	sdelay $0x3  }
0x92: {  	_ =	strace s18  }
0x93: {  	s3 =	sld [smem:$0x3FFC];
	_ =	sdelay $0x3  }
0x94: {  	_ =	strace s3  }
0x95: {  	s3 =	sld [smem:$0x3FFD];
	_ =	sdelay $0x3  }
0x96: {  	_ =	strace s3  }
0x97: {  	_ =	strace $0x8FFFFFFF  }
0x98: {  	s19 =	sld [smem:$0x3FDB];
	_ =	sdelay $0x1  }
0x99: {  	s4 =	simm.s32 $_scs_section_size  }
0x9a: {  	s5 =	simm.s32 $_size__tile_overlayer_lowered;
	s6 =	simm.s32 $_tile_overlayer_lowered  }
0x9b: {  	s22 =	simm.s32 $0x1BFF;
	s21 =	sshll.u32 s6, $0x1;
	s3 =	sadd.s32 s4, s19  }
0x9c: {  	s7 =	simm.s32 $0x0;
	s20 =	sshll.u32 s5, $0x1;
	s5 =	sadd.s32 s21, s3  }
0x9d: {  	[timem:s7], [sflag:s22] =	dma.local [hbm:s5], s20  }
0x9e: {  	_ =	swait.ge [sflag:s22], s20  }
0x9f: {  	s4 =	ssub.s32 $0x0, s20;
	[sflag:s22] =	ssyncset.done $0x0  }
0xa0: {  	[sflag:s22] =	ssyncadd.s32 s4;
	_ =	sdelay $0x1  }
0xa1: {  	s23 =	simm.s32 $0x1B8B  }
0xa2: {  	_ =	swait.ge [sflag:s23], $0x1  }
0xa3: {  	[sflag:s23] =	ssyncset.done $0x0  }
0xa4: {  	s25 =	simm.s32 $0x1B8E;
	s24 =	sld [smem:$0x3FFE];
	[sflag:s23] =	ssyncadd.s32 $0xFFFFFFFF  }
0xa5: {  	s26 =	simm.s32 $execute0_lowered;
	[smem:$0x3FD2] =	sst s25  }
0xa6: {  	s5 =	sshll.u32 s26, $0x1;
	_ =	strace $0x80000046;
	[dreg:$0x1] =	wrdreg $0xFFFFFFFF  }
0xa7: {  	s28 =	simm.s32 $_size_execute0_lowered;
	s3 =	sadd.s32 s3, s5;
	[dreg:$0x0] =	wrdreg $0x0  }
0xa8: {  	s5 =	sshll.u32 s28, $0x1;
	[dreg:$0x2] =	wrdreg s3  }
0xa9: {  	[dreg:$0x3] =	wrdreg s5  }
0xaa: {  	[dreg:$0x4] =	wrdreg $0xC0  }
0xab: {  	_ =	task [dreg:s7], $0x5FFFF  }
0xac: {  	[dreg:$0x1] =	wrdreg $0xFFFFFFFF  }
0xad: {  	[dreg:$0x0] =	wrdreg $0x60  }
0xae: {  	[dreg:$0x2] =	wrdreg s2  }
0xaf: {  	[dreg:$0x3] =	wrdreg s24  }
0xb0: {  	[dreg:$0x4] =	wrdreg $0x43000  }
0xb1: {  	[dreg:$0x5] =	wrdreg $0x9  }
0xb2: {  	_ =	task.clear_ibuf [dreg:s7], $0x6FFFF;
	_ =	strace $0x90000046  }
0xb3: {  	s29 =	simm.s32 $0x9;
	_ =	strace $0x80000048  }
0xb4: {  	_ =	swait.ge [sflag:s29], $0x1  }
0xb5: {  	[sflag:s29] =	ssyncadd.s32 $0xFFFFFFFF  }
0xb6: {  	_ =	strace $0x90000048  }
0xb7: {  	_ =	sfence  }
0xb8: {  	s30 =	sld [smem:$0x0];
	_ =	sdelay $0x2  }
0xb9: {  	s31 =	sshll.u32 s1, $0xD;
	s1 =	sshrl.u32 s1, $0x2  }
0xba: {  	s3 =	sand.u32 $0x4000, s31;
	s1 =	sadd.s32 s1, s30  }
0xbb: {  	s0 =	sor.u32 s3, s0;
	s1 =	sshll.u32 s1, $0x11  }
0xbc: {  	s0 =	sor.u32 s1, s0  }
0xbd: {  	s0 =	sadd.s32 $0x8F2B, s0  }
0xbe: {  	[sflag:s0] =	ssyncadd.remote.s32 $0x1  }
0xbf: {  	_ =	sfence.sel $0xFFFF  }
0xc0: {  	[dreg:$0x0] =	wrdreg $0xFFFFFFFF;
	(pc) =	sbr.abs _section_cstart, $3  }
0xc1: {  	[dreg:$0x1] =	wrdreg $0xFFFFFFFF  }
0xc2: {  	_ =	task.clear_ibuf [dreg:s7], $0x2FFFF;
	_ =	strace $0x9FFFFFFF  }
0xc3: {  	(tm) =	ssettm $0x7FFFFFFF  }
tec
execute0_lowered:
.L_overlay_start_1:
0x0: {  	(tag) =	ssettag $0x1  }
0x1: {  	s4 =	rddreg [dreg:$0x0]  }
0x2: {  	s1 =	srdreg.scid;
	s5 =	rddreg [dreg:$0x1]  }
0x3: {  	s0 =	stileid.u32;
	s2 =	rddreg [dreg:$0x2];
	s3 =	simm.s32 $0x0  }
0x4: {  	s11 =	simm.s32 $0x4000;
	s6 =	sand.u32 $0x1, s1;
	s1 =	rddreg [dreg:$0x3]  }
0x5: {  	s12 =	simm.s32 $0x0;
	s7 =	smul.u32 $0x280, s0;
	[smem:$0x7FF] =	sst s3  }
0x6: {  	s10 =	sshll.u32 s0, $0xB;
	s8 =	smul.u32 $0x2800, s6;
	_ =	strace $0x80000047  }
0x7: {  	s9 =	ssub.s32 $0x2, s6;
	s30 =	sshll.u32 s6, $0xF;
	s31 =	sadd.s32 s4, s10  }
0x8: {  	s10 =	simm.s32 $0x50;
	s29 =	sshrl.u32 s9, $0x1;
	s8 =	sadd.s32 s7, s8  }
0x9: {  	s4 =	sadd.s32 s7, s2;
	s9 =	ssub.s32 s9, s29;
	s8 =	sshrl.u32 s8, $0x3  }
0xa: {  	s7 =	smax.u32 s9, $0x1;
	s9 =	simm.s32 $0x1;
	s8 =	sadd.s32 s8, s5  }
0xb: {  	v0 =	vimm.f32 $1.000000000e+00;
	v1 =	vimm.f32 $0.0e+00;
	s5 =	sadd.s32 s30, s31;
	s6 =	sadd.s32 $0x2200, s8;
	s8 =	simm.s32 $0x4080  }
.LBB2_1:
0xc: {  	[tilespmem:$0x4000] =	vst v0  }
0xd: {  	[tilespmem:$0x4010] =	vst v0  }
0xe: {  	[tilespmem:$0x4020] =	vst v0  }
0xf: {  	[tilespmem:$0x4030] =	vst v0  }
0x10: {  	[tilespmem:$0x4040] =	vst v0  }
0x11: {  	[tilespmem:$0x4080] =	vst v1  }
0x12: {  	[tilespmem:$0x4090] =	vst v1  }
0x13: {  	[tilespmem:$0x40A0] =	vst v1  }
0x14: {  	[tilespmem:$0x40B0] =	vst v1  }
0x15: {  	[tilespmem:$0x40C0] =	vst v1  }
0x16: {  	[tilespmem:$0x40D0] =	vst v1  }
0x17: {  	[tilespmem:$0x40E0] =	vst v1  }
0x18: {  	[tilespmem:$0x40F0] =	vst v1  }
0x19: {  	[tilespmem:$0x4100] =	vst v1  }
0x1a: {  	[tilespmem:$0x4110] =	vst v1  }
0x1b: {  	[tilespmem:$0x4120] =	vst v1  }
0x1c: {  	[tilespmem:$0x4130] =	vst v1  }
0x1d: {  	[tilespmem:$0x4140] =	vst v1  }
0x1e: {  	[tilespmem:$0x4150] =	vst v1  }
0x1f: {  	[tilespmem:$0x4160] =	vst v1  }
0x20: {  	[tilespmem:$0x4170] =	vst v1  }
0x21: {  	[tilespmem:$0x4180] =	vst v1  }
0x22: {  	[tilespmem:$0x4190] =	vst v1  }
0x23: {  	[tilespmem:$0x41A0] =	vst v1  }
0x24: {  	[tilespmem:$0x41B0] =	vst v1  }
0x25: {  	[tilespmem:$0x41C0] =	vst v1  }
0x26: {  	[tilespmem:$0x41D0] =	vst v1  }
0x27: {  	[tilespmem:$0x41E0] =	vst v1  }
0x28: {  	[tilespmem:$0x41F0] =	vst v1  }
0x29: {  	[tilespmem:$0x4200] =	vst v1  }
0x2a: {  	[tilespmem:$0x4210] =	vst v1  }
0x2b: {  	[tilespmem:$0x4220] =	vst v1  }
0x2c: {  	[tilespmem:$0x4230] =	vst v1  }
0x2d: {  	[tilespmem:$0x4240] =	vst v1  }
0x2e: {  	[tilespmem:$0x4250] =	vst v1  }
0x2f: {  	[tilespmem:$0x4260] =	vst v1  }
0x30: {  	[tilespmem:$0x4270] =	vst v1  }
0x31: {  	[tilespmem:$0x4280] =	vst v1  }
0x32: {  	[tilespmem:$0x4290] =	vst v1  }
0x33: {  	[tilespmem:$0x42A0] =	vst v1  }
0x34: {  	[tilespmem:$0x42B0] =	vst v1  }
0x35: {  	[tilespmem:$0x42C0] =	vst v1  }
0x36: {  	[tilespmem:$0x42D0] =	vst v1  }
0x37: {  	[tilespmem:$0x42E0] =	vst v1  }
0x38: {  	[tilespmem:$0x42F0] =	vst v1  }
0x39: {  	[spmem:s4] =	stream.linear.scatter [tilespmem:s8], [sflag:$0x1], $0x280, $0x38;
	[tilespmem:$0x4580] =	vst v63  }
0x3a: {  	_ =	swait.ge [sflag:s9], $0x280  }
0x3b: {  	[sflag:s9] =	ssyncset.done $0x0  }
0x3c: {  	[sflag:s9] =	ssyncadd.s32 $0xFFFFFD80  }
0x3d: {  	[bflag:$0x0] =	sbarrier.arrive $0xFFFF  }
0x3e: {  	[tilespmem:s3], [sflag:$0x1] =	stream.linear.gather [hbm4b:s5+s3], $0x3E80, $0x38;
	[tilespmem:$0x4580] =	vst v63  }
0x3f: {  	_ =	swait.ge [sflag:s9], $0x3E80  }
0x40: {  	[sflag:s9] =	ssyncset.done $0x0  }
0x41: {  	s13 =	simm.s32 $0x0;
	[sflag:s9] =	ssyncadd.s32 $0xFFFFC180  }
0x42: {  	[spmem:s2] =	stream.indirect.scatter.add.f32 [tilespmem:s11], [sflag:$0x1], $0x1, s13, s10, $0xb8;
	[tilespmem:$0x4580] =	vst v63  }
0x43: {  	_ =	swait.ge [sflag:s9], $0x50  }
0x44: {  	s13 =	simm.s32 $0x200;
	[sflag:s9] =	ssyncset.done $0x0  }
.LBB2_2:
0x45: {  	s14 =	sshra.s32 s13, $0x2;
	[sflag:s9] =	ssyncadd.s32 $0xFFFFFFB0;
	p0 =	sne.s32 s13, $0xF800  }
0x46: {  	[spmem:s2] =	stream.indirect.scatter.add.f32 [tilespmem:s11], [sflag:$0x1], $0x1, s14, s10, $0xb8;
	[tilespmem:$0x4580] =	vst v63  }
.Ltmp0:
0x47: {  	_ = 	snop;
	(pc) =	sbr.rel @p0 .LBB2_2-.Ltmp0, $4  }
0x48: {  	_ = 	snop  }
0x49: {  	s13 =	sadd.s32 $0x200, s13  }
0x4a: {  	_ =	swait.ge [sflag:s9], $0x50  }
0x4b: {  	[sflag:s9] =	ssyncset.done $0x0  }
0x4c: {  	[sflag:s9] =	ssyncadd.s32 $0xFFFFFFB0  }
0x4d: {  	[bflag:$0x0] =	sbarrier.arrive $0xFFFF  }
0x4e: {  	[tilespmem:s8], [sflag:$0x1] =	stream.linear.gather [spmem:s4], $0x280, $0x38;
	[tilespmem:$0x4580] =	vst v63  }
0x4f: {  	s12 =	sadd.s32 $0x1, s12;
	_ =	swait.ge [sflag:s9], $0x280  }
0x50: {  	p0 =	sne.s32 s12, s7;
	[sflag:s9] =	ssyncset.done $0x0  }
.Ltmp1:
0x51: {  	[sflag:s9] =	ssyncadd.s32 $0xFFFFFD80;
	(pc) =	sbr.rel @p0 .LBB2_1-.Ltmp1, $4  }
0x52: {  	[hbm4b:s6+s3] =	stream.linear.scatter [tilespmem:s8], [sflag:$0x1], $0x280, $0x38;
	[tilespmem:$0x4580] =	vst v63  }
0x53: {  	_ =	swait.ge [sflag:s9], $0x280  }
0x54: {  	[sflag:s9] =	ssyncset.done $0x0  }
0x55: {  	[sflag:s9] =	ssyncadd.s32 $0xFFFFFD80  }
0x56: {  	_ =	sfence.sel $0x180000  }
0x57: {  	[bflag:$0x0] =	sbarrier.arrive $0xFFFF  }
0x58: {  	p0 =	sne.s32 s0, $0x0;
	_ =	strace $0x90000047  }
0x59: {  	s0 =	sadd.s32 @!p0 $0x100000, s1;
	[bflag:$0x2] =	sbarrier.arrive $0xFFFF  }
0x5a: {  	[sflag:s0] =	ssyncadd.tile.s32 @!p0 $0x1;
	_ =	shalt  }
.Lfunc_end2:
_tile_overlayer_lowered:
.L_overlay_start_2:
0x5b: {  	(tag) =	ssettag $0x2  }
0x5c: {  	s0 =	rddreg [dreg:$0x0];
	s2 =	stileid.u32  }
0x5d: {  	s1 =	rddreg [dreg:$0x1];
	p0 =	sne.s32 s2, $0x0  }
0x5e: {  	s3 =	rddreg [dreg:$0x2];
	[bflag:$0x3] =	sbarrier.arrive $0xFFFF;
	s2 =	simm.s32 @!p0 $0x1C01  }
0x5f: {  	[timem:s3], [sflag:s2] =	dma.local @!p0 [hbm:s0], s1  }
0x60: {  	s0 =	simm.s32 @!p0 $0x1  }
0x61: {  	_ =	swait.ge @!p0 [sflag:s0], s1  }
0x62: {  	s1 =	ssub.s32 @!p0 $0x0, s1;
	[sflag:s0] =	ssyncset.done @!p0 $0x0  }
0x63: {  	[sflag:s0] =	ssyncadd.s32 @!p0 s1  }
0x64: {  	[bflag:$0x3] =	sbarrier.arrive $0xFFFF  }
0x65: {  	_ =	shalt  }

</sc_bundles>
